<compile_context>
chip_gen: v7x
topology: tpu7x:2x2x1
jax: 0.10.2.dev20260603
libtpu: 0.0.44.dev20260713+nightly
codegen_flags: <defaults>
</compile_context>

<pallas_src>
import jax
import jax.numpy as jnp
from jax import lax
from jax.experimental import pallas as pl
from jax.experimental.pallas import tpu as pltpu
from jax.experimental.pallas import tpu_sc as plsc

N = 10000
D = 256
HALF = 128
N_PAD = 10112
ROWS_PER_TILE = N_PAD // 16
E_PAD = 163840
CHUNKS = 80
BATCH = 128
BLK = 1000
C_ROWS = 1280
C_PER_TILE = C_ROWS // 16
REP = 128
GRP = 8
F32 = jnp.float32
_SC_MESH = plsc.VectorSubcoreMesh(core_axis_name="c", subcore_axis_name="s")


def _sc_agg_body(table, src3d, dst3d, zrows, agg_out, src_sl, dst_sl,
                 rows2, agg_s, sem_a, sem_b):
    c = lax.axis_index("c")
    t = lax.axis_index("s")
    r0 = t * ROWS_PER_TILE
    tail = ROWS_PER_TILE - 4 * BATCH

    pltpu.sync_copy(zrows, rows2.at[0])
    for k in range(4):
        pltpu.sync_copy(rows2.at[0], agg_s.at[pl.ds(r0 + k * BATCH, BATCH)])
    pltpu.sync_copy(rows2.at[0, pl.ds(0, tail)],
                    agg_s.at[pl.ds(r0 + 4 * BATCH, tail)])
    plsc.subcore_barrier()

    def gather_start(sref, buf, sem):
        pltpu.async_copy(table.at[sref], rows2.at[buf], sem)

    def gather_wait(sref, buf, sem):
        pltpu.make_async_copy(table.at[sref], rows2.at[buf], sem).wait()

    def scatter(buf, dref):
        pltpu.sync_copy(rows2.at[buf], agg_s.at[dref], add=True)

    def group(g, carry):
        pltpu.sync_copy(src3d.at[c, t, pl.ds(g * GRP, GRP)], src_sl)
        pltpu.sync_copy(dst3d.at[t, pl.ds(g * GRP, GRP)], dst_sl)
        gather_start(src_sl.at[0], 0, sem_a)

        def body(i, carry2):
            r0 = 2 * i
            gather_start(src_sl.at[r0 + 1], 1, sem_b)
            gather_wait(src_sl.at[r0], 0, sem_a)
            scatter(0, dst_sl.at[r0])
            gather_start(src_sl.at[r0 + 2], 0, sem_a)
            gather_wait(src_sl.at[r0 + 1], 1, sem_b)
            scatter(1, dst_sl.at[r0 + 1])
            return carry2

        lax.fori_loop(0, (GRP - 2) // 2, body, 0)
        gather_start(src_sl.at[GRP - 1], 1, sem_b)
        gather_wait(src_sl.at[GRP - 2], 0, sem_a)
        scatter(0, dst_sl.at[GRP - 2])
        gather_wait(src_sl.at[GRP - 1], 1, sem_b)
        scatter(1, dst_sl.at[GRP - 1])
        return carry

    lax.fori_loop(0, CHUNKS // GRP, group, 0)
    plsc.subcore_barrier()

    for k in range(4):
        pltpu.sync_copy(agg_s.at[pl.ds(r0 + k * BATCH, BATCH)], rows2.at[0])
        pltpu.sync_copy(rows2.at[0],
                        agg_out.at[c, pl.ds(r0 + k * BATCH, BATCH)])
    pltpu.sync_copy(agg_s.at[pl.ds(r0 + 4 * BATCH, tail)],
                    rows2.at[0, pl.ds(0, tail)])
    pltpu.sync_copy(rows2.at[0, pl.ds(0, tail)],
                    agg_out.at[c, pl.ds(r0 + 4 * BATCH, tail)])


_sc_agg = pl.kernel(
    _sc_agg_body,
    out_type=jax.ShapeDtypeStruct((2, N_PAD, HALF), F32),
    mesh=_SC_MESH,
    scratch_types=[
        pltpu.VMEM((GRP, BATCH), jnp.int32),
        pltpu.VMEM((GRP, BATCH), jnp.int32),
        pltpu.VMEM((2, BATCH, HALF), F32),
        pltpu.VMEM_SHARED((N_PAD, HALF), F32),
        pltpu.SemaphoreType.DMA,
        pltpu.SemaphoreType.DMA,
    ],
)


def _sc_cnt_body(onehot_tbl, div3d, mod3d, zrows, cnt_out, div_a, mod_a,
                 div_b, mod_b, crows2, cnt_s, sem_a, sem_b):
    c = lax.axis_index("c")
    t = lax.axis_index("s")
    r0 = t * C_PER_TILE
    nk = CHUNKS // 2

    pltpu.sync_copy(zrows.at[pl.ds(0, C_PER_TILE)],
                    cnt_s.at[pl.ds(r0, C_PER_TILE)])
    plsc.subcore_barrier()

    def stage(k, mref, dref):
        jj = 2 * k + c
        pltpu.sync_copy(mod3d.at[t, jj], mref)
        pltpu.sync_copy(div3d.at[t, jj], dref)

    def gather_start(mref, buf, sem):
        pltpu.async_copy(onehot_tbl.at[mref], crows2.at[buf], sem)

    def gather_wait(mref, buf, sem):
        pltpu.make_async_copy(onehot_tbl.at[mref], crows2.at[buf], sem).wait()

    def scatter(buf, dref):
        pltpu.sync_copy(crows2.at[buf], cnt_s.at[dref], add=True)

    stage(0, mod_a, div_a)
    gather_start(mod_a, 0, sem_a)

    def body(i, carry):
        k0 = 2 * i
        stage(k0 + 1, mod_b, div_b)
        gather_start(mod_b, 1, sem_b)
        gather_wait(mod_a, 0, sem_a)
        scatter(0, div_a)
        stage(k0 + 2, mod_a, div_a)
        gather_start(mod_a, 0, sem_a)
        gather_wait(mod_b, 1, sem_b)
        scatter(1, div_b)
        return carry

    lax.fori_loop(0, (nk - 2) // 2, body, 0)
    stage(nk - 1, mod_b, div_b)
    gather_start(mod_b, 1, sem_b)
    gather_wait(mod_a, 0, sem_a)
    scatter(0, div_a)
    gather_wait(mod_b, 1, sem_b)
    scatter(1, div_b)
    plsc.subcore_barrier()

    pltpu.sync_copy(cnt_s.at[pl.ds(r0, C_PER_TILE)],
                    crows2.at[0, pl.ds(0, C_PER_TILE)])
    pltpu.sync_copy(crows2.at[0, pl.ds(0, C_PER_TILE)],
                    cnt_out.at[c, pl.ds(r0, C_PER_TILE)])


_sc_cnt = pl.kernel(
    _sc_cnt_body,
    out_type=jax.ShapeDtypeStruct((2, C_ROWS, HALF), F32),
    mesh=_SC_MESH,
    scratch_types=[
        pltpu.VMEM((BATCH,), jnp.int32),
        pltpu.VMEM((BATCH,), jnp.int32),
        pltpu.VMEM((BATCH,), jnp.int32),
        pltpu.VMEM((BATCH,), jnp.int32),
        pltpu.VMEM((2, BATCH, HALF), F32),
        pltpu.VMEM_SHARED((C_ROWS, HALF), F32),
        pltpu.SemaphoreType.DMA,
        pltpu.SemaphoreType.DMA,
    ],
)


def _combine_body(agg_ref, cnt_ref, xs_ref, wl_ref, wr_ref, b_ref,
                  outs_ref, outf_ref):
    cnt = jnp.sum(cnt_ref[0] + cnt_ref[1], axis=1, keepdims=True)
    inv = 1.0 / jnp.maximum(cnt, 1.0)
    mL = agg_ref[0] * inv
    mR = agg_ref[1] * inv
    wl = wl_ref[...]
    wr = wr_ref[...]
    acc = (jnp.dot(mL, wl[:HALF], preferred_element_type=F32)
           + jnp.dot(mR, wl[HALF:], preferred_element_type=F32)
           + jnp.dot(xs_ref[0], wr[:HALF], preferred_element_type=F32)
           + jnp.dot(xs_ref[1], wr[HALF:], preferred_element_type=F32)
           + b_ref[...])
    norm = jnp.sqrt(jnp.sum(acc * acc, axis=1, keepdims=True))
    acc = acc / jnp.maximum(norm, 1e-12)
    acc = jnp.maximum(acc, 0.0)
    outf_ref[...] = acc
    outs_ref[0] = acc[:, :HALF]
    outs_ref[1] = acc[:, HALF:]


def _tc_combine(agg2x, cnt16, xsplit, wlT, wrT, b2d):
    return pl.pallas_call(
        _combine_body,
        grid=(N // BLK,),
        in_specs=[
            pl.BlockSpec((2, BLK, HALF), lambda i: (0, i, 0)),
            pl.BlockSpec((2, BLK, 16), lambda i: (0, i, 0)),
            pl.BlockSpec((2, BLK, HALF), lambda i: (0, i, 0)),
            pl.BlockSpec((D, D), lambda i: (0, 0)),
            pl.BlockSpec((D, D), lambda i: (0, 0)),
            pl.BlockSpec((1, D), lambda i: (0, 0)),
        ],
        out_specs=[
            pl.BlockSpec((2, BLK, HALF), lambda i: (0, i, 0)),
            pl.BlockSpec((BLK, D), lambda i: (i, 0)),
        ],
        out_shape=[
            jax.ShapeDtypeStruct((2, N, HALF), F32),
            jax.ShapeDtypeStruct((N, D), F32),
        ],
    )(agg2x, cnt16, xsplit, wlT, wrT, b2d)


def kernel(x, edge_index, W1l, b1l, W1r, W2l, b2l, W2r):
    ei = edge_index.astype(jnp.int32)
    npad = E_PAD - ei.shape[1]
    src = jnp.concatenate([ei[0], jnp.zeros((npad,), jnp.int32)])
    dst = jnp.concatenate([ei[1], jnp.full((npad,), N, jnp.int32)])
    dst3d = dst.reshape(16, CHUNKS, BATCH)
    src3d = jnp.stack([src, src + N]).reshape(2, 16, CHUNKS, BATCH)
    div3d = (dst // 8).reshape(16, CHUNKS, BATCH)
    lane_spread = jnp.arange(E_PAD, dtype=jnp.int32) % REP
    mod3d = (dst % 8 + 8 * lane_spread).reshape(16, CHUNKS, BATCH)

    xsplit = jnp.stack([x[:, :HALF], x[:, HALF:]])
    xflat = xsplit.reshape(2 * N, HALF)

    zrows = jnp.zeros((BATCH, HALF), F32)
    onehot_row = jnp.zeros((8, HALF), F32)
    onehot_row = onehot_row.at[jnp.arange(8), jnp.arange(8) * 16].set(1.0)
    onehot_tbl = jnp.tile(onehot_row, (REP, 1))

    w1lT, w1rT = W1l.T, W1r.T
    w2lT, w2rT = W2l.T, W2r.T
    b1 = b1l.reshape(1, D)
    b2 = b2l.reshape(1, D)

    cnt_pk = _sc_cnt(onehot_tbl, div3d, mod3d, zrows)
    cnt16 = cnt_pk.reshape(2, 8 * C_ROWS, 16)
    agg1 = _sc_agg(xflat, src3d, dst3d, zrows)
    hs, _ = _tc_combine(agg1, cnt16, xsplit, w1lT, w1rT, b1)
    hflat = hs.reshape(2 * N, HALF)
    agg2 = _sc_agg(hflat, src3d, dst3d, zrows)
    _, out = _tc_combine(agg2, cnt16, hs, w2lT, w2rT, b2)
    return out

# --- scband reference (transcript-rebuilt; emitter-appended) ---
"""Pipeline reference for scband-graph-sage-81235011436740 (READ-ONLY COPY).

The authoritative reference and input builder live on the scoring server;
editing this copy changes nothing except your own understanding.
"""

import jax, jax.numpy as jnp
import numpy as np

N = 10000
E = 160000
D = 256
H = 256

def setup_inputs(seed: int = 0) -> dict:
    key = jax.random.key(seed)
    ks = jax.random.split(key, 8)
    x = jax.random.normal(ks[0], (N, D), dtype=jnp.float32)
    edge_index = jax.random.randint(ks[1], (2, E), 0, N, dtype=jnp.int64)
    s = 1.0 / np.sqrt(D)
    W1l = jax.random.uniform(ks[2], (H, D), dtype=jnp.float32, minval=-s, maxval=s)
    b1l = jnp.zeros((H,), dtype=jnp.float32)
    W1r = jax.random.uniform(ks[3], (H, D), dtype=jnp.float32, minval=-s, maxval=s)
    s2 = 1.0 / np.sqrt(H)
    W2l = jax.random.uniform(ks[4], (H, H), dtype=jnp.float32, minval=-s2, maxval=s2)
    b2l = jnp.zeros((H,), dtype=jnp.float32)
    W2r = jax.random.uniform(ks[5], (H, H), dtype=jnp.float32, minval=-s2, maxval=s2)
    return {"x": x, "edge_index": edge_index, "W1l": W1l, "b1l": b1l, "W1r": W1r, "W2l": W2l, "b2l": b2l, "W2r": W2r}

def _sage_conv(x, edge_index, Wl, bl, Wr):
    # PyG SAGEConv with mean aggregation: out = lin_l(mean_j x_j) + lin_r(x_i), then L2 normalize
    src = edge_index[0]
    dst = edge_index[1]
    msgs = jnp.take(x, src, axis=0)
    agg = jax.ops.segment_sum(msgs, dst, num_segments=x.shape[0])
    cnt = jax.ops.segment_sum(jnp.ones((edge_index.shape[1],), dtype=x.dtype), dst, num_segments=x.shape[0])
    mean = agg / jnp.maximum(cnt, 1.0)[:, None]
    out = mean @ Wl.T + bl + x @ Wr.T
    norm = jnp.sqrt(jnp.sum(out * out, axis=-1, keepdims=True))
    out = out / jnp.maximum(norm, 1e-12)
    return out

def reference(x, edge_index, W1l, b1l, W1r, W2l, b2l, W2r):
    h = _sage_conv(x, edge_index, W1l, b1l, W1r)
    h = jax.nn.relu(h)
    h = _sage_conv(h, edge_index, W2l, b2l, W2r)
    h = jax.nn.relu(h)
    return h

if __name__ == "__main__":
    import jax
    _d = setup_inputs()
    print(jax.jit(kernel)(*tuple(_d.values())))

</pallas_src>

<mosaic_0001>
#map = affine_map<(d0, d1) -> (0, 0)>
#map1 = affine_map<(d0, d1) -> (0, 0, 0, 0)>
#map2 = affine_map<(d0, d1) -> (0, 0, 0)>
module attributes {stable_mosaic.version = 14 : i64} {
  func.func @_sc_agg_body(%arg0: i32, %arg1: i32, %arg2: memref<20000x128xf32, #tpu.memory_space<hbm>>, %arg3: memref<2x16x80x128xi32, #tpu.memory_space<hbm>>, %arg4: memref<16x80x128xi32, #tpu.memory_space<hbm>>, %arg5: memref<128x128xf32, #tpu.memory_space<hbm>>, %arg6: memref<2x10112x128xf32, #tpu.memory_space<hbm>>, %arg7: memref<8x128xi32, #tpu.memory_space<vmem>>, %arg8: memref<8x128xi32, #tpu.memory_space<vmem>>, %arg9: memref<2x128x128xf32, #tpu.memory_space<vmem>>, %arg10: memref<10112x128xf32, #tpu.memory_space<vmem_shared>>, %arg11: memref<!tpu.dma_semaphore, #tpu.memory_space<semaphore_mem>>, %arg12: memref<!tpu.dma_semaphore, #tpu.memory_space<semaphore_mem>>) attributes {dimension_semantics = [#tpu.dimension_semantics<core_parallel>, #tpu.dimension_semantics<subcore_parallel>], iteration_bounds = array<i64: 2, 16>, scalar_prefetch = 0 : i64, scratch_operands = 6 : i64, tpu.core_type = #tpu.core_type<sc_vector_subcore>, window_params = [{transform_indices = #map}, {transform_indices = #map1}, {transform_indices = #map2}, {transform_indices = #map}, {transform_indices = #map2}]} {
    %mul3A = arith.constant 632 : i32
    %mul3A_0 = arith.muli %arg1, %mul3A : i32
    %run_scoped3A = arith.constant 0 : i32
    "tpu.region"() ({
      %run_scoped3A_51 = tpu.sem_alloc : memref<!tpu.dma_semaphore, #tpu.memory_space<semaphore_mem>>
      %dma_start3A = arith.constant 0 : i32
      %dma_start3A_52 = arith.constant 0 : i32
      %dma_start3A_53 = tpu.memref_slice %arg9[%run_scoped3A, %dma_start3A, %dma_start3A_52] : memref<2x128x128xf32, #tpu.memory_space<vmem>> -> memref<1x128x128xf32, #tpu.memory_space<vmem>>
      %dma_start3A_54 = tpu.memref_squeeze %dma_start3A_53 : memref<1x128x128xf32, #tpu.memory_space<vmem>> -> memref<128x128xf32, #tpu.memory_space<vmem>>
      %dma_start3A_55 = arith.constant 0 : i32
      %dma_start3A_56 = arith.constant 0 : i32
      %dma_start3A_57 = tpu.memref_slice %arg9[%run_scoped3A, %dma_start3A_55, %dma_start3A_56] : memref<2x128x128xf32, #tpu.memory_space<vmem>> -> memref<1x128x128xf32, #tpu.memory_space<vmem>>
      %dma_start3A_58 = tpu.memref_squeeze %dma_start3A_57 : memref<1x128x128xf32, #tpu.memory_space<vmem>> -> memref<128x128xf32, #tpu.memory_space<vmem>>
      tpu.enqueue_dma source(%arg5 : memref<128x128xf32, #tpu.memory_space<hbm>>) target(%dma_start3A_58 : memref<128x128xf32, #tpu.memory_space<vmem>>) target_semaphore(%run_scoped3A_51 : memref<!tpu.dma_semaphore, #tpu.memory_space<semaphore_mem>>)
      %dma_wait3A = arith.constant 0 : i32
      %dma_wait3A_59 = arith.constant 0 : i32
      %dma_wait3A_60 = tpu.memref_slice %arg9[%run_scoped3A, %dma_wait3A, %dma_wait3A_59] : memref<2x128x128xf32, #tpu.memory_space<vmem>> -> memref<1x128x128xf32, #tpu.memory_space<vmem>>
      %dma_wait3A_61 = tpu.memref_squeeze %dma_wait3A_60 : memref<1x128x128xf32, #tpu.memory_space<vmem>> -> memref<128x128xf32, #tpu.memory_space<vmem>>
      %dma_wait3A_62 = arith.constant 0 : i32
      %dma_wait3A_63 = arith.constant 0 : i32
      %dma_wait3A_64 = tpu.memref_slice %arg9[%run_scoped3A, %dma_wait3A_62, %dma_wait3A_63] : memref<2x128x128xf32, #tpu.memory_space<vmem>> -> memref<1x128x128xf32, #tpu.memory_space<vmem>>
      %dma_wait3A_65 = tpu.memref_squeeze %dma_wait3A_64 : memref<1x128x128xf32, #tpu.memory_space<vmem>> -> memref<128x128xf32, #tpu.memory_space<vmem>>
      tpu.wait_dma2 semaphore(%run_scoped3A_51 : memref<!tpu.dma_semaphore, #tpu.memory_space<semaphore_mem>>) src(%arg5 : memref<128x128xf32, #tpu.memory_space<hbm>>) dst(%dma_wait3A_65 : memref<128x128xf32, #tpu.memory_space<vmem>>)
      tpu.yield
    }) : () -> ()
    %add3A = arith.constant 0 : i32
    %add3A_1 = arith.addi %mul3A_0, %add3A : i32
    %run_scoped3A_2 = arith.constant 0 : i32
    "tpu.region"() ({
      %run_scoped3A_51 = tpu.sem_alloc : memref<!tpu.dma_semaphore, #tpu.memory_space<semaphore_mem>>
      %dma_start3A = arith.constant 0 : i32
      %dma_start3A_52 = arith.constant 0 : i32
      %dma_start3A_53 = tpu.memref_slice %arg9[%run_scoped3A_2, %dma_start3A, %dma_start3A_52] : memref<2x128x128xf32, #tpu.memory_space<vmem>> -> memref<1x128x128xf32, #tpu.memory_space<vmem>>
      %dma_start3A_54 = tpu.memref_squeeze %dma_start3A_53 : memref<1x128x128xf32, #tpu.memory_space<vmem>> -> memref<128x128xf32, #tpu.memory_space<vmem>>
      %dma_start3A_55 = arith.constant 0 : i32
      %dma_start3A_56 = tpu.memref_slice %arg10[%add3A_1, %dma_start3A_55] : memref<10112x128xf32, #tpu.memory_space<vmem_shared>> -> memref<128x128xf32, #tpu.memory_space<vmem_shared>>
      %dma_start3A_57 = arith.constant 0 : i32
      %dma_start3A_58 = tpu.memref_slice %arg10[%add3A_1, %dma_start3A_57] : memref<10112x128xf32, #tpu.memory_space<vmem_shared>> -> memref<128x128xf32, #tpu.memory_space<vmem_shared>>
      %dma_start3A_59 = arith.constant 0 : i32
      %dma_start3A_60 = arith.constant 0 : i32
      %dma_start3A_61 = tpu.memref_slice %arg9[%run_scoped3A_2, %dma_start3A_59, %dma_start3A_60] : memref<2x128x128xf32, #tpu.memory_space<vmem>> -> memref<1x128x128xf32, #tpu.memory_space<vmem>>
      %dma_start3A_62 = tpu.memref_squeeze %dma_start3A_61 : memref<1x128x128xf32, #tpu.memory_space<vmem>> -> memref<128x128xf32, #tpu.memory_space<vmem>>
      tpu.enqueue_dma source(%dma_start3A_62 : memref<128x128xf32, #tpu.memory_space<vmem>>) target(%dma_start3A_58 : memref<128x128xf32, #tpu.memory_space<vmem_shared>>) target_semaphore(%run_scoped3A_51 : memref<!tpu.dma_semaphore, #tpu.memory_space<semaphore_mem>>)
      %dma_wait3A = arith.constant 0 : i32
      %dma_wait3A_63 = arith.constant 0 : i32
      %dma_wait3A_64 = tpu.memref_slice %arg9[%run_scoped3A_2, %dma_wait3A, %dma_wait3A_63] : memref<2x128x128xf32, #tpu.memory_space<vmem>> -> memref<1x128x128xf32, #tpu.memory_space<vmem>>
      %dma_wait3A_65 = tpu.memref_squeeze %dma_wait3A_64 : memref<1x128x128xf32, #tpu.memory_space<vmem>> -> memref<128x128xf32, #tpu.memory_space<vmem>>
      %dma_wait3A_66 = arith.constant 0 : i32
      %dma_wait3A_67 = tpu.memref_slice %arg10[%add3A_1, %dma_wait3A_66] : memref<10112x128xf32, #tpu.memory_space<vmem_shared>> -> memref<128x128xf32, #tpu.memory_space<vmem_shared>>
      %dma_wait3A_68 = arith.constant 0 : i32
      %dma_wait3A_69 = tpu.memref_slice %arg10[%add3A_1, %dma_wait3A_68] : memref<10112x128xf32, #tpu.memory_space<vmem_shared>> -> memref<128x128xf32, #tpu.memory_space<vmem_shared>>
      %dma_wait3A_70 = arith.constant 0 : i32
      %dma_wait3A_71 = arith.constant 0 : i32
      %dma_wait3A_72 = tpu.memref_slice %arg9[%run_scoped3A_2, %dma_wait3A_70, %dma_wait3A_71] : memref<2x128x128xf32, #tpu.memory_space<vmem>> -> memref<1x128x128xf32, #tpu.memory_space<vmem>>
      %dma_wait3A_73 = tpu.memref_squeeze %dma_wait3A_72 : memref<1x128x128xf32, #tpu.memory_space<vmem>> -> memref<128x128xf32, #tpu.memory_space<vmem>>
      tpu.wait_dma2 semaphore(%run_scoped3A_51 : memref<!tpu.dma_semaphore, #tpu.memory_space<semaphore_mem>>) src(%dma_wait3A_73 : memref<128x128xf32, #tpu.memory_space<vmem>>) dst(%dma_wait3A_69 : memref<128x128xf32, #tpu.memory_space<vmem_shared>>)
      tpu.yield
    }) : () -> ()
    %add3A_3 = arith.constant 128 : i32
    %add3A_4 = arith.addi %mul3A_0, %add3A_3 : i32
    %run_scoped3A_5 = arith.constant 0 : i32
    "tpu.region"() ({
      %run_scoped3A_51 = tpu.sem_alloc : memref<!tpu.dma_semaphore, #tpu.memory_space<semaphore_mem>>
      %dma_start3A = arith.constant 0 : i32
      %dma_start3A_52 = arith.constant 0 : i32
      %dma_start3A_53 = tpu.memref_slice %arg9[%run_scoped3A_5, %dma_start3A, %dma_start3A_52] : memref<2x128x128xf32, #tpu.memory_space<vmem>> -> memref<1x128x128xf32, #tpu.memory_space<vmem>>
      %dma_start3A_54 = tpu.memref_squeeze %dma_start3A_53 : memref<1x128x128xf32, #tpu.memory_space<vmem>> -> memref<128x128xf32, #tpu.memory_space<vmem>>
      %dma_start3A_55 = arith.constant 0 : i32
      %dma_start3A_56 = tpu.memref_slice %arg10[%add3A_4, %dma_start3A_55] : memref<10112x128xf32, #tpu.memory_space<vmem_shared>> -> memref<128x128xf32, #tpu.memory_space<vmem_shared>>
      %dma_start3A_57 = arith.constant 0 : i32
      %dma_start3A_58 = tpu.memref_slice %arg10[%add3A_4, %dma_start3A_57] : memref<10112x128xf32, #tpu.memory_space<vmem_shared>> -> memref<128x128xf32, #tpu.memory_space<vmem_shared>>
      %dma_start3A_59 = arith.constant 0 : i32
      %dma_start3A_60 = arith.constant 0 : i32
      %dma_start3A_61 = tpu.memref_slice %arg9[%run_scoped3A_5, %dma_start3A_59, %dma_start3A_60] : memref<2x128x128xf32, #tpu.memory_space<vmem>> -> memref<1x128x128xf32, #tpu.memory_space<vmem>>
      %dma_start3A_62 = tpu.memref_squeeze %dma_start3A_61 : memref<1x128x128xf32, #tpu.memory_space<vmem>> -> memref<128x128xf32, #tpu.memory_space<vmem>>
      tpu.enqueue_dma source(%dma_start3A_62 : memref<128x128xf32, #tpu.memory_space<vmem>>) target(%dma_start3A_58 : memref<128x128xf32, #tpu.memory_space<vmem_shared>>) target_semaphore(%run_scoped3A_51 : memref<!tpu.dma_semaphore, #tpu.memory_space<semaphore_mem>>)
      %dma_wait3A = arith.constant 0 : i32
      %dma_wait3A_63 = arith.constant 0 : i32
      %dma_wait3A_64 = tpu.memref_slice %arg9[%run_scoped3A_5, %dma_wait3A, %dma_wait3A_63] : memref<2x128x128xf32, #tpu.memory_space<vmem>> -> memref<1x128x128xf32, #tpu.memory_space<vmem>>
      %dma_wait3A_65 = tpu.memref_squeeze %dma_wait3A_64 : memref<1x128x128xf32, #tpu.memory_space<vmem>> -> memref<128x128xf32, #tpu.memory_space<vmem>>
      %dma_wait3A_66 = arith.constant 0 : i32
      %dma_wait3A_67 = tpu.memref_slice %arg10[%add3A_4, %dma_wait3A_66] : memref<10112x128xf32, #tpu.memory_space<vmem_shared>> -> memref<128x128xf32, #tpu.memory_space<vmem_shared>>
      %dma_wait3A_68 = arith.constant 0 : i32
      %dma_wait3A_69 = tpu.memref_slice %arg10[%add3A_4, %dma_wait3A_68] : memref<10112x128xf32, #tpu.memory_space<vmem_shared>> -> memref<128x128xf32, #tpu.memory_space<vmem_shared>>
      %dma_wait3A_70 = arith.constant 0 : i32
      %dma_wait3A_71 = arith.constant 0 : i32
      %dma_wait3A_72 = tpu.memref_slice %arg9[%run_scoped3A_5, %dma_wait3A_70, %dma_wait3A_71] : memref<2x128x128xf32, #tpu.memory_space<vmem>> -> memref<1x128x128xf32, #tpu.memory_space<vmem>>
      %dma_wait3A_73 = tpu.memref_squeeze %dma_wait3A_72 : memref<1x128x128xf32, #tpu.memory_space<vmem>> -> memref<128x128xf32, #tpu.memory_space<vmem>>
      tpu.wait_dma2 semaphore(%run_scoped3A_51 : memref<!tpu.dma_semaphore, #tpu.memory_space<semaphore_mem>>) src(%dma_wait3A_73 : memref<128x128xf32, #tpu.memory_space<vmem>>) dst(%dma_wait3A_69 : memref<128x128xf32, #tpu.memory_space<vmem_shared>>)
      tpu.yield
    }) : () -> ()
    %add3A_6 = arith.constant 256 : i32
    %add3A_7 = arith.addi %mul3A_0, %add3A_6 : i32
    %run_scoped3A_8 = arith.constant 0 : i32
    "tpu.region"() ({
      %run_scoped3A_51 = tpu.sem_alloc : memref<!tpu.dma_semaphore, #tpu.memory_space<semaphore_mem>>
      %dma_start3A = arith.constant 0 : i32
      %dma_start3A_52 = arith.constant 0 : i32
      %dma_start3A_53 = tpu.memref_slice %arg9[%run_scoped3A_8, %dma_start3A, %dma_start3A_52] : memref<2x128x128xf32, #tpu.memory_space<vmem>> -> memref<1x128x128xf32, #tpu.memory_space<vmem>>
      %dma_start3A_54 = tpu.memref_squeeze %dma_start3A_53 : memref<1x128x128xf32, #tpu.memory_space<vmem>> -> memref<128x128xf32, #tpu.memory_space<vmem>>
      %dma_start3A_55 = arith.constant 0 : i32
      %dma_start3A_56 = tpu.memref_slice %arg10[%add3A_7, %dma_start3A_55] : memref<10112x128xf32, #tpu.memory_space<vmem_shared>> -> memref<128x128xf32, #tpu.memory_space<vmem_shared>>
      %dma_start3A_57 = arith.constant 0 : i32
      %dma_start3A_58 = tpu.memref_slice %arg10[%add3A_7, %dma_start3A_57] : memref<10112x128xf32, #tpu.memory_space<vmem_shared>> -> memref<128x128xf32, #tpu.memory_space<vmem_shared>>
      %dma_start3A_59 = arith.constant 0 : i32
      %dma_start3A_60 = arith.constant 0 : i32
      %dma_start3A_61 = tpu.memref_slice %arg9[%run_scoped3A_8, %dma_start3A_59, %dma_start3A_60] : memref<2x128x128xf32, #tpu.memory_space<vmem>> -> memref<1x128x128xf32, #tpu.memory_space<vmem>>
      %dma_start3A_62 = tpu.memref_squeeze %dma_start3A_61 : memref<1x128x128xf32, #tpu.memory_space<vmem>> -> memref<128x128xf32, #tpu.memory_space<vmem>>
      tpu.enqueue_dma source(%dma_start3A_62 : memref<128x128xf32, #tpu.memory_space<vmem>>) target(%dma_start3A_58 : memref<128x128xf32, #tpu.memory_space<vmem_shared>>) target_semaphore(%run_scoped3A_51 : memref<!tpu.dma_semaphore, #tpu.memory_space<semaphore_mem>>)
      %dma_wait3A = arith.constant 0 : i32
      %dma_wait3A_63 = arith.constant 0 : i32
      %dma_wait3A_64 = tpu.memref_slice %arg9[%run_scoped3A_8, %dma_wait3A, %dma_wait3A_63] : memref<2x128x128xf32, #tpu.memory_space<vmem>> -> memref<1x128x128xf32, #tpu.memory_space<vmem>>
      %dma_wait3A_65 = tpu.memref_squeeze %dma_wait3A_64 : memref<1x128x128xf32, #tpu.memory_space<vmem>> -> memref<128x128xf32, #tpu.memory_space<vmem>>
      %dma_wait3A_66 = arith.constant 0 : i32
      %dma_wait3A_67 = tpu.memref_slice %arg10[%add3A_7, %dma_wait3A_66] : memref<10112x128xf32, #tpu.memory_space<vmem_shared>> -> memref<128x128xf32, #tpu.memory_space<vmem_shared>>
      %dma_wait3A_68 = arith.constant 0 : i32
      %dma_wait3A_69 = tpu.memref_slice %arg10[%add3A_7, %dma_wait3A_68] : memref<10112x128xf32, #tpu.memory_space<vmem_shared>> -> memref<128x128xf32, #tpu.memory_space<vmem_shared>>
      %dma_wait3A_70 = arith.constant 0 : i32
      %dma_wait3A_71 = arith.constant 0 : i32
      %dma_wait3A_72 = tpu.memref_slice %arg9[%run_scoped3A_8, %dma_wait3A_70, %dma_wait3A_71] : memref<2x128x128xf32, #tpu.memory_space<vmem>> -> memref<1x128x128xf32, #tpu.memory_space<vmem>>
      %dma_wait3A_73 = tpu.memref_squeeze %dma_wait3A_72 : memref<1x128x128xf32, #tpu.memory_space<vmem>> -> memref<128x128xf32, #tpu.memory_space<vmem>>
      tpu.wait_dma2 semaphore(%run_scoped3A_51 : memref<!tpu.dma_semaphore, #tpu.memory_space<semaphore_mem>>) src(%dma_wait3A_73 : memref<128x128xf32, #tpu.memory_space<vmem>>) dst(%dma_wait3A_69 : memref<128x128xf32, #tpu.memory_space<vmem_shared>>)
      tpu.yield
    }) : () -> ()
    %add3A_9 = arith.constant 384 : i32
    %add3A_10 = arith.addi %mul3A_0, %add3A_9 : i32
    %run_scoped3A_11 = arith.constant 0 : i32
    "tpu.region"() ({
      %run_scoped3A_51 = tpu.sem_alloc : memref<!tpu.dma_semaphore, #tpu.memory_space<semaphore_mem>>
      %dma_start3A = arith.constant 0 : i32
      %dma_start3A_52 = arith.constant 0 : i32
      %dma_start3A_53 = tpu.memref_slice %arg9[%run_scoped3A_11, %dma_start3A, %dma_start3A_52] : memref<2x128x128xf32, #tpu.memory_space<vmem>> -> memref<1x128x128xf32, #tpu.memory_space<vmem>>
      %dma_start3A_54 = tpu.memref_squeeze %dma_start3A_53 : memref<1x128x128xf32, #tpu.memory_space<vmem>> -> memref<128x128xf32, #tpu.memory_space<vmem>>
      %dma_start3A_55 = arith.constant 0 : i32
      %dma_start3A_56 = tpu.memref_slice %arg10[%add3A_10, %dma_start3A_55] : memref<10112x128xf32, #tpu.memory_space<vmem_shared>> -> memref<128x128xf32, #tpu.memory_space<vmem_shared>>
      %dma_start3A_57 = arith.constant 0 : i32
      %dma_start3A_58 = tpu.memref_slice %arg10[%add3A_10, %dma_start3A_57] : memref<10112x128xf32, #tpu.memory_space<vmem_shared>> -> memref<128x128xf32, #tpu.memory_space<vmem_shared>>
      %dma_start3A_59 = arith.constant 0 : i32
      %dma_start3A_60 = arith.constant 0 : i32
      %dma_start3A_61 = tpu.memref_slice %arg9[%run_scoped3A_11, %dma_start3A_59, %dma_start3A_60] : memref<2x128x128xf32, #tpu.memory_space<vmem>> -> memref<1x128x128xf32, #tpu.memory_space<vmem>>
      %dma_start3A_62 = tpu.memref_squeeze %dma_start3A_61 : memref<1x128x128xf32, #tpu.memory_space<vmem>> -> memref<128x128xf32, #tpu.memory_space<vmem>>
      tpu.enqueue_dma source(%dma_start3A_62 : memref<128x128xf32, #tpu.memory_space<vmem>>) target(%dma_start3A_58 : memref<128x128xf32, #tpu.memory_space<vmem_shared>>) target_semaphore(%run_scoped3A_51 : memref<!tpu.dma_semaphore, #tpu.memory_space<semaphore_mem>>)
      %dma_wait3A = arith.constant 0 : i32
      %dma_wait3A_63 = arith.constant 0 : i32
      %dma_wait3A_64 = tpu.memref_slice %arg9[%run_scoped3A_11, %dma_wait3A, %dma_wait3A_63] : memref<2x128x128xf32, #tpu.memory_space<vmem>> -> memref<1x128x128xf32, #tpu.memory_space<vmem>>
      %dma_wait3A_65 = tpu.memref_squeeze %dma_wait3A_64 : memref<1x128x128xf32, #tpu.memory_space<vmem>> -> memref<128x128xf32, #tpu.memory_space<vmem>>
      %dma_wait3A_66 = arith.constant 0 : i32
      %dma_wait3A_67 = tpu.memref_slice %arg10[%add3A_10, %dma_wait3A_66] : memref<10112x128xf32, #tpu.memory_space<vmem_shared>> -> memref<128x128xf32, #tpu.memory_space<vmem_shared>>
      %dma_wait3A_68 = arith.constant 0 : i32
      %dma_wait3A_69 = tpu.memref_slice %arg10[%add3A_10, %dma_wait3A_68] : memref<10112x128xf32, #tpu.memory_space<vmem_shared>> -> memref<128x128xf32, #tpu.memory_space<vmem_shared>>
      %dma_wait3A_70 = arith.constant 0 : i32
      %dma_wait3A_71 = arith.constant 0 : i32
      %dma_wait3A_72 = tpu.memref_slice %arg9[%run_scoped3A_11, %dma_wait3A_70, %dma_wait3A_71] : memref<2x128x128xf32, #tpu.memory_space<vmem>> -> memref<1x128x128xf32, #tpu.memory_space<vmem>>
      %dma_wait3A_73 = tpu.memref_squeeze %dma_wait3A_72 : memref<1x128x128xf32, #tpu.memory_space<vmem>> -> memref<128x128xf32, #tpu.memory_space<vmem>>
      tpu.wait_dma2 semaphore(%run_scoped3A_51 : memref<!tpu.dma_semaphore, #tpu.memory_space<semaphore_mem>>) src(%dma_wait3A_73 : memref<128x128xf32, #tpu.memory_space<vmem>>) dst(%dma_wait3A_69 : memref<128x128xf32, #tpu.memory_space<vmem_shared>>)
      tpu.yield
    }) : () -> ()
    %add3A_12 = arith.constant 512 : i32
    %add3A_13 = arith.addi %mul3A_0, %add3A_12 : i32
    %run_scoped3A_14 = arith.constant 0 : i32
    "tpu.region"() ({
      %run_scoped3A_51 = tpu.sem_alloc : memref<!tpu.dma_semaphore, #tpu.memory_space<semaphore_mem>>
      %dma_start3A = arith.constant 0 : i32
      %dma_start3A_52 = arith.constant 0 : i32
      %dma_start3A_53 = tpu.memref_slice %arg9[%run_scoped3A_14, %dma_start3A, %dma_start3A_52] : memref<2x128x128xf32, #tpu.memory_space<vmem>> -> memref<1x120x128xf32, #tpu.memory_space<vmem>>
      %dma_start3A_54 = tpu.memref_squeeze %dma_start3A_53 : memref<1x120x128xf32, #tpu.memory_space<vmem>> -> memref<120x128xf32, #tpu.memory_space<vmem>>
      %dma_start3A_55 = arith.constant 0 : i32
      %dma_start3A_56 = tpu.memref_slice %arg10[%add3A_13, %dma_start3A_55] : memref<10112x128xf32, #tpu.memory_space<vmem_shared>> -> memref<120x128xf32, #tpu.memory_space<vmem_shared>>
      %dma_start3A_57 = arith.constant 0 : i32
      %dma_start3A_58 = tpu.memref_slice %arg10[%add3A_13, %dma_start3A_57] : memref<10112x128xf32, #tpu.memory_space<vmem_shared>> -> memref<120x128xf32, #tpu.memory_space<vmem_shared>>
      %dma_start3A_59 = arith.constant 0 : i32
      %dma_start3A_60 = arith.constant 0 : i32
      %dma_start3A_61 = tpu.memref_slice %arg9[%run_scoped3A_14, %dma_start3A_59, %dma_start3A_60] : memref<2x128x128xf32, #tpu.memory_space<vmem>> -> memref<1x120x128xf32, #tpu.memory_space<vmem>>
      %dma_start3A_62 = tpu.memref_squeeze %dma_start3A_61 : memref<1x120x128xf32, #tpu.memory_space<vmem>> -> memref<120x128xf32, #tpu.memory_space<vmem>>
      tpu.enqueue_dma source(%dma_start3A_62 : memref<120x128xf32, #tpu.memory_space<vmem>>) target(%dma_start3A_58 : memref<120x128xf32, #tpu.memory_space<vmem_shared>>) target_semaphore(%run_scoped3A_51 : memref<!tpu.dma_semaphore, #tpu.memory_space<semaphore_mem>>)
      %dma_wait3A = arith.constant 0 : i32
      %dma_wait3A_63 = arith.constant 0 : i32
      %dma_wait3A_64 = tpu.memref_slice %arg9[%run_scoped3A_14, %dma_wait3A, %dma_wait3A_63] : memref<2x128x128xf32, #tpu.memory_space<vmem>> -> memref<1x120x128xf32, #tpu.memory_space<vmem>>
      %dma_wait3A_65 = tpu.memref_squeeze %dma_wait3A_64 : memref<1x120x128xf32, #tpu.memory_space<vmem>> -> memref<120x128xf32, #tpu.memory_space<vmem>>
      %dma_wait3A_66 = arith.constant 0 : i32
      %dma_wait3A_67 = tpu.memref_slice %arg10[%add3A_13, %dma_wait3A_66] : memref<10112x128xf32, #tpu.memory_space<vmem_shared>> -> memref<120x128xf32, #tpu.memory_space<vmem_shared>>
      %dma_wait3A_68 = arith.constant 0 : i32
      %dma_wait3A_69 = tpu.memref_slice %arg10[%add3A_13, %dma_wait3A_68] : memref<10112x128xf32, #tpu.memory_space<vmem_shared>> -> memref<120x128xf32, #tpu.memory_space<vmem_shared>>
      %dma_wait3A_70 = arith.constant 0 : i32
      %dma_wait3A_71 = arith.constant 0 : i32
      %dma_wait3A_72 = tpu.memref_slice %arg9[%run_scoped3A_14, %dma_wait3A_70, %dma_wait3A_71] : memref<2x128x128xf32, #tpu.memory_space<vmem>> -> memref<1x120x128xf32, #tpu.memory_space<vmem>>
      %dma_wait3A_73 = tpu.memref_squeeze %dma_wait3A_72 : memref<1x120x128xf32, #tpu.memory_space<vmem>> -> memref<120x128xf32, #tpu.memory_space<vmem>>
      tpu.wait_dma2 semaphore(%run_scoped3A_51 : memref<!tpu.dma_semaphore, #tpu.memory_space<semaphore_mem>>) src(%dma_wait3A_73 : memref<120x128xf32, #tpu.memory_space<vmem>>) dst(%dma_wait3A_69 : memref<120x128xf32, #tpu.memory_space<vmem_shared>>)
      tpu.yield
    }) : () -> ()
    %barrier3A = arith.constant 0 : index
    tpu.barrier barrier_id(%barrier3A)
    %scan3A = arith.constant 0 : i32
    %scan3A_15 = arith.constant 0 : i32
    %scan3A_16 = arith.constant 10 : i32
    %scan3A_17 = arith.addi %scan3A_15, %scan3A_16 : i32
    %scan3A_18 = arith.constant 1 : i32
    scf.for %scan3A_51 = %scan3A_15 to %scan3A_17 step %scan3A_18  : i32 {
      %mul3A_52 = arith.constant 8 : i32
      %mul3A_53 = arith.muli %scan3A_51, %mul3A_52 : i32
      "tpu.region"() ({
        %run_scoped3A_112 = tpu.sem_alloc : memref<!tpu.dma_semaphore, #tpu.memory_space<semaphore_mem>>
        %dma_start3A_113 = arith.constant 0 : i32
        %dma_start3A_114 = tpu.memref_slice %arg3[%arg0, %arg1, %mul3A_53, %dma_start3A_113] : memref<2x16x80x128xi32, #tpu.memory_space<hbm>> -> memref<1x1x8x128xi32, #tpu.memory_space<hbm>>
        %dma_start3A_115 = tpu.memref_squeeze %dma_start3A_114 : memref<1x1x8x128xi32, #tpu.memory_space<hbm>> -> memref<8x128xi32, #tpu.memory_space<hbm>>
        %dma_start3A_116 = arith.constant 0 : i32
        %dma_start3A_117 = tpu.memref_slice %arg3[%arg0, %arg1, %mul3A_53, %dma_start3A_116] : memref<2x16x80x128xi32, #tpu.memory_space<hbm>> -> memref<1x1x8x128xi32, #tpu.memory_space<hbm>>
        %dma_start3A_118 = tpu.memref_squeeze %dma_start3A_117 : memref<1x1x8x128xi32, #tpu.memory_space<hbm>> -> memref<8x128xi32, #tpu.memory_space<hbm>>
        tpu.enqueue_dma source(%dma_start3A_118 : memref<8x128xi32, #tpu.memory_space<hbm>>) target(%arg7 : memref<8x128xi32, #tpu.memory_space<vmem>>) target_semaphore(%run_scoped3A_112 : memref<!tpu.dma_semaphore, #tpu.memory_space<semaphore_mem>>)
        %dma_wait3A_119 = arith.constant 0 : i32
        %dma_wait3A_120 = tpu.memref_slice %arg3[%arg0, %arg1, %mul3A_53, %dma_wait3A_119] : memref<2x16x80x128xi32, #tpu.memory_space<hbm>> -> memref<1x1x8x128xi32, #tpu.memory_space<hbm>>
        %dma_wait3A_121 = tpu.memref_squeeze %dma_wait3A_120 : memref<1x1x8x128xi32, #tpu.memory_space<hbm>> -> memref<8x128xi32, #tpu.memory_space<hbm>>
        %dma_wait3A_122 = arith.constant 0 : i32
        %dma_wait3A_123 = tpu.memref_slice %arg3[%arg0, %arg1, %mul3A_53, %dma_wait3A_122] : memref<2x16x80x128xi32, #tpu.memory_space<hbm>> -> memref<1x1x8x128xi32, #tpu.memory_space<hbm>>
        %dma_wait3A_124 = tpu.memref_squeeze %dma_wait3A_123 : memref<1x1x8x128xi32, #tpu.memory_space<hbm>> -> memref<8x128xi32, #tpu.memory_space<hbm>>
        tpu.wait_dma2 semaphore(%run_scoped3A_112 : memref<!tpu.dma_semaphore, #tpu.memory_space<semaphore_mem>>) src(%dma_wait3A_124 : memref<8x128xi32, #tpu.memory_space<hbm>>) dst(%arg7 : memref<8x128xi32, #tpu.memory_space<vmem>>)
        tpu.yield
      }) : () -> ()
      %mul3A_54 = arith.constant 8 : i32
      %mul3A_55 = arith.muli %scan3A_51, %mul3A_54 : i32
      "tpu.region"() ({
        %run_scoped3A_112 = tpu.sem_alloc : memref<!tpu.dma_semaphore, #tpu.memory_space<semaphore_mem>>
        %dma_start3A_113 = arith.constant 0 : i32
        %dma_start3A_114 = tpu.memref_slice %arg4[%arg1, %mul3A_55, %dma_start3A_113] : memref<16x80x128xi32, #tpu.memory_space<hbm>> -> memref<1x8x128xi32, #tpu.memory_space<hbm>>
        %dma_start3A_115 = tpu.memref_squeeze %dma_start3A_114 : memref<1x8x128xi32, #tpu.memory_space<hbm>> -> memref<8x128xi32, #tpu.memory_space<hbm>>
        %dma_start3A_116 = arith.constant 0 : i32
        %dma_start3A_117 = tpu.memref_slice %arg4[%arg1, %mul3A_55, %dma_start3A_116] : memref<16x80x128xi32, #tpu.memory_space<hbm>> -> memref<1x8x128xi32, #tpu.memory_space<hbm>>
        %dma_start3A_118 = tpu.memref_squeeze %dma_start3A_117 : memref<1x8x128xi32, #tpu.memory_space<hbm>> -> memref<8x128xi32, #tpu.memory_space<hbm>>
        tpu.enqueue_dma source(%dma_start3A_118 : memref<8x128xi32, #tpu.memory_space<hbm>>) target(%arg8 : memref<8x128xi32, #tpu.memory_space<vmem>>) target_semaphore(%run_scoped3A_112 : memref<!tpu.dma_semaphore, #tpu.memory_space<semaphore_mem>>)
        %dma_wait3A_119 = arith.constant 0 : i32
        %dma_wait3A_120 = tpu.memref_slice %arg4[%arg1, %mul3A_55, %dma_wait3A_119] : memref<16x80x128xi32, #tpu.memory_space<hbm>> -> memref<1x8x128xi32, #tpu.memory_space<hbm>>
        %dma_wait3A_121 = tpu.memref_squeeze %dma_wait3A_120 : memref<1x8x128xi32, #tpu.memory_space<hbm>> -> memref<8x128xi32, #tpu.memory_space<hbm>>
        %dma_wait3A_122 = arith.constant 0 : i32
        %dma_wait3A_123 = tpu.memref_slice %arg4[%arg1, %mul3A_55, %dma_wait3A_122] : memref<16x80x128xi32, #tpu.memory_space<hbm>> -> memref<1x8x128xi32, #tpu.memory_space<hbm>>
        %dma_wait3A_124 = tpu.memref_squeeze %dma_wait3A_123 : memref<1x8x128xi32, #tpu.memory_space<hbm>> -> memref<8x128xi32, #tpu.memory_space<hbm>>
        tpu.wait_dma2 semaphore(%run_scoped3A_112 : memref<!tpu.dma_semaphore, #tpu.memory_space<semaphore_mem>>) src(%dma_wait3A_124 : memref<8x128xi32, #tpu.memory_space<hbm>>) dst(%arg8 : memref<8x128xi32, #tpu.memory_space<vmem>>)
        tpu.yield
      }) : () -> ()
      %dma_start3A = arith.constant 0 : i32
      %dma_start3A_56 = arith.constant 0 : i32
      %dma_start3A_57 = arith.constant 0 : i32
      %dma_start3A_58 = arith.constant 0 : i32
      %dma_start3A_59 = tpu.memref_slice %arg9[%dma_start3A_56, %dma_start3A_57, %dma_start3A_58] : memref<2x128x128xf32, #tpu.memory_space<vmem>> -> memref<1x128x128xf32, #tpu.memory_space<vmem>>
      %dma_start3A_60 = tpu.memref_squeeze %dma_start3A_59 : memref<1x128x128xf32, #tpu.memory_space<vmem>> -> memref<128x128xf32, #tpu.memory_space<vmem>>
      %dma_start3A_61 = arith.constant 0 : i32
      %dma_start3A_62 = tpu.memref_slice %arg7[%dma_start3A, %dma_start3A_61] : memref<8x128xi32, #tpu.memory_space<vmem>> -> memref<1x128xi32, #tpu.memory_space<vmem>>
      %dma_start3A_63 = tpu.memref_squeeze %dma_start3A_62 : memref<1x128xi32, #tpu.memory_space<vmem>> -> memref<128xi32, #tpu.memory_space<vmem>>
      %dma_start3A_64 = arith.constant 0 : i32
      %dma_start3A_65 = arith.constant 0 : i32
      %dma_start3A_66 = tpu.memref_slice %arg2[%dma_start3A_64, %dma_start3A_65] : memref<20000x128xf32, #tpu.memory_space<hbm>> -> memref<20000x128xf32, #tpu.memory_space<hbm>>
      tpu.enqueue_indirect_dma source(%dma_start3A_66 : memref<20000x128xf32, #tpu.memory_space<hbm>>) target(%dma_start3A_60 : memref<128x128xf32, #tpu.memory_space<vmem>>) offsets(%dma_start3A_63 : memref<128xi32, #tpu.memory_space<vmem>>) semaphore(%arg11 : memref<!tpu.dma_semaphore, #tpu.memory_space<semaphore_mem>>)
      %scan3A_67 = arith.constant 0 : i32
      %scan3A_68 = arith.constant 0 : i32
      %scan3A_69 = arith.constant 3 : i32
      %scan3A_70 = arith.addi %scan3A_68, %scan3A_69 : i32
      %scan3A_71 = arith.constant 1 : i32
      scf.for %scan3A_112 = %scan3A_68 to %scan3A_70 step %scan3A_71  : i32 {
        %mul3A_113 = arith.constant 2 : i32
        %mul3A_114 = arith.muli %mul3A_113, %scan3A_112 : i32
        %add3A_115 = arith.constant 1 : i32
        %add3A_116 = arith.addi %mul3A_114, %add3A_115 : i32
        %dma_start3A_117 = arith.constant 1 : i32
        %dma_start3A_118 = arith.constant 0 : i32
        %dma_start3A_119 = arith.constant 0 : i32
        %dma_start3A_120 = tpu.memref_slice %arg9[%dma_start3A_117, %dma_start3A_118, %dma_start3A_119] : memref<2x128x128xf32, #tpu.memory_space<vmem>> -> memref<1x128x128xf32, #tpu.memory_space<vmem>>
        %dma_start3A_121 = tpu.memref_squeeze %dma_start3A_120 : memref<1x128x128xf32, #tpu.memory_space<vmem>> -> memref<128x128xf32, #tpu.memory_space<vmem>>
        %dma_start3A_122 = arith.constant 0 : i32
        %dma_start3A_123 = tpu.memref_slice %arg7[%add3A_116, %dma_start3A_122] : memref<8x128xi32, #tpu.memory_space<vmem>> -> memref<1x128xi32, #tpu.memory_space<vmem>>
        %dma_start3A_124 = tpu.memref_squeeze %dma_start3A_123 : memref<1x128xi32, #tpu.memory_space<vmem>> -> memref<128xi32, #tpu.memory_space<vmem>>
        %dma_start3A_125 = arith.constant 0 : i32
        %dma_start3A_126 = arith.constant 0 : i32
        %dma_start3A_127 = tpu.memref_slice %arg2[%dma_start3A_125, %dma_start3A_126] : memref<20000x128xf32, #tpu.memory_space<hbm>> -> memref<20000x128xf32, #tpu.memory_space<hbm>>
        tpu.enqueue_indirect_dma source(%dma_start3A_127 : memref<20000x128xf32, #tpu.memory_space<hbm>>) target(%dma_start3A_121 : memref<128x128xf32, #tpu.memory_space<vmem>>) offsets(%dma_start3A_124 : memref<128xi32, #tpu.memory_space<vmem>>) semaphore(%arg12 : memref<!tpu.dma_semaphore, #tpu.memory_space<semaphore_mem>>)
        %dma_wait3A_128 = arith.constant 0 : i32
        %dma_wait3A_129 = arith.constant 0 : i32
        %dma_wait3A_130 = arith.constant 0 : i32
        %dma_wait3A_131 = tpu.memref_slice %arg9[%dma_wait3A_128, %dma_wait3A_129, %dma_wait3A_130] : memref<2x128x128xf32, #tpu.memory_space<vmem>> -> memref<1x128x128xf32, #tpu.memory_space<vmem>>
        %dma_wait3A_132 = tpu.memref_squeeze %dma_wait3A_131 : memref<1x128x128xf32, #tpu.memory_space<vmem>> -> memref<128x128xf32, #tpu.memory_space<vmem>>
        %dma_wait3A_133 = arith.constant 0 : i32
        %dma_wait3A_134 = tpu.memref_slice %arg7[%mul3A_114, %dma_wait3A_133] : memref<8x128xi32, #tpu.memory_space<vmem>> -> memref<1x128xi32, #tpu.memory_space<vmem>>
        %dma_wait3A_135 = tpu.memref_squeeze %dma_wait3A_134 : memref<1x128xi32, #tpu.memory_space<vmem>> -> memref<128xi32, #tpu.memory_space<vmem>>
        %dma_wait3A_136 = arith.constant 0 : i32
        %dma_wait3A_137 = arith.constant 0 : i32
        %dma_wait3A_138 = tpu.memref_slice %arg2[%dma_wait3A_136, %dma_wait3A_137] : memref<20000x128xf32, #tpu.memory_space<hbm>> -> memref<20000x128xf32, #tpu.memory_space<hbm>>
        tpu.wait_indirect_dma semaphore(%arg11 : memref<!tpu.dma_semaphore, #tpu.memory_space<semaphore_mem>>) src(%dma_wait3A_138 : memref<20000x128xf32, #tpu.memory_space<hbm>>) dst(%dma_wait3A_132 : memref<128x128xf32, #tpu.memory_space<vmem>>)
        %run_scoped3A_139 = arith.constant 0 : i32
        "tpu.region"() ({
          %run_scoped3A_169 = tpu.sem_alloc : memref<!tpu.dma_semaphore, #tpu.memory_space<semaphore_mem>>
          %dma_start3A_170 = arith.constant 0 : i32
          %dma_start3A_171 = arith.constant 0 : i32
          %dma_start3A_172 = tpu.memref_slice %arg9[%run_scoped3A_139, %dma_start3A_170, %dma_start3A_171] : memref<2x128x128xf32, #tpu.memory_space<vmem>> -> memref<1x128x128xf32, #tpu.memory_space<vmem>>
          %dma_start3A_173 = tpu.memref_squeeze %dma_start3A_172 : memref<1x128x128xf32, #tpu.memory_space<vmem>> -> memref<128x128xf32, #tpu.memory_space<vmem>>
          %dma_start3A_174 = arith.constant 0 : i32
          %dma_start3A_175 = tpu.memref_slice %arg8[%mul3A_114, %dma_start3A_174] : memref<8x128xi32, #tpu.memory_space<vmem>> -> memref<1x128xi32, #tpu.memory_space<vmem>>
          %dma_start3A_176 = tpu.memref_squeeze %dma_start3A_175 : memref<1x128xi32, #tpu.memory_space<vmem>> -> memref<128xi32, #tpu.memory_space<vmem>>
          %dma_start3A_177 = arith.constant 0 : i32
          %dma_start3A_178 = arith.constant 0 : i32
          %dma_start3A_179 = tpu.memref_slice %arg10[%dma_start3A_177, %dma_start3A_178] : memref<10112x128xf32, #tpu.memory_space<vmem_shared>> -> memref<10112x128xf32, #tpu.memory_space<vmem_shared>>
          tpu.enqueue_indirect_dma source(%dma_start3A_173 : memref<128x128xf32, #tpu.memory_space<vmem>>) target(%dma_start3A_179 : memref<10112x128xf32, #tpu.memory_space<vmem_shared>>) offsets(%dma_start3A_176 : memref<128xi32, #tpu.memory_space<vmem>>) semaphore(%run_scoped3A_169 : memref<!tpu.dma_semaphore, #tpu.memory_space<semaphore_mem>>) {add = true}
          %dma_wait3A_180 = arith.constant 0 : i32
          %dma_wait3A_181 = arith.constant 0 : i32
          %dma_wait3A_182 = tpu.memref_slice %arg9[%run_scoped3A_139, %dma_wait3A_180, %dma_wait3A_181] : memref<2x128x128xf32, #tpu.memory_space<vmem>> -> memref<1x128x128xf32, #tpu.memory_space<vmem>>
          %dma_wait3A_183 = tpu.memref_squeeze %dma_wait3A_182 : memref<1x128x128xf32, #tpu.memory_space<vmem>> -> memref<128x128xf32, #tpu.memory_space<vmem>>
          %dma_wait3A_184 = arith.constant 0 : i32
          %dma_wait3A_185 = tpu.memref_slice %arg8[%mul3A_114, %dma_wait3A_184] : memref<8x128xi32, #tpu.memory_space<vmem>> -> memref<1x128xi32, #tpu.memory_space<vmem>>
          %dma_wait3A_186 = tpu.memref_squeeze %dma_wait3A_185 : memref<1x128xi32, #tpu.memory_space<vmem>> -> memref<128xi32, #tpu.memory_space<vmem>>
          %dma_wait3A_187 = arith.constant 0 : i32
          %dma_wait3A_188 = arith.constant 0 : i32
          %dma_wait3A_189 = tpu.memref_slice %arg10[%dma_wait3A_187, %dma_wait3A_188] : memref<10112x128xf32, #tpu.memory_space<vmem_shared>> -> memref<10112x128xf32, #tpu.memory_space<vmem_shared>>
          tpu.wait_indirect_dma semaphore(%run_scoped3A_169 : memref<!tpu.dma_semaphore, #tpu.memory_space<semaphore_mem>>) src(%dma_wait3A_183 : memref<128x128xf32, #tpu.memory_space<vmem>>) dst(%dma_wait3A_189 : memref<10112x128xf32, #tpu.memory_space<vmem_shared>>)
          tpu.yield
        }) : () -> ()
        %add3A_140 = arith.constant 2 : i32
        %add3A_141 = arith.addi %mul3A_114, %add3A_140 : i32
        %dma_start3A_142 = arith.constant 0 : i32
        %dma_start3A_143 = arith.constant 0 : i32
        %dma_start3A_144 = arith.constant 0 : i32
        %dma_start3A_145 = tpu.memref_slice %arg9[%dma_start3A_142, %dma_start3A_143, %dma_start3A_144] : memref<2x128x128xf32, #tpu.memory_space<vmem>> -> memref<1x128x128xf32, #tpu.memory_space<vmem>>
        %dma_start3A_146 = tpu.memref_squeeze %dma_start3A_145 : memref<1x128x128xf32, #tpu.memory_space<vmem>> -> memref<128x128xf32, #tpu.memory_space<vmem>>
        %dma_start3A_147 = arith.constant 0 : i32
        %dma_start3A_148 = tpu.memref_slice %arg7[%add3A_141, %dma_start3A_147] : memref<8x128xi32, #tpu.memory_space<vmem>> -> memref<1x128xi32, #tpu.memory_space<vmem>>
        %dma_start3A_149 = tpu.memref_squeeze %dma_start3A_148 : memref<1x128xi32, #tpu.memory_space<vmem>> -> memref<128xi32, #tpu.memory_space<vmem>>
        %dma_start3A_150 = arith.constant 0 : i32
        %dma_start3A_151 = arith.constant 0 : i32
        %dma_start3A_152 = tpu.memref_slice %arg2[%dma_start3A_150, %dma_start3A_151] : memref<20000x128xf32, #tpu.memory_space<hbm>> -> memref<20000x128xf32, #tpu.memory_space<hbm>>
        tpu.enqueue_indirect_dma source(%dma_start3A_152 : memref<20000x128xf32, #tpu.memory_space<hbm>>) target(%dma_start3A_146 : memref<128x128xf32, #tpu.memory_space<vmem>>) offsets(%dma_start3A_149 : memref<128xi32, #tpu.memory_space<vmem>>) semaphore(%arg11 : memref<!tpu.dma_semaphore, #tpu.memory_space<semaphore_mem>>)
        %add3A_153 = arith.constant 1 : i32
        %add3A_154 = arith.addi %mul3A_114, %add3A_153 : i32
        %dma_wait3A_155 = arith.constant 1 : i32
        %dma_wait3A_156 = arith.constant 0 : i32
        %dma_wait3A_157 = arith.constant 0 : i32
        %dma_wait3A_158 = tpu.memref_slice %arg9[%dma_wait3A_155, %dma_wait3A_156, %dma_wait3A_157] : memref<2x128x128xf32, #tpu.memory_space<vmem>> -> memref<1x128x128xf32, #tpu.memory_space<vmem>>
        %dma_wait3A_159 = tpu.memref_squeeze %dma_wait3A_158 : memref<1x128x128xf32, #tpu.memory_space<vmem>> -> memref<128x128xf32, #tpu.memory_space<vmem>>
        %dma_wait3A_160 = arith.constant 0 : i32
        %dma_wait3A_161 = tpu.memref_slice %arg7[%add3A_154, %dma_wait3A_160] : memref<8x128xi32, #tpu.memory_space<vmem>> -> memref<1x128xi32, #tpu.memory_space<vmem>>
        %dma_wait3A_162 = tpu.memref_squeeze %dma_wait3A_161 : memref<1x128xi32, #tpu.memory_space<vmem>> -> memref<128xi32, #tpu.memory_space<vmem>>
        %dma_wait3A_163 = arith.constant 0 : i32
        %dma_wait3A_164 = arith.constant 0 : i32
        %dma_wait3A_165 = tpu.memref_slice %arg2[%dma_wait3A_163, %dma_wait3A_164] : memref<20000x128xf32, #tpu.memory_space<hbm>> -> memref<20000x128xf32, #tpu.memory_space<hbm>>
        tpu.wait_indirect_dma semaphore(%arg12 : memref<!tpu.dma_semaphore, #tpu.memory_space<semaphore_mem>>) src(%dma_wait3A_165 : memref<20000x128xf32, #tpu.memory_space<hbm>>) dst(%dma_wait3A_159 : memref<128x128xf32, #tpu.memory_space<vmem>>)
        %add3A_166 = arith.constant 1 : i32
        %add3A_167 = arith.addi %mul3A_114, %add3A_166 : i32
        %run_scoped3A_168 = arith.constant 1 : i32
        "tpu.region"() ({
          %run_scoped3A_169 = tpu.sem_alloc : memref<!tpu.dma_semaphore, #tpu.memory_space<semaphore_mem>>
          %dma_start3A_170 = arith.constant 0 : i32
          %dma_start3A_171 = arith.constant 0 : i32
          %dma_start3A_172 = tpu.memref_slice %arg9[%run_scoped3A_168, %dma_start3A_170, %dma_start3A_171] : memref<2x128x128xf32, #tpu.memory_space<vmem>> -> memref<1x128x128xf32, #tpu.memory_space<vmem>>
          %dma_start3A_173 = tpu.memref_squeeze %dma_start3A_172 : memref<1x128x128xf32, #tpu.memory_space<vmem>> -> memref<128x128xf32, #tpu.memory_space<vmem>>
          %dma_start3A_174 = arith.constant 0 : i32
          %dma_start3A_175 = tpu.memref_slice %arg8[%add3A_167, %dma_start3A_174] : memref<8x128xi32, #tpu.memory_space<vmem>> -> memref<1x128xi32, #tpu.memory_space<vmem>>
          %dma_start3A_176 = tpu.memref_squeeze %dma_start3A_175 : memref<1x128xi32, #tpu.memory_space<vmem>> -> memref<128xi32, #tpu.memory_space<vmem>>
          %dma_start3A_177 = arith.constant 0 : i32
          %dma_start3A_178 = arith.constant 0 : i32
          %dma_start3A_179 = tpu.memref_slice %arg10[%dma_start3A_177, %dma_start3A_178] : memref<10112x128xf32, #tpu.memory_space<vmem_shared>> -> memref<10112x128xf32, #tpu.memory_space<vmem_shared>>
          tpu.enqueue_indirect_dma source(%dma_start3A_173 : memref<128x128xf32, #tpu.memory_space<vmem>>) target(%dma_start3A_179 : memref<10112x128xf32, #tpu.memory_space<vmem_shared>>) offsets(%dma_start3A_176 : memref<128xi32, #tpu.memory_space<vmem>>) semaphore(%run_scoped3A_169 : memref<!tpu.dma_semaphore, #tpu.memory_space<semaphore_mem>>) {add = true}
          %dma_wait3A_180 = arith.constant 0 : i32
          %dma_wait3A_181 = arith.constant 0 : i32
          %dma_wait3A_182 = tpu.memref_slice %arg9[%run_scoped3A_168, %dma_wait3A_180, %dma_wait3A_181] : memref<2x128x128xf32, #tpu.memory_space<vmem>> -> memref<1x128x128xf32, #tpu.memory_space<vmem>>
          %dma_wait3A_183 = tpu.memref_squeeze %dma_wait3A_182 : memref<1x128x128xf32, #tpu.memory_space<vmem>> -> memref<128x128xf32, #tpu.memory_space<vmem>>
          %dma_wait3A_184 = arith.constant 0 : i32
          %dma_wait3A_185 = tpu.memref_slice %arg8[%add3A_167, %dma_wait3A_184] : memref<8x128xi32, #tpu.memory_space<vmem>> -> memref<1x128xi32, #tpu.memory_space<vmem>>
          %dma_wait3A_186 = tpu.memref_squeeze %dma_wait3A_185 : memref<1x128xi32, #tpu.memory_space<vmem>> -> memref<128xi32, #tpu.memory_space<vmem>>
          %dma_wait3A_187 = arith.constant 0 : i32
          %dma_wait3A_188 = arith.constant 0 : i32
          %dma_wait3A_189 = tpu.memref_slice %arg10[%dma_wait3A_187, %dma_wait3A_188] : memref<10112x128xf32, #tpu.memory_space<vmem_shared>> -> memref<10112x128xf32, #tpu.memory_space<vmem_shared>>
          tpu.wait_indirect_dma semaphore(%run_scoped3A_169 : memref<!tpu.dma_semaphore, #tpu.memory_space<semaphore_mem>>) src(%dma_wait3A_183 : memref<128x128xf32, #tpu.memory_space<vmem>>) dst(%dma_wait3A_189 : memref<10112x128xf32, #tpu.memory_space<vmem_shared>>)
          tpu.yield
        }) : () -> ()
      }
      %scan3A_72 = arith.constant 3 : i32
      %dma_start3A_73 = arith.constant 7 : i32
      %dma_start3A_74 = arith.constant 1 : i32
      %dma_start3A_75 = arith.constant 0 : i32
      %dma_start3A_76 = arith.constant 0 : i32
      %dma_start3A_77 = tpu.memref_slice %arg9[%dma_start3A_74, %dma_start3A_75, %dma_start3A_76] : memref<2x128x128xf32, #tpu.memory_space<vmem>> -> memref<1x128x128xf32, #tpu.memory_space<vmem>>
      %dma_start3A_78 = tpu.memref_squeeze %dma_start3A_77 : memref<1x128x128xf32, #tpu.memory_space<vmem>> -> memref<128x128xf32, #tpu.memory_space<vmem>>
      %dma_start3A_79 = arith.constant 0 : i32
      %dma_start3A_80 = tpu.memref_slice %arg7[%dma_start3A_73, %dma_start3A_79] : memref<8x128xi32, #tpu.memory_space<vmem>> -> memref<1x128xi32, #tpu.memory_space<vmem>>
      %dma_start3A_81 = tpu.memref_squeeze %dma_start3A_80 : memref<1x128xi32, #tpu.memory_space<vmem>> -> memref<128xi32, #tpu.memory_space<vmem>>
      %dma_start3A_82 = arith.constant 0 : i32
      %dma_start3A_83 = arith.constant 0 : i32
      %dma_start3A_84 = tpu.memref_slice %arg2[%dma_start3A_82, %dma_start3A_83] : memref<20000x128xf32, #tpu.memory_space<hbm>> -> memref<20000x128xf32, #tpu.memory_space<hbm>>
      tpu.enqueue_indirect_dma source(%dma_start3A_84 : memref<20000x128xf32, #tpu.memory_space<hbm>>) target(%dma_start3A_78 : memref<128x128xf32, #tpu.memory_space<vmem>>) offsets(%dma_start3A_81 : memref<128xi32, #tpu.memory_space<vmem>>) semaphore(%arg12 : memref<!tpu.dma_semaphore, #tpu.memory_space<semaphore_mem>>)
      %dma_wait3A = arith.constant 6 : i32
      %dma_wait3A_85 = arith.constant 0 : i32
      %dma_wait3A_86 = arith.constant 0 : i32
      %dma_wait3A_87 = arith.constant 0 : i32
      %dma_wait3A_88 = tpu.memref_slice %arg9[%dma_wait3A_85, %dma_wait3A_86, %dma_wait3A_87] : memref<2x128x128xf32, #tpu.memory_space<vmem>> -> memref<1x128x128xf32, #tpu.memory_space<vmem>>
      %dma_wait3A_89 = tpu.memref_squeeze %dma_wait3A_88 : memref<1x128x128xf32, #tpu.memory_space<vmem>> -> memref<128x128xf32, #tpu.memory_space<vmem>>
      %dma_wait3A_90 = arith.constant 0 : i32
      %dma_wait3A_91 = tpu.memref_slice %arg7[%dma_wait3A, %dma_wait3A_90] : memref<8x128xi32, #tpu.memory_space<vmem>> -> memref<1x128xi32, #tpu.memory_space<vmem>>
      %dma_wait3A_92 = tpu.memref_squeeze %dma_wait3A_91 : memref<1x128xi32, #tpu.memory_space<vmem>> -> memref<128xi32, #tpu.memory_space<vmem>>
      %dma_wait3A_93 = arith.constant 0 : i32
      %dma_wait3A_94 = arith.constant 0 : i32
      %dma_wait3A_95 = tpu.memref_slice %arg2[%dma_wait3A_93, %dma_wait3A_94] : memref<20000x128xf32, #tpu.memory_space<hbm>> -> memref<20000x128xf32, #tpu.memory_space<hbm>>
      tpu.wait_indirect_dma semaphore(%arg11 : memref<!tpu.dma_semaphore, #tpu.memory_space<semaphore_mem>>) src(%dma_wait3A_95 : memref<20000x128xf32, #tpu.memory_space<hbm>>) dst(%dma_wait3A_89 : memref<128x128xf32, #tpu.memory_space<vmem>>)
      %run_scoped3A_96 = arith.constant 0 : i32
      %run_scoped3A_97 = arith.constant 6 : i32
      "tpu.region"() ({
        %run_scoped3A_112 = tpu.sem_alloc : memref<!tpu.dma_semaphore, #tpu.memory_space<semaphore_mem>>
        %dma_start3A_113 = arith.constant 0 : i32
        %dma_start3A_114 = arith.constant 0 : i32
        %dma_start3A_115 = tpu.memref_slice %arg9[%run_scoped3A_96, %dma_start3A_113, %dma_start3A_114] : memref<2x128x128xf32, #tpu.memory_space<vmem>> -> memref<1x128x128xf32, #tpu.memory_space<vmem>>
        %dma_start3A_116 = tpu.memref_squeeze %dma_start3A_115 : memref<1x128x128xf32, #tpu.memory_space<vmem>> -> memref<128x128xf32, #tpu.memory_space<vmem>>
        %dma_start3A_117 = arith.constant 0 : i32
        %dma_start3A_118 = tpu.memref_slice %arg8[%run_scoped3A_97, %dma_start3A_117] : memref<8x128xi32, #tpu.memory_space<vmem>> -> memref<1x128xi32, #tpu.memory_space<vmem>>
        %dma_start3A_119 = tpu.memref_squeeze %dma_start3A_118 : memref<1x128xi32, #tpu.memory_space<vmem>> -> memref<128xi32, #tpu.memory_space<vmem>>
        %dma_start3A_120 = arith.constant 0 : i32
        %dma_start3A_121 = arith.constant 0 : i32
        %dma_start3A_122 = tpu.memref_slice %arg10[%dma_start3A_120, %dma_start3A_121] : memref<10112x128xf32, #tpu.memory_space<vmem_shared>> -> memref<10112x128xf32, #tpu.memory_space<vmem_shared>>
        tpu.enqueue_indirect_dma source(%dma_start3A_116 : memref<128x128xf32, #tpu.memory_space<vmem>>) target(%dma_start3A_122 : memref<10112x128xf32, #tpu.memory_space<vmem_shared>>) offsets(%dma_start3A_119 : memref<128xi32, #tpu.memory_space<vmem>>) semaphore(%run_scoped3A_112 : memref<!tpu.dma_semaphore, #tpu.memory_space<semaphore_mem>>) {add = true}
        %dma_wait3A_123 = arith.constant 0 : i32
        %dma_wait3A_124 = arith.constant 0 : i32
        %dma_wait3A_125 = tpu.memref_slice %arg9[%run_scoped3A_96, %dma_wait3A_123, %dma_wait3A_124] : memref<2x128x128xf32, #tpu.memory_space<vmem>> -> memref<1x128x128xf32, #tpu.memory_space<vmem>>
        %dma_wait3A_126 = tpu.memref_squeeze %dma_wait3A_125 : memref<1x128x128xf32, #tpu.memory_space<vmem>> -> memref<128x128xf32, #tpu.memory_space<vmem>>
        %dma_wait3A_127 = arith.constant 0 : i32
        %dma_wait3A_128 = tpu.memref_slice %arg8[%run_scoped3A_97, %dma_wait3A_127] : memref<8x128xi32, #tpu.memory_space<vmem>> -> memref<1x128xi32, #tpu.memory_space<vmem>>
        %dma_wait3A_129 = tpu.memref_squeeze %dma_wait3A_128 : memref<1x128xi32, #tpu.memory_space<vmem>> -> memref<128xi32, #tpu.memory_space<vmem>>
        %dma_wait3A_130 = arith.constant 0 : i32
        %dma_wait3A_131 = arith.constant 0 : i32
        %dma_wait3A_132 = tpu.memref_slice %arg10[%dma_wait3A_130, %dma_wait3A_131] : memref<10112x128xf32, #tpu.memory_space<vmem_shared>> -> memref<10112x128xf32, #tpu.memory_space<vmem_shared>>
        tpu.wait_indirect_dma semaphore(%run_scoped3A_112 : memref<!tpu.dma_semaphore, #tpu.memory_space<semaphore_mem>>) src(%dma_wait3A_126 : memref<128x128xf32, #tpu.memory_space<vmem>>) dst(%dma_wait3A_132 : memref<10112x128xf32, #tpu.memory_space<vmem_shared>>)
        tpu.yield
      }) : () -> ()
      %dma_wait3A_98 = arith.constant 7 : i32
      %dma_wait3A_99 = arith.constant 1 : i32
      %dma_wait3A_100 = arith.constant 0 : i32
      %dma_wait3A_101 = arith.constant 0 : i32
      %dma_wait3A_102 = tpu.memref_slice %arg9[%dma_wait3A_99, %dma_wait3A_100, %dma_wait3A_101] : memref<2x128x128xf32, #tpu.memory_space<vmem>> -> memref<1x128x128xf32, #tpu.memory_space<vmem>>
      %dma_wait3A_103 = tpu.memref_squeeze %dma_wait3A_102 : memref<1x128x128xf32, #tpu.memory_space<vmem>> -> memref<128x128xf32, #tpu.memory_space<vmem>>
      %dma_wait3A_104 = arith.constant 0 : i32
      %dma_wait3A_105 = tpu.memref_slice %arg7[%dma_wait3A_98, %dma_wait3A_104] : memref<8x128xi32, #tpu.memory_space<vmem>> -> memref<1x128xi32, #tpu.memory_space<vmem>>
      %dma_wait3A_106 = tpu.memref_squeeze %dma_wait3A_105 : memref<1x128xi32, #tpu.memory_space<vmem>> -> memref<128xi32, #tpu.memory_space<vmem>>
      %dma_wait3A_107 = arith.constant 0 : i32
      %dma_wait3A_108 = arith.constant 0 : i32
      %dma_wait3A_109 = tpu.memref_slice %arg2[%dma_wait3A_107, %dma_wait3A_108] : memref<20000x128xf32, #tpu.memory_space<hbm>> -> memref<20000x128xf32, #tpu.memory_space<hbm>>
      tpu.wait_indirect_dma semaphore(%arg12 : memref<!tpu.dma_semaphore, #tpu.memory_space<semaphore_mem>>) src(%dma_wait3A_109 : memref<20000x128xf32, #tpu.memory_space<hbm>>) dst(%dma_wait3A_103 : memref<128x128xf32, #tpu.memory_space<vmem>>)
      %run_scoped3A_110 = arith.constant 1 : i32
      %run_scoped3A_111 = arith.constant 7 : i32
      "tpu.region"() ({
        %run_scoped3A_112 = tpu.sem_alloc : memref<!tpu.dma_semaphore, #tpu.memory_space<semaphore_mem>>
        %dma_start3A_113 = arith.constant 0 : i32
        %dma_start3A_114 = arith.constant 0 : i32
        %dma_start3A_115 = tpu.memref_slice %arg9[%run_scoped3A_110, %dma_start3A_113, %dma_start3A_114] : memref<2x128x128xf32, #tpu.memory_space<vmem>> -> memref<1x128x128xf32, #tpu.memory_space<vmem>>
        %dma_start3A_116 = tpu.memref_squeeze %dma_start3A_115 : memref<1x128x128xf32, #tpu.memory_space<vmem>> -> memref<128x128xf32, #tpu.memory_space<vmem>>
        %dma_start3A_117 = arith.constant 0 : i32
        %dma_start3A_118 = tpu.memref_slice %arg8[%run_scoped3A_111, %dma_start3A_117] : memref<8x128xi32, #tpu.memory_space<vmem>> -> memref<1x128xi32, #tpu.memory_space<vmem>>
        %dma_start3A_119 = tpu.memref_squeeze %dma_start3A_118 : memref<1x128xi32, #tpu.memory_space<vmem>> -> memref<128xi32, #tpu.memory_space<vmem>>
        %dma_start3A_120 = arith.constant 0 : i32
        %dma_start3A_121 = arith.constant 0 : i32
        %dma_start3A_122 = tpu.memref_slice %arg10[%dma_start3A_120, %dma_start3A_121] : memref<10112x128xf32, #tpu.memory_space<vmem_shared>> -> memref<10112x128xf32, #tpu.memory_space<vmem_shared>>
        tpu.enqueue_indirect_dma source(%dma_start3A_116 : memref<128x128xf32, #tpu.memory_space<vmem>>) target(%dma_start3A_122 : memref<10112x128xf32, #tpu.memory_space<vmem_shared>>) offsets(%dma_start3A_119 : memref<128xi32, #tpu.memory_space<vmem>>) semaphore(%run_scoped3A_112 : memref<!tpu.dma_semaphore, #tpu.memory_space<semaphore_mem>>) {add = true}
        %dma_wait3A_123 = arith.constant 0 : i32
        %dma_wait3A_124 = arith.constant 0 : i32
        %dma_wait3A_125 = tpu.memref_slice %arg9[%run_scoped3A_110, %dma_wait3A_123, %dma_wait3A_124] : memref<2x128x128xf32, #tpu.memory_space<vmem>> -> memref<1x128x128xf32, #tpu.memory_space<vmem>>
        %dma_wait3A_126 = tpu.memref_squeeze %dma_wait3A_125 : memref<1x128x128xf32, #tpu.memory_space<vmem>> -> memref<128x128xf32, #tpu.memory_space<vmem>>
        %dma_wait3A_127 = arith.constant 0 : i32
        %dma_wait3A_128 = tpu.memref_slice %arg8[%run_scoped3A_111, %dma_wait3A_127] : memref<8x128xi32, #tpu.memory_space<vmem>> -> memref<1x128xi32, #tpu.memory_space<vmem>>
        %dma_wait3A_129 = tpu.memref_squeeze %dma_wait3A_128 : memref<1x128xi32, #tpu.memory_space<vmem>> -> memref<128xi32, #tpu.memory_space<vmem>>
        %dma_wait3A_130 = arith.constant 0 : i32
        %dma_wait3A_131 = arith.constant 0 : i32
        %dma_wait3A_132 = tpu.memref_slice %arg10[%dma_wait3A_130, %dma_wait3A_131] : memref<10112x128xf32, #tpu.memory_space<vmem_shared>> -> memref<10112x128xf32, #tpu.memory_space<vmem_shared>>
        tpu.wait_indirect_dma semaphore(%run_scoped3A_112 : memref<!tpu.dma_semaphore, #tpu.memory_space<semaphore_mem>>) src(%dma_wait3A_126 : memref<128x128xf32, #tpu.memory_space<vmem>>) dst(%dma_wait3A_132 : memref<10112x128xf32, #tpu.memory_space<vmem_shared>>)
        tpu.yield
      }) : () -> ()
    }
    %scan3A_19 = arith.constant 10 : i32
    %barrier3A_20 = arith.constant 0 : index
    tpu.barrier barrier_id(%barrier3A_20)
    %add3A_21 = arith.constant 0 : i32
    %add3A_22 = arith.addi %mul3A_0, %add3A_21 : i32
    %run_scoped3A_23 = arith.constant 0 : i32
    "tpu.region"() ({
      %run_scoped3A_51 = tpu.sem_alloc : memref<!tpu.dma_semaphore, #tpu.memory_space<semaphore_mem>>
      %dma_start3A = arith.constant 0 : i32
      %dma_start3A_52 = arith.constant 0 : i32
      %dma_start3A_53 = tpu.memref_slice %arg9[%run_scoped3A_23, %dma_start3A, %dma_start3A_52] : memref<2x128x128xf32, #tpu.memory_space<vmem>> -> memref<1x128x128xf32, #tpu.memory_space<vmem>>
      %dma_start3A_54 = tpu.memref_squeeze %dma_start3A_53 : memref<1x128x128xf32, #tpu.memory_space<vmem>> -> memref<128x128xf32, #tpu.memory_space<vmem>>
      %dma_start3A_55 = arith.constant 0 : i32
      %dma_start3A_56 = tpu.memref_slice %arg10[%add3A_22, %dma_start3A_55] : memref<10112x128xf32, #tpu.memory_space<vmem_shared>> -> memref<128x128xf32, #tpu.memory_space<vmem_shared>>
      %dma_start3A_57 = arith.constant 0 : i32
      %dma_start3A_58 = arith.constant 0 : i32
      %dma_start3A_59 = tpu.memref_slice %arg9[%run_scoped3A_23, %dma_start3A_57, %dma_start3A_58] : memref<2x128x128xf32, #tpu.memory_space<vmem>> -> memref<1x128x128xf32, #tpu.memory_space<vmem>>
      %dma_start3A_60 = tpu.memref_squeeze %dma_start3A_59 : memref<1x128x128xf32, #tpu.memory_space<vmem>> -> memref<128x128xf32, #tpu.memory_space<vmem>>
      %dma_start3A_61 = arith.constant 0 : i32
      %dma_start3A_62 = tpu.memref_slice %arg10[%add3A_22, %dma_start3A_61] : memref<10112x128xf32, #tpu.memory_space<vmem_shared>> -> memref<128x128xf32, #tpu.memory_space<vmem_shared>>
      tpu.enqueue_dma source(%dma_start3A_62 : memref<128x128xf32, #tpu.memory_space<vmem_shared>>) target(%dma_start3A_60 : memref<128x128xf32, #tpu.memory_space<vmem>>) target_semaphore(%run_scoped3A_51 : memref<!tpu.dma_semaphore, #tpu.memory_space<semaphore_mem>>)
      %dma_wait3A = arith.constant 0 : i32
      %dma_wait3A_63 = arith.constant 0 : i32
      %dma_wait3A_64 = tpu.memref_slice %arg9[%run_scoped3A_23, %dma_wait3A, %dma_wait3A_63] : memref<2x128x128xf32, #tpu.memory_space<vmem>> -> memref<1x128x128xf32, #tpu.memory_space<vmem>>
      %dma_wait3A_65 = tpu.memref_squeeze %dma_wait3A_64 : memref<1x128x128xf32, #tpu.memory_space<vmem>> -> memref<128x128xf32, #tpu.memory_space<vmem>>
      %dma_wait3A_66 = arith.constant 0 : i32
      %dma_wait3A_67 = tpu.memref_slice %arg10[%add3A_22, %dma_wait3A_66] : memref<10112x128xf32, #tpu.memory_space<vmem_shared>> -> memref<128x128xf32, #tpu.memory_space<vmem_shared>>
      %dma_wait3A_68 = arith.constant 0 : i32
      %dma_wait3A_69 = arith.constant 0 : i32
      %dma_wait3A_70 = tpu.memref_slice %arg9[%run_scoped3A_23, %dma_wait3A_68, %dma_wait3A_69] : memref<2x128x128xf32, #tpu.memory_space<vmem>> -> memref<1x128x128xf32, #tpu.memory_space<vmem>>
      %dma_wait3A_71 = tpu.memref_squeeze %dma_wait3A_70 : memref<1x128x128xf32, #tpu.memory_space<vmem>> -> memref<128x128xf32, #tpu.memory_space<vmem>>
      %dma_wait3A_72 = arith.constant 0 : i32
      %dma_wait3A_73 = tpu.memref_slice %arg10[%add3A_22, %dma_wait3A_72] : memref<10112x128xf32, #tpu.memory_space<vmem_shared>> -> memref<128x128xf32, #tpu.memory_space<vmem_shared>>
      tpu.wait_dma2 semaphore(%run_scoped3A_51 : memref<!tpu.dma_semaphore, #tpu.memory_space<semaphore_mem>>) src(%dma_wait3A_73 : memref<128x128xf32, #tpu.memory_space<vmem_shared>>) dst(%dma_wait3A_71 : memref<128x128xf32, #tpu.memory_space<vmem>>)
      tpu.yield
    }) : () -> ()
    %add3A_24 = arith.constant 0 : i32
    %add3A_25 = arith.addi %mul3A_0, %add3A_24 : i32
    %run_scoped3A_26 = arith.constant 0 : i32
    "tpu.region"() ({
      %run_scoped3A_51 = tpu.sem_alloc : memref<!tpu.dma_semaphore, #tpu.memory_space<semaphore_mem>>
      %dma_start3A = arith.constant 0 : i32
      %dma_start3A_52 = arith.constant 0 : i32
      %dma_start3A_53 = tpu.memref_slice %arg9[%run_scoped3A_26, %dma_start3A, %dma_start3A_52] : memref<2x128x128xf32, #tpu.memory_space<vmem>> -> memref<1x128x128xf32, #tpu.memory_space<vmem>>
      %dma_start3A_54 = tpu.memref_squeeze %dma_start3A_53 : memref<1x128x128xf32, #tpu.memory_space<vmem>> -> memref<128x128xf32, #tpu.memory_space<vmem>>
      %dma_start3A_55 = arith.constant 0 : i32
      %dma_start3A_56 = tpu.memref_slice %arg6[%arg0, %add3A_25, %dma_start3A_55] : memref<2x10112x128xf32, #tpu.memory_space<hbm>> -> memref<1x128x128xf32, #tpu.memory_space<hbm>>
      %dma_start3A_57 = tpu.memref_squeeze %dma_start3A_56 : memref<1x128x128xf32, #tpu.memory_space<hbm>> -> memref<128x128xf32, #tpu.memory_space<hbm>>
      %dma_start3A_58 = arith.constant 0 : i32
      %dma_start3A_59 = tpu.memref_slice %arg6[%arg0, %add3A_25, %dma_start3A_58] : memref<2x10112x128xf32, #tpu.memory_space<hbm>> -> memref<1x128x128xf32, #tpu.memory_space<hbm>>
      %dma_start3A_60 = tpu.memref_squeeze %dma_start3A_59 : memref<1x128x128xf32, #tpu.memory_space<hbm>> -> memref<128x128xf32, #tpu.memory_space<hbm>>
      %dma_start3A_61 = arith.constant 0 : i32
      %dma_start3A_62 = arith.constant 0 : i32
      %dma_start3A_63 = tpu.memref_slice %arg9[%run_scoped3A_26, %dma_start3A_61, %dma_start3A_62] : memref<2x128x128xf32, #tpu.memory_space<vmem>> -> memref<1x128x128xf32, #tpu.memory_space<vmem>>
      %dma_start3A_64 = tpu.memref_squeeze %dma_start3A_63 : memref<1x128x128xf32, #tpu.memory_space<vmem>> -> memref<128x128xf32, #tpu.memory_space<vmem>>
      tpu.enqueue_dma source(%dma_start3A_64 : memref<128x128xf32, #tpu.memory_space<vmem>>) target(%dma_start3A_60 : memref<128x128xf32, #tpu.memory_space<hbm>>) target_semaphore(%run_scoped3A_51 : memref<!tpu.dma_semaphore, #tpu.memory_space<semaphore_mem>>)
      %dma_wait3A = arith.constant 0 : i32
      %dma_wait3A_65 = arith.constant 0 : i32
      %dma_wait3A_66 = tpu.memref_slice %arg9[%run_scoped3A_26, %dma_wait3A, %dma_wait3A_65] : memref<2x128x128xf32, #tpu.memory_space<vmem>> -> memref<1x128x128xf32, #tpu.memory_space<vmem>>
      %dma_wait3A_67 = tpu.memref_squeeze %dma_wait3A_66 : memref<1x128x128xf32, #tpu.memory_space<vmem>> -> memref<128x128xf32, #tpu.memory_space<vmem>>
      %dma_wait3A_68 = arith.constant 0 : i32
      %dma_wait3A_69 = tpu.memref_slice %arg6[%arg0, %add3A_25, %dma_wait3A_68] : memref<2x10112x128xf32, #tpu.memory_space<hbm>> -> memref<1x128x128xf32, #tpu.memory_space<hbm>>
      %dma_wait3A_70 = tpu.memref_squeeze %dma_wait3A_69 : memref<1x128x128xf32, #tpu.memory_space<hbm>> -> memref<128x128xf32, #tpu.memory_space<hbm>>
      %dma_wait3A_71 = arith.constant 0 : i32
      %dma_wait3A_72 = tpu.memref_slice %arg6[%arg0, %add3A_25, %dma_wait3A_71] : memref<2x10112x128xf32, #tpu.memory_space<hbm>> -> memref<1x128x128xf32, #tpu.memory_space<hbm>>
      %dma_wait3A_73 = tpu.memref_squeeze %dma_wait3A_72 : memref<1x128x128xf32, #tpu.memory_space<hbm>> -> memref<128x128xf32, #tpu.memory_space<hbm>>
      %dma_wait3A_74 = arith.constant 0 : i32
      %dma_wait3A_75 = arith.constant 0 : i32
      %dma_wait3A_76 = tpu.memref_slice %arg9[%run_scoped3A_26, %dma_wait3A_74, %dma_wait3A_75] : memref<2x128x128xf32, #tpu.memory_space<vmem>> -> memref<1x128x128xf32, #tpu.memory_space<vmem>>
      %dma_wait3A_77 = tpu.memref_squeeze %dma_wait3A_76 : memref<1x128x128xf32, #tpu.memory_space<vmem>> -> memref<128x128xf32, #tpu.memory_space<vmem>>
      tpu.wait_dma2 semaphore(%run_scoped3A_51 : memref<!tpu.dma_semaphore, #tpu.memory_space<semaphore_mem>>) src(%dma_wait3A_77 : memref<128x128xf32, #tpu.memory_space<vmem>>) dst(%dma_wait3A_73 : memref<128x128xf32, #tpu.memory_space<hbm>>)
      tpu.yield
    }) : () -> ()
    %add3A_27 = arith.constant 128 : i32
    %add3A_28 = arith.addi %mul3A_0, %add3A_27 : i32
    %run_scoped3A_29 = arith.constant 0 : i32
    "tpu.region"() ({
      %run_scoped3A_51 = tpu.sem_alloc : memref<!tpu.dma_semaphore, #tpu.memory_space<semaphore_mem>>
      %dma_start3A = arith.constant 0 : i32
      %dma_start3A_52 = arith.constant 0 : i32
      %dma_start3A_53 = tpu.memref_slice %arg9[%run_scoped3A_29, %dma_start3A, %dma_start3A_52] : memref<2x128x128xf32, #tpu.memory_space<vmem>> -> memref<1x128x128xf32, #tpu.memory_space<vmem>>
      %dma_start3A_54 = tpu.memref_squeeze %dma_start3A_53 : memref<1x128x128xf32, #tpu.memory_space<vmem>> -> memref<128x128xf32, #tpu.memory_space<vmem>>
      %dma_start3A_55 = arith.constant 0 : i32
      %dma_start3A_56 = tpu.memref_slice %arg10[%add3A_28, %dma_start3A_55] : memref<10112x128xf32, #tpu.memory_space<vmem_shared>> -> memref<128x128xf32, #tpu.memory_space<vmem_shared>>
      %dma_start3A_57 = arith.constant 0 : i32
      %dma_start3A_58 = arith.constant 0 : i32
      %dma_start3A_59 = tpu.memref_slice %arg9[%run_scoped3A_29, %dma_start3A_57, %dma_start3A_58] : memref<2x128x128xf32, #tpu.memory_space<vmem>> -> memref<1x128x128xf32, #tpu.memory_space<vmem>>
      %dma_start3A_60 = tpu.memref_squeeze %dma_start3A_59 : memref<1x128x128xf32, #tpu.memory_space<vmem>> -> memref<128x128xf32, #tpu.memory_space<vmem>>
      %dma_start3A_61 = arith.constant 0 : i32
      %dma_start3A_62 = tpu.memref_slice %arg10[%add3A_28, %dma_start3A_61] : memref<10112x128xf32, #tpu.memory_space<vmem_shared>> -> memref<128x128xf32, #tpu.memory_space<vmem_shared>>
      tpu.enqueue_dma source(%dma_start3A_62 : memref<128x128xf32, #tpu.memory_space<vmem_shared>>) target(%dma_start3A_60 : memref<128x128xf32, #tpu.memory_space<vmem>>) target_semaphore(%run_scoped3A_51 : memref<!tpu.dma_semaphore, #tpu.memory_space<semaphore_mem>>)
      %dma_wait3A = arith.constant 0 : i32
      %dma_wait3A_63 = arith.constant 0 : i32
      %dma_wait3A_64 = tpu.memref_slice %arg9[%run_scoped3A_29, %dma_wait3A, %dma_wait3A_63] : memref<2x128x128xf32, #tpu.memory_space<vmem>> -> memref<1x128x128xf32, #tpu.memory_space<vmem>>
      %dma_wait3A_65 = tpu.memref_squeeze %dma_wait3A_64 : memref<1x128x128xf32, #tpu.memory_space<vmem>> -> memref<128x128xf32, #tpu.memory_space<vmem>>
      %dma_wait3A_66 = arith.constant 0 : i32
      %dma_wait3A_67 = tpu.memref_slice %arg10[%add3A_28, %dma_wait3A_66] : memref<10112x128xf32, #tpu.memory_space<vmem_shared>> -> memref<128x128xf32, #tpu.memory_space<vmem_shared>>
      %dma_wait3A_68 = arith.constant 0 : i32
      %dma_wait3A_69 = arith.constant 0 : i32
      %dma_wait3A_70 = tpu.memref_slice %arg9[%run_scoped3A_29, %dma_wait3A_68, %dma_wait3A_69] : memref<2x128x128xf32, #tpu.memory_space<vmem>> -> memref<1x128x128xf32, #tpu.memory_space<vmem>>
      %dma_wait3A_71 = tpu.memref_squeeze %dma_wait3A_70 : memref<1x128x128xf32, #tpu.memory_space<vmem>> -> memref<128x128xf32, #tpu.memory_space<vmem>>
      %dma_wait3A_72 = arith.constant 0 : i32
      %dma_wait3A_73 = tpu.memref_slice %arg10[%add3A_28, %dma_wait3A_72] : memref<10112x128xf32, #tpu.memory_space<vmem_shared>> -> memref<128x128xf32, #tpu.memory_space<vmem_shared>>
      tpu.wait_dma2 semaphore(%run_scoped3A_51 : memref<!tpu.dma_semaphore, #tpu.memory_space<semaphore_mem>>) src(%dma_wait3A_73 : memref<128x128xf32, #tpu.memory_space<vmem_shared>>) dst(%dma_wait3A_71 : memref<128x128xf32, #tpu.memory_space<vmem>>)
      tpu.yield
    }) : () -> ()
    %add3A_30 = arith.constant 128 : i32
    %add3A_31 = arith.addi %mul3A_0, %add3A_30 : i32
    %run_scoped3A_32 = arith.constant 0 : i32
    "tpu.region"() ({
      %run_scoped3A_51 = tpu.sem_alloc : memref<!tpu.dma_semaphore, #tpu.memory_space<semaphore_mem>>
      %dma_start3A = arith.constant 0 : i32
      %dma_start3A_52 = arith.constant 0 : i32
      %dma_start3A_53 = tpu.memref_slice %arg9[%run_scoped3A_32, %dma_start3A, %dma_start3A_52] : memref<2x128x128xf32, #tpu.memory_space<vmem>> -> memref<1x128x128xf32, #tpu.memory_space<vmem>>
      %dma_start3A_54 = tpu.memref_squeeze %dma_start3A_53 : memref<1x128x128xf32, #tpu.memory_space<vmem>> -> memref<128x128xf32, #tpu.memory_space<vmem>>
      %dma_start3A_55 = arith.constant 0 : i32
      %dma_start3A_56 = tpu.memref_slice %arg6[%arg0, %add3A_31, %dma_start3A_55] : memref<2x10112x128xf32, #tpu.memory_space<hbm>> -> memref<1x128x128xf32, #tpu.memory_space<hbm>>
      %dma_start3A_57 = tpu.memref_squeeze %dma_start3A_56 : memref<1x128x128xf32, #tpu.memory_space<hbm>> -> memref<128x128xf32, #tpu.memory_space<hbm>>
      %dma_start3A_58 = arith.constant 0 : i32
      %dma_start3A_59 = tpu.memref_slice %arg6[%arg0, %add3A_31, %dma_start3A_58] : memref<2x10112x128xf32, #tpu.memory_space<hbm>> -> memref<1x128x128xf32, #tpu.memory_space<hbm>>
      %dma_start3A_60 = tpu.memref_squeeze %dma_start3A_59 : memref<1x128x128xf32, #tpu.memory_space<hbm>> -> memref<128x128xf32, #tpu.memory_space<hbm>>
      %dma_start3A_61 = arith.constant 0 : i32
      %dma_start3A_62 = arith.constant 0 : i32
      %dma_start3A_63 = tpu.memref_slice %arg9[%run_scoped3A_32, %dma_start3A_61, %dma_start3A_62] : memref<2x128x128xf32, #tpu.memory_space<vmem>> -> memref<1x128x128xf32, #tpu.memory_space<vmem>>
      %dma_start3A_64 = tpu.memref_squeeze %dma_start3A_63 : memref<1x128x128xf32, #tpu.memory_space<vmem>> -> memref<128x128xf32, #tpu.memory_space<vmem>>
      tpu.enqueue_dma source(%dma_start3A_64 : memref<128x128xf32, #tpu.memory_space<vmem>>) target(%dma_start3A_60 : memref<128x128xf32, #tpu.memory_space<hbm>>) target_semaphore(%run_scoped3A_51 : memref<!tpu.dma_semaphore, #tpu.memory_space<semaphore_mem>>)
      %dma_wait3A = arith.constant 0 : i32
      %dma_wait3A_65 = arith.constant 0 : i32
      %dma_wait3A_66 = tpu.memref_slice %arg9[%run_scoped3A_32, %dma_wait3A, %dma_wait3A_65] : memref<2x128x128xf32, #tpu.memory_space<vmem>> -> memref<1x128x128xf32, #tpu.memory_space<vmem>>
      %dma_wait3A_67 = tpu.memref_squeeze %dma_wait3A_66 : memref<1x128x128xf32, #tpu.memory_space<vmem>> -> memref<128x128xf32, #tpu.memory_space<vmem>>
      %dma_wait3A_68 = arith.constant 0 : i32
      %dma_wait3A_69 = tpu.memref_slice %arg6[%arg0, %add3A_31, %dma_wait3A_68] : memref<2x10112x128xf32, #tpu.memory_space<hbm>> -> memref<1x128x128xf32, #tpu.memory_space<hbm>>
      %dma_wait3A_70 = tpu.memref_squeeze %dma_wait3A_69 : memref<1x128x128xf32, #tpu.memory_space<hbm>> -> memref<128x128xf32, #tpu.memory_space<hbm>>
      %dma_wait3A_71 = arith.constant 0 : i32
      %dma_wait3A_72 = tpu.memref_slice %arg6[%arg0, %add3A_31, %dma_wait3A_71] : memref<2x10112x128xf32, #tpu.memory_space<hbm>> -> memref<1x128x128xf32, #tpu.memory_space<hbm>>
      %dma_wait3A_73 = tpu.memref_squeeze %dma_wait3A_72 : memref<1x128x128xf32, #tpu.memory_space<hbm>> -> memref<128x128xf32, #tpu.memory_space<hbm>>
      %dma_wait3A_74 = arith.constant 0 : i32
      %dma_wait3A_75 = arith.constant 0 : i32
      %dma_wait3A_76 = tpu.memref_slice %arg9[%run_scoped3A_32, %dma_wait3A_74, %dma_wait3A_75] : memref<2x128x128xf32, #tpu.memory_space<vmem>> -> memref<1x128x128xf32, #tpu.memory_space<vmem>>
      %dma_wait3A_77 = tpu.memref_squeeze %dma_wait3A_76 : memref<1x128x128xf32, #tpu.memory_space<vmem>> -> memref<128x128xf32, #tpu.memory_space<vmem>>
      tpu.wait_dma2 semaphore(%run_scoped3A_51 : memref<!tpu.dma_semaphore, #tpu.memory_space<semaphore_mem>>) src(%dma_wait3A_77 : memref<128x128xf32, #tpu.memory_space<vmem>>) dst(%dma_wait3A_73 : memref<128x128xf32, #tpu.memory_space<hbm>>)
      tpu.yield
    }) : () -> ()
    %add3A_33 = arith.constant 256 : i32
    %add3A_34 = arith.addi %mul3A_0, %add3A_33 : i32
    %run_scoped3A_35 = arith.constant 0 : i32
    "tpu.region"() ({
      %run_scoped3A_51 = tpu.sem_alloc : memref<!tpu.dma_semaphore, #tpu.memory_space<semaphore_mem>>
      %dma_start3A = arith.constant 0 : i32
      %dma_start3A_52 = arith.constant 0 : i32
      %dma_start3A_53 = tpu.memref_slice %arg9[%run_scoped3A_35, %dma_start3A, %dma_start3A_52] : memref<2x128x128xf32, #tpu.memory_space<vmem>> -> memref<1x128x128xf32, #tpu.memory_space<vmem>>
      %dma_start3A_54 = tpu.memref_squeeze %dma_start3A_53 : memref<1x128x128xf32, #tpu.memory_space<vmem>> -> memref<128x128xf32, #tpu.memory_space<vmem>>
      %dma_start3A_55 = arith.constant 0 : i32
      %dma_start3A_56 = tpu.memref_slice %arg10[%add3A_34, %dma_start3A_55] : memref<10112x128xf32, #tpu.memory_space<vmem_shared>> -> memref<128x128xf32, #tpu.memory_space<vmem_shared>>
      %dma_start3A_57 = arith.constant 0 : i32
      %dma_start3A_58 = arith.constant 0 : i32
      %dma_start3A_59 = tpu.memref_slice %arg9[%run_scoped3A_35, %dma_start3A_57, %dma_start3A_58] : memref<2x128x128xf32, #tpu.memory_space<vmem>> -> memref<1x128x128xf32, #tpu.memory_space<vmem>>
      %dma_start3A_60 = tpu.memref_squeeze %dma_start3A_59 : memref<1x128x128xf32, #tpu.memory_space<vmem>> -> memref<128x128xf32, #tpu.memory_space<vmem>>
      %dma_start3A_61 = arith.constant 0 : i32
      %dma_start3A_62 = tpu.memref_slice %arg10[%add3A_34, %dma_start3A_61] : memref<10112x128xf32, #tpu.memory_space<vmem_shared>> -> memref<128x128xf32, #tpu.memory_space<vmem_shared>>
      tpu.enqueue_dma source(%dma_start3A_62 : memref<128x128xf32, #tpu.memory_space<vmem_shared>>) target(%dma_start3A_60 : memref<128x128xf32, #tpu.memory_space<vmem>>) target_semaphore(%run_scoped3A_51 : memref<!tpu.dma_semaphore, #tpu.memory_space<semaphore_mem>>)
      %dma_wait3A = arith.constant 0 : i32
      %dma_wait3A_63 = arith.constant 0 : i32
      %dma_wait3A_64 = tpu.memref_slice %arg9[%run_scoped3A_35, %dma_wait3A, %dma_wait3A_63] : memref<2x128x128xf32, #tpu.memory_space<vmem>> -> memref<1x128x128xf32, #tpu.memory_space<vmem>>
      %dma_wait3A_65 = tpu.memref_squeeze %dma_wait3A_64 : memref<1x128x128xf32, #tpu.memory_space<vmem>> -> memref<128x128xf32, #tpu.memory_space<vmem>>
      %dma_wait3A_66 = arith.constant 0 : i32
      %dma_wait3A_67 = tpu.memref_slice %arg10[%add3A_34, %dma_wait3A_66] : memref<10112x128xf32, #tpu.memory_space<vmem_shared>> -> memref<128x128xf32, #tpu.memory_space<vmem_shared>>
      %dma_wait3A_68 = arith.constant 0 : i32
      %dma_wait3A_69 = arith.constant 0 : i32
      %dma_wait3A_70 = tpu.memref_slice %arg9[%run_scoped3A_35, %dma_wait3A_68, %dma_wait3A_69] : memref<2x128x128xf32, #tpu.memory_space<vmem>> -> memref<1x128x128xf32, #tpu.memory_space<vmem>>
      %dma_wait3A_71 = tpu.memref_squeeze %dma_wait3A_70 : memref<1x128x128xf32, #tpu.memory_space<vmem>> -> memref<128x128xf32, #tpu.memory_space<vmem>>
      %dma_wait3A_72 = arith.constant 0 : i32
      %dma_wait3A_73 = tpu.memref_slice %arg10[%add3A_34, %dma_wait3A_72] : memref<10112x128xf32, #tpu.memory_space<vmem_shared>> -> memref<128x128xf32, #tpu.memory_space<vmem_shared>>
      tpu.wait_dma2 semaphore(%run_scoped3A_51 : memref<!tpu.dma_semaphore, #tpu.memory_space<semaphore_mem>>) src(%dma_wait3A_73 : memref<128x128xf32, #tpu.memory_space<vmem_shared>>) dst(%dma_wait3A_71 : memref<128x128xf32, #tpu.memory_space<vmem>>)
      tpu.yield
    }) : () -> ()
    %add3A_36 = arith.constant 256 : i32
    %add3A_37 = arith.addi %mul3A_0, %add3A_36 : i32
    %run_scoped3A_38 = arith.constant 0 : i32
    "tpu.region"() ({
      %run_scoped3A_51 = tpu.sem_alloc : memref<!tpu.dma_semaphore, #tpu.memory_space<semaphore_mem>>
      %dma_start3A = arith.constant 0 : i32
      %dma_start3A_52 = arith.constant 0 : i32
      %dma_start3A_53 = tpu.memref_slice %arg9[%run_scoped3A_38, %dma_start3A, %dma_start3A_52] : memref<2x128x128xf32, #tpu.memory_space<vmem>> -> memref<1x128x128xf32, #tpu.memory_space<vmem>>
      %dma_start3A_54 = tpu.memref_squeeze %dma_start3A_53 : memref<1x128x128xf32, #tpu.memory_space<vmem>> -> memref<128x128xf32, #tpu.memory_space<vmem>>
      %dma_start3A_55 = arith.constant 0 : i32
      %dma_start3A_56 = tpu.memref_slice %arg6[%arg0, %add3A_37, %dma_start3A_55] : memref<2x10112x128xf32, #tpu.memory_space<hbm>> -> memref<1x128x128xf32, #tpu.memory_space<hbm>>
      %dma_start3A_57 = tpu.memref_squeeze %dma_start3A_56 : memref<1x128x128xf32, #tpu.memory_space<hbm>> -> memref<128x128xf32, #tpu.memory_space<hbm>>
      %dma_start3A_58 = arith.constant 0 : i32
      %dma_start3A_59 = tpu.memref_slice %arg6[%arg0, %add3A_37, %dma_start3A_58] : memref<2x10112x128xf32, #tpu.memory_space<hbm>> -> memref<1x128x128xf32, #tpu.memory_space<hbm>>
      %dma_start3A_60 = tpu.memref_squeeze %dma_start3A_59 : memref<1x128x128xf32, #tpu.memory_space<hbm>> -> memref<128x128xf32, #tpu.memory_space<hbm>>
      %dma_start3A_61 = arith.constant 0 : i32
      %dma_start3A_62 = arith.constant 0 : i32
      %dma_start3A_63 = tpu.memref_slice %arg9[%run_scoped3A_38, %dma_start3A_61, %dma_start3A_62] : memref<2x128x128xf32, #tpu.memory_space<vmem>> -> memref<1x128x128xf32, #tpu.memory_space<vmem>>
      %dma_start3A_64 = tpu.memref_squeeze %dma_start3A_63 : memref<1x128x128xf32, #tpu.memory_space<vmem>> -> memref<128x128xf32, #tpu.memory_space<vmem>>
      tpu.enqueue_dma source(%dma_start3A_64 : memref<128x128xf32, #tpu.memory_space<vmem>>) target(%dma_start3A_60 : memref<128x128xf32, #tpu.memory_space<hbm>>) target_semaphore(%run_scoped3A_51 : memref<!tpu.dma_semaphore, #tpu.memory_space<semaphore_mem>>)
      %dma_wait3A = arith.constant 0 : i32
      %dma_wait3A_65 = arith.constant 0 : i32
      %dma_wait3A_66 = tpu.memref_slice %arg9[%run_scoped3A_38, %dma_wait3A, %dma_wait3A_65] : memref<2x128x128xf32, #tpu.memory_space<vmem>> -> memref<1x128x128xf32, #tpu.memory_space<vmem>>
      %dma_wait3A_67 = tpu.memref_squeeze %dma_wait3A_66 : memref<1x128x128xf32, #tpu.memory_space<vmem>> -> memref<128x128xf32, #tpu.memory_space<vmem>>
      %dma_wait3A_68 = arith.constant 0 : i32
      %dma_wait3A_69 = tpu.memref_slice %arg6[%arg0, %add3A_37, %dma_wait3A_68] : memref<2x10112x128xf32, #tpu.memory_space<hbm>> -> memref<1x128x128xf32, #tpu.memory_space<hbm>>
      %dma_wait3A_70 = tpu.memref_squeeze %dma_wait3A_69 : memref<1x128x128xf32, #tpu.memory_space<hbm>> -> memref<128x128xf32, #tpu.memory_space<hbm>>
      %dma_wait3A_71 = arith.constant 0 : i32
      %dma_wait3A_72 = tpu.memref_slice %arg6[%arg0, %add3A_37, %dma_wait3A_71] : memref<2x10112x128xf32, #tpu.memory_space<hbm>> -> memref<1x128x128xf32, #tpu.memory_space<hbm>>
      %dma_wait3A_73 = tpu.memref_squeeze %dma_wait3A_72 : memref<1x128x128xf32, #tpu.memory_space<hbm>> -> memref<128x128xf32, #tpu.memory_space<hbm>>
      %dma_wait3A_74 = arith.constant 0 : i32
      %dma_wait3A_75 = arith.constant 0 : i32
      %dma_wait3A_76 = tpu.memref_slice %arg9[%run_scoped3A_38, %dma_wait3A_74, %dma_wait3A_75] : memref<2x128x128xf32, #tpu.memory_space<vmem>> -> memref<1x128x128xf32, #tpu.memory_space<vmem>>
      %dma_wait3A_77 = tpu.memref_squeeze %dma_wait3A_76 : memref<1x128x128xf32, #tpu.memory_space<vmem>> -> memref<128x128xf32, #tpu.memory_space<vmem>>
      tpu.wait_dma2 semaphore(%run_scoped3A_51 : memref<!tpu.dma_semaphore, #tpu.memory_space<semaphore_mem>>) src(%dma_wait3A_77 : memref<128x128xf32, #tpu.memory_space<vmem>>) dst(%dma_wait3A_73 : memref<128x128xf32, #tpu.memory_space<hbm>>)
      tpu.yield
    }) : () -> ()
    %add3A_39 = arith.constant 384 : i32
    %add3A_40 = arith.addi %mul3A_0, %add3A_39 : i32
    %run_scoped3A_41 = arith.constant 0 : i32
    "tpu.region"() ({
      %run_scoped3A_51 = tpu.sem_alloc : memref<!tpu.dma_semaphore, #tpu.memory_space<semaphore_mem>>
      %dma_start3A = arith.constant 0 : i32
      %dma_start3A_52 = arith.constant 0 : i32
      %dma_start3A_53 = tpu.memref_slice %arg9[%run_scoped3A_41, %dma_start3A, %dma_start3A_52] : memref<2x128x128xf32, #tpu.memory_space<vmem>> -> memref<1x128x128xf32, #tpu.memory_space<vmem>>
      %dma_start3A_54 = tpu.memref_squeeze %dma_start3A_53 : memref<1x128x128xf32, #tpu.memory_space<vmem>> -> memref<128x128xf32, #tpu.memory_space<vmem>>
      %dma_start3A_55 = arith.constant 0 : i32
      %dma_start3A_56 = tpu.memref_slice %arg10[%add3A_40, %dma_start3A_55] : memref<10112x128xf32, #tpu.memory_space<vmem_shared>> -> memref<128x128xf32, #tpu.memory_space<vmem_shared>>
      %dma_start3A_57 = arith.constant 0 : i32
      %dma_start3A_58 = arith.constant 0 : i32
      %dma_start3A_59 = tpu.memref_slice %arg9[%run_scoped3A_41, %dma_start3A_57, %dma_start3A_58] : memref<2x128x128xf32, #tpu.memory_space<vmem>> -> memref<1x128x128xf32, #tpu.memory_space<vmem>>
      %dma_start3A_60 = tpu.memref_squeeze %dma_start3A_59 : memref<1x128x128xf32, #tpu.memory_space<vmem>> -> memref<128x128xf32, #tpu.memory_space<vmem>>
      %dma_start3A_61 = arith.constant 0 : i32
      %dma_start3A_62 = tpu.memref_slice %arg10[%add3A_40, %dma_start3A_61] : memref<10112x128xf32, #tpu.memory_space<vmem_shared>> -> memref<128x128xf32, #tpu.memory_space<vmem_shared>>
      tpu.enqueue_dma source(%dma_start3A_62 : memref<128x128xf32, #tpu.memory_space<vmem_shared>>) target(%dma_start3A_60 : memref<128x128xf32, #tpu.memory_space<vmem>>) target_semaphore(%run_scoped3A_51 : memref<!tpu.dma_semaphore, #tpu.memory_space<semaphore_mem>>)
      %dma_wait3A = arith.constant 0 : i32
      %dma_wait3A_63 = arith.constant 0 : i32
      %dma_wait3A_64 = tpu.memref_slice %arg9[%run_scoped3A_41, %dma_wait3A, %dma_wait3A_63] : memref<2x128x128xf32, #tpu.memory_space<vmem>> -> memref<1x128x128xf32, #tpu.memory_space<vmem>>
      %dma_wait3A_65 = tpu.memref_squeeze %dma_wait3A_64 : memref<1x128x128xf32, #tpu.memory_space<vmem>> -> memref<128x128xf32, #tpu.memory_space<vmem>>
      %dma_wait3A_66 = arith.constant 0 : i32
      %dma_wait3A_67 = tpu.memref_slice %arg10[%add3A_40, %dma_wait3A_66] : memref<10112x128xf32, #tpu.memory_space<vmem_shared>> -> memref<128x128xf32, #tpu.memory_space<vmem_shared>>
      %dma_wait3A_68 = arith.constant 0 : i32
      %dma_wait3A_69 = arith.constant 0 : i32
      %dma_wait3A_70 = tpu.memref_slice %arg9[%run_scoped3A_41, %dma_wait3A_68, %dma_wait3A_69] : memref<2x128x128xf32, #tpu.memory_space<vmem>> -> memref<1x128x128xf32, #tpu.memory_space<vmem>>
      %dma_wait3A_71 = tpu.memref_squeeze %dma_wait3A_70 : memref<1x128x128xf32, #tpu.memory_space<vmem>> -> memref<128x128xf32, #tpu.memory_space<vmem>>
      %dma_wait3A_72 = arith.constant 0 : i32
      %dma_wait3A_73 = tpu.memref_slice %arg10[%add3A_40, %dma_wait3A_72] : memref<10112x128xf32, #tpu.memory_space<vmem_shared>> -> memref<128x128xf32, #tpu.memory_space<vmem_shared>>
      tpu.wait_dma2 semaphore(%run_scoped3A_51 : memref<!tpu.dma_semaphore, #tpu.memory_space<semaphore_mem>>) src(%dma_wait3A_73 : memref<128x128xf32, #tpu.memory_space<vmem_shared>>) dst(%dma_wait3A_71 : memref<128x128xf32, #tpu.memory_space<vmem>>)
      tpu.yield
    }) : () -> ()
    %add3A_42 = arith.constant 384 : i32
    %add3A_43 = arith.addi %mul3A_0, %add3A_42 : i32
    %run_scoped3A_44 = arith.constant 0 : i32
    "tpu.region"() ({
      %run_scoped3A_51 = tpu.sem_alloc : memref<!tpu.dma_semaphore, #tpu.memory_space<semaphore_mem>>
      %dma_start3A = arith.constant 0 : i32
      %dma_start3A_52 = arith.constant 0 : i32
      %dma_start3A_53 = tpu.memref_slice %arg9[%run_scoped3A_44, %dma_start3A, %dma_start3A_52] : memref<2x128x128xf32, #tpu.memory_space<vmem>> -> memref<1x128x128xf32, #tpu.memory_space<vmem>>
      %dma_start3A_54 = tpu.memref_squeeze %dma_start3A_53 : memref<1x128x128xf32, #tpu.memory_space<vmem>> -> memref<128x128xf32, #tpu.memory_space<vmem>>
      %dma_start3A_55 = arith.constant 0 : i32
      %dma_start3A_56 = tpu.memref_slice %arg6[%arg0, %add3A_43, %dma_start3A_55] : memref<2x10112x128xf32, #tpu.memory_space<hbm>> -> memref<1x128x128xf32, #tpu.memory_space<hbm>>
      %dma_start3A_57 = tpu.memref_squeeze %dma_start3A_56 : memref<1x128x128xf32, #tpu.memory_space<hbm>> -> memref<128x128xf32, #tpu.memory_space<hbm>>
      %dma_start3A_58 = arith.constant 0 : i32
      %dma_start3A_59 = tpu.memref_slice %arg6[%arg0, %add3A_43, %dma_start3A_58] : memref<2x10112x128xf32, #tpu.memory_space<hbm>> -> memref<1x128x128xf32, #tpu.memory_space<hbm>>
      %dma_start3A_60 = tpu.memref_squeeze %dma_start3A_59 : memref<1x128x128xf32, #tpu.memory_space<hbm>> -> memref<128x128xf32, #tpu.memory_space<hbm>>
      %dma_start3A_61 = arith.constant 0 : i32
      %dma_start3A_62 = arith.constant 0 : i32
      %dma_start3A_63 = tpu.memref_slice %arg9[%run_scoped3A_44, %dma_start3A_61, %dma_start3A_62] : memref<2x128x128xf32, #tpu.memory_space<vmem>> -> memref<1x128x128xf32, #tpu.memory_space<vmem>>
      %dma_start3A_64 = tpu.memref_squeeze %dma_start3A_63 : memref<1x128x128xf32, #tpu.memory_space<vmem>> -> memref<128x128xf32, #tpu.memory_space<vmem>>
      tpu.enqueue_dma source(%dma_start3A_64 : memref<128x128xf32, #tpu.memory_space<vmem>>) target(%dma_start3A_60 : memref<128x128xf32, #tpu.memory_space<hbm>>) target_semaphore(%run_scoped3A_51 : memref<!tpu.dma_semaphore, #tpu.memory_space<semaphore_mem>>)
      %dma_wait3A = arith.constant 0 : i32
      %dma_wait3A_65 = arith.constant 0 : i32
      %dma_wait3A_66 = tpu.memref_slice %arg9[%run_scoped3A_44, %dma_wait3A, %dma_wait3A_65] : memref<2x128x128xf32, #tpu.memory_space<vmem>> -> memref<1x128x128xf32, #tpu.memory_space<vmem>>
      %dma_wait3A_67 = tpu.memref_squeeze %dma_wait3A_66 : memref<1x128x128xf32, #tpu.memory_space<vmem>> -> memref<128x128xf32, #tpu.memory_space<vmem>>
      %dma_wait3A_68 = arith.constant 0 : i32
      %dma_wait3A_69 = tpu.memref_slice %arg6[%arg0, %add3A_43, %dma_wait3A_68] : memref<2x10112x128xf32, #tpu.memory_space<hbm>> -> memref<1x128x128xf32, #tpu.memory_space<hbm>>
      %dma_wait3A_70 = tpu.memref_squeeze %dma_wait3A_69 : memref<1x128x128xf32, #tpu.memory_space<hbm>> -> memref<128x128xf32, #tpu.memory_space<hbm>>
      %dma_wait3A_71 = arith.constant 0 : i32
      %dma_wait3A_72 = tpu.memref_slice %arg6[%arg0, %add3A_43, %dma_wait3A_71] : memref<2x10112x128xf32, #tpu.memory_space<hbm>> -> memref<1x128x128xf32, #tpu.memory_space<hbm>>
      %dma_wait3A_73 = tpu.memref_squeeze %dma_wait3A_72 : memref<1x128x128xf32, #tpu.memory_space<hbm>> -> memref<128x128xf32, #tpu.memory_space<hbm>>
      %dma_wait3A_74 = arith.constant 0 : i32
      %dma_wait3A_75 = arith.constant 0 : i32
      %dma_wait3A_76 = tpu.memref_slice %arg9[%run_scoped3A_44, %dma_wait3A_74, %dma_wait3A_75] : memref<2x128x128xf32, #tpu.memory_space<vmem>> -> memref<1x128x128xf32, #tpu.memory_space<vmem>>
      %dma_wait3A_77 = tpu.memref_squeeze %dma_wait3A_76 : memref<1x128x128xf32, #tpu.memory_space<vmem>> -> memref<128x128xf32, #tpu.memory_space<vmem>>
      tpu.wait_dma2 semaphore(%run_scoped3A_51 : memref<!tpu.dma_semaphore, #tpu.memory_space<semaphore_mem>>) src(%dma_wait3A_77 : memref<128x128xf32, #tpu.memory_space<vmem>>) dst(%dma_wait3A_73 : memref<128x128xf32, #tpu.memory_space<hbm>>)
      tpu.yield
    }) : () -> ()
    %add3A_45 = arith.constant 512 : i32
    %add3A_46 = arith.addi %mul3A_0, %add3A_45 : i32
    %run_scoped3A_47 = arith.constant 0 : i32
    "tpu.region"() ({
      %run_scoped3A_51 = tpu.sem_alloc : memref<!tpu.dma_semaphore, #tpu.memory_space<semaphore_mem>>
      %dma_start3A = arith.constant 0 : i32
      %dma_start3A_52 = arith.constant 0 : i32
      %dma_start3A_53 = tpu.memref_slice %arg9[%run_scoped3A_47, %dma_start3A, %dma_start3A_52] : memref<2x128x128xf32, #tpu.memory_space<vmem>> -> memref<1x120x128xf32, #tpu.memory_space<vmem>>
      %dma_start3A_54 = tpu.memref_squeeze %dma_start3A_53 : memref<1x120x128xf32, #tpu.memory_space<vmem>> -> memref<120x128xf32, #tpu.memory_space<vmem>>
      %dma_start3A_55 = arith.constant 0 : i32
      %dma_start3A_56 = tpu.memref_slice %arg10[%add3A_46, %dma_start3A_55] : memref<10112x128xf32, #tpu.memory_space<vmem_shared>> -> memref<120x128xf32, #tpu.memory_space<vmem_shared>>
      %dma_start3A_57 = arith.constant 0 : i32
      %dma_start3A_58 = arith.constant 0 : i32
      %dma_start3A_59 = tpu.memref_slice %arg9[%run_scoped3A_47, %dma_start3A_57, %dma_start3A_58] : memref<2x128x128xf32, #tpu.memory_space<vmem>> -> memref<1x120x128xf32, #tpu.memory_space<vmem>>
      %dma_start3A_60 = tpu.memref_squeeze %dma_start3A_59 : memref<1x120x128xf32, #tpu.memory_space<vmem>> -> memref<120x128xf32, #tpu.memory_space<vmem>>
      %dma_start3A_61 = arith.constant 0 : i32
      %dma_start3A_62 = tpu.memref_slice %arg10[%add3A_46, %dma_start3A_61] : memref<10112x128xf32, #tpu.memory_space<vmem_shared>> -> memref<120x128xf32, #tpu.memory_space<vmem_shared>>
      tpu.enqueue_dma source(%dma_start3A_62 : memref<120x128xf32, #tpu.memory_space<vmem_shared>>) target(%dma_start3A_60 : memref<120x128xf32, #tpu.memory_space<vmem>>) target_semaphore(%run_scoped3A_51 : memref<!tpu.dma_semaphore, #tpu.memory_space<semaphore_mem>>)
      %dma_wait3A = arith.constant 0 : i32
      %dma_wait3A_63 = arith.constant 0 : i32
      %dma_wait3A_64 = tpu.memref_slice %arg9[%run_scoped3A_47, %dma_wait3A, %dma_wait3A_63] : memref<2x128x128xf32, #tpu.memory_space<vmem>> -> memref<1x120x128xf32, #tpu.memory_space<vmem>>
      %dma_wait3A_65 = tpu.memref_squeeze %dma_wait3A_64 : memref<1x120x128xf32, #tpu.memory_space<vmem>> -> memref<120x128xf32, #tpu.memory_space<vmem>>
      %dma_wait3A_66 = arith.constant 0 : i32
      %dma_wait3A_67 = tpu.memref_slice %arg10[%add3A_46, %dma_wait3A_66] : memref<10112x128xf32, #tpu.memory_space<vmem_shared>> -> memref<120x128xf32, #tpu.memory_space<vmem_shared>>
      %dma_wait3A_68 = arith.constant 0 : i32
      %dma_wait3A_69 = arith.constant 0 : i32
      %dma_wait3A_70 = tpu.memref_slice %arg9[%run_scoped3A_47, %dma_wait3A_68, %dma_wait3A_69] : memref<2x128x128xf32, #tpu.memory_space<vmem>> -> memref<1x120x128xf32, #tpu.memory_space<vmem>>
      %dma_wait3A_71 = tpu.memref_squeeze %dma_wait3A_70 : memref<1x120x128xf32, #tpu.memory_space<vmem>> -> memref<120x128xf32, #tpu.memory_space<vmem>>
      %dma_wait3A_72 = arith.constant 0 : i32
      %dma_wait3A_73 = tpu.memref_slice %arg10[%add3A_46, %dma_wait3A_72] : memref<10112x128xf32, #tpu.memory_space<vmem_shared>> -> memref<120x128xf32, #tpu.memory_space<vmem_shared>>
      tpu.wait_dma2 semaphore(%run_scoped3A_51 : memref<!tpu.dma_semaphore, #tpu.memory_space<semaphore_mem>>) src(%dma_wait3A_73 : memref<120x128xf32, #tpu.memory_space<vmem_shared>>) dst(%dma_wait3A_71 : memref<120x128xf32, #tpu.memory_space<vmem>>)
      tpu.yield
    }) : () -> ()
    %add3A_48 = arith.constant 512 : i32
    %add3A_49 = arith.addi %mul3A_0, %add3A_48 : i32
    %run_scoped3A_50 = arith.constant 0 : i32
    "tpu.region"() ({
      %run_scoped3A_51 = tpu.sem_alloc : memref<!tpu.dma_semaphore, #tpu.memory_space<semaphore_mem>>
      %dma_start3A = arith.constant 0 : i32
      %dma_start3A_52 = arith.constant 0 : i32
      %dma_start3A_53 = tpu.memref_slice %arg9[%run_scoped3A_50, %dma_start3A, %dma_start3A_52] : memref<2x128x128xf32, #tpu.memory_space<vmem>> -> memref<1x120x128xf32, #tpu.memory_space<vmem>>
      %dma_start3A_54 = tpu.memref_squeeze %dma_start3A_53 : memref<1x120x128xf32, #tpu.memory_space<vmem>> -> memref<120x128xf32, #tpu.memory_space<vmem>>
      %dma_start3A_55 = arith.constant 0 : i32
      %dma_start3A_56 = tpu.memref_slice %arg6[%arg0, %add3A_49, %dma_start3A_55] : memref<2x10112x128xf32, #tpu.memory_space<hbm>> -> memref<1x120x128xf32, #tpu.memory_space<hbm>>
      %dma_start3A_57 = tpu.memref_squeeze %dma_start3A_56 : memref<1x120x128xf32, #tpu.memory_space<hbm>> -> memref<120x128xf32, #tpu.memory_space<hbm>>
      %dma_start3A_58 = arith.constant 0 : i32
      %dma_start3A_59 = tpu.memref_slice %arg6[%arg0, %add3A_49, %dma_start3A_58] : memref<2x10112x128xf32, #tpu.memory_space<hbm>> -> memref<1x120x128xf32, #tpu.memory_space<hbm>>
      %dma_start3A_60 = tpu.memref_squeeze %dma_start3A_59 : memref<1x120x128xf32, #tpu.memory_space<hbm>> -> memref<120x128xf32, #tpu.memory_space<hbm>>
      %dma_start3A_61 = arith.constant 0 : i32
      %dma_start3A_62 = arith.constant 0 : i32
      %dma_start3A_63 = tpu.memref_slice %arg9[%run_scoped3A_50, %dma_start3A_61, %dma_start3A_62] : memref<2x128x128xf32, #tpu.memory_space<vmem>> -> memref<1x120x128xf32, #tpu.memory_space<vmem>>
      %dma_start3A_64 = tpu.memref_squeeze %dma_start3A_63 : memref<1x120x128xf32, #tpu.memory_space<vmem>> -> memref<120x128xf32, #tpu.memory_space<vmem>>
      tpu.enqueue_dma source(%dma_start3A_64 : memref<120x128xf32, #tpu.memory_space<vmem>>) target(%dma_start3A_60 : memref<120x128xf32, #tpu.memory_space<hbm>>) target_semaphore(%run_scoped3A_51 : memref<!tpu.dma_semaphore, #tpu.memory_space<semaphore_mem>>)
      %dma_wait3A = arith.constant 0 : i32
      %dma_wait3A_65 = arith.constant 0 : i32
      %dma_wait3A_66 = tpu.memref_slice %arg9[%run_scoped3A_50, %dma_wait3A, %dma_wait3A_65] : memref<2x128x128xf32, #tpu.memory_space<vmem>> -> memref<1x120x128xf32, #tpu.memory_space<vmem>>
      %dma_wait3A_67 = tpu.memref_squeeze %dma_wait3A_66 : memref<1x120x128xf32, #tpu.memory_space<vmem>> -> memref<120x128xf32, #tpu.memory_space<vmem>>
      %dma_wait3A_68 = arith.constant 0 : i32
      %dma_wait3A_69 = tpu.memref_slice %arg6[%arg0, %add3A_49, %dma_wait3A_68] : memref<2x10112x128xf32, #tpu.memory_space<hbm>> -> memref<1x120x128xf32, #tpu.memory_space<hbm>>
      %dma_wait3A_70 = tpu.memref_squeeze %dma_wait3A_69 : memref<1x120x128xf32, #tpu.memory_space<hbm>> -> memref<120x128xf32, #tpu.memory_space<hbm>>
      %dma_wait3A_71 = arith.constant 0 : i32
      %dma_wait3A_72 = tpu.memref_slice %arg6[%arg0, %add3A_49, %dma_wait3A_71] : memref<2x10112x128xf32, #tpu.memory_space<hbm>> -> memref<1x120x128xf32, #tpu.memory_space<hbm>>
      %dma_wait3A_73 = tpu.memref_squeeze %dma_wait3A_72 : memref<1x120x128xf32, #tpu.memory_space<hbm>> -> memref<120x128xf32, #tpu.memory_space<hbm>>
      %dma_wait3A_74 = arith.constant 0 : i32
      %dma_wait3A_75 = arith.constant 0 : i32
      %dma_wait3A_76 = tpu.memref_slice %arg9[%run_scoped3A_50, %dma_wait3A_74, %dma_wait3A_75] : memref<2x128x128xf32, #tpu.memory_space<vmem>> -> memref<1x120x128xf32, #tpu.memory_space<vmem>>
      %dma_wait3A_77 = tpu.memref_squeeze %dma_wait3A_76 : memref<1x120x128xf32, #tpu.memory_space<vmem>> -> memref<120x128xf32, #tpu.memory_space<vmem>>
      tpu.wait_dma2 semaphore(%run_scoped3A_51 : memref<!tpu.dma_semaphore, #tpu.memory_space<semaphore_mem>>) src(%dma_wait3A_77 : memref<120x128xf32, #tpu.memory_space<vmem>>) dst(%dma_wait3A_73 : memref<120x128xf32, #tpu.memory_space<hbm>>)
      tpu.yield
    }) : () -> ()
    return
  }
}

#map = affine_map<(d0, d1) -> (0, 0)>
#map1 = affine_map<(d0, d1) -> (0, 0, 0)>
module attributes {stable_mosaic.version = 14 : i64} {
  func.func @_sc_cnt_body(%arg0: i32, %arg1: i32, %arg2: memref<1024x128xf32, #tpu.memory_space<hbm>>, %arg3: memref<16x80x128xi32, #tpu.memory_space<hbm>>, %arg4: memref<16x80x128xi32, #tpu.memory_space<hbm>>, %arg5: memref<128x128xf32, #tpu.memory_space<hbm>>, %arg6: memref<2x1280x128xf32, #tpu.memory_space<hbm>>, %arg7: memref<128xi32, #tpu.memory_space<vmem>>, %arg8: memref<128xi32, #tpu.memory_space<vmem>>, %arg9: memref<128xi32, #tpu.memory_space<vmem>>, %arg10: memref<128xi32, #tpu.memory_space<vmem>>, %arg11: memref<2x128x128xf32, #tpu.memory_space<vmem>>, %arg12: memref<1280x128xf32, #tpu.memory_space<vmem_shared>>, %arg13: memref<!tpu.dma_semaphore, #tpu.memory_space<semaphore_mem>>, %arg14: memref<!tpu.dma_semaphore, #tpu.memory_space<semaphore_mem>>) attributes {dimension_semantics = [#tpu.dimension_semantics<core_parallel>, #tpu.dimension_semantics<subcore_parallel>], iteration_bounds = array<i64: 2, 16>, scalar_prefetch = 0 : i64, scratch_operands = 8 : i64, tpu.core_type = #tpu.core_type<sc_vector_subcore>, window_params = [{transform_indices = #map}, {transform_indices = #map1}, {transform_indices = #map1}, {transform_indices = #map}, {transform_indices = #map1}]} {
    %mul3A = arith.constant 80 : i32
    %mul3A_0 = arith.muli %arg1, %mul3A : i32
    "tpu.region"() ({
      %run_scoped3A_43 = tpu.sem_alloc : memref<!tpu.dma_semaphore, #tpu.memory_space<semaphore_mem>>
      %dma_start3A_44 = arith.constant 0 : i32
      %dma_start3A_45 = tpu.memref_slice %arg12[%mul3A_0, %dma_start3A_44] : memref<1280x128xf32, #tpu.memory_space<vmem_shared>> -> memref<80x128xf32, #tpu.memory_space<vmem_shared>>
      %dma_start3A_46 = arith.constant 0 : i32
      %dma_start3A_47 = arith.constant 0 : i32
      %dma_start3A_48 = tpu.memref_slice %arg5[%dma_start3A_46, %dma_start3A_47] : memref<128x128xf32, #tpu.memory_space<hbm>> -> memref<80x128xf32, #tpu.memory_space<hbm>>
      tpu.enqueue_dma source(%dma_start3A_48 : memref<80x128xf32, #tpu.memory_space<hbm>>) target(%dma_start3A_45 : memref<80x128xf32, #tpu.memory_space<vmem_shared>>) target_semaphore(%run_scoped3A_43 : memref<!tpu.dma_semaphore, #tpu.memory_space<semaphore_mem>>)
      %dma_wait3A_49 = arith.constant 0 : i32
      %dma_wait3A_50 = tpu.memref_slice %arg12[%mul3A_0, %dma_wait3A_49] : memref<1280x128xf32, #tpu.memory_space<vmem_shared>> -> memref<80x128xf32, #tpu.memory_space<vmem_shared>>
      %dma_wait3A_51 = arith.constant 0 : i32
      %dma_wait3A_52 = arith.constant 0 : i32
      %dma_wait3A_53 = tpu.memref_slice %arg5[%dma_wait3A_51, %dma_wait3A_52] : memref<128x128xf32, #tpu.memory_space<hbm>> -> memref<80x128xf32, #tpu.memory_space<hbm>>
      tpu.wait_dma2 semaphore(%run_scoped3A_43 : memref<!tpu.dma_semaphore, #tpu.memory_space<semaphore_mem>>) src(%dma_wait3A_53 : memref<80x128xf32, #tpu.memory_space<hbm>>) dst(%dma_wait3A_50 : memref<80x128xf32, #tpu.memory_space<vmem_shared>>)
      tpu.yield
    }) : () -> ()
    %barrier3A = arith.constant 0 : index
    tpu.barrier barrier_id(%barrier3A)
    %add3A = arith.constant 0 : i32
    %add3A_1 = arith.addi %add3A, %arg0 : i32
    "tpu.region"() ({
      %run_scoped3A_43 = tpu.sem_alloc : memref<!tpu.dma_semaphore, #tpu.memory_space<semaphore_mem>>
      %dma_start3A_44 = arith.constant 0 : i32
      %dma_start3A_45 = tpu.memref_slice %arg4[%arg1, %add3A_1, %dma_start3A_44] : memref<16x80x128xi32, #tpu.memory_space<hbm>> -> memref<1x1x128xi32, #tpu.memory_space<hbm>>
      %dma_start3A_46 = tpu.memref_squeeze %dma_start3A_45 : memref<1x1x128xi32, #tpu.memory_space<hbm>> -> memref<128xi32, #tpu.memory_space<hbm>>
      %dma_start3A_47 = arith.constant 0 : i32
      %dma_start3A_48 = tpu.memref_slice %arg4[%arg1, %add3A_1, %dma_start3A_47] : memref<16x80x128xi32, #tpu.memory_space<hbm>> -> memref<1x1x128xi32, #tpu.memory_space<hbm>>
      %dma_start3A_49 = tpu.memref_squeeze %dma_start3A_48 : memref<1x1x128xi32, #tpu.memory_space<hbm>> -> memref<128xi32, #tpu.memory_space<hbm>>
      tpu.enqueue_dma source(%dma_start3A_49 : memref<128xi32, #tpu.memory_space<hbm>>) target(%arg8 : memref<128xi32, #tpu.memory_space<vmem>>) target_semaphore(%run_scoped3A_43 : memref<!tpu.dma_semaphore, #tpu.memory_space<semaphore_mem>>)
      %dma_wait3A_50 = arith.constant 0 : i32
      %dma_wait3A_51 = tpu.memref_slice %arg4[%arg1, %add3A_1, %dma_wait3A_50] : memref<16x80x128xi32, #tpu.memory_space<hbm>> -> memref<1x1x128xi32, #tpu.memory_space<hbm>>
      %dma_wait3A_52 = tpu.memref_squeeze %dma_wait3A_51 : memref<1x1x128xi32, #tpu.memory_space<hbm>> -> memref<128xi32, #tpu.memory_space<hbm>>
      %dma_wait3A_53 = arith.constant 0 : i32
      %dma_wait3A_54 = tpu.memref_slice %arg4[%arg1, %add3A_1, %dma_wait3A_53] : memref<16x80x128xi32, #tpu.memory_space<hbm>> -> memref<1x1x128xi32, #tpu.memory_space<hbm>>
      %dma_wait3A_55 = tpu.memref_squeeze %dma_wait3A_54 : memref<1x1x128xi32, #tpu.memory_space<hbm>> -> memref<128xi32, #tpu.memory_space<hbm>>
      tpu.wait_dma2 semaphore(%run_scoped3A_43 : memref<!tpu.dma_semaphore, #tpu.memory_space<semaphore_mem>>) src(%dma_wait3A_55 : memref<128xi32, #tpu.memory_space<hbm>>) dst(%arg8 : memref<128xi32, #tpu.memory_space<vmem>>)
      tpu.yield
    }) : () -> ()
    "tpu.region"() ({
      %run_scoped3A_43 = tpu.sem_alloc : memref<!tpu.dma_semaphore, #tpu.memory_space<semaphore_mem>>
      %dma_start3A_44 = arith.constant 0 : i32
      %dma_start3A_45 = tpu.memref_slice %arg3[%arg1, %add3A_1, %dma_start3A_44] : memref<16x80x128xi32, #tpu.memory_space<hbm>> -> memref<1x1x128xi32, #tpu.memory_space<hbm>>
      %dma_start3A_46 = tpu.memref_squeeze %dma_start3A_45 : memref<1x1x128xi32, #tpu.memory_space<hbm>> -> memref<128xi32, #tpu.memory_space<hbm>>
      %dma_start3A_47 = arith.constant 0 : i32
      %dma_start3A_48 = tpu.memref_slice %arg3[%arg1, %add3A_1, %dma_start3A_47] : memref<16x80x128xi32, #tpu.memory_space<hbm>> -> memref<1x1x128xi32, #tpu.memory_space<hbm>>
      %dma_start3A_49 = tpu.memref_squeeze %dma_start3A_48 : memref<1x1x128xi32, #tpu.memory_space<hbm>> -> memref<128xi32, #tpu.memory_space<hbm>>
      tpu.enqueue_dma source(%dma_start3A_49 : memref<128xi32, #tpu.memory_space<hbm>>) target(%arg7 : memref<128xi32, #tpu.memory_space<vmem>>) target_semaphore(%run_scoped3A_43 : memref<!tpu.dma_semaphore, #tpu.memory_space<semaphore_mem>>)
      %dma_wait3A_50 = arith.constant 0 : i32
      %dma_wait3A_51 = tpu.memref_slice %arg3[%arg1, %add3A_1, %dma_wait3A_50] : memref<16x80x128xi32, #tpu.memory_space<hbm>> -> memref<1x1x128xi32, #tpu.memory_space<hbm>>
      %dma_wait3A_52 = tpu.memref_squeeze %dma_wait3A_51 : memref<1x1x128xi32, #tpu.memory_space<hbm>> -> memref<128xi32, #tpu.memory_space<hbm>>
      %dma_wait3A_53 = arith.constant 0 : i32
      %dma_wait3A_54 = tpu.memref_slice %arg3[%arg1, %add3A_1, %dma_wait3A_53] : memref<16x80x128xi32, #tpu.memory_space<hbm>> -> memref<1x1x128xi32, #tpu.memory_space<hbm>>
      %dma_wait3A_55 = tpu.memref_squeeze %dma_wait3A_54 : memref<1x1x128xi32, #tpu.memory_space<hbm>> -> memref<128xi32, #tpu.memory_space<hbm>>
      tpu.wait_dma2 semaphore(%run_scoped3A_43 : memref<!tpu.dma_semaphore, #tpu.memory_space<semaphore_mem>>) src(%dma_wait3A_55 : memref<128xi32, #tpu.memory_space<hbm>>) dst(%arg7 : memref<128xi32, #tpu.memory_space<vmem>>)
      tpu.yield
    }) : () -> ()
    %dma_start3A = arith.constant 0 : i32
    %dma_start3A_2 = arith.constant 0 : i32
    %dma_start3A_3 = arith.constant 0 : i32
    %dma_start3A_4 = tpu.memref_slice %arg11[%dma_start3A, %dma_start3A_2, %dma_start3A_3] : memref<2x128x128xf32, #tpu.memory_space<vmem>> -> memref<1x128x128xf32, #tpu.memory_space<vmem>>
    %dma_start3A_5 = tpu.memref_squeeze %dma_start3A_4 : memref<1x128x128xf32, #tpu.memory_space<vmem>> -> memref<128x128xf32, #tpu.memory_space<vmem>>
    %dma_start3A_6 = arith.constant 0 : i32
    %dma_start3A_7 = arith.constant 0 : i32
    %dma_start3A_8 = tpu.memref_slice %arg2[%dma_start3A_6, %dma_start3A_7] : memref<1024x128xf32, #tpu.memory_space<hbm>> -> memref<1024x128xf32, #tpu.memory_space<hbm>>
    tpu.enqueue_indirect_dma source(%dma_start3A_8 : memref<1024x128xf32, #tpu.memory_space<hbm>>) target(%dma_start3A_5 : memref<128x128xf32, #tpu.memory_space<vmem>>) offsets(%arg8 : memref<128xi32, #tpu.memory_space<vmem>>) semaphore(%arg13 : memref<!tpu.dma_semaphore, #tpu.memory_space<semaphore_mem>>)
    %scan3A = arith.constant 0 : i32
    %scan3A_9 = arith.constant 0 : i32
    %scan3A_10 = arith.constant 19 : i32
    %scan3A_11 = arith.addi %scan3A_9, %scan3A_10 : i32
    %scan3A_12 = arith.constant 1 : i32
    scf.for %scan3A_43 = %scan3A_9 to %scan3A_11 step %scan3A_12  : i32 {
      %mul3A_44 = arith.constant 2 : i32
      %mul3A_45 = arith.muli %mul3A_44, %scan3A_43 : i32
      %add3A_46 = arith.constant 1 : i32
      %add3A_47 = arith.addi %mul3A_45, %add3A_46 : i32
      %mul3A_48 = arith.constant 2 : i32
      %mul3A_49 = arith.muli %mul3A_48, %add3A_47 : i32
      %add3A_50 = arith.addi %mul3A_49, %arg0 : i32
      "tpu.region"() ({
        %run_scoped3A_90 = tpu.sem_alloc : memref<!tpu.dma_semaphore, #tpu.memory_space<semaphore_mem>>
        %dma_start3A_91 = arith.constant 0 : i32
        %dma_start3A_92 = tpu.memref_slice %arg4[%arg1, %add3A_50, %dma_start3A_91] : memref<16x80x128xi32, #tpu.memory_space<hbm>> -> memref<1x1x128xi32, #tpu.memory_space<hbm>>
        %dma_start3A_93 = tpu.memref_squeeze %dma_start3A_92 : memref<1x1x128xi32, #tpu.memory_space<hbm>> -> memref<128xi32, #tpu.memory_space<hbm>>
        %dma_start3A_94 = arith.constant 0 : i32
        %dma_start3A_95 = tpu.memref_slice %arg4[%arg1, %add3A_50, %dma_start3A_94] : memref<16x80x128xi32, #tpu.memory_space<hbm>> -> memref<1x1x128xi32, #tpu.memory_space<hbm>>
        %dma_start3A_96 = tpu.memref_squeeze %dma_start3A_95 : memref<1x1x128xi32, #tpu.memory_space<hbm>> -> memref<128xi32, #tpu.memory_space<hbm>>
        tpu.enqueue_dma source(%dma_start3A_96 : memref<128xi32, #tpu.memory_space<hbm>>) target(%arg10 : memref<128xi32, #tpu.memory_space<vmem>>) target_semaphore(%run_scoped3A_90 : memref<!tpu.dma_semaphore, #tpu.memory_space<semaphore_mem>>)
        %dma_wait3A_97 = arith.constant 0 : i32
        %dma_wait3A_98 = tpu.memref_slice %arg4[%arg1, %add3A_50, %dma_wait3A_97] : memref<16x80x128xi32, #tpu.memory_space<hbm>> -> memref<1x1x128xi32, #tpu.memory_space<hbm>>
        %dma_wait3A_99 = tpu.memref_squeeze %dma_wait3A_98 : memref<1x1x128xi32, #tpu.memory_space<hbm>> -> memref<128xi32, #tpu.memory_space<hbm>>
        %dma_wait3A_100 = arith.constant 0 : i32
        %dma_wait3A_101 = tpu.memref_slice %arg4[%arg1, %add3A_50, %dma_wait3A_100] : memref<16x80x128xi32, #tpu.memory_space<hbm>> -> memref<1x1x128xi32, #tpu.memory_space<hbm>>
        %dma_wait3A_102 = tpu.memref_squeeze %dma_wait3A_101 : memref<1x1x128xi32, #tpu.memory_space<hbm>> -> memref<128xi32, #tpu.memory_space<hbm>>
        tpu.wait_dma2 semaphore(%run_scoped3A_90 : memref<!tpu.dma_semaphore, #tpu.memory_space<semaphore_mem>>) src(%dma_wait3A_102 : memref<128xi32, #tpu.memory_space<hbm>>) dst(%arg10 : memref<128xi32, #tpu.memory_space<vmem>>)
        tpu.yield
      }) : () -> ()
      "tpu.region"() ({
        %run_scoped3A_90 = tpu.sem_alloc : memref<!tpu.dma_semaphore, #tpu.memory_space<semaphore_mem>>
        %dma_start3A_91 = arith.constant 0 : i32
        %dma_start3A_92 = tpu.memref_slice %arg3[%arg1, %add3A_50, %dma_start3A_91] : memref<16x80x128xi32, #tpu.memory_space<hbm>> -> memref<1x1x128xi32, #tpu.memory_space<hbm>>
        %dma_start3A_93 = tpu.memref_squeeze %dma_start3A_92 : memref<1x1x128xi32, #tpu.memory_space<hbm>> -> memref<128xi32, #tpu.memory_space<hbm>>
        %dma_start3A_94 = arith.constant 0 : i32
        %dma_start3A_95 = tpu.memref_slice %arg3[%arg1, %add3A_50, %dma_start3A_94] : memref<16x80x128xi32, #tpu.memory_space<hbm>> -> memref<1x1x128xi32, #tpu.memory_space<hbm>>
        %dma_start3A_96 = tpu.memref_squeeze %dma_start3A_95 : memref<1x1x128xi32, #tpu.memory_space<hbm>> -> memref<128xi32, #tpu.memory_space<hbm>>
        tpu.enqueue_dma source(%dma_start3A_96 : memref<128xi32, #tpu.memory_space<hbm>>) target(%arg9 : memref<128xi32, #tpu.memory_space<vmem>>) target_semaphore(%run_scoped3A_90 : memref<!tpu.dma_semaphore, #tpu.memory_space<semaphore_mem>>)
        %dma_wait3A_97 = arith.constant 0 : i32
        %dma_wait3A_98 = tpu.memref_slice %arg3[%arg1, %add3A_50, %dma_wait3A_97] : memref<16x80x128xi32, #tpu.memory_space<hbm>> -> memref<1x1x128xi32, #tpu.memory_space<hbm>>
        %dma_wait3A_99 = tpu.memref_squeeze %dma_wait3A_98 : memref<1x1x128xi32, #tpu.memory_space<hbm>> -> memref<128xi32, #tpu.memory_space<hbm>>
        %dma_wait3A_100 = arith.constant 0 : i32
        %dma_wait3A_101 = tpu.memref_slice %arg3[%arg1, %add3A_50, %dma_wait3A_100] : memref<16x80x128xi32, #tpu.memory_space<hbm>> -> memref<1x1x128xi32, #tpu.memory_space<hbm>>
        %dma_wait3A_102 = tpu.memref_squeeze %dma_wait3A_101 : memref<1x1x128xi32, #tpu.memory_space<hbm>> -> memref<128xi32, #tpu.memory_space<hbm>>
        tpu.wait_dma2 semaphore(%run_scoped3A_90 : memref<!tpu.dma_semaphore, #tpu.memory_space<semaphore_mem>>) src(%dma_wait3A_102 : memref<128xi32, #tpu.memory_space<hbm>>) dst(%arg9 : memref<128xi32, #tpu.memory_space<vmem>>)
        tpu.yield
      }) : () -> ()
      %dma_start3A_51 = arith.constant 1 : i32
      %dma_start3A_52 = arith.constant 0 : i32
      %dma_start3A_53 = arith.constant 0 : i32
      %dma_start3A_54 = tpu.memref_slice %arg11[%dma_start3A_51, %dma_start3A_52, %dma_start3A_53] : memref<2x128x128xf32, #tpu.memory_space<vmem>> -> memref<1x128x128xf32, #tpu.memory_space<vmem>>
      %dma_start3A_55 = tpu.memref_squeeze %dma_start3A_54 : memref<1x128x128xf32, #tpu.memory_space<vmem>> -> memref<128x128xf32, #tpu.memory_space<vmem>>
      %dma_start3A_56 = arith.constant 0 : i32
      %dma_start3A_57 = arith.constant 0 : i32
      %dma_start3A_58 = tpu.memref_slice %arg2[%dma_start3A_56, %dma_start3A_57] : memref<1024x128xf32, #tpu.memory_space<hbm>> -> memref<1024x128xf32, #tpu.memory_space<hbm>>
      tpu.enqueue_indirect_dma source(%dma_start3A_58 : memref<1024x128xf32, #tpu.memory_space<hbm>>) target(%dma_start3A_55 : memref<128x128xf32, #tpu.memory_space<vmem>>) offsets(%arg10 : memref<128xi32, #tpu.memory_space<vmem>>) semaphore(%arg14 : memref<!tpu.dma_semaphore, #tpu.memory_space<semaphore_mem>>)
      %dma_wait3A_59 = arith.constant 0 : i32
      %dma_wait3A_60 = arith.constant 0 : i32
      %dma_wait3A_61 = arith.constant 0 : i32
      %dma_wait3A_62 = tpu.memref_slice %arg11[%dma_wait3A_59, %dma_wait3A_60, %dma_wait3A_61] : memref<2x128x128xf32, #tpu.memory_space<vmem>> -> memref<1x128x128xf32, #tpu.memory_space<vmem>>
      %dma_wait3A_63 = tpu.memref_squeeze %dma_wait3A_62 : memref<1x128x128xf32, #tpu.memory_space<vmem>> -> memref<128x128xf32, #tpu.memory_space<vmem>>
      %dma_wait3A_64 = arith.constant 0 : i32
      %dma_wait3A_65 = arith.constant 0 : i32
      %dma_wait3A_66 = tpu.memref_slice %arg2[%dma_wait3A_64, %dma_wait3A_65] : memref<1024x128xf32, #tpu.memory_space<hbm>> -> memref<1024x128xf32, #tpu.memory_space<hbm>>
      tpu.wait_indirect_dma semaphore(%arg13 : memref<!tpu.dma_semaphore, #tpu.memory_space<semaphore_mem>>) src(%dma_wait3A_66 : memref<1024x128xf32, #tpu.memory_space<hbm>>) dst(%dma_wait3A_63 : memref<128x128xf32, #tpu.memory_space<vmem>>)
      %run_scoped3A_67 = arith.constant 0 : i32
      "tpu.region"() ({
        %run_scoped3A_90 = tpu.sem_alloc : memref<!tpu.dma_semaphore, #tpu.memory_space<semaphore_mem>>
        %dma_start3A_91 = arith.constant 0 : i32
        %dma_start3A_92 = arith.constant 0 : i32
        %dma_start3A_93 = tpu.memref_slice %arg11[%run_scoped3A_67, %dma_start3A_91, %dma_start3A_92] : memref<2x128x128xf32, #tpu.memory_space<vmem>> -> memref<1x128x128xf32, #tpu.memory_space<vmem>>
        %dma_start3A_94 = tpu.memref_squeeze %dma_start3A_93 : memref<1x128x128xf32, #tpu.memory_space<vmem>> -> memref<128x128xf32, #tpu.memory_space<vmem>>
        %dma_start3A_95 = arith.constant 0 : i32
        %dma_start3A_96 = arith.constant 0 : i32
        %dma_start3A_97 = tpu.memref_slice %arg12[%dma_start3A_95, %dma_start3A_96] : memref<1280x128xf32, #tpu.memory_space<vmem_shared>> -> memref<1280x128xf32, #tpu.memory_space<vmem_shared>>
        tpu.enqueue_indirect_dma source(%dma_start3A_94 : memref<128x128xf32, #tpu.memory_space<vmem>>) target(%dma_start3A_97 : memref<1280x128xf32, #tpu.memory_space<vmem_shared>>) offsets(%arg7 : memref<128xi32, #tpu.memory_space<vmem>>) semaphore(%run_scoped3A_90 : memref<!tpu.dma_semaphore, #tpu.memory_space<semaphore_mem>>) {add = true}
        %dma_wait3A_98 = arith.constant 0 : i32
        %dma_wait3A_99 = arith.constant 0 : i32
        %dma_wait3A_100 = tpu.memref_slice %arg11[%run_scoped3A_67, %dma_wait3A_98, %dma_wait3A_99] : memref<2x128x128xf32, #tpu.memory_space<vmem>> -> memref<1x128x128xf32, #tpu.memory_space<vmem>>
        %dma_wait3A_101 = tpu.memref_squeeze %dma_wait3A_100 : memref<1x128x128xf32, #tpu.memory_space<vmem>> -> memref<128x128xf32, #tpu.memory_space<vmem>>
        %dma_wait3A_102 = arith.constant 0 : i32
        %dma_wait3A_103 = arith.constant 0 : i32
        %dma_wait3A_104 = tpu.memref_slice %arg12[%dma_wait3A_102, %dma_wait3A_103] : memref<1280x128xf32, #tpu.memory_space<vmem_shared>> -> memref<1280x128xf32, #tpu.memory_space<vmem_shared>>
        tpu.wait_indirect_dma semaphore(%run_scoped3A_90 : memref<!tpu.dma_semaphore, #tpu.memory_space<semaphore_mem>>) src(%dma_wait3A_101 : memref<128x128xf32, #tpu.memory_space<vmem>>) dst(%dma_wait3A_104 : memref<1280x128xf32, #tpu.memory_space<vmem_shared>>)
        tpu.yield
      }) : () -> ()
      %add3A_68 = arith.constant 2 : i32
      %add3A_69 = arith.addi %mul3A_45, %add3A_68 : i32
      %mul3A_70 = arith.constant 2 : i32
      %mul3A_71 = arith.muli %mul3A_70, %add3A_69 : i32
      %add3A_72 = arith.addi %mul3A_71, %arg0 : i32
      "tpu.region"() ({
        %run_scoped3A_90 = tpu.sem_alloc : memref<!tpu.dma_semaphore, #tpu.memory_space<semaphore_mem>>
        %dma_start3A_91 = arith.constant 0 : i32
        %dma_start3A_92 = tpu.memref_slice %arg4[%arg1, %add3A_72, %dma_start3A_91] : memref<16x80x128xi32, #tpu.memory_space<hbm>> -> memref<1x1x128xi32, #tpu.memory_space<hbm>>
        %dma_start3A_93 = tpu.memref_squeeze %dma_start3A_92 : memref<1x1x128xi32, #tpu.memory_space<hbm>> -> memref<128xi32, #tpu.memory_space<hbm>>
        %dma_start3A_94 = arith.constant 0 : i32
        %dma_start3A_95 = tpu.memref_slice %arg4[%arg1, %add3A_72, %dma_start3A_94] : memref<16x80x128xi32, #tpu.memory_space<hbm>> -> memref<1x1x128xi32, #tpu.memory_space<hbm>>
        %dma_start3A_96 = tpu.memref_squeeze %dma_start3A_95 : memref<1x1x128xi32, #tpu.memory_space<hbm>> -> memref<128xi32, #tpu.memory_space<hbm>>
        tpu.enqueue_dma source(%dma_start3A_96 : memref<128xi32, #tpu.memory_space<hbm>>) target(%arg8 : memref<128xi32, #tpu.memory_space<vmem>>) target_semaphore(%run_scoped3A_90 : memref<!tpu.dma_semaphore, #tpu.memory_space<semaphore_mem>>)
        %dma_wait3A_97 = arith.constant 0 : i32
        %dma_wait3A_98 = tpu.memref_slice %arg4[%arg1, %add3A_72, %dma_wait3A_97] : memref<16x80x128xi32, #tpu.memory_space<hbm>> -> memref<1x1x128xi32, #tpu.memory_space<hbm>>
        %dma_wait3A_99 = tpu.memref_squeeze %dma_wait3A_98 : memref<1x1x128xi32, #tpu.memory_space<hbm>> -> memref<128xi32, #tpu.memory_space<hbm>>
        %dma_wait3A_100 = arith.constant 0 : i32
        %dma_wait3A_101 = tpu.memref_slice %arg4[%arg1, %add3A_72, %dma_wait3A_100] : memref<16x80x128xi32, #tpu.memory_space<hbm>> -> memref<1x1x128xi32, #tpu.memory_space<hbm>>
        %dma_wait3A_102 = tpu.memref_squeeze %dma_wait3A_101 : memref<1x1x128xi32, #tpu.memory_space<hbm>> -> memref<128xi32, #tpu.memory_space<hbm>>
        tpu.wait_dma2 semaphore(%run_scoped3A_90 : memref<!tpu.dma_semaphore, #tpu.memory_space<semaphore_mem>>) src(%dma_wait3A_102 : memref<128xi32, #tpu.memory_space<hbm>>) dst(%arg8 : memref<128xi32, #tpu.memory_space<vmem>>)
        tpu.yield
      }) : () -> ()
      "tpu.region"() ({
        %run_scoped3A_90 = tpu.sem_alloc : memref<!tpu.dma_semaphore, #tpu.memory_space<semaphore_mem>>
        %dma_start3A_91 = arith.constant 0 : i32
        %dma_start3A_92 = tpu.memref_slice %arg3[%arg1, %add3A_72, %dma_start3A_91] : memref<16x80x128xi32, #tpu.memory_space<hbm>> -> memref<1x1x128xi32, #tpu.memory_space<hbm>>
        %dma_start3A_93 = tpu.memref_squeeze %dma_start3A_92 : memref<1x1x128xi32, #tpu.memory_space<hbm>> -> memref<128xi32, #tpu.memory_space<hbm>>
        %dma_start3A_94 = arith.constant 0 : i32
        %dma_start3A_95 = tpu.memref_slice %arg3[%arg1, %add3A_72, %dma_start3A_94] : memref<16x80x128xi32, #tpu.memory_space<hbm>> -> memref<1x1x128xi32, #tpu.memory_space<hbm>>
        %dma_start3A_96 = tpu.memref_squeeze %dma_start3A_95 : memref<1x1x128xi32, #tpu.memory_space<hbm>> -> memref<128xi32, #tpu.memory_space<hbm>>
        tpu.enqueue_dma source(%dma_start3A_96 : memref<128xi32, #tpu.memory_space<hbm>>) target(%arg7 : memref<128xi32, #tpu.memory_space<vmem>>) target_semaphore(%run_scoped3A_90 : memref<!tpu.dma_semaphore, #tpu.memory_space<semaphore_mem>>)
        %dma_wait3A_97 = arith.constant 0 : i32
        %dma_wait3A_98 = tpu.memref_slice %arg3[%arg1, %add3A_72, %dma_wait3A_97] : memref<16x80x128xi32, #tpu.memory_space<hbm>> -> memref<1x1x128xi32, #tpu.memory_space<hbm>>
        %dma_wait3A_99 = tpu.memref_squeeze %dma_wait3A_98 : memref<1x1x128xi32, #tpu.memory_space<hbm>> -> memref<128xi32, #tpu.memory_space<hbm>>
        %dma_wait3A_100 = arith.constant 0 : i32
        %dma_wait3A_101 = tpu.memref_slice %arg3[%arg1, %add3A_72, %dma_wait3A_100] : memref<16x80x128xi32, #tpu.memory_space<hbm>> -> memref<1x1x128xi32, #tpu.memory_space<hbm>>
        %dma_wait3A_102 = tpu.memref_squeeze %dma_wait3A_101 : memref<1x1x128xi32, #tpu.memory_space<hbm>> -> memref<128xi32, #tpu.memory_space<hbm>>
        tpu.wait_dma2 semaphore(%run_scoped3A_90 : memref<!tpu.dma_semaphore, #tpu.memory_space<semaphore_mem>>) src(%dma_wait3A_102 : memref<128xi32, #tpu.memory_space<hbm>>) dst(%arg7 : memref<128xi32, #tpu.memory_space<vmem>>)
        tpu.yield
      }) : () -> ()
      %dma_start3A_73 = arith.constant 0 : i32
      %dma_start3A_74 = arith.constant 0 : i32
      %dma_start3A_75 = arith.constant 0 : i32
      %dma_start3A_76 = tpu.memref_slice %arg11[%dma_start3A_73, %dma_start3A_74, %dma_start3A_75] : memref<2x128x128xf32, #tpu.memory_space<vmem>> -> memref<1x128x128xf32, #tpu.memory_space<vmem>>
      %dma_start3A_77 = tpu.memref_squeeze %dma_start3A_76 : memref<1x128x128xf32, #tpu.memory_space<vmem>> -> memref<128x128xf32, #tpu.memory_space<vmem>>
      %dma_start3A_78 = arith.constant 0 : i32
      %dma_start3A_79 = arith.constant 0 : i32
      %dma_start3A_80 = tpu.memref_slice %arg2[%dma_start3A_78, %dma_start3A_79] : memref<1024x128xf32, #tpu.memory_space<hbm>> -> memref<1024x128xf32, #tpu.memory_space<hbm>>
      tpu.enqueue_indirect_dma source(%dma_start3A_80 : memref<1024x128xf32, #tpu.memory_space<hbm>>) target(%dma_start3A_77 : memref<128x128xf32, #tpu.memory_space<vmem>>) offsets(%arg8 : memref<128xi32, #tpu.memory_space<vmem>>) semaphore(%arg13 : memref<!tpu.dma_semaphore, #tpu.memory_space<semaphore_mem>>)
      %dma_wait3A_81 = arith.constant 1 : i32
      %dma_wait3A_82 = arith.constant 0 : i32
      %dma_wait3A_83 = arith.constant 0 : i32
      %dma_wait3A_84 = tpu.memref_slice %arg11[%dma_wait3A_81, %dma_wait3A_82, %dma_wait3A_83] : memref<2x128x128xf32, #tpu.memory_space<vmem>> -> memref<1x128x128xf32, #tpu.memory_space<vmem>>
      %dma_wait3A_85 = tpu.memref_squeeze %dma_wait3A_84 : memref<1x128x128xf32, #tpu.memory_space<vmem>> -> memref<128x128xf32, #tpu.memory_space<vmem>>
      %dma_wait3A_86 = arith.constant 0 : i32
      %dma_wait3A_87 = arith.constant 0 : i32
      %dma_wait3A_88 = tpu.memref_slice %arg2[%dma_wait3A_86, %dma_wait3A_87] : memref<1024x128xf32, #tpu.memory_space<hbm>> -> memref<1024x128xf32, #tpu.memory_space<hbm>>
      tpu.wait_indirect_dma semaphore(%arg14 : memref<!tpu.dma_semaphore, #tpu.memory_space<semaphore_mem>>) src(%dma_wait3A_88 : memref<1024x128xf32, #tpu.memory_space<hbm>>) dst(%dma_wait3A_85 : memref<128x128xf32, #tpu.memory_space<vmem>>)
      %run_scoped3A_89 = arith.constant 1 : i32
      "tpu.region"() ({
        %run_scoped3A_90 = tpu.sem_alloc : memref<!tpu.dma_semaphore, #tpu.memory_space<semaphore_mem>>
        %dma_start3A_91 = arith.constant 0 : i32
        %dma_start3A_92 = arith.constant 0 : i32
        %dma_start3A_93 = tpu.memref_slice %arg11[%run_scoped3A_89, %dma_start3A_91, %dma_start3A_92] : memref<2x128x128xf32, #tpu.memory_space<vmem>> -> memref<1x128x128xf32, #tpu.memory_space<vmem>>
        %dma_start3A_94 = tpu.memref_squeeze %dma_start3A_93 : memref<1x128x128xf32, #tpu.memory_space<vmem>> -> memref<128x128xf32, #tpu.memory_space<vmem>>
        %dma_start3A_95 = arith.constant 0 : i32
        %dma_start3A_96 = arith.constant 0 : i32
        %dma_start3A_97 = tpu.memref_slice %arg12[%dma_start3A_95, %dma_start3A_96] : memref<1280x128xf32, #tpu.memory_space<vmem_shared>> -> memref<1280x128xf32, #tpu.memory_space<vmem_shared>>
        tpu.enqueue_indirect_dma source(%dma_start3A_94 : memref<128x128xf32, #tpu.memory_space<vmem>>) target(%dma_start3A_97 : memref<1280x128xf32, #tpu.memory_space<vmem_shared>>) offsets(%arg9 : memref<128xi32, #tpu.memory_space<vmem>>) semaphore(%run_scoped3A_90 : memref<!tpu.dma_semaphore, #tpu.memory_space<semaphore_mem>>) {add = true}
        %dma_wait3A_98 = arith.constant 0 : i32
        %dma_wait3A_99 = arith.constant 0 : i32
        %dma_wait3A_100 = tpu.memref_slice %arg11[%run_scoped3A_89, %dma_wait3A_98, %dma_wait3A_99] : memref<2x128x128xf32, #tpu.memory_space<vmem>> -> memref<1x128x128xf32, #tpu.memory_space<vmem>>
        %dma_wait3A_101 = tpu.memref_squeeze %dma_wait3A_100 : memref<1x128x128xf32, #tpu.memory_space<vmem>> -> memref<128x128xf32, #tpu.memory_space<vmem>>
        %dma_wait3A_102 = arith.constant 0 : i32
        %dma_wait3A_103 = arith.constant 0 : i32
        %dma_wait3A_104 = tpu.memref_slice %arg12[%dma_wait3A_102, %dma_wait3A_103] : memref<1280x128xf32, #tpu.memory_space<vmem_shared>> -> memref<1280x128xf32, #tpu.memory_space<vmem_shared>>
        tpu.wait_indirect_dma semaphore(%run_scoped3A_90 : memref<!tpu.dma_semaphore, #tpu.memory_space<semaphore_mem>>) src(%dma_wait3A_101 : memref<128x128xf32, #tpu.memory_space<vmem>>) dst(%dma_wait3A_104 : memref<1280x128xf32, #tpu.memory_space<vmem_shared>>)
        tpu.yield
      }) : () -> ()
    }
    %scan3A_13 = arith.constant 19 : i32
    %add3A_14 = arith.constant 78 : i32
    %add3A_15 = arith.addi %add3A_14, %arg0 : i32
    "tpu.region"() ({
      %run_scoped3A_43 = tpu.sem_alloc : memref<!tpu.dma_semaphore, #tpu.memory_space<semaphore_mem>>
      %dma_start3A_44 = arith.constant 0 : i32
      %dma_start3A_45 = tpu.memref_slice %arg4[%arg1, %add3A_15, %dma_start3A_44] : memref<16x80x128xi32, #tpu.memory_space<hbm>> -> memref<1x1x128xi32, #tpu.memory_space<hbm>>
      %dma_start3A_46 = tpu.memref_squeeze %dma_start3A_45 : memref<1x1x128xi32, #tpu.memory_space<hbm>> -> memref<128xi32, #tpu.memory_space<hbm>>
      %dma_start3A_47 = arith.constant 0 : i32
      %dma_start3A_48 = tpu.memref_slice %arg4[%arg1, %add3A_15, %dma_start3A_47] : memref<16x80x128xi32, #tpu.memory_space<hbm>> -> memref<1x1x128xi32, #tpu.memory_space<hbm>>
      %dma_start3A_49 = tpu.memref_squeeze %dma_start3A_48 : memref<1x1x128xi32, #tpu.memory_space<hbm>> -> memref<128xi32, #tpu.memory_space<hbm>>
      tpu.enqueue_dma source(%dma_start3A_49 : memref<128xi32, #tpu.memory_space<hbm>>) target(%arg10 : memref<128xi32, #tpu.memory_space<vmem>>) target_semaphore(%run_scoped3A_43 : memref<!tpu.dma_semaphore, #tpu.memory_space<semaphore_mem>>)
      %dma_wait3A_50 = arith.constant 0 : i32
      %dma_wait3A_51 = tpu.memref_slice %arg4[%arg1, %add3A_15, %dma_wait3A_50] : memref<16x80x128xi32, #tpu.memory_space<hbm>> -> memref<1x1x128xi32, #tpu.memory_space<hbm>>
      %dma_wait3A_52 = tpu.memref_squeeze %dma_wait3A_51 : memref<1x1x128xi32, #tpu.memory_space<hbm>> -> memref<128xi32, #tpu.memory_space<hbm>>
      %dma_wait3A_53 = arith.constant 0 : i32
      %dma_wait3A_54 = tpu.memref_slice %arg4[%arg1, %add3A_15, %dma_wait3A_53] : memref<16x80x128xi32, #tpu.memory_space<hbm>> -> memref<1x1x128xi32, #tpu.memory_space<hbm>>
      %dma_wait3A_55 = tpu.memref_squeeze %dma_wait3A_54 : memref<1x1x128xi32, #tpu.memory_space<hbm>> -> memref<128xi32, #tpu.memory_space<hbm>>
      tpu.wait_dma2 semaphore(%run_scoped3A_43 : memref<!tpu.dma_semaphore, #tpu.memory_space<semaphore_mem>>) src(%dma_wait3A_55 : memref<128xi32, #tpu.memory_space<hbm>>) dst(%arg10 : memref<128xi32, #tpu.memory_space<vmem>>)
      tpu.yield
    }) : () -> ()
    "tpu.region"() ({
      %run_scoped3A_43 = tpu.sem_alloc : memref<!tpu.dma_semaphore, #tpu.memory_space<semaphore_mem>>
      %dma_start3A_44 = arith.constant 0 : i32
      %dma_start3A_45 = tpu.memref_slice %arg3[%arg1, %add3A_15, %dma_start3A_44] : memref<16x80x128xi32, #tpu.memory_space<hbm>> -> memref<1x1x128xi32, #tpu.memory_space<hbm>>
      %dma_start3A_46 = tpu.memref_squeeze %dma_start3A_45 : memref<1x1x128xi32, #tpu.memory_space<hbm>> -> memref<128xi32, #tpu.memory_space<hbm>>
      %dma_start3A_47 = arith.constant 0 : i32
      %dma_start3A_48 = tpu.memref_slice %arg3[%arg1, %add3A_15, %dma_start3A_47] : memref<16x80x128xi32, #tpu.memory_space<hbm>> -> memref<1x1x128xi32, #tpu.memory_space<hbm>>
      %dma_start3A_49 = tpu.memref_squeeze %dma_start3A_48 : memref<1x1x128xi32, #tpu.memory_space<hbm>> -> memref<128xi32, #tpu.memory_space<hbm>>
      tpu.enqueue_dma source(%dma_start3A_49 : memref<128xi32, #tpu.memory_space<hbm>>) target(%arg9 : memref<128xi32, #tpu.memory_space<vmem>>) target_semaphore(%run_scoped3A_43 : memref<!tpu.dma_semaphore, #tpu.memory_space<semaphore_mem>>)
      %dma_wait3A_50 = arith.constant 0 : i32
      %dma_wait3A_51 = tpu.memref_slice %arg3[%arg1, %add3A_15, %dma_wait3A_50] : memref<16x80x128xi32, #tpu.memory_space<hbm>> -> memref<1x1x128xi32, #tpu.memory_space<hbm>>
      %dma_wait3A_52 = tpu.memref_squeeze %dma_wait3A_51 : memref<1x1x128xi32, #tpu.memory_space<hbm>> -> memref<128xi32, #tpu.memory_space<hbm>>
      %dma_wait3A_53 = arith.constant 0 : i32
      %dma_wait3A_54 = tpu.memref_slice %arg3[%arg1, %add3A_15, %dma_wait3A_53] : memref<16x80x128xi32, #tpu.memory_space<hbm>> -> memref<1x1x128xi32, #tpu.memory_space<hbm>>
      %dma_wait3A_55 = tpu.memref_squeeze %dma_wait3A_54 : memref<1x1x128xi32, #tpu.memory_space<hbm>> -> memref<128xi32, #tpu.memory_space<hbm>>
      tpu.wait_dma2 semaphore(%run_scoped3A_43 : memref<!tpu.dma_semaphore, #tpu.memory_space<semaphore_mem>>) src(%dma_wait3A_55 : memref<128xi32, #tpu.memory_space<hbm>>) dst(%arg9 : memref<128xi32, #tpu.memory_space<vmem>>)
      tpu.yield
    }) : () -> ()
    %dma_start3A_16 = arith.constant 1 : i32
    %dma_start3A_17 = arith.constant 0 : i32
    %dma_start3A_18 = arith.constant 0 : i32
    %dma_start3A_19 = tpu.memref_slice %arg11[%dma_start3A_16, %dma_start3A_17, %dma_start3A_18] : memref<2x128x128xf32, #tpu.memory_space<vmem>> -> memref<1x128x128xf32, #tpu.memory_space<vmem>>
    %dma_start3A_20 = tpu.memref_squeeze %dma_start3A_19 : memref<1x128x128xf32, #tpu.memory_space<vmem>> -> memref<128x128xf32, #tpu.memory_space<vmem>>
    %dma_start3A_21 = arith.constant 0 : i32
    %dma_start3A_22 = arith.constant 0 : i32
    %dma_start3A_23 = tpu.memref_slice %arg2[%dma_start3A_21, %dma_start3A_22] : memref<1024x128xf32, #tpu.memory_space<hbm>> -> memref<1024x128xf32, #tpu.memory_space<hbm>>
    tpu.enqueue_indirect_dma source(%dma_start3A_23 : memref<1024x128xf32, #tpu.memory_space<hbm>>) target(%dma_start3A_20 : memref<128x128xf32, #tpu.memory_space<vmem>>) offsets(%arg10 : memref<128xi32, #tpu.memory_space<vmem>>) semaphore(%arg14 : memref<!tpu.dma_semaphore, #tpu.memory_space<semaphore_mem>>)
    %dma_wait3A = arith.constant 0 : i32
    %dma_wait3A_24 = arith.constant 0 : i32
    %dma_wait3A_25 = arith.constant 0 : i32
    %dma_wait3A_26 = tpu.memref_slice %arg11[%dma_wait3A, %dma_wait3A_24, %dma_wait3A_25] : memref<2x128x128xf32, #tpu.memory_space<vmem>> -> memref<1x128x128xf32, #tpu.memory_space<vmem>>
    %dma_wait3A_27 = tpu.memref_squeeze %dma_wait3A_26 : memref<1x128x128xf32, #tpu.memory_space<vmem>> -> memref<128x128xf32, #tpu.memory_space<vmem>>
    %dma_wait3A_28 = arith.constant 0 : i32
    %dma_wait3A_29 = arith.constant 0 : i32
    %dma_wait3A_30 = tpu.memref_slice %arg2[%dma_wait3A_28, %dma_wait3A_29] : memref<1024x128xf32, #tpu.memory_space<hbm>> -> memref<1024x128xf32, #tpu.memory_space<hbm>>
    tpu.wait_indirect_dma semaphore(%arg13 : memref<!tpu.dma_semaphore, #tpu.memory_space<semaphore_mem>>) src(%dma_wait3A_30 : memref<1024x128xf32, #tpu.memory_space<hbm>>) dst(%dma_wait3A_27 : memref<128x128xf32, #tpu.memory_space<vmem>>)
    %run_scoped3A = arith.constant 0 : i32
    "tpu.region"() ({
      %run_scoped3A_43 = tpu.sem_alloc : memref<!tpu.dma_semaphore, #tpu.memory_space<semaphore_mem>>
      %dma_start3A_44 = arith.constant 0 : i32
      %dma_start3A_45 = arith.constant 0 : i32
      %dma_start3A_46 = tpu.memref_slice %arg11[%run_scoped3A, %dma_start3A_44, %dma_start3A_45] : memref<2x128x128xf32, #tpu.memory_space<vmem>> -> memref<1x128x128xf32, #tpu.memory_space<vmem>>
      %dma_start3A_47 = tpu.memref_squeeze %dma_start3A_46 : memref<1x128x128xf32, #tpu.memory_space<vmem>> -> memref<128x128xf32, #tpu.memory_space<vmem>>
      %dma_start3A_48 = arith.constant 0 : i32
      %dma_start3A_49 = arith.constant 0 : i32
      %dma_start3A_50 = tpu.memref_slice %arg12[%dma_start3A_48, %dma_start3A_49] : memref<1280x128xf32, #tpu.memory_space<vmem_shared>> -> memref<1280x128xf32, #tpu.memory_space<vmem_shared>>
      tpu.enqueue_indirect_dma source(%dma_start3A_47 : memref<128x128xf32, #tpu.memory_space<vmem>>) target(%dma_start3A_50 : memref<1280x128xf32, #tpu.memory_space<vmem_shared>>) offsets(%arg7 : memref<128xi32, #tpu.memory_space<vmem>>) semaphore(%run_scoped3A_43 : memref<!tpu.dma_semaphore, #tpu.memory_space<semaphore_mem>>) {add = true}
      %dma_wait3A_51 = arith.constant 0 : i32
      %dma_wait3A_52 = arith.constant 0 : i32
      %dma_wait3A_53 = tpu.memref_slice %arg11[%run_scoped3A, %dma_wait3A_51, %dma_wait3A_52] : memref<2x128x128xf32, #tpu.memory_space<vmem>> -> memref<1x128x128xf32, #tpu.memory_space<vmem>>
      %dma_wait3A_54 = tpu.memref_squeeze %dma_wait3A_53 : memref<1x128x128xf32, #tpu.memory_space<vmem>> -> memref<128x128xf32, #tpu.memory_space<vmem>>
      %dma_wait3A_55 = arith.constant 0 : i32
      %dma_wait3A_56 = arith.constant 0 : i32
      %dma_wait3A_57 = tpu.memref_slice %arg12[%dma_wait3A_55, %dma_wait3A_56] : memref<1280x128xf32, #tpu.memory_space<vmem_shared>> -> memref<1280x128xf32, #tpu.memory_space<vmem_shared>>
      tpu.wait_indirect_dma semaphore(%run_scoped3A_43 : memref<!tpu.dma_semaphore, #tpu.memory_space<semaphore_mem>>) src(%dma_wait3A_54 : memref<128x128xf32, #tpu.memory_space<vmem>>) dst(%dma_wait3A_57 : memref<1280x128xf32, #tpu.memory_space<vmem_shared>>)
      tpu.yield
    }) : () -> ()
    %dma_wait3A_31 = arith.constant 1 : i32
    %dma_wait3A_32 = arith.constant 0 : i32
    %dma_wait3A_33 = arith.constant 0 : i32
    %dma_wait3A_34 = tpu.memref_slice %arg11[%dma_wait3A_31, %dma_wait3A_32, %dma_wait3A_33] : memref<2x128x128xf32, #tpu.memory_space<vmem>> -> memref<1x128x128xf32, #tpu.memory_space<vmem>>
    %dma_wait3A_35 = tpu.memref_squeeze %dma_wait3A_34 : memref<1x128x128xf32, #tpu.memory_space<vmem>> -> memref<128x128xf32, #tpu.memory_space<vmem>>
    %dma_wait3A_36 = arith.constant 0 : i32
    %dma_wait3A_37 = arith.constant 0 : i32
    %dma_wait3A_38 = tpu.memref_slice %arg2[%dma_wait3A_36, %dma_wait3A_37] : memref<1024x128xf32, #tpu.memory_space<hbm>> -> memref<1024x128xf32, #tpu.memory_space<hbm>>
    tpu.wait_indirect_dma semaphore(%arg14 : memref<!tpu.dma_semaphore, #tpu.memory_space<semaphore_mem>>) src(%dma_wait3A_38 : memref<1024x128xf32, #tpu.memory_space<hbm>>) dst(%dma_wait3A_35 : memref<128x128xf32, #tpu.memory_space<vmem>>)
    %run_scoped3A_39 = arith.constant 1 : i32
    "tpu.region"() ({
      %run_scoped3A_43 = tpu.sem_alloc : memref<!tpu.dma_semaphore, #tpu.memory_space<semaphore_mem>>
      %dma_start3A_44 = arith.constant 0 : i32
      %dma_start3A_45 = arith.constant 0 : i32
      %dma_start3A_46 = tpu.memref_slice %arg11[%run_scoped3A_39, %dma_start3A_44, %dma_start3A_45] : memref<2x128x128xf32, #tpu.memory_space<vmem>> -> memref<1x128x128xf32, #tpu.memory_space<vmem>>
      %dma_start3A_47 = tpu.memref_squeeze %dma_start3A_46 : memref<1x128x128xf32, #tpu.memory_space<vmem>> -> memref<128x128xf32, #tpu.memory_space<vmem>>
      %dma_start3A_48 = arith.constant 0 : i32
      %dma_start3A_49 = arith.constant 0 : i32
      %dma_start3A_50 = tpu.memref_slice %arg12[%dma_start3A_48, %dma_start3A_49] : memref<1280x128xf32, #tpu.memory_space<vmem_shared>> -> memref<1280x128xf32, #tpu.memory_space<vmem_shared>>
      tpu.enqueue_indirect_dma source(%dma_start3A_47 : memref<128x128xf32, #tpu.memory_space<vmem>>) target(%dma_start3A_50 : memref<1280x128xf32, #tpu.memory_space<vmem_shared>>) offsets(%arg9 : memref<128xi32, #tpu.memory_space<vmem>>) semaphore(%run_scoped3A_43 : memref<!tpu.dma_semaphore, #tpu.memory_space<semaphore_mem>>) {add = true}
      %dma_wait3A_51 = arith.constant 0 : i32
      %dma_wait3A_52 = arith.constant 0 : i32
      %dma_wait3A_53 = tpu.memref_slice %arg11[%run_scoped3A_39, %dma_wait3A_51, %dma_wait3A_52] : memref<2x128x128xf32, #tpu.memory_space<vmem>> -> memref<1x128x128xf32, #tpu.memory_space<vmem>>
      %dma_wait3A_54 = tpu.memref_squeeze %dma_wait3A_53 : memref<1x128x128xf32, #tpu.memory_space<vmem>> -> memref<128x128xf32, #tpu.memory_space<vmem>>
      %dma_wait3A_55 = arith.constant 0 : i32
      %dma_wait3A_56 = arith.constant 0 : i32
      %dma_wait3A_57 = tpu.memref_slice %arg12[%dma_wait3A_55, %dma_wait3A_56] : memref<1280x128xf32, #tpu.memory_space<vmem_shared>> -> memref<1280x128xf32, #tpu.memory_space<vmem_shared>>
      tpu.wait_indirect_dma semaphore(%run_scoped3A_43 : memref<!tpu.dma_semaphore, #tpu.memory_space<semaphore_mem>>) src(%dma_wait3A_54 : memref<128x128xf32, #tpu.memory_space<vmem>>) dst(%dma_wait3A_57 : memref<1280x128xf32, #tpu.memory_space<vmem_shared>>)
      tpu.yield
    }) : () -> ()
    %barrier3A_40 = arith.constant 0 : index
    tpu.barrier barrier_id(%barrier3A_40)
    %run_scoped3A_41 = arith.constant 0 : i32
    "tpu.region"() ({
      %run_scoped3A_43 = tpu.sem_alloc : memref<!tpu.dma_semaphore, #tpu.memory_space<semaphore_mem>>
      %dma_start3A_44 = arith.constant 0 : i32
      %dma_start3A_45 = arith.constant 0 : i32
      %dma_start3A_46 = tpu.memref_slice %arg11[%run_scoped3A_41, %dma_start3A_44, %dma_start3A_45] : memref<2x128x128xf32, #tpu.memory_space<vmem>> -> memref<1x80x128xf32, #tpu.memory_space<vmem>>
      %dma_start3A_47 = tpu.memref_squeeze %dma_start3A_46 : memref<1x80x128xf32, #tpu.memory_space<vmem>> -> memref<80x128xf32, #tpu.memory_space<vmem>>
      %dma_start3A_48 = arith.constant 0 : i32
      %dma_start3A_49 = tpu.memref_slice %arg12[%mul3A_0, %dma_start3A_48] : memref<1280x128xf32, #tpu.memory_space<vmem_shared>> -> memref<80x128xf32, #tpu.memory_space<vmem_shared>>
      %dma_start3A_50 = arith.constant 0 : i32
      %dma_start3A_51 = arith.constant 0 : i32
      %dma_start3A_52 = tpu.memref_slice %arg11[%run_scoped3A_41, %dma_start3A_50, %dma_start3A_51] : memref<2x128x128xf32, #tpu.memory_space<vmem>> -> memref<1x80x128xf32, #tpu.memory_space<vmem>>
      %dma_start3A_53 = tpu.memref_squeeze %dma_start3A_52 : memref<1x80x128xf32, #tpu.memory_space<vmem>> -> memref<80x128xf32, #tpu.memory_space<vmem>>
      %dma_start3A_54 = arith.constant 0 : i32
      %dma_start3A_55 = tpu.memref_slice %arg12[%mul3A_0, %dma_start3A_54] : memref<1280x128xf32, #tpu.memory_space<vmem_shared>> -> memref<80x128xf32, #tpu.memory_space<vmem_shared>>
      tpu.enqueue_dma source(%dma_start3A_55 : memref<80x128xf32, #tpu.memory_space<vmem_shared>>) target(%dma_start3A_53 : memref<80x128xf32, #tpu.memory_space<vmem>>) target_semaphore(%run_scoped3A_43 : memref<!tpu.dma_semaphore, #tpu.memory_space<semaphore_mem>>)
      %dma_wait3A_56 = arith.constant 0 : i32
      %dma_wait3A_57 = arith.constant 0 : i32
      %dma_wait3A_58 = tpu.memref_slice %arg11[%run_scoped3A_41, %dma_wait3A_56, %dma_wait3A_57] : memref<2x128x128xf32, #tpu.memory_space<vmem>> -> memref<1x80x128xf32, #tpu.memory_space<vmem>>
      %dma_wait3A_59 = tpu.memref_squeeze %dma_wait3A_58 : memref<1x80x128xf32, #tpu.memory_space<vmem>> -> memref<80x128xf32, #tpu.memory_space<vmem>>
      %dma_wait3A_60 = arith.constant 0 : i32
      %dma_wait3A_61 = tpu.memref_slice %arg12[%mul3A_0, %dma_wait3A_60] : memref<1280x128xf32, #tpu.memory_space<vmem_shared>> -> memref<80x128xf32, #tpu.memory_space<vmem_shared>>
      %dma_wait3A_62 = arith.constant 0 : i32
      %dma_wait3A_63 = arith.constant 0 : i32
      %dma_wait3A_64 = tpu.memref_slice %arg11[%run_scoped3A_41, %dma_wait3A_62, %dma_wait3A_63] : memref<2x128x128xf32, #tpu.memory_space<vmem>> -> memref<1x80x128xf32, #tpu.memory_space<vmem>>
      %dma_wait3A_65 = tpu.memref_squeeze %dma_wait3A_64 : memref<1x80x128xf32, #tpu.memory_space<vmem>> -> memref<80x128xf32, #tpu.memory_space<vmem>>
      %dma_wait3A_66 = arith.constant 0 : i32
      %dma_wait3A_67 = tpu.memref_slice %arg12[%mul3A_0, %dma_wait3A_66] : memref<1280x128xf32, #tpu.memory_space<vmem_shared>> -> memref<80x128xf32, #tpu.memory_space<vmem_shared>>
      tpu.wait_dma2 semaphore(%run_scoped3A_43 : memref<!tpu.dma_semaphore, #tpu.memory_space<semaphore_mem>>) src(%dma_wait3A_67 : memref<80x128xf32, #tpu.memory_space<vmem_shared>>) dst(%dma_wait3A_65 : memref<80x128xf32, #tpu.memory_space<vmem>>)
      tpu.yield
    }) : () -> ()
    %run_scoped3A_42 = arith.constant 0 : i32
    "tpu.region"() ({
      %run_scoped3A_43 = tpu.sem_alloc : memref<!tpu.dma_semaphore, #tpu.memory_space<semaphore_mem>>
      %dma_start3A_44 = arith.constant 0 : i32
      %dma_start3A_45 = arith.constant 0 : i32
      %dma_start3A_46 = tpu.memref_slice %arg11[%run_scoped3A_42, %dma_start3A_44, %dma_start3A_45] : memref<2x128x128xf32, #tpu.memory_space<vmem>> -> memref<1x80x128xf32, #tpu.memory_space<vmem>>
      %dma_start3A_47 = tpu.memref_squeeze %dma_start3A_46 : memref<1x80x128xf32, #tpu.memory_space<vmem>> -> memref<80x128xf32, #tpu.memory_space<vmem>>
      %dma_start3A_48 = arith.constant 0 : i32
      %dma_start3A_49 = tpu.memref_slice %arg6[%arg0, %mul3A_0, %dma_start3A_48] : memref<2x1280x128xf32, #tpu.memory_space<hbm>> -> memref<1x80x128xf32, #tpu.memory_space<hbm>>
      %dma_start3A_50 = tpu.memref_squeeze %dma_start3A_49 : memref<1x80x128xf32, #tpu.memory_space<hbm>> -> memref<80x128xf32, #tpu.memory_space<hbm>>
      %dma_start3A_51 = arith.constant 0 : i32
      %dma_start3A_52 = tpu.memref_slice %arg6[%arg0, %mul3A_0, %dma_start3A_51] : memref<2x1280x128xf32, #tpu.memory_space<hbm>> -> memref<1x80x128xf32, #tpu.memory_space<hbm>>
      %dma_start3A_53 = tpu.memref_squeeze %dma_start3A_52 : memref<1x80x128xf32, #tpu.memory_space<hbm>> -> memref<80x128xf32, #tpu.memory_space<hbm>>
      %dma_start3A_54 = arith.constant 0 : i32
      %dma_start3A_55 = arith.constant 0 : i32
      %dma_start3A_56 = tpu.memref_slice %arg11[%run_scoped3A_42, %dma_start3A_54, %dma_start3A_55] : memref<2x128x128xf32, #tpu.memory_space<vmem>> -> memref<1x80x128xf32, #tpu.memory_space<vmem>>
      %dma_start3A_57 = tpu.memref_squeeze %dma_start3A_56 : memref<1x80x128xf32, #tpu.memory_space<vmem>> -> memref<80x128xf32, #tpu.memory_space<vmem>>
      tpu.enqueue_dma source(%dma_start3A_57 : memref<80x128xf32, #tpu.memory_space<vmem>>) target(%dma_start3A_53 : memref<80x128xf32, #tpu.memory_space<hbm>>) target_semaphore(%run_scoped3A_43 : memref<!tpu.dma_semaphore, #tpu.memory_space<semaphore_mem>>)
      %dma_wait3A_58 = arith.constant 0 : i32
      %dma_wait3A_59 = arith.constant 0 : i32
      %dma_wait3A_60 = tpu.memref_slice %arg11[%run_scoped3A_42, %dma_wait3A_58, %dma_wait3A_59] : memref<2x128x128xf32, #tpu.memory_space<vmem>> -> memref<1x80x128xf32, #tpu.memory_space<vmem>>
      %dma_wait3A_61 = tpu.memref_squeeze %dma_wait3A_60 : memref<1x80x128xf32, #tpu.memory_space<vmem>> -> memref<80x128xf32, #tpu.memory_space<vmem>>
      %dma_wait3A_62 = arith.constant 0 : i32
      %dma_wait3A_63 = tpu.memref_slice %arg6[%arg0, %mul3A_0, %dma_wait3A_62] : memref<2x1280x128xf32, #tpu.memory_space<hbm>> -> memref<1x80x128xf32, #tpu.memory_space<hbm>>
      %dma_wait3A_64 = tpu.memref_squeeze %dma_wait3A_63 : memref<1x80x128xf32, #tpu.memory_space<hbm>> -> memref<80x128xf32, #tpu.memory_space<hbm>>
      %dma_wait3A_65 = arith.constant 0 : i32
      %dma_wait3A_66 = tpu.memref_slice %arg6[%arg0, %mul3A_0, %dma_wait3A_65] : memref<2x1280x128xf32, #tpu.memory_space<hbm>> -> memref<1x80x128xf32, #tpu.memory_space<hbm>>
      %dma_wait3A_67 = tpu.memref_squeeze %dma_wait3A_66 : memref<1x80x128xf32, #tpu.memory_space<hbm>> -> memref<80x128xf32, #tpu.memory_space<hbm>>
      %dma_wait3A_68 = arith.constant 0 : i32
      %dma_wait3A_69 = arith.constant 0 : i32
      %dma_wait3A_70 = tpu.memref_slice %arg11[%run_scoped3A_42, %dma_wait3A_68, %dma_wait3A_69] : memref<2x128x128xf32, #tpu.memory_space<vmem>> -> memref<1x80x128xf32, #tpu.memory_space<vmem>>
      %dma_wait3A_71 = tpu.memref_squeeze %dma_wait3A_70 : memref<1x80x128xf32, #tpu.memory_space<vmem>> -> memref<80x128xf32, #tpu.memory_space<vmem>>
      tpu.wait_dma2 semaphore(%run_scoped3A_43 : memref<!tpu.dma_semaphore, #tpu.memory_space<semaphore_mem>>) src(%dma_wait3A_71 : memref<80x128xf32, #tpu.memory_space<vmem>>) dst(%dma_wait3A_67 : memref<80x128xf32, #tpu.memory_space<hbm>>)
      tpu.yield
    }) : () -> ()
    return
  }
}

#map = affine_map<(d0, d1) -> (0, 0)>
#map1 = affine_map<(d0, d1) -> (0, 0, 0, 0)>
#map2 = affine_map<(d0, d1) -> (0, 0, 0)>
module attributes {stable_mosaic.version = 14 : i64} {
  func.func @_sc_agg_body(%arg0: i32, %arg1: i32, %arg2: memref<20000x128xf32, #tpu.memory_space<hbm>>, %arg3: memref<2x16x80x128xi32, #tpu.memory_space<hbm>>, %arg4: memref<16x80x128xi32, #tpu.memory_space<hbm>>, %arg5: memref<128x128xf32, #tpu.memory_space<hbm>>, %arg6: memref<2x10112x128xf32, #tpu.memory_space<hbm>>, %arg7: memref<8x128xi32, #tpu.memory_space<vmem>>, %arg8: memref<8x128xi32, #tpu.memory_space<vmem>>, %arg9: memref<2x128x128xf32, #tpu.memory_space<vmem>>, %arg10: memref<10112x128xf32, #tpu.memory_space<vmem_shared>>, %arg11: memref<!tpu.dma_semaphore, #tpu.memory_space<semaphore_mem>>, %arg12: memref<!tpu.dma_semaphore, #tpu.memory_space<semaphore_mem>>) attributes {dimension_semantics = [#tpu.dimension_semantics<core_parallel>, #tpu.dimension_semantics<subcore_parallel>], iteration_bounds = array<i64: 2, 16>, scalar_prefetch = 0 : i64, scratch_operands = 6 : i64, tpu.core_type = #tpu.core_type<sc_vector_subcore>, window_params = [{transform_indices = #map}, {transform_indices = #map1}, {transform_indices = #map2}, {transform_indices = #map}, {transform_indices = #map2}]} {
    %mul3A = arith.constant 632 : i32
    %mul3A_0 = arith.muli %arg1, %mul3A : i32
    %run_scoped3A = arith.constant 0 : i32
    "tpu.region"() ({
      %run_scoped3A_51 = tpu.sem_alloc : memref<!tpu.dma_semaphore, #tpu.memory_space<semaphore_mem>>
      %dma_start3A = arith.constant 0 : i32
      %dma_start3A_52 = arith.constant 0 : i32
      %dma_start3A_53 = tpu.memref_slice %arg9[%run_scoped3A, %dma_start3A, %dma_start3A_52] : memref<2x128x128xf32, #tpu.memory_space<vmem>> -> memref<1x128x128xf32, #tpu.memory_space<vmem>>
      %dma_start3A_54 = tpu.memref_squeeze %dma_start3A_53 : memref<1x128x128xf32, #tpu.memory_space<vmem>> -> memref<128x128xf32, #tpu.memory_space<vmem>>
      %dma_start3A_55 = arith.constant 0 : i32
      %dma_start3A_56 = arith.constant 0 : i32
      %dma_start3A_57 = tpu.memref_slice %arg9[%run_scoped3A, %dma_start3A_55, %dma_start3A_56] : memref<2x128x128xf32, #tpu.memory_space<vmem>> -> memref<1x128x128xf32, #tpu.memory_space<vmem>>
      %dma_start3A_58 = tpu.memref_squeeze %dma_start3A_57 : memref<1x128x128xf32, #tpu.memory_space<vmem>> -> memref<128x128xf32, #tpu.memory_space<vmem>>
      tpu.enqueue_dma source(%arg5 : memref<128x128xf32, #tpu.memory_space<hbm>>) target(%dma_start3A_58 : memref<128x128xf32, #tpu.memory_space<vmem>>) target_semaphore(%run_scoped3A_51 : memref<!tpu.dma_semaphore, #tpu.memory_space<semaphore_mem>>)
      %dma_wait3A = arith.constant 0 : i32
      %dma_wait3A_59 = arith.constant 0 : i32
      %dma_wait3A_60 = tpu.memref_slice %arg9[%run_scoped3A, %dma_wait3A, %dma_wait3A_59] : memref<2x128x128xf32, #tpu.memory_space<vmem>> -> memref<1x128x128xf32, #tpu.memory_space<vmem>>
      %dma_wait3A_61 = tpu.memref_squeeze %dma_wait3A_60 : memref<1x128x128xf32, #tpu.memory_space<vmem>> -> memref<128x128xf32, #tpu.memory_space<vmem>>
      %dma_wait3A_62 = arith.constant 0 : i32
      %dma_wait3A_63 = arith.constant 0 : i32
      %dma_wait3A_64 = tpu.memref_slice %arg9[%run_scoped3A, %dma_wait3A_62, %dma_wait3A_63] : memref<2x128x128xf32, #tpu.memory_space<vmem>> -> memref<1x128x128xf32, #tpu.memory_space<vmem>>
      %dma_wait3A_65 = tpu.memref_squeeze %dma_wait3A_64 : memref<1x128x128xf32, #tpu.memory_space<vmem>> -> memref<128x128xf32, #tpu.memory_space<vmem>>
      tpu.wait_dma2 semaphore(%run_scoped3A_51 : memref<!tpu.dma_semaphore, #tpu.memory_space<semaphore_mem>>) src(%arg5 : memref<128x128xf32, #tpu.memory_space<hbm>>) dst(%dma_wait3A_65 : memref<128x128xf32, #tpu.memory_space<vmem>>)
      tpu.yield
    }) : () -> ()
    %add3A = arith.constant 0 : i32
    %add3A_1 = arith.addi %mul3A_0, %add3A : i32
    %run_scoped3A_2 = arith.constant 0 : i32
    "tpu.region"() ({
      %run_scoped3A_51 = tpu.sem_alloc : memref<!tpu.dma_semaphore, #tpu.memory_space<semaphore_mem>>
      %dma_start3A = arith.constant 0 : i32
      %dma_start3A_52 = arith.constant 0 : i32
      %dma_start3A_53 = tpu.memref_slice %arg9[%run_scoped3A_2, %dma_start3A, %dma_start3A_52] : memref<2x128x128xf32, #tpu.memory_space<vmem>> -> memref<1x128x128xf32, #tpu.memory_space<vmem>>
      %dma_start3A_54 = tpu.memref_squeeze %dma_start3A_53 : memref<1x128x128xf32, #tpu.memory_space<vmem>> -> memref<128x128xf32, #tpu.memory_space<vmem>>
      %dma_start3A_55 = arith.constant 0 : i32
      %dma_start3A_56 = tpu.memref_slice %arg10[%add3A_1, %dma_start3A_55] : memref<10112x128xf32, #tpu.memory_space<vmem_shared>> -> memref<128x128xf32, #tpu.memory_space<vmem_shared>>
      %dma_start3A_57 = arith.constant 0 : i32
      %dma_start3A_58 = tpu.memref_slice %arg10[%add3A_1, %dma_start3A_57] : memref<10112x128xf32, #tpu.memory_space<vmem_shared>> -> memref<128x128xf32, #tpu.memory_space<vmem_shared>>
      %dma_start3A_59 = arith.constant 0 : i32
      %dma_start3A_60 = arith.constant 0 : i32
      %dma_start3A_61 = tpu.memref_slice %arg9[%run_scoped3A_2, %dma_start3A_59, %dma_start3A_60] : memref<2x128x128xf32, #tpu.memory_space<vmem>> -> memref<1x128x128xf32, #tpu.memory_space<vmem>>
      %dma_start3A_62 = tpu.memref_squeeze %dma_start3A_61 : memref<1x128x128xf32, #tpu.memory_space<vmem>> -> memref<128x128xf32, #tpu.memory_space<vmem>>
      tpu.enqueue_dma source(%dma_start3A_62 : memref<128x128xf32, #tpu.memory_space<vmem>>) target(%dma_start3A_58 : memref<128x128xf32, #tpu.memory_space<vmem_shared>>) target_semaphore(%run_scoped3A_51 : memref<!tpu.dma_semaphore, #tpu.memory_space<semaphore_mem>>)
      %dma_wait3A = arith.constant 0 : i32
      %dma_wait3A_63 = arith.constant 0 : i32
      %dma_wait3A_64 = tpu.memref_slice %arg9[%run_scoped3A_2, %dma_wait3A, %dma_wait3A_63] : memref<2x128x128xf32, #tpu.memory_space<vmem>> -> memref<1x128x128xf32, #tpu.memory_space<vmem>>
      %dma_wait3A_65 = tpu.memref_squeeze %dma_wait3A_64 : memref<1x128x128xf32, #tpu.memory_space<vmem>> -> memref<128x128xf32, #tpu.memory_space<vmem>>
      %dma_wait3A_66 = arith.constant 0 : i32
      %dma_wait3A_67 = tpu.memref_slice %arg10[%add3A_1, %dma_wait3A_66] : memref<10112x128xf32, #tpu.memory_space<vmem_shared>> -> memref<128x128xf32, #tpu.memory_space<vmem_shared>>
      %dma_wait3A_68 = arith.constant 0 : i32
      %dma_wait3A_69 = tpu.memref_slice %arg10[%add3A_1, %dma_wait3A_68] : memref<10112x128xf32, #tpu.memory_space<vmem_shared>> -> memref<128x128xf32, #tpu.memory_space<vmem_shared>>
      %dma_wait3A_70 = arith.constant 0 : i32
      %dma_wait3A_71 = arith.constant 0 : i32
      %dma_wait3A_72 = tpu.memref_slice %arg9[%run_scoped3A_2, %dma_wait3A_70, %dma_wait3A_71] : memref<2x128x128xf32, #tpu.memory_space<vmem>> -> memref<1x128x128xf32, #tpu.memory_space<vmem>>
      %dma_wait3A_73 = tpu.memref_squeeze %dma_wait3A_72 : memref<1x128x128xf32, #tpu.memory_space<vmem>> -> memref<128x128xf32, #tpu.memory_space<vmem>>
      tpu.wait_dma2 semaphore(%run_scoped3A_51 : memref<!tpu.dma_semaphore, #tpu.memory_space<semaphore_mem>>) src(%dma_wait3A_73 : memref<128x128xf32, #tpu.memory_space<vmem>>) dst(%dma_wait3A_69 : memref<128x128xf32, #tpu.memory_space<vmem_shared>>)
      tpu.yield
    }) : () -> ()
    %add3A_3 = arith.constant 128 : i32
    %add3A_4 = arith.addi %mul3A_0, %add3A_3 : i32
    %run_scoped3A_5 = arith.constant 0 : i32
    "tpu.region"() ({
      %run_scoped3A_51 = tpu.sem_alloc : memref<!tpu.dma_semaphore, #tpu.memory_space<semaphore_mem>>
      %dma_start3A = arith.constant 0 : i32
      %dma_start3A_52 = arith.constant 0 : i32
      %dma_start3A_53 = tpu.memref_slice %arg9[%run_scoped3A_5, %dma_start3A, %dma_start3A_52] : memref<2x128x128xf32, #tpu.memory_space<vmem>> -> memref<1x128x128xf32, #tpu.memory_space<vmem>>
      %dma_start3A_54 = tpu.memref_squeeze %dma_start3A_53 : memref<1x128x128xf32, #tpu.memory_space<vmem>> -> memref<128x128xf32, #tpu.memory_space<vmem>>
      %dma_start3A_55 = arith.constant 0 : i32
      %dma_start3A_56 = tpu.memref_slice %arg10[%add3A_4, %dma_start3A_55] : memref<10112x128xf32, #tpu.memory_space<vmem_shared>> -> memref<128x128xf32, #tpu.memory_space<vmem_shared>>
      %dma_start3A_57 = arith.constant 0 : i32
      %dma_start3A_58 = tpu.memref_slice %arg10[%add3A_4, %dma_start3A_57] : memref<10112x128xf32, #tpu.memory_space<vmem_shared>> -> memref<128x128xf32, #tpu.memory_space<vmem_shared>>
      %dma_start3A_59 = arith.constant 0 : i32
      %dma_start3A_60 = arith.constant 0 : i32
      %dma_start3A_61 = tpu.memref_slice %arg9[%run_scoped3A_5, %dma_start3A_59, %dma_start3A_60] : memref<2x128x128xf32, #tpu.memory_space<vmem>> -> memref<1x128x128xf32, #tpu.memory_space<vmem>>
      %dma_start3A_62 = tpu.memref_squeeze %dma_start3A_61 : memref<1x128x128xf32, #tpu.memory_space<vmem>> -> memref<128x128xf32, #tpu.memory_space<vmem>>
      tpu.enqueue_dma source(%dma_start3A_62 : memref<128x128xf32, #tpu.memory_space<vmem>>) target(%dma_start3A_58 : memref<128x128xf32, #tpu.memory_space<vmem_shared>>) target_semaphore(%run_scoped3A_51 : memref<!tpu.dma_semaphore, #tpu.memory_space<semaphore_mem>>)
      %dma_wait3A = arith.constant 0 : i32
      %dma_wait3A_63 = arith.constant 0 : i32
      %dma_wait3A_64 = tpu.memref_slice %arg9[%run_scoped3A_5, %dma_wait3A, %dma_wait3A_63] : memref<2x128x128xf32, #tpu.memory_space<vmem>> -> memref<1x128x128xf32, #tpu.memory_space<vmem>>
      %dma_wait3A_65 = tpu.memref_squeeze %dma_wait3A_64 : memref<1x128x128xf32, #tpu.memory_space<vmem>> -> memref<128x128xf32, #tpu.memory_space<vmem>>
      %dma_wait3A_66 = arith.constant 0 : i32
      %dma_wait3A_67 = tpu.memref_slice %arg10[%add3A_4, %dma_wait3A_66] : memref<10112x128xf32, #tpu.memory_space<vmem_shared>> -> memref<128x128xf32, #tpu.memory_space<vmem_shared>>
      %dma_wait3A_68 = arith.constant 0 : i32
      %dma_wait3A_69 = tpu.memref_slice %arg10[%add3A_4, %dma_wait3A_68] : memref<10112x128xf32, #tpu.memory_space<vmem_shared>> -> memref<128x128xf32, #tpu.memory_space<vmem_shared>>
      %dma_wait3A_70 = arith.constant 0 : i32
      %dma_wait3A_71 = arith.constant 0 : i32
      %dma_wait3A_72 = tpu.memref_slice %arg9[%run_scoped3A_5, %dma_wait3A_70, %dma_wait3A_71] : memref<2x128x128xf32, #tpu.memory_space<vmem>> -> memref<1x128x128xf32, #tpu.memory_space<vmem>>
      %dma_wait3A_73 = tpu.memref_squeeze %dma_wait3A_72 : memref<1x128x128xf32, #tpu.memory_space<vmem>> -> memref<128x128xf32, #tpu.memory_space<vmem>>
      tpu.wait_dma2 semaphore(%run_scoped3A_51 : memref<!tpu.dma_semaphore, #tpu.memory_space<semaphore_mem>>) src(%dma_wait3A_73 : memref<128x128xf32, #tpu.memory_space<vmem>>) dst(%dma_wait3A_69 : memref<128x128xf32, #tpu.memory_space<vmem_shared>>)
      tpu.yield
    }) : () -> ()
    %add3A_6 = arith.constant 256 : i32
    %add3A_7 = arith.addi %mul3A_0, %add3A_6 : i32
    %run_scoped3A_8 = arith.constant 0 : i32
    "tpu.region"() ({
      %run_scoped3A_51 = tpu.sem_alloc : memref<!tpu.dma_semaphore, #tpu.memory_space<semaphore_mem>>
      %dma_start3A = arith.constant 0 : i32
      %dma_start3A_52 = arith.constant 0 : i32
      %dma_start3A_53 = tpu.memref_slice %arg9[%run_scoped3A_8, %dma_start3A, %dma_start3A_52] : memref<2x128x128xf32, #tpu.memory_space<vmem>> -> memref<1x128x128xf32, #tpu.memory_space<vmem>>
      %dma_start3A_54 = tpu.memref_squeeze %dma_start3A_53 : memref<1x128x128xf32, #tpu.memory_space<vmem>> -> memref<128x128xf32, #tpu.memory_space<vmem>>
      %dma_start3A_55 = arith.constant 0 : i32
      %dma_start3A_56 = tpu.memref_slice %arg10[%add3A_7, %dma_start3A_55] : memref<10112x128xf32, #tpu.memory_space<vmem_shared>> -> memref<128x128xf32, #tpu.memory_space<vmem_shared>>
      %dma_start3A_57 = arith.constant 0 : i32
      %dma_start3A_58 = tpu.memref_slice %arg10[%add3A_7, %dma_start3A_57] : memref<10112x128xf32, #tpu.memory_space<vmem_shared>> -> memref<128x128xf32, #tpu.memory_space<vmem_shared>>
      %dma_start3A_59 = arith.constant 0 : i32
      %dma_start3A_60 = arith.constant 0 : i32
      %dma_start3A_61 = tpu.memref_slice %arg9[%run_scoped3A_8, %dma_start3A_59, %dma_start3A_60] : memref<2x128x128xf32, #tpu.memory_space<vmem>> -> memref<1x128x128xf32, #tpu.memory_space<vmem>>
      %dma_start3A_62 = tpu.memref_squeeze %dma_start3A_61 : memref<1x128x128xf32, #tpu.memory_space<vmem>> -> memref<128x128xf32, #tpu.memory_space<vmem>>
      tpu.enqueue_dma source(%dma_start3A_62 : memref<128x128xf32, #tpu.memory_space<vmem>>) target(%dma_start3A_58 : memref<128x128xf32, #tpu.memory_space<vmem_shared>>) target_semaphore(%run_scoped3A_51 : memref<!tpu.dma_semaphore, #tpu.memory_space<semaphore_mem>>)
      %dma_wait3A = arith.constant 0 : i32
      %dma_wait3A_63 = arith.constant 0 : i32
      %dma_wait3A_64 = tpu.memref_slice %arg9[%run_scoped3A_8, %dma_wait3A, %dma_wait3A_63] : memref<2x128x128xf32, #tpu.memory_space<vmem>> -> memref<1x128x128xf32, #tpu.memory_space<vmem>>
      %dma_wait3A_65 = tpu.memref_squeeze %dma_wait3A_64 : memref<1x128x128xf32, #tpu.memory_space<vmem>> -> memref<128x128xf32, #tpu.memory_space<vmem>>
      %dma_wait3A_66 = arith.constant 0 : i32
      %dma_wait3A_67 = tpu.memref_slice %arg10[%add3A_7, %dma_wait3A_66] : memref<10112x128xf32, #tpu.memory_space<vmem_shared>> -> memref<128x128xf32, #tpu.memory_space<vmem_shared>>
      %dma_wait3A_68 = arith.constant 0 : i32
      %dma_wait3A_69 = tpu.memref_slice %arg10[%add3A_7, %dma_wait3A_68] : memref<10112x128xf32, #tpu.memory_space<vmem_shared>> -> memref<128x128xf32, #tpu.memory_space<vmem_shared>>
      %dma_wait3A_70 = arith.constant 0 : i32
      %dma_wait3A_71 = arith.constant 0 : i32
      %dma_wait3A_72 = tpu.memref_slice %arg9[%run_scoped3A_8, %dma_wait3A_70, %dma_wait3A_71] : memref<2x128x128xf32, #tpu.memory_space<vmem>> -> memref<1x128x128xf32, #tpu.memory_space<vmem>>
      %dma_wait3A_73 = tpu.memref_squeeze %dma_wait3A_72 : memref<1x128x128xf32, #tpu.memory_space<vmem>> -> memref<128x128xf32, #tpu.memory_space<vmem>>
      tpu.wait_dma2 semaphore(%run_scoped3A_51 : memref<!tpu.dma_semaphore, #tpu.memory_space<semaphore_mem>>) src(%dma_wait3A_73 : memref<128x128xf32, #tpu.memory_space<vmem>>) dst(%dma_wait3A_69 : memref<128x128xf32, #tpu.memory_space<vmem_shared>>)
      tpu.yield
    }) : () -> ()
    %add3A_9 = arith.constant 384 : i32
    %add3A_10 = arith.addi %mul3A_0, %add3A_9 : i32
    %run_scoped3A_11 = arith.constant 0 : i32
    "tpu.region"() ({
      %run_scoped3A_51 = tpu.sem_alloc : memref<!tpu.dma_semaphore, #tpu.memory_space<semaphore_mem>>
      %dma_start3A = arith.constant 0 : i32
      %dma_start3A_52 = arith.constant 0 : i32
      %dma_start3A_53 = tpu.memref_slice %arg9[%run_scoped3A_11, %dma_start3A, %dma_start3A_52] : memref<2x128x128xf32, #tpu.memory_space<vmem>> -> memref<1x128x128xf32, #tpu.memory_space<vmem>>
      %dma_start3A_54 = tpu.memref_squeeze %dma_start3A_53 : memref<1x128x128xf32, #tpu.memory_space<vmem>> -> memref<128x128xf32, #tpu.memory_space<vmem>>
      %dma_start3A_55 = arith.constant 0 : i32
      %dma_start3A_56 = tpu.memref_slice %arg10[%add3A_10, %dma_start3A_55] : memref<10112x128xf32, #tpu.memory_space<vmem_shared>> -> memref<128x128xf32, #tpu.memory_space<vmem_shared>>
      %dma_start3A_57 = arith.constant 0 : i32
      %dma_start3A_58 = tpu.memref_slice %arg10[%add3A_10, %dma_start3A_57] : memref<10112x128xf32, #tpu.memory_space<vmem_shared>> -> memref<128x128xf32, #tpu.memory_space<vmem_shared>>
      %dma_start3A_59 = arith.constant 0 : i32
      %dma_start3A_60 = arith.constant 0 : i32
      %dma_start3A_61 = tpu.memref_slice %arg9[%run_scoped3A_11, %dma_start3A_59, %dma_start3A_60] : memref<2x128x128xf32, #tpu.memory_space<vmem>> -> memref<1x128x128xf32, #tpu.memory_space<vmem>>
      %dma_start3A_62 = tpu.memref_squeeze %dma_start3A_61 : memref<1x128x128xf32, #tpu.memory_space<vmem>> -> memref<128x128xf32, #tpu.memory_space<vmem>>
      tpu.enqueue_dma source(%dma_start3A_62 : memref<128x128xf32, #tpu.memory_space<vmem>>) target(%dma_start3A_58 : memref<128x128xf32, #tpu.memory_space<vmem_shared>>) target_semaphore(%run_scoped3A_51 : memref<!tpu.dma_semaphore, #tpu.memory_space<semaphore_mem>>)
      %dma_wait3A = arith.constant 0 : i32
      %dma_wait3A_63 = arith.constant 0 : i32
      %dma_wait3A_64 = tpu.memref_slice %arg9[%run_scoped3A_11, %dma_wait3A, %dma_wait3A_63] : memref<2x128x128xf32, #tpu.memory_space<vmem>> -> memref<1x128x128xf32, #tpu.memory_space<vmem>>
      %dma_wait3A_65 = tpu.memref_squeeze %dma_wait3A_64 : memref<1x128x128xf32, #tpu.memory_space<vmem>> -> memref<128x128xf32, #tpu.memory_space<vmem>>
      %dma_wait3A_66 = arith.constant 0 : i32
      %dma_wait3A_67 = tpu.memref_slice %arg10[%add3A_10, %dma_wait3A_66] : memref<10112x128xf32, #tpu.memory_space<vmem_shared>> -> memref<128x128xf32, #tpu.memory_space<vmem_shared>>
      %dma_wait3A_68 = arith.constant 0 : i32
      %dma_wait3A_69 = tpu.memref_slice %arg10[%add3A_10, %dma_wait3A_68] : memref<10112x128xf32, #tpu.memory_space<vmem_shared>> -> memref<128x128xf32, #tpu.memory_space<vmem_shared>>
      %dma_wait3A_70 = arith.constant 0 : i32
      %dma_wait3A_71 = arith.constant 0 : i32
      %dma_wait3A_72 = tpu.memref_slice %arg9[%run_scoped3A_11, %dma_wait3A_70, %dma_wait3A_71] : memref<2x128x128xf32, #tpu.memory_space<vmem>> -> memref<1x128x128xf32, #tpu.memory_space<vmem>>
      %dma_wait3A_73 = tpu.memref_squeeze %dma_wait3A_72 : memref<1x128x128xf32, #tpu.memory_space<vmem>> -> memref<128x128xf32, #tpu.memory_space<vmem>>
      tpu.wait_dma2 semaphore(%run_scoped3A_51 : memref<!tpu.dma_semaphore, #tpu.memory_space<semaphore_mem>>) src(%dma_wait3A_73 : memref<128x128xf32, #tpu.memory_space<vmem>>) dst(%dma_wait3A_69 : memref<128x128xf32, #tpu.memory_space<vmem_shared>>)
      tpu.yield
    }) : () -> ()
    %add3A_12 = arith.constant 512 : i32
    %add3A_13 = arith.addi %mul3A_0, %add3A_12 : i32
    %run_scoped3A_14 = arith.constant 0 : i32
    "tpu.region"() ({
      %run_scoped3A_51 = tpu.sem_alloc : memref<!tpu.dma_semaphore, #tpu.memory_space<semaphore_mem>>
      %dma_start3A = arith.constant 0 : i32
      %dma_start3A_52 = arith.constant 0 : i32
      %dma_start3A_53 = tpu.memref_slice %arg9[%run_scoped3A_14, %dma_start3A, %dma_start3A_52] : memref<2x128x128xf32, #tpu.memory_space<vmem>> -> memref<1x120x128xf32, #tpu.memory_space<vmem>>
      %dma_start3A_54 = tpu.memref_squeeze %dma_start3A_53 : memref<1x120x128xf32, #tpu.memory_space<vmem>> -> memref<120x128xf32, #tpu.memory_space<vmem>>
      %dma_start3A_55 = arith.constant 0 : i32
      %dma_start3A_56 = tpu.memref_slice %arg10[%add3A_13, %dma_start3A_55] : memref<10112x128xf32, #tpu.memory_space<vmem_shared>> -> memref<120x128xf32, #tpu.memory_space<vmem_shared>>
      %dma_start3A_57 = arith.constant 0 : i32
      %dma_start3A_58 = tpu.memref_slice %arg10[%add3A_13, %dma_start3A_57] : memref<10112x128xf32, #tpu.memory_space<vmem_shared>> -> memref<120x128xf32, #tpu.memory_space<vmem_shared>>
      %dma_start3A_59 = arith.constant 0 : i32
      %dma_start3A_60 = arith.constant 0 : i32
      %dma_start3A_61 = tpu.memref_slice %arg9[%run_scoped3A_14, %dma_start3A_59, %dma_start3A_60] : memref<2x128x128xf32, #tpu.memory_space<vmem>> -> memref<1x120x128xf32, #tpu.memory_space<vmem>>
      %dma_start3A_62 = tpu.memref_squeeze %dma_start3A_61 : memref<1x120x128xf32, #tpu.memory_space<vmem>> -> memref<120x128xf32, #tpu.memory_space<vmem>>
      tpu.enqueue_dma source(%dma_start3A_62 : memref<120x128xf32, #tpu.memory_space<vmem>>) target(%dma_start3A_58 : memref<120x128xf32, #tpu.memory_space<vmem_shared>>) target_semaphore(%run_scoped3A_51 : memref<!tpu.dma_semaphore, #tpu.memory_space<semaphore_mem>>)
      %dma_wait3A = arith.constant 0 : i32
      %dma_wait3A_63 = arith.constant 0 : i32
      %dma_wait3A_64 = tpu.memref_slice %arg9[%run_scoped3A_14, %dma_wait3A, %dma_wait3A_63] : memref<2x128x128xf32, #tpu.memory_space<vmem>> -> memref<1x120x128xf32, #tpu.memory_space<vmem>>
      %dma_wait3A_65 = tpu.memref_squeeze %dma_wait3A_64 : memref<1x120x128xf32, #tpu.memory_space<vmem>> -> memref<120x128xf32, #tpu.memory_space<vmem>>
      %dma_wait3A_66 = arith.constant 0 : i32
      %dma_wait3A_67 = tpu.memref_slice %arg10[%add3A_13, %dma_wait3A_66] : memref<10112x128xf32, #tpu.memory_space<vmem_shared>> -> memref<120x128xf32, #tpu.memory_space<vmem_shared>>
      %dma_wait3A_68 = arith.constant 0 : i32
      %dma_wait3A_69 = tpu.memref_slice %arg10[%add3A_13, %dma_wait3A_68] : memref<10112x128xf32, #tpu.memory_space<vmem_shared>> -> memref<120x128xf32, #tpu.memory_space<vmem_shared>>
      %dma_wait3A_70 = arith.constant 0 : i32
      %dma_wait3A_71 = arith.constant 0 : i32
      %dma_wait3A_72 = tpu.memref_slice %arg9[%run_scoped3A_14, %dma_wait3A_70, %dma_wait3A_71] : memref<2x128x128xf32, #tpu.memory_space<vmem>> -> memref<1x120x128xf32, #tpu.memory_space<vmem>>
      %dma_wait3A_73 = tpu.memref_squeeze %dma_wait3A_72 : memref<1x120x128xf32, #tpu.memory_space<vmem>> -> memref<120x128xf32, #tpu.memory_space<vmem>>
      tpu.wait_dma2 semaphore(%run_scoped3A_51 : memref<!tpu.dma_semaphore, #tpu.memory_space<semaphore_mem>>) src(%dma_wait3A_73 : memref<120x128xf32, #tpu.memory_space<vmem>>) dst(%dma_wait3A_69 : memref<120x128xf32, #tpu.memory_space<vmem_shared>>)
      tpu.yield
    }) : () -> ()
    %barrier3A = arith.constant 0 : index
    tpu.barrier barrier_id(%barrier3A)
    %scan3A = arith.constant 0 : i32
    %scan3A_15 = arith.constant 0 : i32
    %scan3A_16 = arith.constant 10 : i32
    %scan3A_17 = arith.addi %scan3A_15, %scan3A_16 : i32
    %scan3A_18 = arith.constant 1 : i32
    scf.for %scan3A_51 = %scan3A_15 to %scan3A_17 step %scan3A_18  : i32 {
      %mul3A_52 = arith.constant 8 : i32
      %mul3A_53 = arith.muli %scan3A_51, %mul3A_52 : i32
      "tpu.region"() ({
        %run_scoped3A_112 = tpu.sem_alloc : memref<!tpu.dma_semaphore, #tpu.memory_space<semaphore_mem>>
        %dma_start3A_113 = arith.constant 0 : i32
        %dma_start3A_114 = tpu.memref_slice %arg3[%arg0, %arg1, %mul3A_53, %dma_start3A_113] : memref<2x16x80x128xi32, #tpu.memory_space<hbm>> -> memref<1x1x8x128xi32, #tpu.memory_space<hbm>>
        %dma_start3A_115 = tpu.memref_squeeze %dma_start3A_114 : memref<1x1x8x128xi32, #tpu.memory_space<hbm>> -> memref<8x128xi32, #tpu.memory_space<hbm>>
        %dma_start3A_116 = arith.constant 0 : i32
        %dma_start3A_117 = tpu.memref_slice %arg3[%arg0, %arg1, %mul3A_53, %dma_start3A_116] : memref<2x16x80x128xi32, #tpu.memory_space<hbm>> -> memref<1x1x8x128xi32, #tpu.memory_space<hbm>>
        %dma_start3A_118 = tpu.memref_squeeze %dma_start3A_117 : memref<1x1x8x128xi32, #tpu.memory_space<hbm>> -> memref<8x128xi32, #tpu.memory_space<hbm>>
        tpu.enqueue_dma source(%dma_start3A_118 : memref<8x128xi32, #tpu.memory_space<hbm>>) target(%arg7 : memref<8x128xi32, #tpu.memory_space<vmem>>) target_semaphore(%run_scoped3A_112 : memref<!tpu.dma_semaphore, #tpu.memory_space<semaphore_mem>>)
        %dma_wait3A_119 = arith.constant 0 : i32
        %dma_wait3A_120 = tpu.memref_slice %arg3[%arg0, %arg1, %mul3A_53, %dma_wait3A_119] : memref<2x16x80x128xi32, #tpu.memory_space<hbm>> -> memref<1x1x8x128xi32, #tpu.memory_space<hbm>>
        %dma_wait3A_121 = tpu.memref_squeeze %dma_wait3A_120 : memref<1x1x8x128xi32, #tpu.memory_space<hbm>> -> memref<8x128xi32, #tpu.memory_space<hbm>>
        %dma_wait3A_122 = arith.constant 0 : i32
        %dma_wait3A_123 = tpu.memref_slice %arg3[%arg0, %arg1, %mul3A_53, %dma_wait3A_122] : memref<2x16x80x128xi32, #tpu.memory_space<hbm>> -> memref<1x1x8x128xi32, #tpu.memory_space<hbm>>
        %dma_wait3A_124 = tpu.memref_squeeze %dma_wait3A_123 : memref<1x1x8x128xi32, #tpu.memory_space<hbm>> -> memref<8x128xi32, #tpu.memory_space<hbm>>
        tpu.wait_dma2 semaphore(%run_scoped3A_112 : memref<!tpu.dma_semaphore, #tpu.memory_space<semaphore_mem>>) src(%dma_wait3A_124 : memref<8x128xi32, #tpu.memory_space<hbm>>) dst(%arg7 : memref<8x128xi32, #tpu.memory_space<vmem>>)
        tpu.yield
      }) : () -> ()
      %mul3A_54 = arith.constant 8 : i32
      %mul3A_55 = arith.muli %scan3A_51, %mul3A_54 : i32
      "tpu.region"() ({
        %run_scoped3A_112 = tpu.sem_alloc : memref<!tpu.dma_semaphore, #tpu.memory_space<semaphore_mem>>
        %dma_start3A_113 = arith.constant 0 : i32
        %dma_start3A_114 = tpu.memref_slice %arg4[%arg1, %mul3A_55, %dma_start3A_113] : memref<16x80x128xi32, #tpu.memory_space<hbm>> -> memref<1x8x128xi32, #tpu.memory_space<hbm>>
        %dma_start3A_115 = tpu.memref_squeeze %dma_start3A_114 : memref<1x8x128xi32, #tpu.memory_space<hbm>> -> memref<8x128xi32, #tpu.memory_space<hbm>>
        %dma_start3A_116 = arith.constant 0 : i32
        %dma_start3A_117 = tpu.memref_slice %arg4[%arg1, %mul3A_55, %dma_start3A_116] : memref<16x80x128xi32, #tpu.memory_space<hbm>> -> memref<1x8x128xi32, #tpu.memory_space<hbm>>
        %dma_start3A_118 = tpu.memref_squeeze %dma_start3A_117 : memref<1x8x128xi32, #tpu.memory_space<hbm>> -> memref<8x128xi32, #tpu.memory_space<hbm>>
        tpu.enqueue_dma source(%dma_start3A_118 : memref<8x128xi32, #tpu.memory_space<hbm>>) target(%arg8 : memref<8x128xi32, #tpu.memory_space<vmem>>) target_semaphore(%run_scoped3A_112 : memref<!tpu.dma_semaphore, #tpu.memory_space<semaphore_mem>>)
        %dma_wait3A_119 = arith.constant 0 : i32
        %dma_wait3A_120 = tpu.memref_slice %arg4[%arg1, %mul3A_55, %dma_wait3A_119] : memref<16x80x128xi32, #tpu.memory_space<hbm>> -> memref<1x8x128xi32, #tpu.memory_space<hbm>>
        %dma_wait3A_121 = tpu.memref_squeeze %dma_wait3A_120 : memref<1x8x128xi32, #tpu.memory_space<hbm>> -> memref<8x128xi32, #tpu.memory_space<hbm>>
        %dma_wait3A_122 = arith.constant 0 : i32
        %dma_wait3A_123 = tpu.memref_slice %arg4[%arg1, %mul3A_55, %dma_wait3A_122] : memref<16x80x128xi32, #tpu.memory_space<hbm>> -> memref<1x8x128xi32, #tpu.memory_space<hbm>>
        %dma_wait3A_124 = tpu.memref_squeeze %dma_wait3A_123 : memref<1x8x128xi32, #tpu.memory_space<hbm>> -> memref<8x128xi32, #tpu.memory_space<hbm>>
        tpu.wait_dma2 semaphore(%run_scoped3A_112 : memref<!tpu.dma_semaphore, #tpu.memory_space<semaphore_mem>>) src(%dma_wait3A_124 : memref<8x128xi32, #tpu.memory_space<hbm>>) dst(%arg8 : memref<8x128xi32, #tpu.memory_space<vmem>>)
        tpu.yield
      }) : () -> ()
      %dma_start3A = arith.constant 0 : i32
      %dma_start3A_56 = arith.constant 0 : i32
      %dma_start3A_57 = arith.constant 0 : i32
      %dma_start3A_58 = arith.constant 0 : i32
      %dma_start3A_59 = tpu.memref_slice %arg9[%dma_start3A_56, %dma_start3A_57, %dma_start3A_58] : memref<2x128x128xf32, #tpu.memory_space<vmem>> -> memref<1x128x128xf32, #tpu.memory_space<vmem>>
      %dma_start3A_60 = tpu.memref_squeeze %dma_start3A_59 : memref<1x128x128xf32, #tpu.memory_space<vmem>> -> memref<128x128xf32, #tpu.memory_space<vmem>>
      %dma_start3A_61 = arith.constant 0 : i32
      %dma_start3A_62 = tpu.memref_slice %arg7[%dma_start3A, %dma_start3A_61] : memref<8x128xi32, #tpu.memory_space<vmem>> -> memref<1x128xi32, #tpu.memory_space<vmem>>
      %dma_start3A_63 = tpu.memref_squeeze %dma_start3A_62 : memref<1x128xi32, #tpu.memory_space<vmem>> -> memref<128xi32, #tpu.memory_space<vmem>>
      %dma_start3A_64 = arith.constant 0 : i32
      %dma_start3A_65 = arith.constant 0 : i32
      %dma_start3A_66 = tpu.memref_slice %arg2[%dma_start3A_64, %dma_start3A_65] : memref<20000x128xf32, #tpu.memory_space<hbm>> -> memref<20000x128xf32, #tpu.memory_space<hbm>>
      tpu.enqueue_indirect_dma source(%dma_start3A_66 : memref<20000x128xf32, #tpu.memory_space<hbm>>) target(%dma_start3A_60 : memref<128x128xf32, #tpu.memory_space<vmem>>) offsets(%dma_start3A_63 : memref<128xi32, #tpu.memory_space<vmem>>) semaphore(%arg11 : memref<!tpu.dma_semaphore, #tpu.memory_space<semaphore_mem>>)
      %scan3A_67 = arith.constant 0 : i32
      %scan3A_68 = arith.constant 0 : i32
      %scan3A_69 = arith.constant 3 : i32
      %scan3A_70 = arith.addi %scan3A_68, %scan3A_69 : i32
      %scan3A_71 = arith.constant 1 : i32
      scf.for %scan3A_112 = %scan3A_68 to %scan3A_70 step %scan3A_71  : i32 {
        %mul3A_113 = arith.constant 2 : i32
        %mul3A_114 = arith.muli %mul3A_113, %scan3A_112 : i32
        %add3A_115 = arith.constant 1 : i32
        %add3A_116 = arith.addi %mul3A_114, %add3A_115 : i32
        %dma_start3A_117 = arith.constant 1 : i32
        %dma_start3A_118 = arith.constant 0 : i32
        %dma_start3A_119 = arith.constant 0 : i32
        %dma_start3A_120 = tpu.memref_slice %arg9[%dma_start3A_117, %dma_start3A_118, %dma_start3A_119] : memref<2x128x128xf32, #tpu.memory_space<vmem>> -> memref<1x128x128xf32, #tpu.memory_space<vmem>>
        %dma_start3A_121 = tpu.memref_squeeze %dma_start3A_120 : memref<1x128x128xf32, #tpu.memory_space<vmem>> -> memref<128x128xf32, #tpu.memory_space<vmem>>
        %dma_start3A_122 = arith.constant 0 : i32
        %dma_start3A_123 = tpu.memref_slice %arg7[%add3A_116, %dma_start3A_122] : memref<8x128xi32, #tpu.memory_space<vmem>> -> memref<1x128xi32, #tpu.memory_space<vmem>>
        %dma_start3A_124 = tpu.memref_squeeze %dma_start3A_123 : memref<1x128xi32, #tpu.memory_space<vmem>> -> memref<128xi32, #tpu.memory_space<vmem>>
        %dma_start3A_125 = arith.constant 0 : i32
        %dma_start3A_126 = arith.constant 0 : i32
        %dma_start3A_127 = tpu.memref_slice %arg2[%dma_start3A_125, %dma_start3A_126] : memref<20000x128xf32, #tpu.memory_space<hbm>> -> memref<20000x128xf32, #tpu.memory_space<hbm>>
        tpu.enqueue_indirect_dma source(%dma_start3A_127 : memref<20000x128xf32, #tpu.memory_space<hbm>>) target(%dma_start3A_121 : memref<128x128xf32, #tpu.memory_space<vmem>>) offsets(%dma_start3A_124 : memref<128xi32, #tpu.memory_space<vmem>>) semaphore(%arg12 : memref<!tpu.dma_semaphore, #tpu.memory_space<semaphore_mem>>)
        %dma_wait3A_128 = arith.constant 0 : i32
        %dma_wait3A_129 = arith.constant 0 : i32
        %dma_wait3A_130 = arith.constant 0 : i32
        %dma_wait3A_131 = tpu.memref_slice %arg9[%dma_wait3A_128, %dma_wait3A_129, %dma_wait3A_130] : memref<2x128x128xf32, #tpu.memory_space<vmem>> -> memref<1x128x128xf32, #tpu.memory_space<vmem>>
        %dma_wait3A_132 = tpu.memref_squeeze %dma_wait3A_131 : memref<1x128x128xf32, #tpu.memory_space<vmem>> -> memref<128x128xf32, #tpu.memory_space<vmem>>
        %dma_wait3A_133 = arith.constant 0 : i32
        %dma_wait3A_134 = tpu.memref_slice %arg7[%mul3A_114, %dma_wait3A_133] : memref<8x128xi32, #tpu.memory_space<vmem>> -> memref<1x128xi32, #tpu.memory_space<vmem>>
        %dma_wait3A_135 = tpu.memref_squeeze %dma_wait3A_134 : memref<1x128xi32, #tpu.memory_space<vmem>> -> memref<128xi32, #tpu.memory_space<vmem>>
        %dma_wait3A_136 = arith.constant 0 : i32
        %dma_wait3A_137 = arith.constant 0 : i32
        %dma_wait3A_138 = tpu.memref_slice %arg2[%dma_wait3A_136, %dma_wait3A_137] : memref<20000x128xf32, #tpu.memory_space<hbm>> -> memref<20000x128xf32, #tpu.memory_space<hbm>>
        tpu.wait_indirect_dma semaphore(%arg11 : memref<!tpu.dma_semaphore, #tpu.memory_space<semaphore_mem>>) src(%dma_wait3A_138 : memref<20000x128xf32, #tpu.memory_space<hbm>>) dst(%dma_wait3A_132 : memref<128x128xf32, #tpu.memory_space<vmem>>)
        %run_scoped3A_139 = arith.constant 0 : i32
        "tpu.region"() ({
          %run_scoped3A_169 = tpu.sem_alloc : memref<!tpu.dma_semaphore, #tpu.memory_space<semaphore_mem>>
          %dma_start3A_170 = arith.constant 0 : i32
          %dma_start3A_171 = arith.constant 0 : i32
          %dma_start3A_172 = tpu.memref_slice %arg9[%run_scoped3A_139, %dma_start3A_170, %dma_start3A_171] : memref<2x128x128xf32, #tpu.memory_space<vmem>> -> memref<1x128x128xf32, #tpu.memory_space<vmem>>
          %dma_start3A_173 = tpu.memref_squeeze %dma_start3A_172 : memref<1x128x128xf32, #tpu.memory_space<vmem>> -> memref<128x128xf32, #tpu.memory_space<vmem>>
          %dma_start3A_174 = arith.constant 0 : i32
          %dma_start3A_175 = tpu.memref_slice %arg8[%mul3A_114, %dma_start3A_174] : memref<8x128xi32, #tpu.memory_space<vmem>> -> memref<1x128xi32, #tpu.memory_space<vmem>>
          %dma_start3A_176 = tpu.memref_squeeze %dma_start3A_175 : memref<1x128xi32, #tpu.memory_space<vmem>> -> memref<128xi32, #tpu.memory_space<vmem>>
          %dma_start3A_177 = arith.constant 0 : i32
          %dma_start3A_178 = arith.constant 0 : i32
          %dma_start3A_179 = tpu.memref_slice %arg10[%dma_start3A_177, %dma_start3A_178] : memref<10112x128xf32, #tpu.memory_space<vmem_shared>> -> memref<10112x128xf32, #tpu.memory_space<vmem_shared>>
          tpu.enqueue_indirect_dma source(%dma_start3A_173 : memref<128x128xf32, #tpu.memory_space<vmem>>) target(%dma_start3A_179 : memref<10112x128xf32, #tpu.memory_space<vmem_shared>>) offsets(%dma_start3A_176 : memref<128xi32, #tpu.memory_space<vmem>>) semaphore(%run_scoped3A_169 : memref<!tpu.dma_semaphore, #tpu.memory_space<semaphore_mem>>) {add = true}
          %dma_wait3A_180 = arith.constant 0 : i32
          %dma_wait3A_181 = arith.constant 0 : i32
          %dma_wait3A_182 = tpu.memref_slice %arg9[%run_scoped3A_139, %dma_wait3A_180, %dma_wait3A_181] : memref<2x128x128xf32, #tpu.memory_space<vmem>> -> memref<1x128x128xf32, #tpu.memory_space<vmem>>
          %dma_wait3A_183 = tpu.memref_squeeze %dma_wait3A_182 : memref<1x128x128xf32, #tpu.memory_space<vmem>> -> memref<128x128xf32, #tpu.memory_space<vmem>>
          %dma_wait3A_184 = arith.constant 0 : i32
          %dma_wait3A_185 = tpu.memref_slice %arg8[%mul3A_114, %dma_wait3A_184] : memref<8x128xi32, #tpu.memory_space<vmem>> -> memref<1x128xi32, #tpu.memory_space<vmem>>
          %dma_wait3A_186 = tpu.memref_squeeze %dma_wait3A_185 : memref<1x128xi32, #tpu.memory_space<vmem>> -> memref<128xi32, #tpu.memory_space<vmem>>
          %dma_wait3A_187 = arith.constant 0 : i32
          %dma_wait3A_188 = arith.constant 0 : i32
          %dma_wait3A_189 = tpu.memref_slice %arg10[%dma_wait3A_187, %dma_wait3A_188] : memref<10112x128xf32, #tpu.memory_space<vmem_shared>> -> memref<10112x128xf32, #tpu.memory_space<vmem_shared>>
          tpu.wait_indirect_dma semaphore(%run_scoped3A_169 : memref<!tpu.dma_semaphore, #tpu.memory_space<semaphore_mem>>) src(%dma_wait3A_183 : memref<128x128xf32, #tpu.memory_space<vmem>>) dst(%dma_wait3A_189 : memref<10112x128xf32, #tpu.memory_space<vmem_shared>>)
          tpu.yield
        }) : () -> ()
        %add3A_140 = arith.constant 2 : i32
        %add3A_141 = arith.addi %mul3A_114, %add3A_140 : i32
        %dma_start3A_142 = arith.constant 0 : i32
        %dma_start3A_143 = arith.constant 0 : i32
        %dma_start3A_144 = arith.constant 0 : i32
        %dma_start3A_145 = tpu.memref_slice %arg9[%dma_start3A_142, %dma_start3A_143, %dma_start3A_144] : memref<2x128x128xf32, #tpu.memory_space<vmem>> -> memref<1x128x128xf32, #tpu.memory_space<vmem>>
        %dma_start3A_146 = tpu.memref_squeeze %dma_start3A_145 : memref<1x128x128xf32, #tpu.memory_space<vmem>> -> memref<128x128xf32, #tpu.memory_space<vmem>>
        %dma_start3A_147 = arith.constant 0 : i32
        %dma_start3A_148 = tpu.memref_slice %arg7[%add3A_141, %dma_start3A_147] : memref<8x128xi32, #tpu.memory_space<vmem>> -> memref<1x128xi32, #tpu.memory_space<vmem>>
        %dma_start3A_149 = tpu.memref_squeeze %dma_start3A_148 : memref<1x128xi32, #tpu.memory_space<vmem>> -> memref<128xi32, #tpu.memory_space<vmem>>
        %dma_start3A_150 = arith.constant 0 : i32
        %dma_start3A_151 = arith.constant 0 : i32
        %dma_start3A_152 = tpu.memref_slice %arg2[%dma_start3A_150, %dma_start3A_151] : memref<20000x128xf32, #tpu.memory_space<hbm>> -> memref<20000x128xf32, #tpu.memory_space<hbm>>
        tpu.enqueue_indirect_dma source(%dma_start3A_152 : memref<20000x128xf32, #tpu.memory_space<hbm>>) target(%dma_start3A_146 : memref<128x128xf32, #tpu.memory_space<vmem>>) offsets(%dma_start3A_149 : memref<128xi32, #tpu.memory_space<vmem>>) semaphore(%arg11 : memref<!tpu.dma_semaphore, #tpu.memory_space<semaphore_mem>>)
        %add3A_153 = arith.constant 1 : i32
        %add3A_154 = arith.addi %mul3A_114, %add3A_153 : i32
        %dma_wait3A_155 = arith.constant 1 : i32
        %dma_wait3A_156 = arith.constant 0 : i32
        %dma_wait3A_157 = arith.constant 0 : i32
        %dma_wait3A_158 = tpu.memref_slice %arg9[%dma_wait3A_155, %dma_wait3A_156, %dma_wait3A_157] : memref<2x128x128xf32, #tpu.memory_space<vmem>> -> memref<1x128x128xf32, #tpu.memory_space<vmem>>
        %dma_wait3A_159 = tpu.memref_squeeze %dma_wait3A_158 : memref<1x128x128xf32, #tpu.memory_space<vmem>> -> memref<128x128xf32, #tpu.memory_space<vmem>>
        %dma_wait3A_160 = arith.constant 0 : i32
        %dma_wait3A_161 = tpu.memref_slice %arg7[%add3A_154, %dma_wait3A_160] : memref<8x128xi32, #tpu.memory_space<vmem>> -> memref<1x128xi32, #tpu.memory_space<vmem>>
        %dma_wait3A_162 = tpu.memref_squeeze %dma_wait3A_161 : memref<1x128xi32, #tpu.memory_space<vmem>> -> memref<128xi32, #tpu.memory_space<vmem>>
        %dma_wait3A_163 = arith.constant 0 : i32
        %dma_wait3A_164 = arith.constant 0 : i32
        %dma_wait3A_165 = tpu.memref_slice %arg2[%dma_wait3A_163, %dma_wait3A_164] : memref<20000x128xf32, #tpu.memory_space<hbm>> -> memref<20000x128xf32, #tpu.memory_space<hbm>>
        tpu.wait_indirect_dma semaphore(%arg12 : memref<!tpu.dma_semaphore, #tpu.memory_space<semaphore_mem>>) src(%dma_wait3A_165 : memref<20000x128xf32, #tpu.memory_space<hbm>>) dst(%dma_wait3A_159 : memref<128x128xf32, #tpu.memory_space<vmem>>)
        %add3A_166 = arith.constant 1 : i32
        %add3A_167 = arith.addi %mul3A_114, %add3A_166 : i32
        %run_scoped3A_168 = arith.constant 1 : i32
        "tpu.region"() ({
          %run_scoped3A_169 = tpu.sem_alloc : memref<!tpu.dma_semaphore, #tpu.memory_space<semaphore_mem>>
          %dma_start3A_170 = arith.constant 0 : i32
          %dma_start3A_171 = arith.constant 0 : i32
          %dma_start3A_172 = tpu.memref_slice %arg9[%run_scoped3A_168, %dma_start3A_170, %dma_start3A_171] : memref<2x128x128xf32, #tpu.memory_space<vmem>> -> memref<1x128x128xf32, #tpu.memory_space<vmem>>
          %dma_start3A_173 = tpu.memref_squeeze %dma_start3A_172 : memref<1x128x128xf32, #tpu.memory_space<vmem>> -> memref<128x128xf32, #tpu.memory_space<vmem>>
          %dma_start3A_174 = arith.constant 0 : i32
          %dma_start3A_175 = tpu.memref_slice %arg8[%add3A_167, %dma_start3A_174] : memref<8x128xi32, #tpu.memory_space<vmem>> -> memref<1x128xi32, #tpu.memory_space<vmem>>
          %dma_start3A_176 = tpu.memref_squeeze %dma_start3A_175 : memref<1x128xi32, #tpu.memory_space<vmem>> -> memref<128xi32, #tpu.memory_space<vmem>>
          %dma_start3A_177 = arith.constant 0 : i32
          %dma_start3A_178 = arith.constant 0 : i32
          %dma_start3A_179 = tpu.memref_slice %arg10[%dma_start3A_177, %dma_start3A_178] : memref<10112x128xf32, #tpu.memory_space<vmem_shared>> -> memref<10112x128xf32, #tpu.memory_space<vmem_shared>>
          tpu.enqueue_indirect_dma source(%dma_start3A_173 : memref<128x128xf32, #tpu.memory_space<vmem>>) target(%dma_start3A_179 : memref<10112x128xf32, #tpu.memory_space<vmem_shared>>) offsets(%dma_start3A_176 : memref<128xi32, #tpu.memory_space<vmem>>) semaphore(%run_scoped3A_169 : memref<!tpu.dma_semaphore, #tpu.memory_space<semaphore_mem>>) {add = true}
          %dma_wait3A_180 = arith.constant 0 : i32
          %dma_wait3A_181 = arith.constant 0 : i32
          %dma_wait3A_182 = tpu.memref_slice %arg9[%run_scoped3A_168, %dma_wait3A_180, %dma_wait3A_181] : memref<2x128x128xf32, #tpu.memory_space<vmem>> -> memref<1x128x128xf32, #tpu.memory_space<vmem>>
          %dma_wait3A_183 = tpu.memref_squeeze %dma_wait3A_182 : memref<1x128x128xf32, #tpu.memory_space<vmem>> -> memref<128x128xf32, #tpu.memory_space<vmem>>
          %dma_wait3A_184 = arith.constant 0 : i32
          %dma_wait3A_185 = tpu.memref_slice %arg8[%add3A_167, %dma_wait3A_184] : memref<8x128xi32, #tpu.memory_space<vmem>> -> memref<1x128xi32, #tpu.memory_space<vmem>>
          %dma_wait3A_186 = tpu.memref_squeeze %dma_wait3A_185 : memref<1x128xi32, #tpu.memory_space<vmem>> -> memref<128xi32, #tpu.memory_space<vmem>>
          %dma_wait3A_187 = arith.constant 0 : i32
          %dma_wait3A_188 = arith.constant 0 : i32
          %dma_wait3A_189 = tpu.memref_slice %arg10[%dma_wait3A_187, %dma_wait3A_188] : memref<10112x128xf32, #tpu.memory_space<vmem_shared>> -> memref<10112x128xf32, #tpu.memory_space<vmem_shared>>
          tpu.wait_indirect_dma semaphore(%run_scoped3A_169 : memref<!tpu.dma_semaphore, #tpu.memory_space<semaphore_mem>>) src(%dma_wait3A_183 : memref<128x128xf32, #tpu.memory_space<vmem>>) dst(%dma_wait3A_189 : memref<10112x128xf32, #tpu.memory_space<vmem_shared>>)
          tpu.yield
        }) : () -> ()
      }
      %scan3A_72 = arith.constant 3 : i32
      %dma_start3A_73 = arith.constant 7 : i32
      %dma_start3A_74 = arith.constant 1 : i32
      %dma_start3A_75 = arith.constant 0 : i32
      %dma_start3A_76 = arith.constant 0 : i32
      %dma_start3A_77 = tpu.memref_slice %arg9[%dma_start3A_74, %dma_start3A_75, %dma_start3A_76] : memref<2x128x128xf32, #tpu.memory_space<vmem>> -> memref<1x128x128xf32, #tpu.memory_space<vmem>>
      %dma_start3A_78 = tpu.memref_squeeze %dma_start3A_77 : memref<1x128x128xf32, #tpu.memory_space<vmem>> -> memref<128x128xf32, #tpu.memory_space<vmem>>
      %dma_start3A_79 = arith.constant 0 : i32
      %dma_start3A_80 = tpu.memref_slice %arg7[%dma_start3A_73, %dma_start3A_79] : memref<8x128xi32, #tpu.memory_space<vmem>> -> memref<1x128xi32, #tpu.memory_space<vmem>>
      %dma_start3A_81 = tpu.memref_squeeze %dma_start3A_80 : memref<1x128xi32, #tpu.memory_space<vmem>> -> memref<128xi32, #tpu.memory_space<vmem>>
      %dma_start3A_82 = arith.constant 0 : i32
      %dma_start3A_83 = arith.constant 0 : i32
      %dma_start3A_84 = tpu.memref_slice %arg2[%dma_start3A_82, %dma_start3A_83] : memref<20000x128xf32, #tpu.memory_space<hbm>> -> memref<20000x128xf32, #tpu.memory_space<hbm>>
      tpu.enqueue_indirect_dma source(%dma_start3A_84 : memref<20000x128xf32, #tpu.memory_space<hbm>>) target(%dma_start3A_78 : memref<128x128xf32, #tpu.memory_space<vmem>>) offsets(%dma_start3A_81 : memref<128xi32, #tpu.memory_space<vmem>>) semaphore(%arg12 : memref<!tpu.dma_semaphore, #tpu.memory_space<semaphore_mem>>)
      %dma_wait3A = arith.constant 6 : i32
      %dma_wait3A_85 = arith.constant 0 : i32
      %dma_wait3A_86 = arith.constant 0 : i32
      %dma_wait3A_87 = arith.constant 0 : i32
      %dma_wait3A_88 = tpu.memref_slice %arg9[%dma_wait3A_85, %dma_wait3A_86, %dma_wait3A_87] : memref<2x128x128xf32, #tpu.memory_space<vmem>> -> memref<1x128x128xf32, #tpu.memory_space<vmem>>
      %dma_wait3A_89 = tpu.memref_squeeze %dma_wait3A_88 : memref<1x128x128xf32, #tpu.memory_space<vmem>> -> memref<128x128xf32, #tpu.memory_space<vmem>>
      %dma_wait3A_90 = arith.constant 0 : i32
      %dma_wait3A_91 = tpu.memref_slice %arg7[%dma_wait3A, %dma_wait3A_90] : memref<8x128xi32, #tpu.memory_space<vmem>> -> memref<1x128xi32, #tpu.memory_space<vmem>>
      %dma_wait3A_92 = tpu.memref_squeeze %dma_wait3A_91 : memref<1x128xi32, #tpu.memory_space<vmem>> -> memref<128xi32, #tpu.memory_space<vmem>>
      %dma_wait3A_93 = arith.constant 0 : i32
      %dma_wait3A_94 = arith.constant 0 : i32
      %dma_wait3A_95 = tpu.memref_slice %arg2[%dma_wait3A_93, %dma_wait3A_94] : memref<20000x128xf32, #tpu.memory_space<hbm>> -> memref<20000x128xf32, #tpu.memory_space<hbm>>
      tpu.wait_indirect_dma semaphore(%arg11 : memref<!tpu.dma_semaphore, #tpu.memory_space<semaphore_mem>>) src(%dma_wait3A_95 : memref<20000x128xf32, #tpu.memory_space<hbm>>) dst(%dma_wait3A_89 : memref<128x128xf32, #tpu.memory_space<vmem>>)
      %run_scoped3A_96 = arith.constant 0 : i32
      %run_scoped3A_97 = arith.constant 6 : i32
      "tpu.region"() ({
        %run_scoped3A_112 = tpu.sem_alloc : memref<!tpu.dma_semaphore, #tpu.memory_space<semaphore_mem>>
        %dma_start3A_113 = arith.constant 0 : i32
        %dma_start3A_114 = arith.constant 0 : i32
        %dma_start3A_115 = tpu.memref_slice %arg9[%run_scoped3A_96, %dma_start3A_113, %dma_start3A_114] : memref<2x128x128xf32, #tpu.memory_space<vmem>> -> memref<1x128x128xf32, #tpu.memory_space<vmem>>
        %dma_start3A_116 = tpu.memref_squeeze %dma_start3A_115 : memref<1x128x128xf32, #tpu.memory_space<vmem>> -> memref<128x128xf32, #tpu.memory_space<vmem>>
        %dma_start3A_117 = arith.constant 0 : i32
        %dma_start3A_118 = tpu.memref_slice %arg8[%run_scoped3A_97, %dma_start3A_117] : memref<8x128xi32, #tpu.memory_space<vmem>> -> memref<1x128xi32, #tpu.memory_space<vmem>>
        %dma_start3A_119 = tpu.memref_squeeze %dma_start3A_118 : memref<1x128xi32, #tpu.memory_space<vmem>> -> memref<128xi32, #tpu.memory_space<vmem>>
        %dma_start3A_120 = arith.constant 0 : i32
        %dma_start3A_121 = arith.constant 0 : i32
        %dma_start3A_122 = tpu.memref_slice %arg10[%dma_start3A_120, %dma_start3A_121] : memref<10112x128xf32, #tpu.memory_space<vmem_shared>> -> memref<10112x128xf32, #tpu.memory_space<vmem_shared>>
        tpu.enqueue_indirect_dma source(%dma_start3A_116 : memref<128x128xf32, #tpu.memory_space<vmem>>) target(%dma_start3A_122 : memref<10112x128xf32, #tpu.memory_space<vmem_shared>>) offsets(%dma_start3A_119 : memref<128xi32, #tpu.memory_space<vmem>>) semaphore(%run_scoped3A_112 : memref<!tpu.dma_semaphore, #tpu.memory_space<semaphore_mem>>) {add = true}
        %dma_wait3A_123 = arith.constant 0 : i32
        %dma_wait3A_124 = arith.constant 0 : i32
        %dma_wait3A_125 = tpu.memref_slice %arg9[%run_scoped3A_96, %dma_wait3A_123, %dma_wait3A_124] : memref<2x128x128xf32, #tpu.memory_space<vmem>> -> memref<1x128x128xf32, #tpu.memory_space<vmem>>
        %dma_wait3A_126 = tpu.memref_squeeze %dma_wait3A_125 : memref<1x128x128xf32, #tpu.memory_space<vmem>> -> memref<128x128xf32, #tpu.memory_space<vmem>>
        %dma_wait3A_127 = arith.constant 0 : i32
        %dma_wait3A_128 = tpu.memref_slice %arg8[%run_scoped3A_97, %dma_wait3A_127] : memref<8x128xi32, #tpu.memory_space<vmem>> -> memref<1x128xi32, #tpu.memory_space<vmem>>
        %dma_wait3A_129 = tpu.memref_squeeze %dma_wait3A_128 : memref<1x128xi32, #tpu.memory_space<vmem>> -> memref<128xi32, #tpu.memory_space<vmem>>
        %dma_wait3A_130 = arith.constant 0 : i32
        %dma_wait3A_131 = arith.constant 0 : i32
        %dma_wait3A_132 = tpu.memref_slice %arg10[%dma_wait3A_130, %dma_wait3A_131] : memref<10112x128xf32, #tpu.memory_space<vmem_shared>> -> memref<10112x128xf32, #tpu.memory_space<vmem_shared>>
        tpu.wait_indirect_dma semaphore(%run_scoped3A_112 : memref<!tpu.dma_semaphore, #tpu.memory_space<semaphore_mem>>) src(%dma_wait3A_126 : memref<128x128xf32, #tpu.memory_space<vmem>>) dst(%dma_wait3A_132 : memref<10112x128xf32, #tpu.memory_space<vmem_shared>>)
        tpu.yield
      }) : () -> ()
      %dma_wait3A_98 = arith.constant 7 : i32
      %dma_wait3A_99 = arith.constant 1 : i32
      %dma_wait3A_100 = arith.constant 0 : i32
      %dma_wait3A_101 = arith.constant 0 : i32
      %dma_wait3A_102 = tpu.memref_slice %arg9[%dma_wait3A_99, %dma_wait3A_100, %dma_wait3A_101] : memref<2x128x128xf32, #tpu.memory_space<vmem>> -> memref<1x128x128xf32, #tpu.memory_space<vmem>>
      %dma_wait3A_103 = tpu.memref_squeeze %dma_wait3A_102 : memref<1x128x128xf32, #tpu.memory_space<vmem>> -> memref<128x128xf32, #tpu.memory_space<vmem>>
      %dma_wait3A_104 = arith.constant 0 : i32
      %dma_wait3A_105 = tpu.memref_slice %arg7[%dma_wait3A_98, %dma_wait3A_104] : memref<8x128xi32, #tpu.memory_space<vmem>> -> memref<1x128xi32, #tpu.memory_space<vmem>>
      %dma_wait3A_106 = tpu.memref_squeeze %dma_wait3A_105 : memref<1x128xi32, #tpu.memory_space<vmem>> -> memref<128xi32, #tpu.memory_space<vmem>>
      %dma_wait3A_107 = arith.constant 0 : i32
      %dma_wait3A_108 = arith.constant 0 : i32
      %dma_wait3A_109 = tpu.memref_slice %arg2[%dma_wait3A_107, %dma_wait3A_108] : memref<20000x128xf32, #tpu.memory_space<hbm>> -> memref<20000x128xf32, #tpu.memory_space<hbm>>
      tpu.wait_indirect_dma semaphore(%arg12 : memref<!tpu.dma_semaphore, #tpu.memory_space<semaphore_mem>>) src(%dma_wait3A_109 : memref<20000x128xf32, #tpu.memory_space<hbm>>) dst(%dma_wait3A_103 : memref<128x128xf32, #tpu.memory_space<vmem>>)
      %run_scoped3A_110 = arith.constant 1 : i32
      %run_scoped3A_111 = arith.constant 7 : i32
      "tpu.region"() ({
        %run_scoped3A_112 = tpu.sem_alloc : memref<!tpu.dma_semaphore, #tpu.memory_space<semaphore_mem>>
        %dma_start3A_113 = arith.constant 0 : i32
        %dma_start3A_114 = arith.constant 0 : i32
        %dma_start3A_115 = tpu.memref_slice %arg9[%run_scoped3A_110, %dma_start3A_113, %dma_start3A_114] : memref<2x128x128xf32, #tpu.memory_space<vmem>> -> memref<1x128x128xf32, #tpu.memory_space<vmem>>
        %dma_start3A_116 = tpu.memref_squeeze %dma_start3A_115 : memref<1x128x128xf32, #tpu.memory_space<vmem>> -> memref<128x128xf32, #tpu.memory_space<vmem>>
        %dma_start3A_117 = arith.constant 0 : i32
        %dma_start3A_118 = tpu.memref_slice %arg8[%run_scoped3A_111, %dma_start3A_117] : memref<8x128xi32, #tpu.memory_space<vmem>> -> memref<1x128xi32, #tpu.memory_space<vmem>>
        %dma_start3A_119 = tpu.memref_squeeze %dma_start3A_118 : memref<1x128xi32, #tpu.memory_space<vmem>> -> memref<128xi32, #tpu.memory_space<vmem>>
        %dma_start3A_120 = arith.constant 0 : i32
        %dma_start3A_121 = arith.constant 0 : i32
        %dma_start3A_122 = tpu.memref_slice %arg10[%dma_start3A_120, %dma_start3A_121] : memref<10112x128xf32, #tpu.memory_space<vmem_shared>> -> memref<10112x128xf32, #tpu.memory_space<vmem_shared>>
        tpu.enqueue_indirect_dma source(%dma_start3A_116 : memref<128x128xf32, #tpu.memory_space<vmem>>) target(%dma_start3A_122 : memref<10112x128xf32, #tpu.memory_space<vmem_shared>>) offsets(%dma_start3A_119 : memref<128xi32, #tpu.memory_space<vmem>>) semaphore(%run_scoped3A_112 : memref<!tpu.dma_semaphore, #tpu.memory_space<semaphore_mem>>) {add = true}
        %dma_wait3A_123 = arith.constant 0 : i32
        %dma_wait3A_124 = arith.constant 0 : i32
        %dma_wait3A_125 = tpu.memref_slice %arg9[%run_scoped3A_110, %dma_wait3A_123, %dma_wait3A_124] : memref<2x128x128xf32, #tpu.memory_space<vmem>> -> memref<1x128x128xf32, #tpu.memory_space<vmem>>
        %dma_wait3A_126 = tpu.memref_squeeze %dma_wait3A_125 : memref<1x128x128xf32, #tpu.memory_space<vmem>> -> memref<128x128xf32, #tpu.memory_space<vmem>>
        %dma_wait3A_127 = arith.constant 0 : i32
        %dma_wait3A_128 = tpu.memref_slice %arg8[%run_scoped3A_111, %dma_wait3A_127] : memref<8x128xi32, #tpu.memory_space<vmem>> -> memref<1x128xi32, #tpu.memory_space<vmem>>
        %dma_wait3A_129 = tpu.memref_squeeze %dma_wait3A_128 : memref<1x128xi32, #tpu.memory_space<vmem>> -> memref<128xi32, #tpu.memory_space<vmem>>
        %dma_wait3A_130 = arith.constant 0 : i32
        %dma_wait3A_131 = arith.constant 0 : i32
        %dma_wait3A_132 = tpu.memref_slice %arg10[%dma_wait3A_130, %dma_wait3A_131] : memref<10112x128xf32, #tpu.memory_space<vmem_shared>> -> memref<10112x128xf32, #tpu.memory_space<vmem_shared>>
        tpu.wait_indirect_dma semaphore(%run_scoped3A_112 : memref<!tpu.dma_semaphore, #tpu.memory_space<semaphore_mem>>) src(%dma_wait3A_126 : memref<128x128xf32, #tpu.memory_space<vmem>>) dst(%dma_wait3A_132 : memref<10112x128xf32, #tpu.memory_space<vmem_shared>>)
        tpu.yield
      }) : () -> ()
    }
    %scan3A_19 = arith.constant 10 : i32
    %barrier3A_20 = arith.constant 0 : index
    tpu.barrier barrier_id(%barrier3A_20)
    %add3A_21 = arith.constant 0 : i32
    %add3A_22 = arith.addi %mul3A_0, %add3A_21 : i32
    %run_scoped3A_23 = arith.constant 0 : i32
    "tpu.region"() ({
      %run_scoped3A_51 = tpu.sem_alloc : memref<!tpu.dma_semaphore, #tpu.memory_space<semaphore_mem>>
      %dma_start3A = arith.constant 0 : i32
      %dma_start3A_52 = arith.constant 0 : i32
      %dma_start3A_53 = tpu.memref_slice %arg9[%run_scoped3A_23, %dma_start3A, %dma_start3A_52] : memref<2x128x128xf32, #tpu.memory_space<vmem>> -> memref<1x128x128xf32, #tpu.memory_space<vmem>>
      %dma_start3A_54 = tpu.memref_squeeze %dma_start3A_53 : memref<1x128x128xf32, #tpu.memory_space<vmem>> -> memref<128x128xf32, #tpu.memory_space<vmem>>
      %dma_start3A_55 = arith.constant 0 : i32
      %dma_start3A_56 = tpu.memref_slice %arg10[%add3A_22, %dma_start3A_55] : memref<10112x128xf32, #tpu.memory_space<vmem_shared>> -> memref<128x128xf32, #tpu.memory_space<vmem_shared>>
      %dma_start3A_57 = arith.constant 0 : i32
      %dma_start3A_58 = arith.constant 0 : i32
      %dma_start3A_59 = tpu.memref_slice %arg9[%run_scoped3A_23, %dma_start3A_57, %dma_start3A_58] : memref<2x128x128xf32, #tpu.memory_space<vmem>> -> memref<1x128x128xf32, #tpu.memory_space<vmem>>
      %dma_start3A_60 = tpu.memref_squeeze %dma_start3A_59 : memref<1x128x128xf32, #tpu.memory_space<vmem>> -> memref<128x128xf32, #tpu.memory_space<vmem>>
      %dma_start3A_61 = arith.constant 0 : i32
      %dma_start3A_62 = tpu.memref_slice %arg10[%add3A_22, %dma_start3A_61] : memref<10112x128xf32, #tpu.memory_space<vmem_shared>> -> memref<128x128xf32, #tpu.memory_space<vmem_shared>>
      tpu.enqueue_dma source(%dma_start3A_62 : memref<128x128xf32, #tpu.memory_space<vmem_shared>>) target(%dma_start3A_60 : memref<128x128xf32, #tpu.memory_space<vmem>>) target_semaphore(%run_scoped3A_51 : memref<!tpu.dma_semaphore, #tpu.memory_space<semaphore_mem>>)
      %dma_wait3A = arith.constant 0 : i32
      %dma_wait3A_63 = arith.constant 0 : i32
      %dma_wait3A_64 = tpu.memref_slice %arg9[%run_scoped3A_23, %dma_wait3A, %dma_wait3A_63] : memref<2x128x128xf32, #tpu.memory_space<vmem>> -> memref<1x128x128xf32, #tpu.memory_space<vmem>>
      %dma_wait3A_65 = tpu.memref_squeeze %dma_wait3A_64 : memref<1x128x128xf32, #tpu.memory_space<vmem>> -> memref<128x128xf32, #tpu.memory_space<vmem>>
      %dma_wait3A_66 = arith.constant 0 : i32
      %dma_wait3A_67 = tpu.memref_slice %arg10[%add3A_22, %dma_wait3A_66] : memref<10112x128xf32, #tpu.memory_space<vmem_shared>> -> memref<128x128xf32, #tpu.memory_space<vmem_shared>>
      %dma_wait3A_68 = arith.constant 0 : i32
      %dma_wait3A_69 = arith.constant 0 : i32
      %dma_wait3A_70 = tpu.memref_slice %arg9[%run_scoped3A_23, %dma_wait3A_68, %dma_wait3A_69] : memref<2x128x128xf32, #tpu.memory_space<vmem>> -> memref<1x128x128xf32, #tpu.memory_space<vmem>>
      %dma_wait3A_71 = tpu.memref_squeeze %dma_wait3A_70 : memref<1x128x128xf32, #tpu.memory_space<vmem>> -> memref<128x128xf32, #tpu.memory_space<vmem>>
      %dma_wait3A_72 = arith.constant 0 : i32
      %dma_wait3A_73 = tpu.memref_slice %arg10[%add3A_22, %dma_wait3A_72] : memref<10112x128xf32, #tpu.memory_space<vmem_shared>> -> memref<128x128xf32, #tpu.memory_space<vmem_shared>>
      tpu.wait_dma2 semaphore(%run_scoped3A_51 : memref<!tpu.dma_semaphore, #tpu.memory_space<semaphore_mem>>) src(%dma_wait3A_73 : memref<128x128xf32, #tpu.memory_space<vmem_shared>>) dst(%dma_wait3A_71 : memref<128x128xf32, #tpu.memory_space<vmem>>)
      tpu.yield
    }) : () -> ()
    %add3A_24 = arith.constant 0 : i32
    %add3A_25 = arith.addi %mul3A_0, %add3A_24 : i32
    %run_scoped3A_26 = arith.constant 0 : i32
    "tpu.region"() ({
      %run_scoped3A_51 = tpu.sem_alloc : memref<!tpu.dma_semaphore, #tpu.memory_space<semaphore_mem>>
      %dma_start3A = arith.constant 0 : i32
      %dma_start3A_52 = arith.constant 0 : i32
      %dma_start3A_53 = tpu.memref_slice %arg9[%run_scoped3A_26, %dma_start3A, %dma_start3A_52] : memref<2x128x128xf32, #tpu.memory_space<vmem>> -> memref<1x128x128xf32, #tpu.memory_space<vmem>>
      %dma_start3A_54 = tpu.memref_squeeze %dma_start3A_53 : memref<1x128x128xf32, #tpu.memory_space<vmem>> -> memref<128x128xf32, #tpu.memory_space<vmem>>
      %dma_start3A_55 = arith.constant 0 : i32
      %dma_start3A_56 = tpu.memref_slice %arg6[%arg0, %add3A_25, %dma_start3A_55] : memref<2x10112x128xf32, #tpu.memory_space<hbm>> -> memref<1x128x128xf32, #tpu.memory_space<hbm>>
      %dma_start3A_57 = tpu.memref_squeeze %dma_start3A_56 : memref<1x128x128xf32, #tpu.memory_space<hbm>> -> memref<128x128xf32, #tpu.memory_space<hbm>>
      %dma_start3A_58 = arith.constant 0 : i32
      %dma_start3A_59 = tpu.memref_slice %arg6[%arg0, %add3A_25, %dma_start3A_58] : memref<2x10112x128xf32, #tpu.memory_space<hbm>> -> memref<1x128x128xf32, #tpu.memory_space<hbm>>
      %dma_start3A_60 = tpu.memref_squeeze %dma_start3A_59 : memref<1x128x128xf32, #tpu.memory_space<hbm>> -> memref<128x128xf32, #tpu.memory_space<hbm>>
      %dma_start3A_61 = arith.constant 0 : i32
      %dma_start3A_62 = arith.constant 0 : i32
      %dma_start3A_63 = tpu.memref_slice %arg9[%run_scoped3A_26, %dma_start3A_61, %dma_start3A_62] : memref<2x128x128xf32, #tpu.memory_space<vmem>> -> memref<1x128x128xf32, #tpu.memory_space<vmem>>
      %dma_start3A_64 = tpu.memref_squeeze %dma_start3A_63 : memref<1x128x128xf32, #tpu.memory_space<vmem>> -> memref<128x128xf32, #tpu.memory_space<vmem>>
      tpu.enqueue_dma source(%dma_start3A_64 : memref<128x128xf32, #tpu.memory_space<vmem>>) target(%dma_start3A_60 : memref<128x128xf32, #tpu.memory_space<hbm>>) target_semaphore(%run_scoped3A_51 : memref<!tpu.dma_semaphore, #tpu.memory_space<semaphore_mem>>)
      %dma_wait3A = arith.constant 0 : i32
      %dma_wait3A_65 = arith.constant 0 : i32
      %dma_wait3A_66 = tpu.memref_slice %arg9[%run_scoped3A_26, %dma_wait3A, %dma_wait3A_65] : memref<2x128x128xf32, #tpu.memory_space<vmem>> -> memref<1x128x128xf32, #tpu.memory_space<vmem>>
      %dma_wait3A_67 = tpu.memref_squeeze %dma_wait3A_66 : memref<1x128x128xf32, #tpu.memory_space<vmem>> -> memref<128x128xf32, #tpu.memory_space<vmem>>
      %dma_wait3A_68 = arith.constant 0 : i32
      %dma_wait3A_69 = tpu.memref_slice %arg6[%arg0, %add3A_25, %dma_wait3A_68] : memref<2x10112x128xf32, #tpu.memory_space<hbm>> -> memref<1x128x128xf32, #tpu.memory_space<hbm>>
      %dma_wait3A_70 = tpu.memref_squeeze %dma_wait3A_69 : memref<1x128x128xf32, #tpu.memory_space<hbm>> -> memref<128x128xf32, #tpu.memory_space<hbm>>
      %dma_wait3A_71 = arith.constant 0 : i32
      %dma_wait3A_72 = tpu.memref_slice %arg6[%arg0, %add3A_25, %dma_wait3A_71] : memref<2x10112x128xf32, #tpu.memory_space<hbm>> -> memref<1x128x128xf32, #tpu.memory_space<hbm>>
      %dma_wait3A_73 = tpu.memref_squeeze %dma_wait3A_72 : memref<1x128x128xf32, #tpu.memory_space<hbm>> -> memref<128x128xf32, #tpu.memory_space<hbm>>
      %dma_wait3A_74 = arith.constant 0 : i32
      %dma_wait3A_75 = arith.constant 0 : i32
      %dma_wait3A_76 = tpu.memref_slice %arg9[%run_scoped3A_26, %dma_wait3A_74, %dma_wait3A_75] : memref<2x128x128xf32, #tpu.memory_space<vmem>> -> memref<1x128x128xf32, #tpu.memory_space<vmem>>
      %dma_wait3A_77 = tpu.memref_squeeze %dma_wait3A_76 : memref<1x128x128xf32, #tpu.memory_space<vmem>> -> memref<128x128xf32, #tpu.memory_space<vmem>>
      tpu.wait_dma2 semaphore(%run_scoped3A_51 : memref<!tpu.dma_semaphore, #tpu.memory_space<semaphore_mem>>) src(%dma_wait3A_77 : memref<128x128xf32, #tpu.memory_space<vmem>>) dst(%dma_wait3A_73 : memref<128x128xf32, #tpu.memory_space<hbm>>)
      tpu.yield
    }) : () -> ()
    %add3A_27 = arith.constant 128 : i32
    %add3A_28 = arith.addi %mul3A_0, %add3A_27 : i32
    %run_scoped3A_29 = arith.constant 0 : i32
    "tpu.region"() ({
      %run_scoped3A_51 = tpu.sem_alloc : memref<!tpu.dma_semaphore, #tpu.memory_space<semaphore_mem>>
      %dma_start3A = arith.constant 0 : i32
      %dma_start3A_52 = arith.constant 0 : i32
      %dma_start3A_53 = tpu.memref_slice %arg9[%run_scoped3A_29, %dma_start3A, %dma_start3A_52] : memref<2x128x128xf32, #tpu.memory_space<vmem>> -> memref<1x128x128xf32, #tpu.memory_space<vmem>>
      %dma_start3A_54 = tpu.memref_squeeze %dma_start3A_53 : memref<1x128x128xf32, #tpu.memory_space<vmem>> -> memref<128x128xf32, #tpu.memory_space<vmem>>
      %dma_start3A_55 = arith.constant 0 : i32
      %dma_start3A_56 = tpu.memref_slice %arg10[%add3A_28, %dma_start3A_55] : memref<10112x128xf32, #tpu.memory_space<vmem_shared>> -> memref<128x128xf32, #tpu.memory_space<vmem_shared>>
      %dma_start3A_57 = arith.constant 0 : i32
      %dma_start3A_58 = arith.constant 0 : i32
      %dma_start3A_59 = tpu.memref_slice %arg9[%run_scoped3A_29, %dma_start3A_57, %dma_start3A_58] : memref<2x128x128xf32, #tpu.memory_space<vmem>> -> memref<1x128x128xf32, #tpu.memory_space<vmem>>
      %dma_start3A_60 = tpu.memref_squeeze %dma_start3A_59 : memref<1x128x128xf32, #tpu.memory_space<vmem>> -> memref<128x128xf32, #tpu.memory_space<vmem>>
      %dma_start3A_61 = arith.constant 0 : i32
      %dma_start3A_62 = tpu.memref_slice %arg10[%add3A_28, %dma_start3A_61] : memref<10112x128xf32, #tpu.memory_space<vmem_shared>> -> memref<128x128xf32, #tpu.memory_space<vmem_shared>>
      tpu.enqueue_dma source(%dma_start3A_62 : memref<128x128xf32, #tpu.memory_space<vmem_shared>>) target(%dma_start3A_60 : memref<128x128xf32, #tpu.memory_space<vmem>>) target_semaphore(%run_scoped3A_51 : memref<!tpu.dma_semaphore, #tpu.memory_space<semaphore_mem>>)
      %dma_wait3A = arith.constant 0 : i32
      %dma_wait3A_63 = arith.constant 0 : i32
      %dma_wait3A_64 = tpu.memref_slice %arg9[%run_scoped3A_29, %dma_wait3A, %dma_wait3A_63] : memref<2x128x128xf32, #tpu.memory_space<vmem>> -> memref<1x128x128xf32, #tpu.memory_space<vmem>>
      %dma_wait3A_65 = tpu.memref_squeeze %dma_wait3A_64 : memref<1x128x128xf32, #tpu.memory_space<vmem>> -> memref<128x128xf32, #tpu.memory_space<vmem>>
      %dma_wait3A_66 = arith.constant 0 : i32
      %dma_wait3A_67 = tpu.memref_slice %arg10[%add3A_28, %dma_wait3A_66] : memref<10112x128xf32, #tpu.memory_space<vmem_shared>> -> memref<128x128xf32, #tpu.memory_space<vmem_shared>>
      %dma_wait3A_68 = arith.constant 0 : i32
      %dma_wait3A_69 = arith.constant 0 : i32
      %dma_wait3A_70 = tpu.memref_slice %arg9[%run_scoped3A_29, %dma_wait3A_68, %dma_wait3A_69] : memref<2x128x128xf32, #tpu.memory_space<vmem>> -> memref<1x128x128xf32, #tpu.memory_space<vmem>>
      %dma_wait3A_71 = tpu.memref_squeeze %dma_wait3A_70 : memref<1x128x128xf32, #tpu.memory_space<vmem>> -> memref<128x128xf32, #tpu.memory_space<vmem>>
      %dma_wait3A_72 = arith.constant 0 : i32
      %dma_wait3A_73 = tpu.memref_slice %arg10[%add3A_28, %dma_wait3A_72] : memref<10112x128xf32, #tpu.memory_space<vmem_shared>> -> memref<128x128xf32, #tpu.memory_space<vmem_shared>>
      tpu.wait_dma2 semaphore(%run_scoped3A_51 : memref<!tpu.dma_semaphore, #tpu.memory_space<semaphore_mem>>) src(%dma_wait3A_73 : memref<128x128xf32, #tpu.memory_space<vmem_shared>>) dst(%dma_wait3A_71 : memref<128x128xf32, #tpu.memory_space<vmem>>)
      tpu.yield
    }) : () -> ()
    %add3A_30 = arith.constant 128 : i32
    %add3A_31 = arith.addi %mul3A_0, %add3A_30 : i32
    %run_scoped3A_32 = arith.constant 0 : i32
    "tpu.region"() ({
      %run_scoped3A_51 = tpu.sem_alloc : memref<!tpu.dma_semaphore, #tpu.memory_space<semaphore_mem>>
      %dma_start3A = arith.constant 0 : i32
      %dma_start3A_52 = arith.constant 0 : i32
      %dma_start3A_53 = tpu.memref_slice %arg9[%run_scoped3A_32, %dma_start3A, %dma_start3A_52] : memref<2x128x128xf32, #tpu.memory_space<vmem>> -> memref<1x128x128xf32, #tpu.memory_space<vmem>>
      %dma_start3A_54 = tpu.memref_squeeze %dma_start3A_53 : memref<1x128x128xf32, #tpu.memory_space<vmem>> -> memref<128x128xf32, #tpu.memory_space<vmem>>
      %dma_start3A_55 = arith.constant 0 : i32
      %dma_start3A_56 = tpu.memref_slice %arg6[%arg0, %add3A_31, %dma_start3A_55] : memref<2x10112x128xf32, #tpu.memory_space<hbm>> -> memref<1x128x128xf32, #tpu.memory_space<hbm>>
      %dma_start3A_57 = tpu.memref_squeeze %dma_start3A_56 : memref<1x128x128xf32, #tpu.memory_space<hbm>> -> memref<128x128xf32, #tpu.memory_space<hbm>>
      %dma_start3A_58 = arith.constant 0 : i32
      %dma_start3A_59 = tpu.memref_slice %arg6[%arg0, %add3A_31, %dma_start3A_58] : memref<2x10112x128xf32, #tpu.memory_space<hbm>> -> memref<1x128x128xf32, #tpu.memory_space<hbm>>
      %dma_start3A_60 = tpu.memref_squeeze %dma_start3A_59 : memref<1x128x128xf32, #tpu.memory_space<hbm>> -> memref<128x128xf32, #tpu.memory_space<hbm>>
      %dma_start3A_61 = arith.constant 0 : i32
      %dma_start3A_62 = arith.constant 0 : i32
      %dma_start3A_63 = tpu.memref_slice %arg9[%run_scoped3A_32, %dma_start3A_61, %dma_start3A_62] : memref<2x128x128xf32, #tpu.memory_space<vmem>> -> memref<1x128x128xf32, #tpu.memory_space<vmem>>
      %dma_start3A_64 = tpu.memref_squeeze %dma_start3A_63 : memref<1x128x128xf32, #tpu.memory_space<vmem>> -> memref<128x128xf32, #tpu.memory_space<vmem>>
      tpu.enqueue_dma source(%dma_start3A_64 : memref<128x128xf32, #tpu.memory_space<vmem>>) target(%dma_start3A_60 : memref<128x128xf32, #tpu.memory_space<hbm>>) target_semaphore(%run_scoped3A_51 : memref<!tpu.dma_semaphore, #tpu.memory_space<semaphore_mem>>)
      %dma_wait3A = arith.constant 0 : i32
      %dma_wait3A_65 = arith.constant 0 : i32
      %dma_wait3A_66 = tpu.memref_slice %arg9[%run_scoped3A_32, %dma_wait3A, %dma_wait3A_65] : memref<2x128x128xf32, #tpu.memory_space<vmem>> -> memref<1x128x128xf32, #tpu.memory_space<vmem>>
      %dma_wait3A_67 = tpu.memref_squeeze %dma_wait3A_66 : memref<1x128x128xf32, #tpu.memory_space<vmem>> -> memref<128x128xf32, #tpu.memory_space<vmem>>
      %dma_wait3A_68 = arith.constant 0 : i32
      %dma_wait3A_69 = tpu.memref_slice %arg6[%arg0, %add3A_31, %dma_wait3A_68] : memref<2x10112x128xf32, #tpu.memory_space<hbm>> -> memref<1x128x128xf32, #tpu.memory_space<hbm>>
      %dma_wait3A_70 = tpu.memref_squeeze %dma_wait3A_69 : memref<1x128x128xf32, #tpu.memory_space<hbm>> -> memref<128x128xf32, #tpu.memory_space<hbm>>
      %dma_wait3A_71 = arith.constant 0 : i32
      %dma_wait3A_72 = tpu.memref_slice %arg6[%arg0, %add3A_31, %dma_wait3A_71] : memref<2x10112x128xf32, #tpu.memory_space<hbm>> -> memref<1x128x128xf32, #tpu.memory_space<hbm>>
      %dma_wait3A_73 = tpu.memref_squeeze %dma_wait3A_72 : memref<1x128x128xf32, #tpu.memory_space<hbm>> -> memref<128x128xf32, #tpu.memory_space<hbm>>
      %dma_wait3A_74 = arith.constant 0 : i32
      %dma_wait3A_75 = arith.constant 0 : i32
      %dma_wait3A_76 = tpu.memref_slice %arg9[%run_scoped3A_32, %dma_wait3A_74, %dma_wait3A_75] : memref<2x128x128xf32, #tpu.memory_space<vmem>> -> memref<1x128x128xf32, #tpu.memory_space<vmem>>
      %dma_wait3A_77 = tpu.memref_squeeze %dma_wait3A_76 : memref<1x128x128xf32, #tpu.memory_space<vmem>> -> memref<128x128xf32, #tpu.memory_space<vmem>>
      tpu.wait_dma2 semaphore(%run_scoped3A_51 : memref<!tpu.dma_semaphore, #tpu.memory_space<semaphore_mem>>) src(%dma_wait3A_77 : memref<128x128xf32, #tpu.memory_space<vmem>>) dst(%dma_wait3A_73 : memref<128x128xf32, #tpu.memory_space<hbm>>)
      tpu.yield
    }) : () -> ()
    %add3A_33 = arith.constant 256 : i32
    %add3A_34 = arith.addi %mul3A_0, %add3A_33 : i32
    %run_scoped3A_35 = arith.constant 0 : i32
    "tpu.region"() ({
      %run_scoped3A_51 = tpu.sem_alloc : memref<!tpu.dma_semaphore, #tpu.memory_space<semaphore_mem>>
      %dma_start3A = arith.constant 0 : i32
      %dma_start3A_52 = arith.constant 0 : i32
      %dma_start3A_53 = tpu.memref_slice %arg9[%run_scoped3A_35, %dma_start3A, %dma_start3A_52] : memref<2x128x128xf32, #tpu.memory_space<vmem>> -> memref<1x128x128xf32, #tpu.memory_space<vmem>>
      %dma_start3A_54 = tpu.memref_squeeze %dma_start3A_53 : memref<1x128x128xf32, #tpu.memory_space<vmem>> -> memref<128x128xf32, #tpu.memory_space<vmem>>
      %dma_start3A_55 = arith.constant 0 : i32
      %dma_start3A_56 = tpu.memref_slice %arg10[%add3A_34, %dma_start3A_55] : memref<10112x128xf32, #tpu.memory_space<vmem_shared>> -> memref<128x128xf32, #tpu.memory_space<vmem_shared>>
      %dma_start3A_57 = arith.constant 0 : i32
      %dma_start3A_58 = arith.constant 0 : i32
      %dma_start3A_59 = tpu.memref_slice %arg9[%run_scoped3A_35, %dma_start3A_57, %dma_start3A_58] : memref<2x128x128xf32, #tpu.memory_space<vmem>> -> memref<1x128x128xf32, #tpu.memory_space<vmem>>
      %dma_start3A_60 = tpu.memref_squeeze %dma_start3A_59 : memref<1x128x128xf32, #tpu.memory_space<vmem>> -> memref<128x128xf32, #tpu.memory_space<vmem>>
      %dma_start3A_61 = arith.constant 0 : i32
      %dma_start3A_62 = tpu.memref_slice %arg10[%add3A_34, %dma_start3A_61] : memref<10112x128xf32, #tpu.memory_space<vmem_shared>> -> memref<128x128xf32, #tpu.memory_space<vmem_shared>>
      tpu.enqueue_dma source(%dma_start3A_62 : memref<128x128xf32, #tpu.memory_space<vmem_shared>>) target(%dma_start3A_60 : memref<128x128xf32, #tpu.memory_space<vmem>>) target_semaphore(%run_scoped3A_51 : memref<!tpu.dma_semaphore, #tpu.memory_space<semaphore_mem>>)
      %dma_wait3A = arith.constant 0 : i32
      %dma_wait3A_63 = arith.constant 0 : i32
      %dma_wait3A_64 = tpu.memref_slice %arg9[%run_scoped3A_35, %dma_wait3A, %dma_wait3A_63] : memref<2x128x128xf32, #tpu.memory_space<vmem>> -> memref<1x128x128xf32, #tpu.memory_space<vmem>>
      %dma_wait3A_65 = tpu.memref_squeeze %dma_wait3A_64 : memref<1x128x128xf32, #tpu.memory_space<vmem>> -> memref<128x128xf32, #tpu.memory_space<vmem>>
      %dma_wait3A_66 = arith.constant 0 : i32
      %dma_wait3A_67 = tpu.memref_slice %arg10[%add3A_34, %dma_wait3A_66] : memref<10112x128xf32, #tpu.memory_space<vmem_shared>> -> memref<128x128xf32, #tpu.memory_space<vmem_shared>>
      %dma_wait3A_68 = arith.constant 0 : i32
      %dma_wait3A_69 = arith.constant 0 : i32
      %dma_wait3A_70 = tpu.memref_slice %arg9[%run_scoped3A_35, %dma_wait3A_68, %dma_wait3A_69] : memref<2x128x128xf32, #tpu.memory_space<vmem>> -> memref<1x128x128xf32, #tpu.memory_space<vmem>>
      %dma_wait3A_71 = tpu.memref_squeeze %dma_wait3A_70 : memref<1x128x128xf32, #tpu.memory_space<vmem>> -> memref<128x128xf32, #tpu.memory_space<vmem>>
      %dma_wait3A_72 = arith.constant 0 : i32
      %dma_wait3A_73 = tpu.memref_slice %arg10[%add3A_34, %dma_wait3A_72] : memref<10112x128xf32, #tpu.memory_space<vmem_shared>> -> memref<128x128xf32, #tpu.memory_space<vmem_shared>>
      tpu.wait_dma2 semaphore(%run_scoped3A_51 : memref<!tpu.dma_semaphore, #tpu.memory_space<semaphore_mem>>) src(%dma_wait3A_73 : memref<128x128xf32, #tpu.memory_space<vmem_shared>>) dst(%dma_wait3A_71 : memref<128x128xf32, #tpu.memory_space<vmem>>)
      tpu.yield
    }) : () -> ()
    %add3A_36 = arith.constant 256 : i32
    %add3A_37 = arith.addi %mul3A_0, %add3A_36 : i32
    %run_scoped3A_38 = arith.constant 0 : i32
    "tpu.region"() ({
      %run_scoped3A_51 = tpu.sem_alloc : memref<!tpu.dma_semaphore, #tpu.memory_space<semaphore_mem>>
      %dma_start3A = arith.constant 0 : i32
      %dma_start3A_52 = arith.constant 0 : i32
      %dma_start3A_53 = tpu.memref_slice %arg9[%run_scoped3A_38, %dma_start3A, %dma_start3A_52] : memref<2x128x128xf32, #tpu.memory_space<vmem>> -> memref<1x128x128xf32, #tpu.memory_space<vmem>>
      %dma_start3A_54 = tpu.memref_squeeze %dma_start3A_53 : memref<1x128x128xf32, #tpu.memory_space<vmem>> -> memref<128x128xf32, #tpu.memory_space<vmem>>
      %dma_start3A_55 = arith.constant 0 : i32
      %dma_start3A_56 = tpu.memref_slice %arg6[%arg0, %add3A_37, %dma_start3A_55] : memref<2x10112x128xf32, #tpu.memory_space<hbm>> -> memref<1x128x128xf32, #tpu.memory_space<hbm>>
      %dma_start3A_57 = tpu.memref_squeeze %dma_start3A_56 : memref<1x128x128xf32, #tpu.memory_space<hbm>> -> memref<128x128xf32, #tpu.memory_space<hbm>>
      %dma_start3A_58 = arith.constant 0 : i32
      %dma_start3A_59 = tpu.memref_slice %arg6[%arg0, %add3A_37, %dma_start3A_58] : memref<2x10112x128xf32, #tpu.memory_space<hbm>> -> memref<1x128x128xf32, #tpu.memory_space<hbm>>
      %dma_start3A_60 = tpu.memref_squeeze %dma_start3A_59 : memref<1x128x128xf32, #tpu.memory_space<hbm>> -> memref<128x128xf32, #tpu.memory_space<hbm>>
      %dma_start3A_61 = arith.constant 0 : i32
      %dma_start3A_62 = arith.constant 0 : i32
      %dma_start3A_63 = tpu.memref_slice %arg9[%run_scoped3A_38, %dma_start3A_61, %dma_start3A_62] : memref<2x128x128xf32, #tpu.memory_space<vmem>> -> memref<1x128x128xf32, #tpu.memory_space<vmem>>
      %dma_start3A_64 = tpu.memref_squeeze %dma_start3A_63 : memref<1x128x128xf32, #tpu.memory_space<vmem>> -> memref<128x128xf32, #tpu.memory_space<vmem>>
      tpu.enqueue_dma source(%dma_start3A_64 : memref<128x128xf32, #tpu.memory_space<vmem>>) target(%dma_start3A_60 : memref<128x128xf32, #tpu.memory_space<hbm>>) target_semaphore(%run_scoped3A_51 : memref<!tpu.dma_semaphore, #tpu.memory_space<semaphore_mem>>)
      %dma_wait3A = arith.constant 0 : i32
      %dma_wait3A_65 = arith.constant 0 : i32
      %dma_wait3A_66 = tpu.memref_slice %arg9[%run_scoped3A_38, %dma_wait3A, %dma_wait3A_65] : memref<2x128x128xf32, #tpu.memory_space<vmem>> -> memref<1x128x128xf32, #tpu.memory_space<vmem>>
      %dma_wait3A_67 = tpu.memref_squeeze %dma_wait3A_66 : memref<1x128x128xf32, #tpu.memory_space<vmem>> -> memref<128x128xf32, #tpu.memory_space<vmem>>
      %dma_wait3A_68 = arith.constant 0 : i32
      %dma_wait3A_69 = tpu.memref_slice %arg6[%arg0, %add3A_37, %dma_wait3A_68] : memref<2x10112x128xf32, #tpu.memory_space<hbm>> -> memref<1x128x128xf32, #tpu.memory_space<hbm>>
      %dma_wait3A_70 = tpu.memref_squeeze %dma_wait3A_69 : memref<1x128x128xf32, #tpu.memory_space<hbm>> -> memref<128x128xf32, #tpu.memory_space<hbm>>
      %dma_wait3A_71 = arith.constant 0 : i32
      %dma_wait3A_72 = tpu.memref_slice %arg6[%arg0, %add3A_37, %dma_wait3A_71] : memref<2x10112x128xf32, #tpu.memory_space<hbm>> -> memref<1x128x128xf32, #tpu.memory_space<hbm>>
      %dma_wait3A_73 = tpu.memref_squeeze %dma_wait3A_72 : memref<1x128x128xf32, #tpu.memory_space<hbm>> -> memref<128x128xf32, #tpu.memory_space<hbm>>
      %dma_wait3A_74 = arith.constant 0 : i32
      %dma_wait3A_75 = arith.constant 0 : i32
      %dma_wait3A_76 = tpu.memref_slice %arg9[%run_scoped3A_38, %dma_wait3A_74, %dma_wait3A_75] : memref<2x128x128xf32, #tpu.memory_space<vmem>> -> memref<1x128x128xf32, #tpu.memory_space<vmem>>
      %dma_wait3A_77 = tpu.memref_squeeze %dma_wait3A_76 : memref<1x128x128xf32, #tpu.memory_space<vmem>> -> memref<128x128xf32, #tpu.memory_space<vmem>>
      tpu.wait_dma2 semaphore(%run_scoped3A_51 : memref<!tpu.dma_semaphore, #tpu.memory_space<semaphore_mem>>) src(%dma_wait3A_77 : memref<128x128xf32, #tpu.memory_space<vmem>>) dst(%dma_wait3A_73 : memref<128x128xf32, #tpu.memory_space<hbm>>)
      tpu.yield
    }) : () -> ()
    %add3A_39 = arith.constant 384 : i32
    %add3A_40 = arith.addi %mul3A_0, %add3A_39 : i32
    %run_scoped3A_41 = arith.constant 0 : i32
    "tpu.region"() ({
      %run_scoped3A_51 = tpu.sem_alloc : memref<!tpu.dma_semaphore, #tpu.memory_space<semaphore_mem>>
      %dma_start3A = arith.constant 0 : i32
      %dma_start3A_52 = arith.constant 0 : i32
      %dma_start3A_53 = tpu.memref_slice %arg9[%run_scoped3A_41, %dma_start3A, %dma_start3A_52] : memref<2x128x128xf32, #tpu.memory_space<vmem>> -> memref<1x128x128xf32, #tpu.memory_space<vmem>>
      %dma_start3A_54 = tpu.memref_squeeze %dma_start3A_53 : memref<1x128x128xf32, #tpu.memory_space<vmem>> -> memref<128x128xf32, #tpu.memory_space<vmem>>
      %dma_start3A_55 = arith.constant 0 : i32
      %dma_start3A_56 = tpu.memref_slice %arg10[%add3A_40, %dma_start3A_55] : memref<10112x128xf32, #tpu.memory_space<vmem_shared>> -> memref<128x128xf32, #tpu.memory_space<vmem_shared>>
      %dma_start3A_57 = arith.constant 0 : i32
      %dma_start3A_58 = arith.constant 0 : i32
      %dma_start3A_59 = tpu.memref_slice %arg9[%run_scoped3A_41, %dma_start3A_57, %dma_start3A_58] : memref<2x128x128xf32, #tpu.memory_space<vmem>> -> memref<1x128x128xf32, #tpu.memory_space<vmem>>
      %dma_start3A_60 = tpu.memref_squeeze %dma_start3A_59 : memref<1x128x128xf32, #tpu.memory_space<vmem>> -> memref<128x128xf32, #tpu.memory_space<vmem>>
      %dma_start3A_61 = arith.constant 0 : i32
      %dma_start3A_62 = tpu.memref_slice %arg10[%add3A_40, %dma_start3A_61] : memref<10112x128xf32, #tpu.memory_space<vmem_shared>> -> memref<128x128xf32, #tpu.memory_space<vmem_shared>>
      tpu.enqueue_dma source(%dma_start3A_62 : memref<128x128xf32, #tpu.memory_space<vmem_shared>>) target(%dma_start3A_60 : memref<128x128xf32, #tpu.memory_space<vmem>>) target_semaphore(%run_scoped3A_51 : memref<!tpu.dma_semaphore, #tpu.memory_space<semaphore_mem>>)
      %dma_wait3A = arith.constant 0 : i32
      %dma_wait3A_63 = arith.constant 0 : i32
      %dma_wait3A_64 = tpu.memref_slice %arg9[%run_scoped3A_41, %dma_wait3A, %dma_wait3A_63] : memref<2x128x128xf32, #tpu.memory_space<vmem>> -> memref<1x128x128xf32, #tpu.memory_space<vmem>>
      %dma_wait3A_65 = tpu.memref_squeeze %dma_wait3A_64 : memref<1x128x128xf32, #tpu.memory_space<vmem>> -> memref<128x128xf32, #tpu.memory_space<vmem>>
      %dma_wait3A_66 = arith.constant 0 : i32
      %dma_wait3A_67 = tpu.memref_slice %arg10[%add3A_40, %dma_wait3A_66] : memref<10112x128xf32, #tpu.memory_space<vmem_shared>> -> memref<128x128xf32, #tpu.memory_space<vmem_shared>>
      %dma_wait3A_68 = arith.constant 0 : i32
      %dma_wait3A_69 = arith.constant 0 : i32
      %dma_wait3A_70 = tpu.memref_slice %arg9[%run_scoped3A_41, %dma_wait3A_68, %dma_wait3A_69] : memref<2x128x128xf32, #tpu.memory_space<vmem>> -> memref<1x128x128xf32, #tpu.memory_space<vmem>>
      %dma_wait3A_71 = tpu.memref_squeeze %dma_wait3A_70 : memref<1x128x128xf32, #tpu.memory_space<vmem>> -> memref<128x128xf32, #tpu.memory_space<vmem>>
      %dma_wait3A_72 = arith.constant 0 : i32
      %dma_wait3A_73 = tpu.memref_slice %arg10[%add3A_40, %dma_wait3A_72] : memref<10112x128xf32, #tpu.memory_space<vmem_shared>> -> memref<128x128xf32, #tpu.memory_space<vmem_shared>>
      tpu.wait_dma2 semaphore(%run_scoped3A_51 : memref<!tpu.dma_semaphore, #tpu.memory_space<semaphore_mem>>) src(%dma_wait3A_73 : memref<128x128xf32, #tpu.memory_space<vmem_shared>>) dst(%dma_wait3A_71 : memref<128x128xf32, #tpu.memory_space<vmem>>)
      tpu.yield
    }) : () -> ()
    %add3A_42 = arith.constant 384 : i32
    %add3A_43 = arith.addi %mul3A_0, %add3A_42 : i32
    %run_scoped3A_44 = arith.constant 0 : i32
    "tpu.region"() ({
      %run_scoped3A_51 = tpu.sem_alloc : memref<!tpu.dma_semaphore, #tpu.memory_space<semaphore_mem>>
      %dma_start3A = arith.constant 0 : i32
      %dma_start3A_52 = arith.constant 0 : i32
      %dma_start3A_53 = tpu.memref_slice %arg9[%run_scoped3A_44, %dma_start3A, %dma_start3A_52] : memref<2x128x128xf32, #tpu.memory_space<vmem>> -> memref<1x128x128xf32, #tpu.memory_space<vmem>>
      %dma_start3A_54 = tpu.memref_squeeze %dma_start3A_53 : memref<1x128x128xf32, #tpu.memory_space<vmem>> -> memref<128x128xf32, #tpu.memory_space<vmem>>
      %dma_start3A_55 = arith.constant 0 : i32
      %dma_start3A_56 = tpu.memref_slice %arg6[%arg0, %add3A_43, %dma_start3A_55] : memref<2x10112x128xf32, #tpu.memory_space<hbm>> -> memref<1x128x128xf32, #tpu.memory_space<hbm>>
      %dma_start3A_57 = tpu.memref_squeeze %dma_start3A_56 : memref<1x128x128xf32, #tpu.memory_space<hbm>> -> memref<128x128xf32, #tpu.memory_space<hbm>>
      %dma_start3A_58 = arith.constant 0 : i32
      %dma_start3A_59 = tpu.memref_slice %arg6[%arg0, %add3A_43, %dma_start3A_58] : memref<2x10112x128xf32, #tpu.memory_space<hbm>> -> memref<1x128x128xf32, #tpu.memory_space<hbm>>
      %dma_start3A_60 = tpu.memref_squeeze %dma_start3A_59 : memref<1x128x128xf32, #tpu.memory_space<hbm>> -> memref<128x128xf32, #tpu.memory_space<hbm>>
      %dma_start3A_61 = arith.constant 0 : i32
      %dma_start3A_62 = arith.constant 0 : i32
      %dma_start3A_63 = tpu.memref_slice %arg9[%run_scoped3A_44, %dma_start3A_61, %dma_start3A_62] : memref<2x128x128xf32, #tpu.memory_space<vmem>> -> memref<1x128x128xf32, #tpu.memory_space<vmem>>
      %dma_start3A_64 = tpu.memref_squeeze %dma_start3A_63 : memref<1x128x128xf32, #tpu.memory_space<vmem>> -> memref<128x128xf32, #tpu.memory_space<vmem>>
      tpu.enqueue_dma source(%dma_start3A_64 : memref<128x128xf32, #tpu.memory_space<vmem>>) target(%dma_start3A_60 : memref<128x128xf32, #tpu.memory_space<hbm>>) target_semaphore(%run_scoped3A_51 : memref<!tpu.dma_semaphore, #tpu.memory_space<semaphore_mem>>)
      %dma_wait3A = arith.constant 0 : i32
      %dma_wait3A_65 = arith.constant 0 : i32
      %dma_wait3A_66 = tpu.memref_slice %arg9[%run_scoped3A_44, %dma_wait3A, %dma_wait3A_65] : memref<2x128x128xf32, #tpu.memory_space<vmem>> -> memref<1x128x128xf32, #tpu.memory_space<vmem>>
      %dma_wait3A_67 = tpu.memref_squeeze %dma_wait3A_66 : memref<1x128x128xf32, #tpu.memory_space<vmem>> -> memref<128x128xf32, #tpu.memory_space<vmem>>
      %dma_wait3A_68 = arith.constant 0 : i32
      %dma_wait3A_69 = tpu.memref_slice %arg6[%arg0, %add3A_43, %dma_wait3A_68] : memref<2x10112x128xf32, #tpu.memory_space<hbm>> -> memref<1x128x128xf32, #tpu.memory_space<hbm>>
      %dma_wait3A_70 = tpu.memref_squeeze %dma_wait3A_69 : memref<1x128x128xf32, #tpu.memory_space<hbm>> -> memref<128x128xf32, #tpu.memory_space<hbm>>
      %dma_wait3A_71 = arith.constant 0 : i32
      %dma_wait3A_72 = tpu.memref_slice %arg6[%arg0, %add3A_43, %dma_wait3A_71] : memref<2x10112x128xf32, #tpu.memory_space<hbm>> -> memref<1x128x128xf32, #tpu.memory_space<hbm>>
      %dma_wait3A_73 = tpu.memref_squeeze %dma_wait3A_72 : memref<1x128x128xf32, #tpu.memory_space<hbm>> -> memref<128x128xf32, #tpu.memory_space<hbm>>
      %dma_wait3A_74 = arith.constant 0 : i32
      %dma_wait3A_75 = arith.constant 0 : i32
      %dma_wait3A_76 = tpu.memref_slice %arg9[%run_scoped3A_44, %dma_wait3A_74, %dma_wait3A_75] : memref<2x128x128xf32, #tpu.memory_space<vmem>> -> memref<1x128x128xf32, #tpu.memory_space<vmem>>
      %dma_wait3A_77 = tpu.memref_squeeze %dma_wait3A_76 : memref<1x128x128xf32, #tpu.memory_space<vmem>> -> memref<128x128xf32, #tpu.memory_space<vmem>>
      tpu.wait_dma2 semaphore(%run_scoped3A_51 : memref<!tpu.dma_semaphore, #tpu.memory_space<semaphore_mem>>) src(%dma_wait3A_77 : memref<128x128xf32, #tpu.memory_space<vmem>>) dst(%dma_wait3A_73 : memref<128x128xf32, #tpu.memory_space<hbm>>)
      tpu.yield
    }) : () -> ()
    %add3A_45 = arith.constant 512 : i32
    %add3A_46 = arith.addi %mul3A_0, %add3A_45 : i32
    %run_scoped3A_47 = arith.constant 0 : i32
    "tpu.region"() ({
      %run_scoped3A_51 = tpu.sem_alloc : memref<!tpu.dma_semaphore, #tpu.memory_space<semaphore_mem>>
      %dma_start3A = arith.constant 0 : i32
      %dma_start3A_52 = arith.constant 0 : i32
      %dma_start3A_53 = tpu.memref_slice %arg9[%run_scoped3A_47, %dma_start3A, %dma_start3A_52] : memref<2x128x128xf32, #tpu.memory_space<vmem>> -> memref<1x120x128xf32, #tpu.memory_space<vmem>>
      %dma_start3A_54 = tpu.memref_squeeze %dma_start3A_53 : memref<1x120x128xf32, #tpu.memory_space<vmem>> -> memref<120x128xf32, #tpu.memory_space<vmem>>
      %dma_start3A_55 = arith.constant 0 : i32
      %dma_start3A_56 = tpu.memref_slice %arg10[%add3A_46, %dma_start3A_55] : memref<10112x128xf32, #tpu.memory_space<vmem_shared>> -> memref<120x128xf32, #tpu.memory_space<vmem_shared>>
      %dma_start3A_57 = arith.constant 0 : i32
      %dma_start3A_58 = arith.constant 0 : i32
      %dma_start3A_59 = tpu.memref_slice %arg9[%run_scoped3A_47, %dma_start3A_57, %dma_start3A_58] : memref<2x128x128xf32, #tpu.memory_space<vmem>> -> memref<1x120x128xf32, #tpu.memory_space<vmem>>
      %dma_start3A_60 = tpu.memref_squeeze %dma_start3A_59 : memref<1x120x128xf32, #tpu.memory_space<vmem>> -> memref<120x128xf32, #tpu.memory_space<vmem>>
      %dma_start3A_61 = arith.constant 0 : i32
      %dma_start3A_62 = tpu.memref_slice %arg10[%add3A_46, %dma_start3A_61] : memref<10112x128xf32, #tpu.memory_space<vmem_shared>> -> memref<120x128xf32, #tpu.memory_space<vmem_shared>>
      tpu.enqueue_dma source(%dma_start3A_62 : memref<120x128xf32, #tpu.memory_space<vmem_shared>>) target(%dma_start3A_60 : memref<120x128xf32, #tpu.memory_space<vmem>>) target_semaphore(%run_scoped3A_51 : memref<!tpu.dma_semaphore, #tpu.memory_space<semaphore_mem>>)
      %dma_wait3A = arith.constant 0 : i32
      %dma_wait3A_63 = arith.constant 0 : i32
      %dma_wait3A_64 = tpu.memref_slice %arg9[%run_scoped3A_47, %dma_wait3A, %dma_wait3A_63] : memref<2x128x128xf32, #tpu.memory_space<vmem>> -> memref<1x120x128xf32, #tpu.memory_space<vmem>>
      %dma_wait3A_65 = tpu.memref_squeeze %dma_wait3A_64 : memref<1x120x128xf32, #tpu.memory_space<vmem>> -> memref<120x128xf32, #tpu.memory_space<vmem>>
      %dma_wait3A_66 = arith.constant 0 : i32
      %dma_wait3A_67 = tpu.memref_slice %arg10[%add3A_46, %dma_wait3A_66] : memref<10112x128xf32, #tpu.memory_space<vmem_shared>> -> memref<120x128xf32, #tpu.memory_space<vmem_shared>>
      %dma_wait3A_68 = arith.constant 0 : i32
      %dma_wait3A_69 = arith.constant 0 : i32
      %dma_wait3A_70 = tpu.memref_slice %arg9[%run_scoped3A_47, %dma_wait3A_68, %dma_wait3A_69] : memref<2x128x128xf32, #tpu.memory_space<vmem>> -> memref<1x120x128xf32, #tpu.memory_space<vmem>>
      %dma_wait3A_71 = tpu.memref_squeeze %dma_wait3A_70 : memref<1x120x128xf32, #tpu.memory_space<vmem>> -> memref<120x128xf32, #tpu.memory_space<vmem>>
      %dma_wait3A_72 = arith.constant 0 : i32
      %dma_wait3A_73 = tpu.memref_slice %arg10[%add3A_46, %dma_wait3A_72] : memref<10112x128xf32, #tpu.memory_space<vmem_shared>> -> memref<120x128xf32, #tpu.memory_space<vmem_shared>>
      tpu.wait_dma2 semaphore(%run_scoped3A_51 : memref<!tpu.dma_semaphore, #tpu.memory_space<semaphore_mem>>) src(%dma_wait3A_73 : memref<120x128xf32, #tpu.memory_space<vmem_shared>>) dst(%dma_wait3A_71 : memref<120x128xf32, #tpu.memory_space<vmem>>)
      tpu.yield
    }) : () -> ()
    %add3A_48 = arith.constant 512 : i32
    %add3A_49 = arith.addi %mul3A_0, %add3A_48 : i32
    %run_scoped3A_50 = arith.constant 0 : i32
    "tpu.region"() ({
      %run_scoped3A_51 = tpu.sem_alloc : memref<!tpu.dma_semaphore, #tpu.memory_space<semaphore_mem>>
      %dma_start3A = arith.constant 0 : i32
      %dma_start3A_52 = arith.constant 0 : i32
      %dma_start3A_53 = tpu.memref_slice %arg9[%run_scoped3A_50, %dma_start3A, %dma_start3A_52] : memref<2x128x128xf32, #tpu.memory_space<vmem>> -> memref<1x120x128xf32, #tpu.memory_space<vmem>>
      %dma_start3A_54 = tpu.memref_squeeze %dma_start3A_53 : memref<1x120x128xf32, #tpu.memory_space<vmem>> -> memref<120x128xf32, #tpu.memory_space<vmem>>
      %dma_start3A_55 = arith.constant 0 : i32
      %dma_start3A_56 = tpu.memref_slice %arg6[%arg0, %add3A_49, %dma_start3A_55] : memref<2x10112x128xf32, #tpu.memory_space<hbm>> -> memref<1x120x128xf32, #tpu.memory_space<hbm>>
      %dma_start3A_57 = tpu.memref_squeeze %dma_start3A_56 : memref<1x120x128xf32, #tpu.memory_space<hbm>> -> memref<120x128xf32, #tpu.memory_space<hbm>>
      %dma_start3A_58 = arith.constant 0 : i32
      %dma_start3A_59 = tpu.memref_slice %arg6[%arg0, %add3A_49, %dma_start3A_58] : memref<2x10112x128xf32, #tpu.memory_space<hbm>> -> memref<1x120x128xf32, #tpu.memory_space<hbm>>
      %dma_start3A_60 = tpu.memref_squeeze %dma_start3A_59 : memref<1x120x128xf32, #tpu.memory_space<hbm>> -> memref<120x128xf32, #tpu.memory_space<hbm>>
      %dma_start3A_61 = arith.constant 0 : i32
      %dma_start3A_62 = arith.constant 0 : i32
      %dma_start3A_63 = tpu.memref_slice %arg9[%run_scoped3A_50, %dma_start3A_61, %dma_start3A_62] : memref<2x128x128xf32, #tpu.memory_space<vmem>> -> memref<1x120x128xf32, #tpu.memory_space<vmem>>
      %dma_start3A_64 = tpu.memref_squeeze %dma_start3A_63 : memref<1x120x128xf32, #tpu.memory_space<vmem>> -> memref<120x128xf32, #tpu.memory_space<vmem>>
      tpu.enqueue_dma source(%dma_start3A_64 : memref<120x128xf32, #tpu.memory_space<vmem>>) target(%dma_start3A_60 : memref<120x128xf32, #tpu.memory_space<hbm>>) target_semaphore(%run_scoped3A_51 : memref<!tpu.dma_semaphore, #tpu.memory_space<semaphore_mem>>)
      %dma_wait3A = arith.constant 0 : i32
      %dma_wait3A_65 = arith.constant 0 : i32
      %dma_wait3A_66 = tpu.memref_slice %arg9[%run_scoped3A_50, %dma_wait3A, %dma_wait3A_65] : memref<2x128x128xf32, #tpu.memory_space<vmem>> -> memref<1x120x128xf32, #tpu.memory_space<vmem>>
      %dma_wait3A_67 = tpu.memref_squeeze %dma_wait3A_66 : memref<1x120x128xf32, #tpu.memory_space<vmem>> -> memref<120x128xf32, #tpu.memory_space<vmem>>
      %dma_wait3A_68 = arith.constant 0 : i32
      %dma_wait3A_69 = tpu.memref_slice %arg6[%arg0, %add3A_49, %dma_wait3A_68] : memref<2x10112x128xf32, #tpu.memory_space<hbm>> -> memref<1x120x128xf32, #tpu.memory_space<hbm>>
      %dma_wait3A_70 = tpu.memref_squeeze %dma_wait3A_69 : memref<1x120x128xf32, #tpu.memory_space<hbm>> -> memref<120x128xf32, #tpu.memory_space<hbm>>
      %dma_wait3A_71 = arith.constant 0 : i32
      %dma_wait3A_72 = tpu.memref_slice %arg6[%arg0, %add3A_49, %dma_wait3A_71] : memref<2x10112x128xf32, #tpu.memory_space<hbm>> -> memref<1x120x128xf32, #tpu.memory_space<hbm>>
      %dma_wait3A_73 = tpu.memref_squeeze %dma_wait3A_72 : memref<1x120x128xf32, #tpu.memory_space<hbm>> -> memref<120x128xf32, #tpu.memory_space<hbm>>
      %dma_wait3A_74 = arith.constant 0 : i32
      %dma_wait3A_75 = arith.constant 0 : i32
      %dma_wait3A_76 = tpu.memref_slice %arg9[%run_scoped3A_50, %dma_wait3A_74, %dma_wait3A_75] : memref<2x128x128xf32, #tpu.memory_space<vmem>> -> memref<1x120x128xf32, #tpu.memory_space<vmem>>
      %dma_wait3A_77 = tpu.memref_squeeze %dma_wait3A_76 : memref<1x120x128xf32, #tpu.memory_space<vmem>> -> memref<120x128xf32, #tpu.memory_space<vmem>>
      tpu.wait_dma2 semaphore(%run_scoped3A_51 : memref<!tpu.dma_semaphore, #tpu.memory_space<semaphore_mem>>) src(%dma_wait3A_77 : memref<120x128xf32, #tpu.memory_space<vmem>>) dst(%dma_wait3A_73 : memref<120x128xf32, #tpu.memory_space<hbm>>)
      tpu.yield
    }) : () -> ()
    return
  }
}

module attributes {stable_mosaic.version = 14 : i64} {
  func.func @_combine_body(%arg0: i32, %arg1: memref<2x1000x128xf32, #tpu.memory_space<vmem>>, %arg2: memref<2x1000x16xf32, #tpu.memory_space<vmem>>, %arg3: memref<2x1000x128xf32, #tpu.memory_space<vmem>>, %arg4: memref<256x256xf32, #tpu.memory_space<vmem>>, %arg5: memref<256x256xf32, #tpu.memory_space<vmem>>, %arg6: memref<1x256xf32, #tpu.memory_space<vmem>>, %arg7: memref<2x1000x128xf32, #tpu.memory_space<vmem>>, %arg8: memref<1000x256xf32, #tpu.memory_space<vmem>>) attributes {dimension_semantics = [#tpu.dimension_semantics<arbitrary>], iteration_bounds = array<i64: 10>, scalar_prefetch = 0 : i64, scratch_operands = 0 : i64, tpu.core_type = #tpu.core_type<tc>, window_params = [{transform_indices = @transform_0, window_bounds = array<i64: 2, 1000, 128>}, {transform_indices = @transform_1, window_bounds = array<i64: 2, 1000, 16>}, {transform_indices = @transform_2, window_bounds = array<i64: 2, 1000, 128>}, {pipeline_mode = #tpu.pipeline_mode<synchronous>, transform_indices = @transform_3, window_bounds = array<i64: 256, 256>}, {pipeline_mode = #tpu.pipeline_mode<synchronous>, transform_indices = @transform_4, window_bounds = array<i64: 256, 256>}, {pipeline_mode = #tpu.pipeline_mode<synchronous>, transform_indices = @transform_5, window_bounds = array<i64: 1, 256>}, {transform_indices = @transform_6, window_bounds = array<i64: 2, 1000, 128>}, {transform_indices = @transform_7, window_bounds = array<i64: 1000, 256>}]} {
    %get3A = arith.constant 0 : index
    %get3A_0 = arith.constant 0 : index
    %get3A_1 = arith.constant 0 : index
    %get3A_2 = vector.load %arg2[%get3A, %get3A_0, %get3A_1] : memref<2x1000x16xf32, #tpu.memory_space<vmem>>, vector<1x1000x16xf32>
    %get3A_3 = vector.shape_cast %get3A_2 : vector<1x1000x16xf32> to vector<1000x16xf32>
    %get3A_4 = arith.constant 1 : index
    %get3A_5 = arith.constant 0 : index
    %get3A_6 = arith.constant 0 : index
    %get3A_7 = vector.load %arg2[%get3A_4, %get3A_5, %get3A_6] : memref<2x1000x16xf32, #tpu.memory_space<vmem>>, vector<1x1000x16xf32>
    %get3A_8 = vector.shape_cast %get3A_7 : vector<1x1000x16xf32> to vector<1000x16xf32>
    %add3A = arith.addf %get3A_3, %get3A_8 : vector<1000x16xf32>
    %reduce_sum3A = arith.constant dense<0.000000e+00> : vector<1000xf32>
    %reduce_sum3A_9 = vector.multi_reduction <add>, %add3A, %reduce_sum3A [1] : vector<1000x16xf32> to vector<1000xf32>
    %broadcast_in_dim3A = vector.shape_cast %reduce_sum3A_9 : vector<1000xf32> to vector<1000x1xf32>
    %max3A = arith.constant 1.000000e+00 : f32
    %max3A_10 = vector.broadcast %max3A : f32 to vector<1000x1xf32>
    %max3A_11 = arith.maximumf %broadcast_in_dim3A, %max3A_10 : vector<1000x1xf32>
    %div3A = arith.constant 1.000000e+00 : f32
    %div3A_12 = vector.broadcast %div3A : f32 to vector<1000x1xf32>
    %div3A_13 = arith.divf %div3A_12, %max3A_11 : vector<1000x1xf32>
    %get3A_14 = arith.constant 0 : index
    %get3A_15 = arith.constant 0 : index
    %get3A_16 = arith.constant 0 : index
    %get3A_17 = vector.load %arg1[%get3A_14, %get3A_15, %get3A_16] : memref<2x1000x128xf32, #tpu.memory_space<vmem>>, vector<1x1000x128xf32>
    %get3A_18 = vector.shape_cast %get3A_17 : vector<1x1000x128xf32> to vector<1000x128xf32>
    %mul3A = vector.broadcast %div3A_13 : vector<1000x1xf32> to vector<1000x128xf32>
    %mul3A_19 = arith.mulf %get3A_18, %mul3A : vector<1000x128xf32>
    %get3A_20 = arith.constant 1 : index
    %get3A_21 = arith.constant 0 : index
    %get3A_22 = arith.constant 0 : index
    %get3A_23 = vector.load %arg1[%get3A_20, %get3A_21, %get3A_22] : memref<2x1000x128xf32, #tpu.memory_space<vmem>>, vector<1x1000x128xf32>
    %get3A_24 = vector.shape_cast %get3A_23 : vector<1x1000x128xf32> to vector<1000x128xf32>
    %mul3A_25 = vector.broadcast %div3A_13 : vector<1000x1xf32> to vector<1000x128xf32>
    %mul3A_26 = arith.mulf %get3A_24, %mul3A_25 : vector<1000x128xf32>
    %get3A_27 = arith.constant 0 : index
    %get3A_28 = arith.constant 0 : index
    %get3A_29 = vector.load %arg4[%get3A_27, %get3A_28] : memref<256x256xf32, #tpu.memory_space<vmem>>, vector<256x256xf32>
    %get3A_30 = arith.constant 0 : index
    %get3A_31 = arith.constant 0 : index
    %get3A_32 = vector.load %arg5[%get3A_30, %get3A_31] : memref<256x256xf32, #tpu.memory_space<vmem>>, vector<256x256xf32>
    %slice3A = vector.extract_strided_slice %get3A_29 {offsets = [0, 0], sizes = [128, 256], strides = [1, 1]} : vector<256x256xf32> to vector<128x256xf32>
    %dot_general3A = arith.constant dense<0.000000e+00> : vector<1000x256xf32>
    %dot_general3A_33 = tpu.matmul %mul3A_19, %slice3A, %dot_general3A {dimension_numbers = #tpu.dot_dimension_numbers<[1], [0], [0], [1], [0, 0, 1, 1], [], []>, transpose_lhs_hint = false} : vector<1000x128xf32>, vector<128x256xf32>, vector<1000x256xf32> -> vector<1000x256xf32>
    %slice3A_34 = vector.extract_strided_slice %get3A_29 {offsets = [128, 0], sizes = [128, 256], strides = [1, 1]} : vector<256x256xf32> to vector<128x256xf32>
    %dot_general3A_35 = arith.constant dense<0.000000e+00> : vector<1000x256xf32>
    %dot_general3A_36 = tpu.matmul %mul3A_26, %slice3A_34, %dot_general3A_35 {dimension_numbers = #tpu.dot_dimension_numbers<[1], [0], [0], [1], [0, 0, 1, 1], [], []>, transpose_lhs_hint = false} : vector<1000x128xf32>, vector<128x256xf32>, vector<1000x256xf32> -> vector<1000x256xf32>
    %add3A_37 = arith.addf %dot_general3A_33, %dot_general3A_36 : vector<1000x256xf32>
    %get3A_38 = arith.constant 0 : index
    %get3A_39 = arith.constant 0 : index
    %get3A_40 = arith.constant 0 : index
    %get3A_41 = vector.load %arg3[%get3A_38, %get3A_39, %get3A_40] : memref<2x1000x128xf32, #tpu.memory_space<vmem>>, vector<1x1000x128xf32>
    %get3A_42 = vector.shape_cast %get3A_41 : vector<1x1000x128xf32> to vector<1000x128xf32>
    %slice3A_43 = vector.extract_strided_slice %get3A_32 {offsets = [0, 0], sizes = [128, 256], strides = [1, 1]} : vector<256x256xf32> to vector<128x256xf32>
    %dot_general3A_44 = arith.constant dense<0.000000e+00> : vector<1000x256xf32>
    %dot_general3A_45 = tpu.matmul %get3A_42, %slice3A_43, %dot_general3A_44 {dimension_numbers = #tpu.dot_dimension_numbers<[1], [0], [0], [1], [0, 0, 1, 1], [], []>, transpose_lhs_hint = false} : vector<1000x128xf32>, vector<128x256xf32>, vector<1000x256xf32> -> vector<1000x256xf32>
    %add3A_46 = arith.addf %add3A_37, %dot_general3A_45 : vector<1000x256xf32>
    %get3A_47 = arith.constant 1 : index
    %get3A_48 = arith.constant 0 : index
    %get3A_49 = arith.constant 0 : index
    %get3A_50 = vector.load %arg3[%get3A_47, %get3A_48, %get3A_49] : memref<2x1000x128xf32, #tpu.memory_space<vmem>>, vector<1x1000x128xf32>
    %get3A_51 = vector.shape_cast %get3A_50 : vector<1x1000x128xf32> to vector<1000x128xf32>
    %slice3A_52 = vector.extract_strided_slice %get3A_32 {offsets = [128, 0], sizes = [128, 256], strides = [1, 1]} : vector<256x256xf32> to vector<128x256xf32>
    %dot_general3A_53 = arith.constant dense<0.000000e+00> : vector<1000x256xf32>
    %dot_general3A_54 = tpu.matmul %get3A_51, %slice3A_52, %dot_general3A_53 {dimension_numbers = #tpu.dot_dimension_numbers<[1], [0], [0], [1], [0, 0, 1, 1], [], []>, transpose_lhs_hint = false} : vector<1000x128xf32>, vector<128x256xf32>, vector<1000x256xf32> -> vector<1000x256xf32>
    %add3A_55 = arith.addf %add3A_46, %dot_general3A_54 : vector<1000x256xf32>
    %get3A_56 = arith.constant 0 : index
    %get3A_57 = arith.constant 0 : index
    %get3A_58 = vector.load %arg6[%get3A_56, %get3A_57] : memref<1x256xf32, #tpu.memory_space<vmem>>, vector<1x256xf32>
    %add3A_59 = vector.broadcast %get3A_58 : vector<1x256xf32> to vector<1000x256xf32>
    %add3A_60 = arith.addf %add3A_55, %add3A_59 : vector<1000x256xf32>
    %mul3A_61 = arith.mulf %add3A_60, %add3A_60 : vector<1000x256xf32>
    %reduce_sum3A_62 = arith.constant dense<0.000000e+00> : vector<1000xf32>
    %reduce_sum3A_63 = vector.multi_reduction <add>, %mul3A_61, %reduce_sum3A_62 [1] : vector<1000x256xf32> to vector<1000xf32>
    %broadcast_in_dim3A_64 = vector.shape_cast %reduce_sum3A_63 : vector<1000xf32> to vector<1000x1xf32>
    %sqrt3A = math.sqrt %broadcast_in_dim3A_64 : vector<1000x1xf32>
    %max3A_65 = arith.constant 9.99999996E-13 : f32
    %max3A_66 = vector.broadcast %max3A_65 : f32 to vector<1000x1xf32>
    %max3A_67 = arith.maximumf %sqrt3A, %max3A_66 : vector<1000x1xf32>
    %div3A_68 = vector.broadcast %max3A_67 : vector<1000x1xf32> to vector<1000x256xf32>
    %div3A_69 = arith.divf %add3A_60, %div3A_68 : vector<1000x256xf32>
    %max3A_70 = arith.constant 0.000000e+00 : f32
    %max3A_71 = vector.broadcast %max3A_70 : f32 to vector<1000x256xf32>
    %max3A_72 = arith.maximumf %div3A_69, %max3A_71 : vector<1000x256xf32>
    %swap3A = arith.constant 0 : index
    %swap3A_73 = arith.constant 0 : index
    %swap3A_74 = vector.load %arg8[%swap3A, %swap3A_73] : memref<1000x256xf32, #tpu.memory_space<vmem>>, vector<1000x256xf32>
    tpu.vector_store %arg8[%swap3A, %swap3A_73], %max3A_72 {strides = array<i32>} : memref<1000x256xf32, #tpu.memory_space<vmem>>, vector<1000x256xf32>,
    %slice3A_75 = vector.extract_strided_slice %max3A_72 {offsets = [0, 0], sizes = [1000, 128], strides = [1, 1]} : vector<1000x256xf32> to vector<1000x128xf32>
    %swap3A_76 = arith.constant 0 : index
    %swap3A_77 = arith.constant 0 : index
    %swap3A_78 = arith.constant 0 : index
    %swap3A_79 = vector.load %arg7[%swap3A_76, %swap3A_77, %swap3A_78] : memref<2x1000x128xf32, #tpu.memory_space<vmem>>, vector<1x1000x128xf32>
    %swap3A_80 = vector.shape_cast %swap3A_79 : vector<1x1000x128xf32> to vector<1000x128xf32>
    %swap3A_81 = vector.shape_cast %slice3A_75 : vector<1000x128xf32> to vector<1x1000x128xf32>
    tpu.vector_store %arg7[%swap3A_76, %swap3A_77, %swap3A_78], %swap3A_81 {strides = array<i32>} : memref<2x1000x128xf32, #tpu.memory_space<vmem>>, vector<1x1000x128xf32>,
    %slice3A_82 = vector.extract_strided_slice %max3A_72 {offsets = [0, 128], sizes = [1000, 128], strides = [1, 1]} : vector<1000x256xf32> to vector<1000x128xf32>
    %swap3A_83 = arith.constant 1 : index
    %swap3A_84 = arith.constant 0 : index
    %swap3A_85 = arith.constant 0 : index
    %swap3A_86 = vector.load %arg7[%swap3A_83, %swap3A_84, %swap3A_85] : memref<2x1000x128xf32, #tpu.memory_space<vmem>>, vector<1x1000x128xf32>
    %swap3A_87 = vector.shape_cast %swap3A_86 : vector<1x1000x128xf32> to vector<1000x128xf32>
    %swap3A_88 = vector.shape_cast %slice3A_82 : vector<1000x128xf32> to vector<1x1000x128xf32>
    tpu.vector_store %arg7[%swap3A_83, %swap3A_84, %swap3A_85], %swap3A_88 {strides = array<i32>} : memref<2x1000x128xf32, #tpu.memory_space<vmem>>, vector<1x1000x128xf32>,
    return
  }
  func.func @transform_0(%arg0: i32) -> (i32, i32, i32) {
    %c0_i32 = arith.constant 0 : i32
    %c0_i32_0 = arith.constant 0 : i32
    %c0_i32_1 = arith.constant 0 : i32
    return %c0_i32, %arg0, %c0_i32_0 : i32, i32, i32
  }
  func.func @transform_1(%arg0: i32) -> (i32, i32, i32) {
    %c0_i32 = arith.constant 0 : i32
    %c0_i32_0 = arith.constant 0 : i32
    %c0_i32_1 = arith.constant 0 : i32
    return %c0_i32, %arg0, %c0_i32_0 : i32, i32, i32
  }
  func.func @transform_2(%arg0: i32) -> (i32, i32, i32) {
    %c0_i32 = arith.constant 0 : i32
    %c0_i32_0 = arith.constant 0 : i32
    %c0_i32_1 = arith.constant 0 : i32
    return %c0_i32, %arg0, %c0_i32_0 : i32, i32, i32
  }
  func.func @transform_3(%arg0: i32) -> (i32, i32) {
    %c0_i32 = arith.constant 0 : i32
    %c0_i32_0 = arith.constant 0 : i32
    %c0_i32_1 = arith.constant 0 : i32
    return %c0_i32, %c0_i32_0 : i32, i32
  }
  func.func @transform_4(%arg0: i32) -> (i32, i32) {
    %c0_i32 = arith.constant 0 : i32
    %c0_i32_0 = arith.constant 0 : i32
    %c0_i32_1 = arith.constant 0 : i32
    return %c0_i32, %c0_i32_0 : i32, i32
  }
  func.func @transform_5(%arg0: i32) -> (i32, i32) {
    %c0_i32 = arith.constant 0 : i32
    %c0_i32_0 = arith.constant 0 : i32
    %c0_i32_1 = arith.constant 0 : i32
    return %c0_i32, %c0_i32_0 : i32, i32
  }
  func.func @transform_6(%arg0: i32) -> (i32, i32, i32) {
    %c0_i32 = arith.constant 0 : i32
    %c0_i32_0 = arith.constant 0 : i32
    %c0_i32_1 = arith.constant 0 : i32
    return %c0_i32, %arg0, %c0_i32_0 : i32, i32, i32
  }
  func.func @transform_7(%arg0: i32) -> (i32, i32) {
    %c0_i32 = arith.constant 0 : i32
    %c0_i32_0 = arith.constant 0 : i32
    return %arg0, %c0_i32 : i32, i32
  }
}

module attributes {stable_mosaic.version = 14 : i64} {
  func.func @_combine_body(%arg0: i32, %arg1: memref<2x1000x128xf32, #tpu.memory_space<vmem>>, %arg2: memref<2x1000x16xf32, #tpu.memory_space<vmem>>, %arg3: memref<2x1000x128xf32, #tpu.memory_space<vmem>>, %arg4: memref<256x256xf32, #tpu.memory_space<vmem>>, %arg5: memref<256x256xf32, #tpu.memory_space<vmem>>, %arg6: memref<1x256xf32, #tpu.memory_space<vmem>>, %arg7: memref<2x1000x128xf32, #tpu.memory_space<vmem>>, %arg8: memref<1000x256xf32, #tpu.memory_space<vmem>>) attributes {dimension_semantics = [#tpu.dimension_semantics<arbitrary>], iteration_bounds = array<i64: 10>, scalar_prefetch = 0 : i64, scratch_operands = 0 : i64, tpu.core_type = #tpu.core_type<tc>, window_params = [{transform_indices = @transform_0, window_bounds = array<i64: 2, 1000, 128>}, {transform_indices = @transform_1, window_bounds = array<i64: 2, 1000, 16>}, {transform_indices = @transform_2, window_bounds = array<i64: 2, 1000, 128>}, {pipeline_mode = #tpu.pipeline_mode<synchronous>, transform_indices = @transform_3, window_bounds = array<i64: 256, 256>}, {pipeline_mode = #tpu.pipeline_mode<synchronous>, transform_indices = @transform_4, window_bounds = array<i64: 256, 256>}, {pipeline_mode = #tpu.pipeline_mode<synchronous>, transform_indices = @transform_5, window_bounds = array<i64: 1, 256>}, {transform_indices = @transform_6, window_bounds = array<i64: 2, 1000, 128>}, {transform_indices = @transform_7, window_bounds = array<i64: 1000, 256>}]} {
    %get3A = arith.constant 0 : index
    %get3A_0 = arith.constant 0 : index
    %get3A_1 = arith.constant 0 : index
    %get3A_2 = vector.load %arg2[%get3A, %get3A_0, %get3A_1] : memref<2x1000x16xf32, #tpu.memory_space<vmem>>, vector<1x1000x16xf32>
    %get3A_3 = vector.shape_cast %get3A_2 : vector<1x1000x16xf32> to vector<1000x16xf32>
    %get3A_4 = arith.constant 1 : index
    %get3A_5 = arith.constant 0 : index
    %get3A_6 = arith.constant 0 : index
    %get3A_7 = vector.load %arg2[%get3A_4, %get3A_5, %get3A_6] : memref<2x1000x16xf32, #tpu.memory_space<vmem>>, vector<1x1000x16xf32>
    %get3A_8 = vector.shape_cast %get3A_7 : vector<1x1000x16xf32> to vector<1000x16xf32>
    %add3A = arith.addf %get3A_3, %get3A_8 : vector<1000x16xf32>
    %reduce_sum3A = arith.constant dense<0.000000e+00> : vector<1000xf32>
    %reduce_sum3A_9 = vector.multi_reduction <add>, %add3A, %reduce_sum3A [1] : vector<1000x16xf32> to vector<1000xf32>
    %broadcast_in_dim3A = vector.shape_cast %reduce_sum3A_9 : vector<1000xf32> to vector<1000x1xf32>
    %max3A = arith.constant 1.000000e+00 : f32
    %max3A_10 = vector.broadcast %max3A : f32 to vector<1000x1xf32>
    %max3A_11 = arith.maximumf %broadcast_in_dim3A, %max3A_10 : vector<1000x1xf32>
    %div3A = arith.constant 1.000000e+00 : f32
    %div3A_12 = vector.broadcast %div3A : f32 to vector<1000x1xf32>
    %div3A_13 = arith.divf %div3A_12, %max3A_11 : vector<1000x1xf32>
    %get3A_14 = arith.constant 0 : index
    %get3A_15 = arith.constant 0 : index
    %get3A_16 = arith.constant 0 : index
    %get3A_17 = vector.load %arg1[%get3A_14, %get3A_15, %get3A_16] : memref<2x1000x128xf32, #tpu.memory_space<vmem>>, vector<1x1000x128xf32>
    %get3A_18 = vector.shape_cast %get3A_17 : vector<1x1000x128xf32> to vector<1000x128xf32>
    %mul3A = vector.broadcast %div3A_13 : vector<1000x1xf32> to vector<1000x128xf32>
    %mul3A_19 = arith.mulf %get3A_18, %mul3A : vector<1000x128xf32>
    %get3A_20 = arith.constant 1 : index
    %get3A_21 = arith.constant 0 : index
    %get3A_22 = arith.constant 0 : index
    %get3A_23 = vector.load %arg1[%get3A_20, %get3A_21, %get3A_22] : memref<2x1000x128xf32, #tpu.memory_space<vmem>>, vector<1x1000x128xf32>
    %get3A_24 = vector.shape_cast %get3A_23 : vector<1x1000x128xf32> to vector<1000x128xf32>
    %mul3A_25 = vector.broadcast %div3A_13 : vector<1000x1xf32> to vector<1000x128xf32>
    %mul3A_26 = arith.mulf %get3A_24, %mul3A_25 : vector<1000x128xf32>
    %get3A_27 = arith.constant 0 : index
    %get3A_28 = arith.constant 0 : index
    %get3A_29 = vector.load %arg4[%get3A_27, %get3A_28] : memref<256x256xf32, #tpu.memory_space<vmem>>, vector<256x256xf32>
    %get3A_30 = arith.constant 0 : index
    %get3A_31 = arith.constant 0 : index
    %get3A_32 = vector.load %arg5[%get3A_30, %get3A_31] : memref<256x256xf32, #tpu.memory_space<vmem>>, vector<256x256xf32>
    %slice3A = vector.extract_strided_slice %get3A_29 {offsets = [0, 0], sizes = [128, 256], strides = [1, 1]} : vector<256x256xf32> to vector<128x256xf32>
    %dot_general3A = arith.constant dense<0.000000e+00> : vector<1000x256xf32>
    %dot_general3A_33 = tpu.matmul %mul3A_19, %slice3A, %dot_general3A {dimension_numbers = #tpu.dot_dimension_numbers<[1], [0], [0], [1], [0, 0, 1, 1], [], []>, transpose_lhs_hint = false} : vector<1000x128xf32>, vector<128x256xf32>, vector<1000x256xf32> -> vector<1000x256xf32>
    %slice3A_34 = vector.extract_strided_slice %get3A_29 {offsets = [128, 0], sizes = [128, 256], strides = [1, 1]} : vector<256x256xf32> to vector<128x256xf32>
    %dot_general3A_35 = arith.constant dense<0.000000e+00> : vector<1000x256xf32>
    %dot_general3A_36 = tpu.matmul %mul3A_26, %slice3A_34, %dot_general3A_35 {dimension_numbers = #tpu.dot_dimension_numbers<[1], [0], [0], [1], [0, 0, 1, 1], [], []>, transpose_lhs_hint = false} : vector<1000x128xf32>, vector<128x256xf32>, vector<1000x256xf32> -> vector<1000x256xf32>
    %add3A_37 = arith.addf %dot_general3A_33, %dot_general3A_36 : vector<1000x256xf32>
    %get3A_38 = arith.constant 0 : index
    %get3A_39 = arith.constant 0 : index
    %get3A_40 = arith.constant 0 : index
    %get3A_41 = vector.load %arg3[%get3A_38, %get3A_39, %get3A_40] : memref<2x1000x128xf32, #tpu.memory_space<vmem>>, vector<1x1000x128xf32>
    %get3A_42 = vector.shape_cast %get3A_41 : vector<1x1000x128xf32> to vector<1000x128xf32>
    %slice3A_43 = vector.extract_strided_slice %get3A_32 {offsets = [0, 0], sizes = [128, 256], strides = [1, 1]} : vector<256x256xf32> to vector<128x256xf32>
    %dot_general3A_44 = arith.constant dense<0.000000e+00> : vector<1000x256xf32>
    %dot_general3A_45 = tpu.matmul %get3A_42, %slice3A_43, %dot_general3A_44 {dimension_numbers = #tpu.dot_dimension_numbers<[1], [0], [0], [1], [0, 0, 1, 1], [], []>, transpose_lhs_hint = false} : vector<1000x128xf32>, vector<128x256xf32>, vector<1000x256xf32> -> vector<1000x256xf32>
    %add3A_46 = arith.addf %add3A_37, %dot_general3A_45 : vector<1000x256xf32>
    %get3A_47 = arith.constant 1 : index
    %get3A_48 = arith.constant 0 : index
    %get3A_49 = arith.constant 0 : index
    %get3A_50 = vector.load %arg3[%get3A_47, %get3A_48, %get3A_49] : memref<2x1000x128xf32, #tpu.memory_space<vmem>>, vector<1x1000x128xf32>
    %get3A_51 = vector.shape_cast %get3A_50 : vector<1x1000x128xf32> to vector<1000x128xf32>
    %slice3A_52 = vector.extract_strided_slice %get3A_32 {offsets = [128, 0], sizes = [128, 256], strides = [1, 1]} : vector<256x256xf32> to vector<128x256xf32>
    %dot_general3A_53 = arith.constant dense<0.000000e+00> : vector<1000x256xf32>
    %dot_general3A_54 = tpu.matmul %get3A_51, %slice3A_52, %dot_general3A_53 {dimension_numbers = #tpu.dot_dimension_numbers<[1], [0], [0], [1], [0, 0, 1, 1], [], []>, transpose_lhs_hint = false} : vector<1000x128xf32>, vector<128x256xf32>, vector<1000x256xf32> -> vector<1000x256xf32>
    %add3A_55 = arith.addf %add3A_46, %dot_general3A_54 : vector<1000x256xf32>
    %get3A_56 = arith.constant 0 : index
    %get3A_57 = arith.constant 0 : index
    %get3A_58 = vector.load %arg6[%get3A_56, %get3A_57] : memref<1x256xf32, #tpu.memory_space<vmem>>, vector<1x256xf32>
    %add3A_59 = vector.broadcast %get3A_58 : vector<1x256xf32> to vector<1000x256xf32>
    %add3A_60 = arith.addf %add3A_55, %add3A_59 : vector<1000x256xf32>
    %mul3A_61 = arith.mulf %add3A_60, %add3A_60 : vector<1000x256xf32>
    %reduce_sum3A_62 = arith.constant dense<0.000000e+00> : vector<1000xf32>
    %reduce_sum3A_63 = vector.multi_reduction <add>, %mul3A_61, %reduce_sum3A_62 [1] : vector<1000x256xf32> to vector<1000xf32>
    %broadcast_in_dim3A_64 = vector.shape_cast %reduce_sum3A_63 : vector<1000xf32> to vector<1000x1xf32>
    %sqrt3A = math.sqrt %broadcast_in_dim3A_64 : vector<1000x1xf32>
    %max3A_65 = arith.constant 9.99999996E-13 : f32
    %max3A_66 = vector.broadcast %max3A_65 : f32 to vector<1000x1xf32>
    %max3A_67 = arith.maximumf %sqrt3A, %max3A_66 : vector<1000x1xf32>
    %div3A_68 = vector.broadcast %max3A_67 : vector<1000x1xf32> to vector<1000x256xf32>
    %div3A_69 = arith.divf %add3A_60, %div3A_68 : vector<1000x256xf32>
    %max3A_70 = arith.constant 0.000000e+00 : f32
    %max3A_71 = vector.broadcast %max3A_70 : f32 to vector<1000x256xf32>
    %max3A_72 = arith.maximumf %div3A_69, %max3A_71 : vector<1000x256xf32>
    %swap3A = arith.constant 0 : index
    %swap3A_73 = arith.constant 0 : index
    %swap3A_74 = vector.load %arg8[%swap3A, %swap3A_73] : memref<1000x256xf32, #tpu.memory_space<vmem>>, vector<1000x256xf32>
    tpu.vector_store %arg8[%swap3A, %swap3A_73], %max3A_72 {strides = array<i32>} : memref<1000x256xf32, #tpu.memory_space<vmem>>, vector<1000x256xf32>,
    %slice3A_75 = vector.extract_strided_slice %max3A_72 {offsets = [0, 0], sizes = [1000, 128], strides = [1, 1]} : vector<1000x256xf32> to vector<1000x128xf32>
    %swap3A_76 = arith.constant 0 : index
    %swap3A_77 = arith.constant 0 : index
    %swap3A_78 = arith.constant 0 : index
    %swap3A_79 = vector.load %arg7[%swap3A_76, %swap3A_77, %swap3A_78] : memref<2x1000x128xf32, #tpu.memory_space<vmem>>, vector<1x1000x128xf32>
    %swap3A_80 = vector.shape_cast %swap3A_79 : vector<1x1000x128xf32> to vector<1000x128xf32>
    %swap3A_81 = vector.shape_cast %slice3A_75 : vector<1000x128xf32> to vector<1x1000x128xf32>
    tpu.vector_store %arg7[%swap3A_76, %swap3A_77, %swap3A_78], %swap3A_81 {strides = array<i32>} : memref<2x1000x128xf32, #tpu.memory_space<vmem>>, vector<1x1000x128xf32>,
    %slice3A_82 = vector.extract_strided_slice %max3A_72 {offsets = [0, 128], sizes = [1000, 128], strides = [1, 1]} : vector<1000x256xf32> to vector<1000x128xf32>
    %swap3A_83 = arith.constant 1 : index
    %swap3A_84 = arith.constant 0 : index
    %swap3A_85 = arith.constant 0 : index
    %swap3A_86 = vector.load %arg7[%swap3A_83, %swap3A_84, %swap3A_85] : memref<2x1000x128xf32, #tpu.memory_space<vmem>>, vector<1x1000x128xf32>
    %swap3A_87 = vector.shape_cast %swap3A_86 : vector<1x1000x128xf32> to vector<1000x128xf32>
    %swap3A_88 = vector.shape_cast %slice3A_82 : vector<1000x128xf32> to vector<1x1000x128xf32>
    tpu.vector_store %arg7[%swap3A_83, %swap3A_84, %swap3A_85], %swap3A_88 {strides = array<i32>} : memref<2x1000x128xf32, #tpu.memory_space<vmem>>, vector<1x1000x128xf32>,
    return
  }
  func.func @transform_0(%arg0: i32) -> (i32, i32, i32) {
    %c0_i32 = arith.constant 0 : i32
    %c0_i32_0 = arith.constant 0 : i32
    %c0_i32_1 = arith.constant 0 : i32
    return %c0_i32, %arg0, %c0_i32_0 : i32, i32, i32
  }
  func.func @transform_1(%arg0: i32) -> (i32, i32, i32) {
    %c0_i32 = arith.constant 0 : i32
    %c0_i32_0 = arith.constant 0 : i32
    %c0_i32_1 = arith.constant 0 : i32
    return %c0_i32, %arg0, %c0_i32_0 : i32, i32, i32
  }
  func.func @transform_2(%arg0: i32) -> (i32, i32, i32) {
    %c0_i32 = arith.constant 0 : i32
    %c0_i32_0 = arith.constant 0 : i32
    %c0_i32_1 = arith.constant 0 : i32
    return %c0_i32, %arg0, %c0_i32_0 : i32, i32, i32
  }
  func.func @transform_3(%arg0: i32) -> (i32, i32) {
    %c0_i32 = arith.constant 0 : i32
    %c0_i32_0 = arith.constant 0 : i32
    %c0_i32_1 = arith.constant 0 : i32
    return %c0_i32, %c0_i32_0 : i32, i32
  }
  func.func @transform_4(%arg0: i32) -> (i32, i32) {
    %c0_i32 = arith.constant 0 : i32
    %c0_i32_0 = arith.constant 0 : i32
    %c0_i32_1 = arith.constant 0 : i32
    return %c0_i32, %c0_i32_0 : i32, i32
  }
  func.func @transform_5(%arg0: i32) -> (i32, i32) {
    %c0_i32 = arith.constant 0 : i32
    %c0_i32_0 = arith.constant 0 : i32
    %c0_i32_1 = arith.constant 0 : i32
    return %c0_i32, %c0_i32_0 : i32, i32
  }
  func.func @transform_6(%arg0: i32) -> (i32, i32, i32) {
    %c0_i32 = arith.constant 0 : i32
    %c0_i32_0 = arith.constant 0 : i32
    %c0_i32_1 = arith.constant 0 : i32
    return %c0_i32, %arg0, %c0_i32_0 : i32, i32, i32
  }
  func.func @transform_7(%arg0: i32) -> (i32, i32) {
    %c0_i32 = arith.constant 0 : i32
    %c0_i32_0 = arith.constant 0 : i32
    return %arg0, %c0_i32 : i32, i32
  }
}

</mosaic_0001>

<sc_bundles>
// kernel: kernel.10.cloned.1.call-start
scs
__scs_entry_jumppad:
0x0: {  	(pc) =	sbr.rel $0x88, $3  }
0x1: {  	(tag) =	ssettag $0x0;
	lr =	simm.s32 $0x1  }
0x2: {  	[smem:$0x3F99] =	sst lr;
	_ =	strace $0xD0000000  }
0x3: {  	_ = 	snop  }
0x4: {  	_ = 	snop  }
0x5: {  	_ = 	snop  }
0x6: {  	_ = 	snop  }
0x7: {  	_ = 	snop  }
__scs_overlays_trampoline_lowered:
0x8: {  	[smem:$0x3FA8] =	sst s0  }
0x9: {  	[smem:$0x3FA9] =	sst s1  }
0xa: {  	[smem:$0x3FAA] =	sst s2  }
0xb: {  	[smem:$0x3FAB] =	sst s3  }
0xc: {  	[smem:$0x3FAC] =	sst s4  }
0xd: {  	[smem:$0x3FAD] =	sst s5  }
0xe: {  	[smem:$0x3FAE] =	sst s6  }
0xf: {  	[smem:$0x3FAF] =	sst s7  }
0x10: {  	[smem:$0x3FB0] =	sst s8  }
0x11: {  	[smem:$0x3FB1] =	sst s9;
	s0 =	simm.s32 @!p0 $0x0  }
0x12: {  	s1 =	sld [smem:$0x3F97];
	s0 =	simm.s32 @p0 $0x1  }
0x13: {  	[smem:$0x3FB2] =	sst s0;
	s0 =	simm.s32 @!p1 $0x0  }
0x14: {  	s2 =	sld [smem:$0x3F96];
	s0 =	simm.s32 @p1 $0x1  }
0x15: {  	[smem:$0x3FB3] =	sst s0;
	s0 =	simm.s32 @!p2 $0x0  }
0x16: {  	s3 =	sld [smem:$0x3FDB];
	s0 =	simm.s32 @p2 $0x1  }
0x17: {  	s4 =	simm.s32 $0x1BF5;
	[smem:$0x3FB5] =	sst s0  }
0x18: {  	s0 =	sld [smem:$0x3F98];
	_ =	swait.ge [sflag:s4], $0x0  }
0x19: {  	s7 =	sld [smem:$0x3F99]  }
0x1a: {  	s8 =	sadd.s32 $0xFFFFE003, lr  }
0x1b: {  	s9 =	sadd.s32 $0xFFFFFEF7, lr;
	s5 =	simm.s32 $0xFFFFFFFF;
	p2 =	slt.u32 s8, $0xFFFFF086  }
0x1c: {  	p1 =	slt.u32 s9, $0xF7A;
	s5 =	simm.s32 @!p2 $0x0  }
0x1d: {  	s5 =	simm.s32 @p1 $0x1;
	p0 =	seq.s32 s7, s2  }
0x1e: {  	s7 =	smul.u32 @!p0 $0xF7A, s2;
	p2 =	seq.s32 @!p0 s5, $0x0  }
0x1f: {  	s9 =	smul.u32 $0xF7A, s1;
	s8 =	simm.s32 @!p0 $0x1BF5;
	p2 =	por !p2, p0  }
0x20: {  	[sflag:s8] =	ssyncset.s32 @!p0 $0xFFFFF086;
	s6 =	sadd.s32 @!p0 s3, s7;
	s7 =	simm.s32 @!p0 $0x108  }
0x21: {  	s3 =	sadd.s32 s3, s9;
	s6 =	sadd.s32 @!p0 $0x88, s6;
	s7 =	simm.s32 @p2 $0x1082  }
0x22: {  	[simem:s7], [sflag:s8] =	dma.local @!p0 [hbm:s6], $0xF7A  }
0x23: {  	s9 =	sor.u32 $0xD0000000, s2;
	s6 =	simm.s32 $0x108;
	_ =	swait.ge @!p0 [sflag:s8], $0x0  }
0x24: {  	s3 =	sadd.s32 $0x88, s3;
	s6 =	simm.s32 @!p1 $0x1082;
	[sflag:s4] =	ssyncset.s32 $0xFFFFF086  }
0x25: {  	[simem:s6], [sflag:s4] =	dma.local [hbm:s3], $0xF7A  }
0x26: {  	[smem:$0x3F99] =	sst s1;
	(tag) =	ssettag s2;
	_ =	strace s9  }
0x27: {  	s1 =	sld [smem:$0x3FA9]  }
0x28: {  	s2 =	sld [smem:$0x3FAA]  }
0x29: {  	s4 =	sld [smem:$0x3FAC]  }
0x2a: {  	p0 =	seq.s32 s5, $0x0;
	s5 =	sld [smem:$0x3FAD]  }
0x2b: {  	s6 =	sld [smem:$0x3FAE]  }
0x2c: {  	s7 =	sld [smem:$0x3FAF]  }
0x2d: {  	s3 =	simm.s32 $0x108;
	s8 =	sld [smem:$0x3FB0]  }
0x2e: {  	s3 =	simm.s32 @!p0 $0x1082;
	s9 =	sld [smem:$0x3FB1]  }
0x2f: {  	lr =	sadd.s32 s0, s3;
	s0 =	sld [smem:$0x3FA8]  }
0x30: {  	s3 =	sld [smem:$0x3FAB]  }
0x31: {  	[smem:$0x3FB4] =	sst s10  }
0x32: {  	s10 =	sld [smem:$0x3FB2];
	_ =	sdelay $0x3  }
0x33: {  	p0 =	seq.s32 s10, $0x1;
	s10 =	sld [smem:$0x3FB4];
	_ =	sdelay $0x3  }
0x34: {  	[smem:$0x3FB4] =	sst s10  }
0x35: {  	s10 =	sld [smem:$0x3FB3];
	_ =	sdelay $0x3  }
0x36: {  	p1 =	seq.s32 s10, $0x1;
	s10 =	sld [smem:$0x3FB4];
	_ =	sdelay $0x3  }
0x37: {  	[smem:$0x3FB4] =	sst s10  }
0x38: {  	s10 =	sld [smem:$0x3FB5]  }
0x39: {  	_ = 	snop;
	(pc) =	sbr.ind lr, $3  }
0x3a: {  	_ = 	snop  }
0x3b: {  	_ = 	snop  }
0x3c: {  	p2 =	seq.s32 s10, $0x1;
	s10 =	sld [smem:$0x3FB4]  }
0x3d: {  	_ =	shalt  }
0x3e: {  	_ =	shalt  }
0x3f: {  	_ =	shalt  }
0x40: {  	_ =	shalt  }
0x41: {  	_ =	shalt  }
0x42: {  	_ =	shalt  }
0x43: {  	_ =	shalt  }
0x44: {  	_ =	shalt  }
0x45: {  	_ =	shalt  }
0x46: {  	_ =	shalt  }
0x47: {  	_ =	shalt  }
0x48: {  	_ =	shalt  }
0x49: {  	_ =	shalt  }
0x4a: {  	_ =	shalt  }
0x4b: {  	_ =	shalt  }
0x4c: {  	_ =	shalt  }
0x4d: {  	_ =	shalt  }
0x4e: {  	_ =	shalt  }
0x4f: {  	_ =	shalt  }
0x50: {  	_ =	shalt  }
0x51: {  	_ =	shalt  }
0x52: {  	_ =	shalt  }
0x53: {  	_ =	shalt  }
0x54: {  	_ =	shalt  }
0x55: {  	_ =	shalt  }
0x56: {  	_ =	shalt  }
0x57: {  	_ =	shalt  }
0x58: {  	_ =	shalt  }
0x59: {  	_ =	shalt  }
0x5a: {  	_ =	shalt  }
0x5b: {  	_ =	shalt  }
0x5c: {  	_ =	shalt  }
0x5d: {  	_ =	shalt  }
0x5e: {  	_ =	shalt  }
0x5f: {  	_ =	shalt  }
0x60: {  	_ =	shalt  }
0x61: {  	_ =	shalt  }
0x62: {  	_ =	shalt  }
0x63: {  	_ =	shalt  }
0x64: {  	_ =	shalt  }
0x65: {  	_ =	shalt  }
0x66: {  	_ =	shalt  }
0x67: {  	_ =	shalt  }
0x68: {  	_ =	shalt  }
0x69: {  	_ =	shalt  }
0x6a: {  	_ =	shalt  }
0x6b: {  	_ =	shalt  }
0x6c: {  	_ =	shalt  }
0x6d: {  	_ =	shalt  }
0x6e: {  	_ =	shalt  }
0x6f: {  	_ =	shalt  }
0x70: {  	_ =	shalt  }
0x71: {  	_ =	shalt  }
0x72: {  	_ =	shalt  }
0x73: {  	_ =	shalt  }
0x74: {  	_ =	shalt  }
0x75: {  	_ =	shalt  }
0x76: {  	_ =	shalt  }
0x77: {  	_ =	shalt  }
0x78: {  	_ =	shalt  }
0x79: {  	_ =	shalt  }
0x7a: {  	_ =	shalt  }
0x7b: {  	_ =	shalt  }
0x7c: {  	_ =	shalt  }
0x7d: {  	_ =	shalt  }
0x7e: {  	_ =	shalt  }
0x7f: {  	_ =	shalt  }
0x80: {  	_ =	shalt  }
0x81: {  	_ =	shalt  }
0x82: {  	_ =	shalt  }
0x83: {  	_ =	shalt  }
0x84: {  	_ =	shalt  }
0x85: {  	_ =	shalt  }
0x86: {  	_ =	shalt  }
0x87: {  	_ =	shalt  }
.Lfunc_end0:
.L_simem_size_0:
called_computation.1_lowered:
.L_overlay_start_0:
0x88: {  	s2 =	sld [smem:$0x3FD9]  }
0x89: {  	s3 =	sld [smem:$0x3FFE];
	_ =	sdelay $0x1  }
0x8a: {  	s1 =	srdreg.scid  }
0x8b: {  	s0 =	sand.u32 $0x1, s1  }
0x8c: {  	s17 =	sshll.u32 s0, $0xA;
	s2 =	sadd.s32 s3, s2  }
0x8d: {  	s2 =	sadd.s32 s2, s17  }
0x8e: {  	[smem:$0x3FC0] =	sst s2  }
0x8f: {  	_ = 	snop  }
0x90: {  	s18 =	sld [smem:$0x3FD0];
	(tm) =	ssettm $0x1  }
0x91: {  	s19 =	sld [smem:$0x3FFB];
	_ =	sdelay $0x3  }
0x92: {  	_ =	strace s19  }
0x93: {  	s2 =	sld [smem:$0x3FFC];
	_ =	sdelay $0x3  }
0x94: {  	_ =	strace s2  }
0x95: {  	s2 =	sld [smem:$0x3FFD];
	_ =	sdelay $0x3  }
0x96: {  	_ =	strace s2  }
0x97: {  	_ =	strace $0x8FFFFFFF  }
0x98: {  	s20 =	sld [smem:$0x3FDB];
	_ =	sdelay $0x1  }
0x99: {  	s4 =	simm.s32 $_scs_section_size  }
0x9a: {  	s5 =	simm.s32 $_size__tile_overlayer_lowered;
	s6 =	simm.s32 $_tile_overlayer_lowered  }
0x9b: {  	s7 =	simm.s32 $0x1BFF;
	s21 =	sshll.u32 s6, $0x1;
	s4 =	sadd.s32 s4, s20  }
0x9c: {  	s22 =	simm.s32 $0x0;
	s5 =	sshll.u32 s5, $0x1;
	s6 =	sadd.s32 s21, s4  }
0x9d: {  	[timem:s22], [sflag:s7] =	dma.local [hbm:s6], s5  }
0x9e: {  	_ =	swait.ge [sflag:s7], s5  }
0x9f: {  	s5 =	ssub.s32 $0x0, s5;
	[sflag:s7] =	ssyncset.done $0x0  }
0xa0: {  	[sflag:s7] =	ssyncadd.s32 s5;
	_ =	sdelay $0x1  }
0xa1: {  	s23 =	simm.s32 $0x1B8B  }
0xa2: {  	_ =	swait.ge [sflag:s23], $0x1  }
0xa3: {  	[sflag:s23] =	ssyncset.done $0x0  }
0xa4: {  	[sflag:s23] =	ssyncadd.s32 $0xFFFFFFFF  }
0xa5: {  	s5 =	sld [smem:$0x0]  }
0xa6: {  	s6 =	sand.u32 $0xFFFFFFFE, s1  }
0xa7: {  	p0 =	sne.s32 s1, s6  }
0xa8: {  	s6 =	sshll.u32 @p0 s6, $0xE  }
0xa9: {  	s6 =	sadd.s32 @p0 $0x11B8D, s6;
	s7 =	sshll.u32 @p0 s5, $0x11  }
0xaa: {  	s6 =	sor.u32 @p0 s7, s6  }
0xab: {  	[sflag:s6] =	ssyncadd.remote.s32 @p0 $0x1;
	_ =	sdelay $0x1  }
0xac: {  	s6 =	simm.s32 @p0 $0x1B8D  }
0xad: {  	_ =	swait.eq @p0 [sflag:s6], $0x1  }
0xae: {  	[sflag:s6] =	ssyncadd.s32 @p0 $0xFFFFFFFF  }
0xaf: {  	s7 =	sshll.u32 @!p0 s1, $0xE  }
0xb0: {  	s7 =	sor.u32 @!p0 $0x4000, s7;
	s6 =	simm.s32 @!p0 $0x1B8D  }
0xb1: {  	s5 =	sshll.u32 @!p0 s5, $0x11;
	s7 =	sadd.s32 @!p0 $0x11B8D, s7;
	_ =	swait.eq @!p0 [sflag:s6], $0x1  }
0xb2: {  	s5 =	sor.u32 @!p0 s5, s7;
	[sflag:s6] =	ssyncadd.s32 @!p0 $0xFFFFFFFF  }
0xb3: {  	s25 =	simm.s32 $0x1B8E;
	s24 =	sld [smem:$0x3FFE];
	[sflag:s5] =	ssyncadd.remote.s32 @!p0 $0x1  }
0xb4: {  	s26 =	simm.s32 $execute0_lowered;
	[smem:$0x3FD2] =	sst s25  }
0xb5: {  	s6 =	sshll.u32 s26, $0x1;
	_ =	strace $0x80000049;
	[dreg:$0x1] =	wrdreg $0xFFFFFFFF  }
0xb6: {  	s28 =	simm.s32 $_size_execute0_lowered;
	s4 =	sadd.s32 s4, s6;
	[dreg:$0x0] =	wrdreg $0x0  }
0xb7: {  	s6 =	sshll.u32 s28, $0x1;
	[dreg:$0x2] =	wrdreg s4  }
0xb8: {  	[dreg:$0x3] =	wrdreg s6  }
0xb9: {  	[dreg:$0x4] =	wrdreg $0xC0  }
0xba: {  	_ =	task [dreg:s22], $0x5FFFF  }
0xbb: {  	[dreg:$0x1] =	wrdreg $0xFFFFFFFF  }
0xbc: {  	[dreg:$0x0] =	wrdreg $0x60  }
0xbd: {  	[dreg:$0x2] =	wrdreg s18  }
0xbe: {  	[dreg:$0x3] =	wrdreg s24  }
0xbf: {  	[dreg:$0x4] =	wrdreg $0x88000  }
0xc0: {  	[dreg:$0x5] =	wrdreg $0xA  }
0xc1: {  	_ =	task.clear_ibuf [dreg:s22], $0x6FFFF;
	_ =	strace $0x90000049  }
0xc2: {  	s29 =	simm.s32 $0xA;
	_ =	strace $0x8000004B  }
0xc3: {  	_ =	swait.ge [sflag:s29], $0x1  }
0xc4: {  	[sflag:s29] =	ssyncadd.s32 $0xFFFFFFFF  }
0xc5: {  	_ =	strace $0x9000004B  }
0xc6: {  	_ =	sfence  }
0xc7: {  	s30 =	sld [smem:$0x0];
	_ =	sdelay $0x2  }
0xc8: {  	s31 =	sshll.u32 s1, $0xD;
	s1 =	sshrl.u32 s1, $0x2  }
0xc9: {  	s4 =	sand.u32 $0x4000, s31;
	s1 =	sadd.s32 s1, s30  }
0xca: {  	s0 =	sor.u32 s4, s0;
	s1 =	sshll.u32 s1, $0x11  }
0xcb: {  	s0 =	sor.u32 s1, s0  }
0xcc: {  	s0 =	sadd.s32 $0x8F2B, s0  }
0xcd: {  	[sflag:s0] =	ssyncadd.remote.s32 $0x1  }
0xce: {  	_ =	sfence.sel $0xFFFF  }
0xcf: {  	[dreg:$0x0] =	wrdreg $0xFFFFFFFF;
	(pc) =	sbr.abs _section_cstart, $3  }
0xd0: {  	[dreg:$0x1] =	wrdreg $0xFFFFFFFF  }
0xd1: {  	_ =	task.clear_ibuf [dreg:s22], $0x2FFFF;
	_ =	strace $0x9FFFFFFF  }
0xd2: {  	(tm) =	ssettm $0x7FFFFFFF  }
0xd3: {  	_ =	shalt  }
tec
execute0_lowered:
.L_overlay_start_1:
0x0: {  	(tag) =	ssettag $0x1  }
0x1: {  	s1 =	rddreg [dreg:$0x0]  }
0x2: {  	s0 =	srdreg.scid;
	s5 =	rddreg [dreg:$0x1]  }
0x3: {  	s10 =	stileid.u32;
	s3 =	rddreg [dreg:$0x2]  }
0x4: {  	s4 =	simm.s32 $0x0;
	s19 =	simm.s32 $0x800;
	s6 =	smul.u32 $0x2800, s10  }
0x5: {  	s20 =	simm.s32 $0x3;
	s28 =	simm.s32 $0x480;
	s21 =	smul.u32 $0x500, s10  }
0x6: {  	s29 =	simm.s32 $0x180;
	s30 =	simm.s32 $0x500;
	s7 =	smul.u32 $0x4F000, s10  }
0x7: {  	s31 =	simm.s32 $0x200;
	s0 =	sand.u32 $0x1, s0;
	s10 =	smul.u32 $0x13C00, s10  }
0x8: {  	[smem:$0x7FF] =	sst s4;
	s8 =	sadd.s32 $0x15400, s5;
	s2 =	smul.u32 $0x28000, s0  }
0x9: {  	_ =	strace $0x8000004A;
	[dreg:$0x4] =	wrdreg s8;
	s22 =	ssub.s32 $0x2, s0  }
0xa: {  	s0 =	smul.u32 $0x13C000, s0;
	s9 =	sshrl.u32 s22, $0x1;
	s7 =	sshrl.u32 s7, $0x2  }
0xb: {  	s23 =	sadd.s32 $0x4000, s10;
	s11 =	sadd.s32 $0x8000, s10;
	s12 =	sadd.s32 $0xC000, s10  }
0xc: {  	s14 =	sadd.s32 $0x10000, s10;
	s2 =	sadd.s32 s2, s6;
	s6 =	sadd.s32 s21, s5  }
0xd: {  	s8 =	ssub.s32 s22, s9;
	s9 =	sadd.s32 s7, s3;
	s15 =	sadd.s32 s23, s3  }
0xe: {  	s18 =	sadd.s32 s11, s3;
	s17 =	sadd.s32 s12, s3;
	s13 =	sadd.s32 s10, s0  }
0xf: {  	s7 =	sadd.s32 s0, s23;
	s16 =	sadd.s32 s14, s3;
	s24 =	sadd.s32 s0, s11  }
0x10: {  	s25 =	sadd.s32 s0, s12;
	s0 =	sadd.s32 s0, s14;
	s21 =	simm.s32 $0x400  }
0x11: {  	s22 =	simm.s32 $0x80;
	s23 =	simm.s32 $0x4800;
	s12 =	simm.s32 $0x680  }
0x12: {  	s14 =	simm.s32 $0x700;
	s2 =	sshrl.u32 s2, $0x3;
	s10 =	smov.u32 s17  }
0x13: {  	s13 =	sshrl.u32 s13, $0x3;
	s7 =	sshrl.u32 s7, $0x3;
	[dreg:$0x5] =	wrdreg s9  }
0x14: {  	s26 =	smax.u32 s8, $0x1;
	s8 =	smov.u32 s18;
	[dreg:$0x9] =	wrdreg s16  }
0x15: {  	s18 =	sadd.s32 $0x10400, s6;
	s6 =	simm.s32 $0x0;
	[dreg:$0xf] =	wrdreg s26  }
0x16: {  	s11 =	sshrl.u32 s25, $0x3;
	s0 =	sshrl.u32 s0, $0x3;
	[dreg:$0x10] =	wrdreg s6  }
0x17: {  	s2 =	sadd.s32 s2, s5;
	s5 =	sadd.s32 $0x29C00, s5;
	[dreg:$0x7] =	wrdreg s8  }
0x18: {  	s25 =	simm.s32 $0x100;
	[dreg:$0x8] =	wrdreg s10;
	s13 =	sadd.s32 s5, s13  }
0x19: {  	s26 =	simm.s32 $0x2;
	s7 =	sadd.s32 s5, s7;
	[dreg:$0xa] =	wrdreg s13  }
0x1a: {  	s11 =	sadd.s32 s5, s11;
	s0 =	sadd.s32 s5, s0;
	[dreg:$0xb] =	wrdreg s7  }
0x1b: {  	s17 =	sadd.s32 $0x1FC00, s2;
	s2 =	simm.s32 $0x580;
	[dreg:$0xd] =	wrdreg s11  }
0x1c: {  	s7 =	sshrl.u32 s24, $0x3;
	[dreg:$0xe] =	wrdreg s0;
	s24 =	simm.s32 $0x1  }
0x1d: {  	s0 =	simm.s32 $0x280;
	s11 =	simm.s32 $0x300;
	s7 =	sadd.s32 s5, s7  }
0x1e: {  	s13 =	simm.s32 $0x380;
	[dreg:$0xc] =	wrdreg s7;
	s7 =	smov.u32 s15  }
0x1f: {  	s5 =	simm.s32 $0x600;
	s15 =	simm.s32 $0x780;
	[dreg:$0x6] =	wrdreg s7  }
.LBB2_1:
0x20: {  	s6 =	rddreg [dreg:$0x4]  }
0x21: {  	[tilespmem:s19], [sflag:$0x3] =	stream.linear.gather [hbm4b:s6+s4], $0x4000, $0x38;
	[tilespmem:$0x1C400] =	vst v63  }
0x22: {  	_ =	swait.ge [sflag:s20], $0x4000  }
0x23: {  	[sflag:s20] =	ssyncset.done $0x0  }
0x24: {  	[sflag:s20] =	ssyncadd.s32 $0xFFFFC000  }
0x25: {  	[spmem:s9] =	stream.linear.scatter [tilespmem:s19], [sflag:$0x3], $0x4000, $0x38;
	[tilespmem:$0x1C400] =	vst v63  }
0x26: {  	_ =	swait.ge [sflag:s20], $0x4000  }
0x27: {  	[sflag:s20] =	ssyncset.done $0x0  }
0x28: {  	[sflag:s20] =	ssyncadd.s32 $0xFFFFC000  }
0x29: {  	[spmem:s7] =	stream.linear.scatter [tilespmem:s19], [sflag:$0x3], $0x4000, $0x38;
	[tilespmem:$0x1C400] =	vst v63  }
0x2a: {  	_ =	swait.ge [sflag:s20], $0x4000  }
0x2b: {  	[sflag:s20] =	ssyncset.done $0x0  }
0x2c: {  	[sflag:s20] =	ssyncadd.s32 $0xFFFFC000  }
0x2d: {  	[spmem:s8] =	stream.linear.scatter [tilespmem:s19], [sflag:$0x3], $0x4000, $0x38;
	[tilespmem:$0x1C400] =	vst v63  }
0x2e: {  	_ =	swait.ge [sflag:s20], $0x4000  }
0x2f: {  	[sflag:s20] =	ssyncset.done $0x0  }
0x30: {  	[sflag:s20] =	ssyncadd.s32 $0xFFFFC000  }
0x31: {  	[spmem:s10] =	stream.linear.scatter [tilespmem:s19], [sflag:$0x3], $0x4000, $0x38;
	[tilespmem:$0x1C400] =	vst v63  }
0x32: {  	_ =	swait.ge [sflag:s20], $0x4000  }
0x33: {  	[sflag:s20] =	ssyncset.done $0x0  }
0x34: {  	[sflag:s20] =	ssyncadd.s32 $0xFFFFC000  }
0x35: {  	[spmem:s16] =	stream.linear.scatter [tilespmem:s19], [sflag:$0x3], $0x3C00, $0x38;
	[tilespmem:$0x1C400] =	vst v63  }
0x36: {  	_ =	swait.ge [sflag:s20], $0x3C00  }
0x37: {  	[sflag:s20] =	ssyncset.done $0x0  }
0x38: {  	[sflag:s20] =	ssyncadd.s32 $0xFFFFC400  }
0x39: {  	s10 =	sadd.s32 $0x0, s17;
	[bflag:$0x0] =	sbarrier.arrive $0xFFFF  }
0x3a: {  	[tilespmem:s4], [sflag:$0x3] =	stream.linear.gather [hbm4b:s10+s4], $0x400, $0x38;
	[tilespmem:$0x1C400] =	vst v63  }
0x3b: {  	_ =	swait.ge [sflag:s20], $0x400  }
0x3c: {  	[sflag:s20] =	ssyncset.done $0x0  }
0x3d: {  	s16 =	sadd.s32 $0x0, s18;
	[sflag:s20] =	ssyncadd.s32 $0xFFFFFC00  }
0x3e: {  	[tilespmem:s21], [sflag:$0x3] =	stream.linear.gather [hbm4b:s16+s4], $0x400, $0x38;
	[tilespmem:$0x1C400] =	vst v63  }
0x3f: {  	_ =	swait.ge [sflag:s20], $0x400  }
0x40: {  	[sflag:s20] =	ssyncset.done $0x0  }
0x41: {  	[sflag:s20] =	ssyncadd.s32 $0xFFFFFC00  }
0x42: {  	[tilespmem:s19], [sflag:$0x1] =	stream.indirect.gather [hbm4b:s1+s22], $0x80, s4, s22, $0xb8;
	[tilespmem:$0x1C400] =	vst v63  }
0x43: {  	_ = 	snop  }
0x44: {  	[tilespmem:s23], [sflag:$0x2] =	stream.indirect.gather [hbm4b:s1+s22], $0x80, s22, s22, $0xb8;
	[tilespmem:$0x1C400] =	vst v63  }
0x45: {  	_ =	swait.ge [sflag:s24], $0x4000  }
0x46: {  	[sflag:s24] =	ssyncset.done $0x0  }
0x47: {  	[sflag:s24] =	ssyncadd.s32 $0xFFFFC000  }
0x48: {  	[spmem:s3] =	stream.indirect.scatter.add.f32 [tilespmem:s19], [sflag:$0x3], $0x80, s21, s22, $0xb8;
	[tilespmem:$0x1C400] =	vst v63  }
0x49: {  	_ =	swait.ge [sflag:s20], $0x4000  }
0x4a: {  	[sflag:s20] =	ssyncset.done $0x0  }
0x4b: {  	[sflag:s20] =	ssyncadd.s32 $0xFFFFC000  }
0x4c: {  	[tilespmem:s19], [sflag:$0x1] =	stream.indirect.gather [hbm4b:s1+s22], $0x80, s25, s22, $0xb8;
	[tilespmem:$0x1C400] =	vst v63  }
0x4d: {  	_ =	swait.ge [sflag:s26], $0x4000  }
0x4e: {  	[sflag:s26] =	ssyncset.done $0x0  }
0x4f: {  	[sflag:s26] =	ssyncadd.s32 $0xFFFFC000  }
0x50: {  	[spmem:s3] =	stream.indirect.scatter.add.f32 [tilespmem:s23], [sflag:$0x3], $0x80, s28, s22, $0xb8;
	[tilespmem:$0x1C400] =	vst v63  }
0x51: {  	_ =	swait.ge [sflag:s20], $0x4000  }
0x52: {  	[sflag:s20] =	ssyncset.done $0x0  }
0x53: {  	[sflag:s20] =	ssyncadd.s32 $0xFFFFC000  }
0x54: {  	[tilespmem:s23], [sflag:$0x2] =	stream.indirect.gather [hbm4b:s1+s22], $0x80, s29, s22, $0xb8;
	[tilespmem:$0x1C400] =	vst v63  }
0x55: {  	_ =	swait.ge [sflag:s24], $0x4000  }
0x56: {  	[sflag:s24] =	ssyncset.done $0x0  }
0x57: {  	[sflag:s24] =	ssyncadd.s32 $0xFFFFC000  }
0x58: {  	[spmem:s3] =	stream.indirect.scatter.add.f32 [tilespmem:s19], [sflag:$0x3], $0x80, s30, s22, $0xb8;
	[tilespmem:$0x1C400] =	vst v63  }
0x59: {  	_ =	swait.ge [sflag:s20], $0x4000  }
0x5a: {  	[sflag:s20] =	ssyncset.done $0x0  }
0x5b: {  	[sflag:s20] =	ssyncadd.s32 $0xFFFFC000  }
0x5c: {  	[tilespmem:s19], [sflag:$0x1] =	stream.indirect.gather [hbm4b:s1+s22], $0x80, s31, s22, $0xb8;
	[tilespmem:$0x1C400] =	vst v63  }
0x5d: {  	_ =	swait.ge [sflag:s26], $0x4000  }
0x5e: {  	[sflag:s26] =	ssyncset.done $0x0  }
0x5f: {  	[sflag:s26] =	ssyncadd.s32 $0xFFFFC000  }
0x60: {  	[spmem:s3] =	stream.indirect.scatter.add.f32 [tilespmem:s23], [sflag:$0x3], $0x80, s2, s22, $0xb8;
	[tilespmem:$0x1C400] =	vst v63  }
0x61: {  	_ =	swait.ge [sflag:s20], $0x4000  }
0x62: {  	[sflag:s20] =	ssyncset.done $0x0  }
0x63: {  	[sflag:s20] =	ssyncadd.s32 $0xFFFFC000  }
0x64: {  	[tilespmem:s23], [sflag:$0x2] =	stream.indirect.gather [hbm4b:s1+s22], $0x80, s0, s22, $0xb8;
	[tilespmem:$0x1C400] =	vst v63  }
0x65: {  	_ =	swait.ge [sflag:s24], $0x4000  }
0x66: {  	[sflag:s24] =	ssyncset.done $0x0  }
0x67: {  	[sflag:s24] =	ssyncadd.s32 $0xFFFFC000  }
0x68: {  	[spmem:s3] =	stream.indirect.scatter.add.f32 [tilespmem:s19], [sflag:$0x3], $0x80, s5, s22, $0xb8;
	[tilespmem:$0x1C400] =	vst v63  }
0x69: {  	_ =	swait.ge [sflag:s20], $0x4000  }
0x6a: {  	[sflag:s20] =	ssyncset.done $0x0  }
0x6b: {  	[sflag:s20] =	ssyncadd.s32 $0xFFFFC000  }
0x6c: {  	[tilespmem:s19], [sflag:$0x1] =	stream.indirect.gather [hbm4b:s1+s22], $0x80, s11, s22, $0xb8;
	[tilespmem:$0x1C400] =	vst v63  }
0x6d: {  	_ =	swait.ge [sflag:s26], $0x4000  }
0x6e: {  	[sflag:s26] =	ssyncset.done $0x0  }
0x6f: {  	[sflag:s26] =	ssyncadd.s32 $0xFFFFC000  }
0x70: {  	[spmem:s3] =	stream.indirect.scatter.add.f32 [tilespmem:s23], [sflag:$0x3], $0x80, s12, s22, $0xb8;
	[tilespmem:$0x1C400] =	vst v63  }
0x71: {  	_ =	swait.ge [sflag:s20], $0x4000  }
0x72: {  	[sflag:s20] =	ssyncset.done $0x0  }
0x73: {  	[sflag:s20] =	ssyncadd.s32 $0xFFFFC000  }
0x74: {  	[tilespmem:s23], [sflag:$0x2] =	stream.indirect.gather [hbm4b:s1+s22], $0x80, s13, s22, $0xb8;
	[tilespmem:$0x1C400] =	vst v63  }
0x75: {  	_ =	swait.ge [sflag:s24], $0x4000  }
0x76: {  	[sflag:s24] =	ssyncset.done $0x0  }
0x77: {  	[sflag:s24] =	ssyncadd.s32 $0xFFFFC000  }
0x78: {  	[spmem:s3] =	stream.indirect.scatter.add.f32 [tilespmem:s19], [sflag:$0x3], $0x80, s14, s22, $0xb8;
	[tilespmem:$0x1C400] =	vst v63  }
0x79: {  	_ =	swait.ge [sflag:s20], $0x4000  }
0x7a: {  	[sflag:s20] =	ssyncset.done $0x0  }
0x7b: {  	[sflag:s20] =	ssyncadd.s32 $0xFFFFC000  }
0x7c: {  	_ =	swait.ge [sflag:s26], $0x4000  }
0x7d: {  	[sflag:s26] =	ssyncset.done $0x0  }
0x7e: {  	[sflag:s26] =	ssyncadd.s32 $0xFFFFC000  }
0x7f: {  	[spmem:s3] =	stream.indirect.scatter.add.f32 [tilespmem:s23], [sflag:$0x3], $0x80, s15, s22, $0xb8;
	[tilespmem:$0x1C400] =	vst v63  }
0x80: {  	_ =	swait.ge [sflag:s20], $0x4000  }
0x81: {  	s6 =	simm.s32 $0x80;
	s7 =	simm.s32 $0x100;
	[sflag:s20] =	ssyncset.done $0x0  }
.LBB2_2:
0x82: {  	s9 =	sadd.s32 s6, s17  }
0x83: {  	[sflag:s20] =	ssyncadd.s32 $0xFFFFC000;
	s10 =	smov.u32 s7;
	s8 =	sadd.s32 $0x80, s7  }
0x84: {  	[tilespmem:s4], [sflag:$0x3] =	stream.linear.gather [hbm4b:s9+s4], $0x400, $0x38;
	[tilespmem:$0x1C400] =	vst v63  }
0x85: {  	p0 =	sne.s32 s7, $0x480;
	_ =	swait.ge [sflag:s20], $0x400  }
0x86: {  	[sflag:s20] =	ssyncset.done $0x0  }
0x87: {  	s7 =	sadd.s32 s6, s18;
	s6 =	smov.u32 s10;
	[sflag:s20] =	ssyncadd.s32 $0xFFFFFC00  }
0x88: {  	[tilespmem:s21], [sflag:$0x3] =	stream.linear.gather [hbm4b:s7+s4], $0x400, $0x38;
	[tilespmem:$0x1C400] =	vst v63  }
0x89: {  	_ =	swait.ge [sflag:s20], $0x400  }
0x8a: {  	[sflag:s20] =	ssyncset.done $0x0  }
0x8b: {  	[sflag:s20] =	ssyncadd.s32 $0xFFFFFC00  }
0x8c: {  	[tilespmem:s19], [sflag:$0x1] =	stream.indirect.gather [hbm4b:s1+s22], $0x80, s4, s22, $0xb8;
	[tilespmem:$0x1C400] =	vst v63  }
0x8d: {  	_ = 	snop  }
0x8e: {  	[tilespmem:s23], [sflag:$0x2] =	stream.indirect.gather [hbm4b:s1+s22], $0x80, s22, s22, $0xb8;
	[tilespmem:$0x1C400] =	vst v63  }
0x8f: {  	_ =	swait.ge [sflag:s24], $0x4000  }
0x90: {  	[sflag:s24] =	ssyncset.done $0x0  }
0x91: {  	[sflag:s24] =	ssyncadd.s32 $0xFFFFC000  }
0x92: {  	[spmem:s3] =	stream.indirect.scatter.add.f32 [tilespmem:s19], [sflag:$0x3], $0x80, s21, s22, $0xb8;
	[tilespmem:$0x1C400] =	vst v63  }
0x93: {  	_ =	swait.ge [sflag:s20], $0x4000  }
0x94: {  	[sflag:s20] =	ssyncset.done $0x0  }
0x95: {  	[sflag:s20] =	ssyncadd.s32 $0xFFFFC000  }
0x96: {  	[tilespmem:s19], [sflag:$0x1] =	stream.indirect.gather [hbm4b:s1+s22], $0x80, s25, s22, $0xb8;
	[tilespmem:$0x1C400] =	vst v63  }
0x97: {  	_ =	swait.ge [sflag:s26], $0x4000  }
0x98: {  	[sflag:s26] =	ssyncset.done $0x0  }
0x99: {  	[sflag:s26] =	ssyncadd.s32 $0xFFFFC000  }
0x9a: {  	[spmem:s3] =	stream.indirect.scatter.add.f32 [tilespmem:s23], [sflag:$0x3], $0x80, s28, s22, $0xb8;
	[tilespmem:$0x1C400] =	vst v63  }
0x9b: {  	_ =	swait.ge [sflag:s20], $0x4000  }
0x9c: {  	[sflag:s20] =	ssyncset.done $0x0  }
0x9d: {  	[sflag:s20] =	ssyncadd.s32 $0xFFFFC000  }
0x9e: {  	[tilespmem:s23], [sflag:$0x2] =	stream.indirect.gather [hbm4b:s1+s22], $0x80, s29, s22, $0xb8;
	[tilespmem:$0x1C400] =	vst v63  }
0x9f: {  	_ =	swait.ge [sflag:s24], $0x4000  }
0xa0: {  	[sflag:s24] =	ssyncset.done $0x0  }
0xa1: {  	[sflag:s24] =	ssyncadd.s32 $0xFFFFC000  }
0xa2: {  	[spmem:s3] =	stream.indirect.scatter.add.f32 [tilespmem:s19], [sflag:$0x3], $0x80, s30, s22, $0xb8;
	[tilespmem:$0x1C400] =	vst v63  }
0xa3: {  	_ =	swait.ge [sflag:s20], $0x4000  }
0xa4: {  	[sflag:s20] =	ssyncset.done $0x0  }
0xa5: {  	[sflag:s20] =	ssyncadd.s32 $0xFFFFC000  }
0xa6: {  	[tilespmem:s19], [sflag:$0x1] =	stream.indirect.gather [hbm4b:s1+s22], $0x80, s31, s22, $0xb8;
	[tilespmem:$0x1C400] =	vst v63  }
0xa7: {  	_ =	swait.ge [sflag:s26], $0x4000  }
0xa8: {  	[sflag:s26] =	ssyncset.done $0x0  }
0xa9: {  	[sflag:s26] =	ssyncadd.s32 $0xFFFFC000  }
0xaa: {  	[spmem:s3] =	stream.indirect.scatter.add.f32 [tilespmem:s23], [sflag:$0x3], $0x80, s2, s22, $0xb8;
	[tilespmem:$0x1C400] =	vst v63  }
0xab: {  	_ =	swait.ge [sflag:s20], $0x4000  }
0xac: {  	[sflag:s20] =	ssyncset.done $0x0  }
0xad: {  	[sflag:s20] =	ssyncadd.s32 $0xFFFFC000  }
0xae: {  	[tilespmem:s23], [sflag:$0x2] =	stream.indirect.gather [hbm4b:s1+s22], $0x80, s0, s22, $0xb8;
	[tilespmem:$0x1C400] =	vst v63  }
0xaf: {  	_ =	swait.ge [sflag:s24], $0x4000  }
0xb0: {  	[sflag:s24] =	ssyncset.done $0x0  }
0xb1: {  	[sflag:s24] =	ssyncadd.s32 $0xFFFFC000  }
0xb2: {  	[spmem:s3] =	stream.indirect.scatter.add.f32 [tilespmem:s19], [sflag:$0x3], $0x80, s5, s22, $0xb8;
	[tilespmem:$0x1C400] =	vst v63  }
0xb3: {  	_ =	swait.ge [sflag:s20], $0x4000  }
0xb4: {  	[sflag:s20] =	ssyncset.done $0x0  }
0xb5: {  	[sflag:s20] =	ssyncadd.s32 $0xFFFFC000  }
0xb6: {  	[tilespmem:s19], [sflag:$0x1] =	stream.indirect.gather [hbm4b:s1+s22], $0x80, s11, s22, $0xb8;
	[tilespmem:$0x1C400] =	vst v63  }
0xb7: {  	_ =	swait.ge [sflag:s26], $0x4000  }
0xb8: {  	[sflag:s26] =	ssyncset.done $0x0  }
0xb9: {  	[sflag:s26] =	ssyncadd.s32 $0xFFFFC000  }
0xba: {  	[spmem:s3] =	stream.indirect.scatter.add.f32 [tilespmem:s23], [sflag:$0x3], $0x80, s12, s22, $0xb8;
	[tilespmem:$0x1C400] =	vst v63  }
0xbb: {  	_ =	swait.ge [sflag:s20], $0x4000  }
0xbc: {  	[sflag:s20] =	ssyncset.done $0x0  }
0xbd: {  	[sflag:s20] =	ssyncadd.s32 $0xFFFFC000  }
0xbe: {  	[tilespmem:s23], [sflag:$0x2] =	stream.indirect.gather [hbm4b:s1+s22], $0x80, s13, s22, $0xb8;
	[tilespmem:$0x1C400] =	vst v63  }
0xbf: {  	_ =	swait.ge [sflag:s24], $0x4000  }
0xc0: {  	[sflag:s24] =	ssyncset.done $0x0  }
0xc1: {  	[sflag:s24] =	ssyncadd.s32 $0xFFFFC000  }
0xc2: {  	[spmem:s3] =	stream.indirect.scatter.add.f32 [tilespmem:s19], [sflag:$0x3], $0x80, s14, s22, $0xb8;
	[tilespmem:$0x1C400] =	vst v63  }
0xc3: {  	_ =	swait.ge [sflag:s20], $0x4000  }
0xc4: {  	[sflag:s20] =	ssyncset.done $0x0  }
0xc5: {  	[sflag:s20] =	ssyncadd.s32 $0xFFFFC000  }
0xc6: {  	_ =	swait.ge [sflag:s26], $0x4000  }
.Ltmp0:
0xc7: {  	[sflag:s26] =	ssyncset.done $0x0;
	(pc) =	sbr.rel @p0 .LBB2_2-.Ltmp0, $4  }
0xc8: {  	[sflag:s26] =	ssyncadd.s32 $0xFFFFC000  }
0xc9: {  	[spmem:s3] =	stream.indirect.scatter.add.f32 [tilespmem:s23], [sflag:$0x3], $0x80, s15, s22, $0xb8;
	[tilespmem:$0x1C400] =	vst v63  }
0xca: {  	_ =	swait.ge [sflag:s20], $0x4000  }
0xcb: {  	s7 =	smov.u32 s8;
	[sflag:s20] =	ssyncset.done $0x0  }
0xcc: {  	s7 =	sadd.s32 s6, s17;
	[sflag:s20] =	ssyncadd.s32 $0xFFFFC000  }
0xcd: {  	[tilespmem:s4], [sflag:$0x3] =	stream.linear.gather [hbm4b:s7+s4], $0x400, $0x38;
	[tilespmem:$0x1C400] =	vst v63  }
0xce: {  	_ =	swait.ge [sflag:s20], $0x400  }
0xcf: {  	[sflag:s20] =	ssyncset.done $0x0  }
0xd0: {  	s16 =	sadd.s32 s6, s18;
	[sflag:s20] =	ssyncadd.s32 $0xFFFFFC00  }
0xd1: {  	[tilespmem:s21], [sflag:$0x3] =	stream.linear.gather [hbm4b:s16+s4], $0x400, $0x38;
	[tilespmem:$0x1C400] =	vst v63  }
0xd2: {  	_ =	swait.ge [sflag:s20], $0x400  }
0xd3: {  	[sflag:s20] =	ssyncset.done $0x0  }
0xd4: {  	[sflag:s20] =	ssyncadd.s32 $0xFFFFFC00  }
0xd5: {  	[tilespmem:s19], [sflag:$0x1] =	stream.indirect.gather [hbm4b:s1+s22], $0x80, s4, s22, $0xb8;
	[tilespmem:$0x1C400] =	vst v63  }
0xd6: {  	_ = 	snop  }
0xd7: {  	[tilespmem:s23], [sflag:$0x2] =	stream.indirect.gather [hbm4b:s1+s22], $0x80, s22, s22, $0xb8;
	[tilespmem:$0x1C400] =	vst v63  }
0xd8: {  	_ =	swait.ge [sflag:s24], $0x4000  }
0xd9: {  	[sflag:s24] =	ssyncset.done $0x0  }
0xda: {  	[sflag:s24] =	ssyncadd.s32 $0xFFFFC000  }
0xdb: {  	[spmem:s3] =	stream.indirect.scatter.add.f32 [tilespmem:s19], [sflag:$0x3], $0x80, s21, s22, $0xb8;
	[tilespmem:$0x1C400] =	vst v63  }
0xdc: {  	_ =	swait.ge [sflag:s20], $0x4000  }
0xdd: {  	[sflag:s20] =	ssyncset.done $0x0  }
0xde: {  	[sflag:s20] =	ssyncadd.s32 $0xFFFFC000  }
0xdf: {  	[tilespmem:s19], [sflag:$0x1] =	stream.indirect.gather [hbm4b:s1+s22], $0x80, s25, s22, $0xb8;
	[tilespmem:$0x1C400] =	vst v63  }
0xe0: {  	_ =	swait.ge [sflag:s26], $0x4000  }
0xe1: {  	[sflag:s26] =	ssyncset.done $0x0  }
0xe2: {  	[sflag:s26] =	ssyncadd.s32 $0xFFFFC000  }
0xe3: {  	[spmem:s3] =	stream.indirect.scatter.add.f32 [tilespmem:s23], [sflag:$0x3], $0x80, s28, s22, $0xb8;
	[tilespmem:$0x1C400] =	vst v63  }
0xe4: {  	_ =	swait.ge [sflag:s20], $0x4000  }
0xe5: {  	[sflag:s20] =	ssyncset.done $0x0  }
0xe6: {  	[sflag:s20] =	ssyncadd.s32 $0xFFFFC000  }
0xe7: {  	[tilespmem:s23], [sflag:$0x2] =	stream.indirect.gather [hbm4b:s1+s22], $0x80, s29, s22, $0xb8;
	[tilespmem:$0x1C400] =	vst v63  }
0xe8: {  	_ =	swait.ge [sflag:s24], $0x4000  }
0xe9: {  	[sflag:s24] =	ssyncset.done $0x0  }
0xea: {  	[sflag:s24] =	ssyncadd.s32 $0xFFFFC000  }
0xeb: {  	[spmem:s3] =	stream.indirect.scatter.add.f32 [tilespmem:s19], [sflag:$0x3], $0x80, s30, s22, $0xb8;
	[tilespmem:$0x1C400] =	vst v63  }
0xec: {  	_ =	swait.ge [sflag:s20], $0x4000  }
0xed: {  	[sflag:s20] =	ssyncset.done $0x0  }
0xee: {  	[sflag:s20] =	ssyncadd.s32 $0xFFFFC000  }
0xef: {  	[tilespmem:s19], [sflag:$0x1] =	stream.indirect.gather [hbm4b:s1+s22], $0x80, s31, s22, $0xb8;
	[tilespmem:$0x1C400] =	vst v63  }
0xf0: {  	_ =	swait.ge [sflag:s26], $0x4000  }
0xf1: {  	[sflag:s26] =	ssyncset.done $0x0  }
0xf2: {  	[sflag:s26] =	ssyncadd.s32 $0xFFFFC000  }
0xf3: {  	[spmem:s3] =	stream.indirect.scatter.add.f32 [tilespmem:s23], [sflag:$0x3], $0x80, s2, s22, $0xb8;
	[tilespmem:$0x1C400] =	vst v63  }
0xf4: {  	_ =	swait.ge [sflag:s20], $0x4000  }
0xf5: {  	[sflag:s20] =	ssyncset.done $0x0  }
0xf6: {  	[sflag:s20] =	ssyncadd.s32 $0xFFFFC000  }
0xf7: {  	[tilespmem:s23], [sflag:$0x2] =	stream.indirect.gather [hbm4b:s1+s22], $0x80, s0, s22, $0xb8;
	[tilespmem:$0x1C400] =	vst v63  }
0xf8: {  	_ =	swait.ge [sflag:s24], $0x4000  }
0xf9: {  	[sflag:s24] =	ssyncset.done $0x0  }
0xfa: {  	[sflag:s24] =	ssyncadd.s32 $0xFFFFC000  }
0xfb: {  	[spmem:s3] =	stream.indirect.scatter.add.f32 [tilespmem:s19], [sflag:$0x3], $0x80, s5, s22, $0xb8;
	[tilespmem:$0x1C400] =	vst v63  }
0xfc: {  	_ =	swait.ge [sflag:s20], $0x4000  }
0xfd: {  	[sflag:s20] =	ssyncset.done $0x0  }
0xfe: {  	[sflag:s20] =	ssyncadd.s32 $0xFFFFC000  }
0xff: {  	[tilespmem:s19], [sflag:$0x1] =	stream.indirect.gather [hbm4b:s1+s22], $0x80, s11, s22, $0xb8;
	[tilespmem:$0x1C400] =	vst v63  }
0x100: {  	_ =	swait.ge [sflag:s26], $0x4000  }
0x101: {  	[sflag:s26] =	ssyncset.done $0x0  }
0x102: {  	[sflag:s26] =	ssyncadd.s32 $0xFFFFC000  }
0x103: {  	[spmem:s3] =	stream.indirect.scatter.add.f32 [tilespmem:s23], [sflag:$0x3], $0x80, s12, s22, $0xb8;
	[tilespmem:$0x1C400] =	vst v63  }
0x104: {  	_ =	swait.ge [sflag:s20], $0x4000  }
0x105: {  	[sflag:s20] =	ssyncset.done $0x0  }
0x106: {  	[sflag:s20] =	ssyncadd.s32 $0xFFFFC000  }
0x107: {  	[tilespmem:s23], [sflag:$0x2] =	stream.indirect.gather [hbm4b:s1+s22], $0x80, s13, s22, $0xb8;
	[tilespmem:$0x1C400] =	vst v63  }
0x108: {  	_ =	swait.ge [sflag:s24], $0x4000  }
0x109: {  	[sflag:s24] =	ssyncset.done $0x0  }
0x10a: {  	[sflag:s24] =	ssyncadd.s32 $0xFFFFC000  }
0x10b: {  	[spmem:s3] =	stream.indirect.scatter.add.f32 [tilespmem:s19], [sflag:$0x3], $0x80, s14, s22, $0xb8;
	[tilespmem:$0x1C400] =	vst v63  }
0x10c: {  	_ =	swait.ge [sflag:s20], $0x4000  }
0x10d: {  	[sflag:s20] =	ssyncset.done $0x0  }
0x10e: {  	[sflag:s20] =	ssyncadd.s32 $0xFFFFC000  }
0x10f: {  	_ =	swait.ge [sflag:s26], $0x4000  }
0x110: {  	[sflag:s26] =	ssyncset.done $0x0  }
0x111: {  	[sflag:s26] =	ssyncadd.s32 $0xFFFFC000  }
0x112: {  	[spmem:s3] =	stream.indirect.scatter.add.f32 [tilespmem:s23], [sflag:$0x3], $0x80, s15, s22, $0xb8;
	[tilespmem:$0x1C400] =	vst v63  }
0x113: {  	_ =	swait.ge [sflag:s20], $0x4000  }
0x114: {  	[sflag:s20] =	ssyncset.done $0x0  }
0x115: {  	[sflag:s20] =	ssyncadd.s32 $0xFFFFC000  }
0x116: {  	[bflag:$0x0] =	sbarrier.arrive $0xFFFF  }
0x117: {  	s7 =	rddreg [dreg:$0x5]  }
0x118: {  	[tilespmem:s19], [sflag:$0x3] =	stream.linear.gather [spmem:s7], $0x4000, $0x38;
	[tilespmem:$0x1C400] =	vst v63  }
0x119: {  	_ =	swait.ge [sflag:s20], $0x4000  }
0x11a: {  	[sflag:s20] =	ssyncset.done $0x0  }
0x11b: {  	s8 =	rddreg [dreg:$0xa];
	[sflag:s20] =	ssyncadd.s32 $0xFFFFC000  }
0x11c: {  	[hbm4b:s8+s4] =	stream.linear.scatter [tilespmem:s19], [sflag:$0x3], $0x4000, $0x38;
	[tilespmem:$0x1C400] =	vst v63  }
0x11d: {  	_ =	swait.ge [sflag:s20], $0x4000  }
0x11e: {  	[sflag:s20] =	ssyncset.done $0x0  }
0x11f: {  	s7 =	rddreg [dreg:$0x6];
	[sflag:s20] =	ssyncadd.s32 $0xFFFFC000  }
0x120: {  	[tilespmem:s19], [sflag:$0x3] =	stream.linear.gather [spmem:s7], $0x4000, $0x38;
	[tilespmem:$0x1C400] =	vst v63  }
0x121: {  	_ =	swait.ge [sflag:s20], $0x4000  }
0x122: {  	[sflag:s20] =	ssyncset.done $0x0  }
0x123: {  	s9 =	rddreg [dreg:$0xb];
	[sflag:s20] =	ssyncadd.s32 $0xFFFFC000  }
0x124: {  	[hbm4b:s9+s4] =	stream.linear.scatter [tilespmem:s19], [sflag:$0x3], $0x4000, $0x38;
	[tilespmem:$0x1C400] =	vst v63  }
0x125: {  	_ =	swait.ge [sflag:s20], $0x4000  }
0x126: {  	[sflag:s20] =	ssyncset.done $0x0  }
0x127: {  	s8 =	rddreg [dreg:$0x7];
	[sflag:s20] =	ssyncadd.s32 $0xFFFFC000  }
0x128: {  	[tilespmem:s19], [sflag:$0x3] =	stream.linear.gather [spmem:s8], $0x4000, $0x38;
	[tilespmem:$0x1C400] =	vst v63  }
0x129: {  	_ =	swait.ge [sflag:s20], $0x4000  }
0x12a: {  	[sflag:s20] =	ssyncset.done $0x0  }
0x12b: {  	s10 =	rddreg [dreg:$0xc];
	[sflag:s20] =	ssyncadd.s32 $0xFFFFC000  }
0x12c: {  	[hbm4b:s10+s4] =	stream.linear.scatter [tilespmem:s19], [sflag:$0x3], $0x4000, $0x38;
	[tilespmem:$0x1C400] =	vst v63  }
0x12d: {  	_ =	swait.ge [sflag:s20], $0x4000  }
0x12e: {  	[sflag:s20] =	ssyncset.done $0x0  }
0x12f: {  	s10 =	rddreg [dreg:$0x8];
	[sflag:s20] =	ssyncadd.s32 $0xFFFFC000  }
0x130: {  	[tilespmem:s19], [sflag:$0x3] =	stream.linear.gather [spmem:s10], $0x4000, $0x38;
	[tilespmem:$0x1C400] =	vst v63  }
0x131: {  	_ =	swait.ge [sflag:s20], $0x4000  }
0x132: {  	[sflag:s20] =	ssyncset.done $0x0  }
0x133: {  	s16 =	rddreg [dreg:$0xd];
	[sflag:s20] =	ssyncadd.s32 $0xFFFFC000  }
0x134: {  	[hbm4b:s16+s4] =	stream.linear.scatter [tilespmem:s19], [sflag:$0x3], $0x4000, $0x38;
	[tilespmem:$0x1C400] =	vst v63  }
0x135: {  	_ =	swait.ge [sflag:s20], $0x4000  }
0x136: {  	[sflag:s20] =	ssyncset.done $0x0  }
0x137: {  	s16 =	rddreg [dreg:$0x9];
	[sflag:s20] =	ssyncadd.s32 $0xFFFFC000  }
0x138: {  	[tilespmem:s19], [sflag:$0x3] =	stream.linear.gather [spmem:s16], $0x3C00, $0x38;
	[tilespmem:$0x1C400] =	vst v63  }
0x139: {  	_ =	swait.ge [sflag:s20], $0x3C00  }
0x13a: {  	[sflag:s20] =	ssyncset.done $0x0  }
0x13b: {  	s9 =	rddreg [dreg:$0xe];
	[sflag:s20] =	ssyncadd.s32 $0xFFFFC400  }
0x13c: {  	[hbm4b:s9+s4] =	stream.linear.scatter [tilespmem:s19], [sflag:$0x3], $0x3C00, $0x38;
	[tilespmem:$0x1C400] =	vst v63  }
0x13d: {  	_ =	swait.ge [sflag:s20], $0x3C00  }
0x13e: {  	s9 =	rddreg [dreg:$0x10]  }
0x13f: {  	s6 =	rddreg [dreg:$0xf];
	s9 =	sadd.s32 $0x1, s9  }
0x140: {  	p0 =	sne.s32 s9, s6  }
.Ltmp1:
0x141: {  	_ = 	snop;
	(pc) =	sbr.rel @p0 .LBB2_1-.Ltmp1, $3  }
0x142: {  	_ =	sdelay $0x1  }
0x143: {  	[sflag:s20] =	ssyncset.done $0x0;
	[dreg:$0x10] =	wrdreg s9  }
0x144: {  	[sflag:s20] =	ssyncadd.s32 $0xFFFFC400;
	s9 =	rddreg [dreg:$0x5]  }
0x145: {  	_ =	sfence.sel $0x180000  }
0x146: {  	[bflag:$0x0] =	sbarrier.arrive $0xFFFF  }
0x147: {  	_ =	strace $0x9000004A  }
0x148: {  	s0 =	stileid.u32;
	[bflag:$0x2] =	sbarrier.arrive $0xFFFF  }
0x149: {  	p0 =	sne.s32 s0, $0x0;
	s0 =	rddreg [dreg:$0x3]  }
0x14a: {  	s0 =	sadd.s32 @!p0 $0x100000, s0  }
0x14b: {  	[sflag:s0] =	ssyncadd.tile.s32 @!p0 $0x1;
	_ =	shalt  }
.Lfunc_end2:
_tile_overlayer_lowered:
.L_overlay_start_2:
0x14c: {  	(tag) =	ssettag $0x2  }
0x14d: {  	s0 =	rddreg [dreg:$0x0];
	s2 =	stileid.u32  }
0x14e: {  	s1 =	rddreg [dreg:$0x1];
	p0 =	sne.s32 s2, $0x0  }
0x14f: {  	s3 =	rddreg [dreg:$0x2];
	[bflag:$0x3] =	sbarrier.arrive $0xFFFF;
	s2 =	simm.s32 @!p0 $0x1C03  }
0x150: {  	[timem:s3], [sflag:s2] =	dma.local @!p0 [hbm:s0], s1  }
0x151: {  	s0 =	simm.s32 @!p0 $0x3  }
0x152: {  	_ =	swait.ge @!p0 [sflag:s0], s1  }
0x153: {  	s1 =	ssub.s32 @!p0 $0x0, s1;
	[sflag:s0] =	ssyncset.done @!p0 $0x0  }
0x154: {  	[sflag:s0] =	ssyncadd.s32 @!p0 s1  }
0x155: {  	[bflag:$0x3] =	sbarrier.arrive $0xFFFF  }
0x156: {  	_ =	shalt  }

// kernel: kernel.13.cloned.1.call-start
scs
__scs_entry_jumppad:
0x0: {  	(pc) =	sbr.rel $0x88, $3  }
0x1: {  	(tag) =	ssettag $0x0;
	lr =	simm.s32 $0x1  }
0x2: {  	[smem:$0x3F99] =	sst lr;
	_ =	strace $0xD0000000  }
0x3: {  	_ = 	snop  }
0x4: {  	_ = 	snop  }
0x5: {  	_ = 	snop  }
0x6: {  	_ = 	snop  }
0x7: {  	_ = 	snop  }
__scs_overlays_trampoline_lowered:
0x8: {  	[smem:$0x3FA8] =	sst s0  }
0x9: {  	[smem:$0x3FA9] =	sst s1  }
0xa: {  	[smem:$0x3FAA] =	sst s2  }
0xb: {  	[smem:$0x3FAB] =	sst s3  }
0xc: {  	[smem:$0x3FAC] =	sst s4  }
0xd: {  	[smem:$0x3FAD] =	sst s5  }
0xe: {  	[smem:$0x3FAE] =	sst s6  }
0xf: {  	[smem:$0x3FAF] =	sst s7  }
0x10: {  	[smem:$0x3FB0] =	sst s8  }
0x11: {  	[smem:$0x3FB1] =	sst s9;
	s0 =	simm.s32 @!p0 $0x0  }
0x12: {  	s1 =	sld [smem:$0x3F97];
	s0 =	simm.s32 @p0 $0x1  }
0x13: {  	[smem:$0x3FB2] =	sst s0;
	s0 =	simm.s32 @!p1 $0x0  }
0x14: {  	s2 =	sld [smem:$0x3F96];
	s0 =	simm.s32 @p1 $0x1  }
0x15: {  	[smem:$0x3FB3] =	sst s0;
	s0 =	simm.s32 @!p2 $0x0  }
0x16: {  	s3 =	sld [smem:$0x3FDB];
	s0 =	simm.s32 @p2 $0x1  }
0x17: {  	s4 =	simm.s32 $0x1BF5;
	[smem:$0x3FB5] =	sst s0  }
0x18: {  	s0 =	sld [smem:$0x3F98];
	_ =	swait.ge [sflag:s4], $0x0  }
0x19: {  	s7 =	sld [smem:$0x3F99]  }
0x1a: {  	s8 =	sadd.s32 $0xFFFFE003, lr  }
0x1b: {  	s9 =	sadd.s32 $0xFFFFFEF7, lr;
	s5 =	simm.s32 $0xFFFFFFFF;
	p2 =	slt.u32 s8, $0xFFFFF086  }
0x1c: {  	p1 =	slt.u32 s9, $0xF7A;
	s5 =	simm.s32 @!p2 $0x0  }
0x1d: {  	s5 =	simm.s32 @p1 $0x1;
	p0 =	seq.s32 s7, s2  }
0x1e: {  	s7 =	smul.u32 @!p0 $0xF7A, s2;
	p2 =	seq.s32 @!p0 s5, $0x0  }
0x1f: {  	s9 =	smul.u32 $0xF7A, s1;
	s8 =	simm.s32 @!p0 $0x1BF5;
	p2 =	por !p2, p0  }
0x20: {  	[sflag:s8] =	ssyncset.s32 @!p0 $0xFFFFF086;
	s6 =	sadd.s32 @!p0 s3, s7;
	s7 =	simm.s32 @!p0 $0x108  }
0x21: {  	s3 =	sadd.s32 s3, s9;
	s6 =	sadd.s32 @!p0 $0x88, s6;
	s7 =	simm.s32 @p2 $0x1082  }
0x22: {  	[simem:s7], [sflag:s8] =	dma.local @!p0 [hbm:s6], $0xF7A  }
0x23: {  	s9 =	sor.u32 $0xD0000000, s2;
	s6 =	simm.s32 $0x108;
	_ =	swait.ge @!p0 [sflag:s8], $0x0  }
0x24: {  	s3 =	sadd.s32 $0x88, s3;
	s6 =	simm.s32 @!p1 $0x1082;
	[sflag:s4] =	ssyncset.s32 $0xFFFFF086  }
0x25: {  	[simem:s6], [sflag:s4] =	dma.local [hbm:s3], $0xF7A  }
0x26: {  	[smem:$0x3F99] =	sst s1;
	(tag) =	ssettag s2;
	_ =	strace s9  }
0x27: {  	s1 =	sld [smem:$0x3FA9]  }
0x28: {  	s2 =	sld [smem:$0x3FAA]  }
0x29: {  	s4 =	sld [smem:$0x3FAC]  }
0x2a: {  	p0 =	seq.s32 s5, $0x0;
	s5 =	sld [smem:$0x3FAD]  }
0x2b: {  	s6 =	sld [smem:$0x3FAE]  }
0x2c: {  	s7 =	sld [smem:$0x3FAF]  }
0x2d: {  	s3 =	simm.s32 $0x108;
	s8 =	sld [smem:$0x3FB0]  }
0x2e: {  	s3 =	simm.s32 @!p0 $0x1082;
	s9 =	sld [smem:$0x3FB1]  }
0x2f: {  	lr =	sadd.s32 s0, s3;
	s0 =	sld [smem:$0x3FA8]  }
0x30: {  	s3 =	sld [smem:$0x3FAB]  }
0x31: {  	[smem:$0x3FB4] =	sst s10  }
0x32: {  	s10 =	sld [smem:$0x3FB2];
	_ =	sdelay $0x3  }
0x33: {  	p0 =	seq.s32 s10, $0x1;
	s10 =	sld [smem:$0x3FB4];
	_ =	sdelay $0x3  }
0x34: {  	[smem:$0x3FB4] =	sst s10  }
0x35: {  	s10 =	sld [smem:$0x3FB3];
	_ =	sdelay $0x3  }
0x36: {  	p1 =	seq.s32 s10, $0x1;
	s10 =	sld [smem:$0x3FB4];
	_ =	sdelay $0x3  }
0x37: {  	[smem:$0x3FB4] =	sst s10  }
0x38: {  	s10 =	sld [smem:$0x3FB5]  }
0x39: {  	_ = 	snop;
	(pc) =	sbr.ind lr, $3  }
0x3a: {  	_ = 	snop  }
0x3b: {  	_ = 	snop  }
0x3c: {  	p2 =	seq.s32 s10, $0x1;
	s10 =	sld [smem:$0x3FB4]  }
0x3d: {  	_ =	shalt  }
0x3e: {  	_ =	shalt  }
0x3f: {  	_ =	shalt  }
0x40: {  	_ =	shalt  }
0x41: {  	_ =	shalt  }
0x42: {  	_ =	shalt  }
0x43: {  	_ =	shalt  }
0x44: {  	_ =	shalt  }
0x45: {  	_ =	shalt  }
0x46: {  	_ =	shalt  }
0x47: {  	_ =	shalt  }
0x48: {  	_ =	shalt  }
0x49: {  	_ =	shalt  }
0x4a: {  	_ =	shalt  }
0x4b: {  	_ =	shalt  }
0x4c: {  	_ =	shalt  }
0x4d: {  	_ =	shalt  }
0x4e: {  	_ =	shalt  }
0x4f: {  	_ =	shalt  }
0x50: {  	_ =	shalt  }
0x51: {  	_ =	shalt  }
0x52: {  	_ =	shalt  }
0x53: {  	_ =	shalt  }
0x54: {  	_ =	shalt  }
0x55: {  	_ =	shalt  }
0x56: {  	_ =	shalt  }
0x57: {  	_ =	shalt  }
0x58: {  	_ =	shalt  }
0x59: {  	_ =	shalt  }
0x5a: {  	_ =	shalt  }
0x5b: {  	_ =	shalt  }
0x5c: {  	_ =	shalt  }
0x5d: {  	_ =	shalt  }
0x5e: {  	_ =	shalt  }
0x5f: {  	_ =	shalt  }
0x60: {  	_ =	shalt  }
0x61: {  	_ =	shalt  }
0x62: {  	_ =	shalt  }
0x63: {  	_ =	shalt  }
0x64: {  	_ =	shalt  }
0x65: {  	_ =	shalt  }
0x66: {  	_ =	shalt  }
0x67: {  	_ =	shalt  }
0x68: {  	_ =	shalt  }
0x69: {  	_ =	shalt  }
0x6a: {  	_ =	shalt  }
0x6b: {  	_ =	shalt  }
0x6c: {  	_ =	shalt  }
0x6d: {  	_ =	shalt  }
0x6e: {  	_ =	shalt  }
0x6f: {  	_ =	shalt  }
0x70: {  	_ =	shalt  }
0x71: {  	_ =	shalt  }
0x72: {  	_ =	shalt  }
0x73: {  	_ =	shalt  }
0x74: {  	_ =	shalt  }
0x75: {  	_ =	shalt  }
0x76: {  	_ =	shalt  }
0x77: {  	_ =	shalt  }
0x78: {  	_ =	shalt  }
0x79: {  	_ =	shalt  }
0x7a: {  	_ =	shalt  }
0x7b: {  	_ =	shalt  }
0x7c: {  	_ =	shalt  }
0x7d: {  	_ =	shalt  }
0x7e: {  	_ =	shalt  }
0x7f: {  	_ =	shalt  }
0x80: {  	_ =	shalt  }
0x81: {  	_ =	shalt  }
0x82: {  	_ =	shalt  }
0x83: {  	_ =	shalt  }
0x84: {  	_ =	shalt  }
0x85: {  	_ =	shalt  }
0x86: {  	_ =	shalt  }
0x87: {  	_ =	shalt  }
.Lfunc_end0:
.L_simem_size_0:
called_computation.2_lowered:
.L_overlay_start_0:
0x88: {  	s2 =	sld [smem:$0x3FD9]  }
0x89: {  	s3 =	sld [smem:$0x3FFE];
	_ =	sdelay $0x1  }
0x8a: {  	s1 =	srdreg.scid  }
0x8b: {  	s0 =	sand.u32 $0x1, s1  }
0x8c: {  	s17 =	sshll.u32 s0, $0xA;
	s2 =	sadd.s32 s3, s2  }
0x8d: {  	s2 =	sadd.s32 s2, s17  }
0x8e: {  	[smem:$0x3FC0] =	sst s2  }
0x8f: {  	_ = 	snop  }
0x90: {  	s2 =	sld [smem:$0x3FD0];
	(tm) =	ssettm $0x1  }
0x91: {  	s18 =	sld [smem:$0x3FFB];
	_ =	sdelay $0x3  }
0x92: {  	_ =	strace s18  }
0x93: {  	s3 =	sld [smem:$0x3FFC];
	_ =	sdelay $0x3  }
0x94: {  	_ =	strace s3  }
0x95: {  	s3 =	sld [smem:$0x3FFD];
	_ =	sdelay $0x3  }
0x96: {  	_ =	strace s3  }
0x97: {  	_ =	strace $0x8FFFFFFF  }
0x98: {  	s19 =	sld [smem:$0x3FDB];
	_ =	sdelay $0x1  }
0x99: {  	s4 =	simm.s32 $_scs_section_size  }
0x9a: {  	s5 =	simm.s32 $_size__tile_overlayer_lowered;
	s6 =	simm.s32 $_tile_overlayer_lowered  }
0x9b: {  	s22 =	simm.s32 $0x1BFF;
	s21 =	sshll.u32 s6, $0x1;
	s3 =	sadd.s32 s4, s19  }
0x9c: {  	s7 =	simm.s32 $0x0;
	s20 =	sshll.u32 s5, $0x1;
	s5 =	sadd.s32 s21, s3  }
0x9d: {  	[timem:s7], [sflag:s22] =	dma.local [hbm:s5], s20  }
0x9e: {  	_ =	swait.ge [sflag:s22], s20  }
0x9f: {  	s4 =	ssub.s32 $0x0, s20;
	[sflag:s22] =	ssyncset.done $0x0  }
0xa0: {  	[sflag:s22] =	ssyncadd.s32 s4;
	_ =	sdelay $0x1  }
0xa1: {  	s23 =	simm.s32 $0x1B8B  }
0xa2: {  	_ =	swait.ge [sflag:s23], $0x1  }
0xa3: {  	[sflag:s23] =	ssyncset.done $0x0  }
0xa4: {  	s25 =	simm.s32 $0x1B8E;
	s24 =	sld [smem:$0x3FFE];
	[sflag:s23] =	ssyncadd.s32 $0xFFFFFFFF  }
0xa5: {  	s26 =	simm.s32 $execute0_lowered;
	[smem:$0x3FD2] =	sst s25  }
0xa6: {  	s5 =	sshll.u32 s26, $0x1;
	_ =	strace $0x8000004C;
	[dreg:$0x1] =	wrdreg $0xFFFFFFFF  }
0xa7: {  	s28 =	simm.s32 $_size_execute0_lowered;
	s3 =	sadd.s32 s3, s5;
	[dreg:$0x0] =	wrdreg $0x0  }
0xa8: {  	s5 =	sshll.u32 s28, $0x1;
	[dreg:$0x2] =	wrdreg s3  }
0xa9: {  	[dreg:$0x3] =	wrdreg s5  }
0xaa: {  	[dreg:$0x4] =	wrdreg $0xC0  }
0xab: {  	_ =	task [dreg:s7], $0x5FFFF  }
0xac: {  	[dreg:$0x1] =	wrdreg $0xFFFFFFFF  }
0xad: {  	[dreg:$0x0] =	wrdreg $0x60  }
0xae: {  	[dreg:$0x2] =	wrdreg s2  }
0xaf: {  	[dreg:$0x3] =	wrdreg s24  }
0xb0: {  	[dreg:$0x4] =	wrdreg $0x88000  }
0xb1: {  	[dreg:$0x5] =	wrdreg $0x9  }
0xb2: {  	_ =	task.clear_ibuf [dreg:s7], $0x6FFFF;
	_ =	strace $0x9000004C  }
0xb3: {  	s29 =	simm.s32 $0x9;
	_ =	strace $0x8000004E  }
0xb4: {  	_ =	swait.ge [sflag:s29], $0x1  }
0xb5: {  	[sflag:s29] =	ssyncadd.s32 $0xFFFFFFFF  }
0xb6: {  	_ =	strace $0x9000004E  }
0xb7: {  	_ =	sfence  }
0xb8: {  	s30 =	sld [smem:$0x0];
	_ =	sdelay $0x2  }
0xb9: {  	s31 =	sshll.u32 s1, $0xD;
	s1 =	sshrl.u32 s1, $0x2  }
0xba: {  	s3 =	sand.u32 $0x4000, s31;
	s1 =	sadd.s32 s1, s30  }
0xbb: {  	s0 =	sor.u32 s3, s0;
	s1 =	sshll.u32 s1, $0x11  }
0xbc: {  	s0 =	sor.u32 s1, s0  }
0xbd: {  	s0 =	sadd.s32 $0x8F2B, s0  }
0xbe: {  	[sflag:s0] =	ssyncadd.remote.s32 $0x1  }
0xbf: {  	_ =	sfence.sel $0xFFFF  }
0xc0: {  	[dreg:$0x0] =	wrdreg $0xFFFFFFFF;
	(pc) =	sbr.abs _section_cstart, $3  }
0xc1: {  	[dreg:$0x1] =	wrdreg $0xFFFFFFFF  }
0xc2: {  	_ =	task.clear_ibuf [dreg:s7], $0x2FFFF;
	_ =	strace $0x9FFFFFFF  }
0xc3: {  	(tm) =	ssettm $0x7FFFFFFF  }
tec
execute0_lowered:
.L_overlay_start_1:
0x0: {  	(tag) =	ssettag $0x1  }
0x1: {  	s1 =	rddreg [dreg:$0x0]  }
0x2: {  	s0 =	srdreg.scid;
	s5 =	rddreg [dreg:$0x1]  }
0x3: {  	s10 =	stileid.u32;
	s3 =	rddreg [dreg:$0x2]  }
0x4: {  	s4 =	simm.s32 $0x0;
	s19 =	simm.s32 $0x800;
	s6 =	smul.u32 $0x2800, s10  }
0x5: {  	s20 =	simm.s32 $0x3;
	s28 =	simm.s32 $0x480;
	s21 =	smul.u32 $0x500, s10  }
0x6: {  	s29 =	simm.s32 $0x180;
	s30 =	simm.s32 $0x500;
	s7 =	smul.u32 $0x4F000, s10  }
0x7: {  	s31 =	simm.s32 $0x200;
	s0 =	sand.u32 $0x1, s0;
	s10 =	smul.u32 $0x13C00, s10  }
0x8: {  	[smem:$0x7FF] =	sst s4;
	s8 =	sadd.s32 $0x15400, s5;
	s2 =	smul.u32 $0x28000, s0  }
0x9: {  	_ =	strace $0x8000004D;
	[dreg:$0x4] =	wrdreg s8;
	s22 =	ssub.s32 $0x2, s0  }
0xa: {  	s0 =	smul.u32 $0x13C000, s0;
	s9 =	sshrl.u32 s22, $0x1;
	s7 =	sshrl.u32 s7, $0x2  }
0xb: {  	s23 =	sadd.s32 $0x4000, s10;
	s11 =	sadd.s32 $0x8000, s10;
	s12 =	sadd.s32 $0xC000, s10  }
0xc: {  	s14 =	sadd.s32 $0x10000, s10;
	s2 =	sadd.s32 s2, s6;
	s6 =	sadd.s32 s21, s5  }
0xd: {  	s8 =	ssub.s32 s22, s9;
	s9 =	sadd.s32 s7, s3;
	s15 =	sadd.s32 s23, s3  }
0xe: {  	s18 =	sadd.s32 s11, s3;
	s17 =	sadd.s32 s12, s3;
	s13 =	sadd.s32 s10, s0  }
0xf: {  	s7 =	sadd.s32 s0, s23;
	s16 =	sadd.s32 s14, s3;
	s24 =	sadd.s32 s0, s11  }
0x10: {  	s25 =	sadd.s32 s0, s12;
	s0 =	sadd.s32 s0, s14;
	s21 =	simm.s32 $0x400  }
0x11: {  	s22 =	simm.s32 $0x80;
	s23 =	simm.s32 $0x4800;
	s12 =	simm.s32 $0x680  }
0x12: {  	s14 =	simm.s32 $0x700;
	s2 =	sshrl.u32 s2, $0x3;
	s10 =	smov.u32 s17  }
0x13: {  	s13 =	sshrl.u32 s13, $0x3;
	s7 =	sshrl.u32 s7, $0x3;
	[dreg:$0x5] =	wrdreg s9  }
0x14: {  	s26 =	smax.u32 s8, $0x1;
	s8 =	smov.u32 s18;
	[dreg:$0x9] =	wrdreg s16  }
0x15: {  	s18 =	sadd.s32 $0x10400, s6;
	s6 =	simm.s32 $0x0;
	[dreg:$0xf] =	wrdreg s26  }
0x16: {  	s11 =	sshrl.u32 s25, $0x3;
	s0 =	sshrl.u32 s0, $0x3;
	[dreg:$0x10] =	wrdreg s6  }
0x17: {  	s2 =	sadd.s32 s2, s5;
	s5 =	sadd.s32 $0x29C00, s5;
	[dreg:$0x7] =	wrdreg s8  }
0x18: {  	s25 =	simm.s32 $0x100;
	[dreg:$0x8] =	wrdreg s10;
	s13 =	sadd.s32 s5, s13  }
0x19: {  	s26 =	simm.s32 $0x2;
	s7 =	sadd.s32 s5, s7;
	[dreg:$0xa] =	wrdreg s13  }
0x1a: {  	s11 =	sadd.s32 s5, s11;
	s0 =	sadd.s32 s5, s0;
	[dreg:$0xb] =	wrdreg s7  }
0x1b: {  	s17 =	sadd.s32 $0x1FC00, s2;
	s2 =	simm.s32 $0x580;
	[dreg:$0xd] =	wrdreg s11  }
0x1c: {  	s7 =	sshrl.u32 s24, $0x3;
	[dreg:$0xe] =	wrdreg s0;
	s24 =	simm.s32 $0x1  }
0x1d: {  	s0 =	simm.s32 $0x280;
	s11 =	simm.s32 $0x300;
	s7 =	sadd.s32 s5, s7  }
0x1e: {  	s13 =	simm.s32 $0x380;
	[dreg:$0xc] =	wrdreg s7;
	s7 =	smov.u32 s15  }
0x1f: {  	s5 =	simm.s32 $0x600;
	s15 =	simm.s32 $0x780;
	[dreg:$0x6] =	wrdreg s7  }
.LBB2_1:
0x20: {  	s6 =	rddreg [dreg:$0x4]  }
0x21: {  	[tilespmem:s19], [sflag:$0x3] =	stream.linear.gather [hbm4b:s6+s4], $0x4000, $0x38;
	[tilespmem:$0x1C400] =	vst v63  }
0x22: {  	_ =	swait.ge [sflag:s20], $0x4000  }
0x23: {  	[sflag:s20] =	ssyncset.done $0x0  }
0x24: {  	[sflag:s20] =	ssyncadd.s32 $0xFFFFC000  }
0x25: {  	[spmem:s9] =	stream.linear.scatter [tilespmem:s19], [sflag:$0x3], $0x4000, $0x38;
	[tilespmem:$0x1C400] =	vst v63  }
0x26: {  	_ =	swait.ge [sflag:s20], $0x4000  }
0x27: {  	[sflag:s20] =	ssyncset.done $0x0  }
0x28: {  	[sflag:s20] =	ssyncadd.s32 $0xFFFFC000  }
0x29: {  	[spmem:s7] =	stream.linear.scatter [tilespmem:s19], [sflag:$0x3], $0x4000, $0x38;
	[tilespmem:$0x1C400] =	vst v63  }
0x2a: {  	_ =	swait.ge [sflag:s20], $0x4000  }
0x2b: {  	[sflag:s20] =	ssyncset.done $0x0  }
0x2c: {  	[sflag:s20] =	ssyncadd.s32 $0xFFFFC000  }
0x2d: {  	[spmem:s8] =	stream.linear.scatter [tilespmem:s19], [sflag:$0x3], $0x4000, $0x38;
	[tilespmem:$0x1C400] =	vst v63  }
0x2e: {  	_ =	swait.ge [sflag:s20], $0x4000  }
0x2f: {  	[sflag:s20] =	ssyncset.done $0x0  }
0x30: {  	[sflag:s20] =	ssyncadd.s32 $0xFFFFC000  }
0x31: {  	[spmem:s10] =	stream.linear.scatter [tilespmem:s19], [sflag:$0x3], $0x4000, $0x38;
	[tilespmem:$0x1C400] =	vst v63  }
0x32: {  	_ =	swait.ge [sflag:s20], $0x4000  }
0x33: {  	[sflag:s20] =	ssyncset.done $0x0  }
0x34: {  	[sflag:s20] =	ssyncadd.s32 $0xFFFFC000  }
0x35: {  	[spmem:s16] =	stream.linear.scatter [tilespmem:s19], [sflag:$0x3], $0x3C00, $0x38;
	[tilespmem:$0x1C400] =	vst v63  }
0x36: {  	_ =	swait.ge [sflag:s20], $0x3C00  }
0x37: {  	[sflag:s20] =	ssyncset.done $0x0  }
0x38: {  	[sflag:s20] =	ssyncadd.s32 $0xFFFFC400  }
0x39: {  	s10 =	sadd.s32 $0x0, s17;
	[bflag:$0x0] =	sbarrier.arrive $0xFFFF  }
0x3a: {  	[tilespmem:s4], [sflag:$0x3] =	stream.linear.gather [hbm4b:s10+s4], $0x400, $0x38;
	[tilespmem:$0x1C400] =	vst v63  }
0x3b: {  	_ =	swait.ge [sflag:s20], $0x400  }
0x3c: {  	[sflag:s20] =	ssyncset.done $0x0  }
0x3d: {  	s16 =	sadd.s32 $0x0, s18;
	[sflag:s20] =	ssyncadd.s32 $0xFFFFFC00  }
0x3e: {  	[tilespmem:s21], [sflag:$0x3] =	stream.linear.gather [hbm4b:s16+s4], $0x400, $0x38;
	[tilespmem:$0x1C400] =	vst v63  }
0x3f: {  	_ =	swait.ge [sflag:s20], $0x400  }
0x40: {  	[sflag:s20] =	ssyncset.done $0x0  }
0x41: {  	[sflag:s20] =	ssyncadd.s32 $0xFFFFFC00  }
0x42: {  	[tilespmem:s19], [sflag:$0x1] =	stream.indirect.gather [hbm4b:s1+s22], $0x80, s4, s22, $0xb8;
	[tilespmem:$0x1C400] =	vst v63  }
0x43: {  	_ = 	snop  }
0x44: {  	[tilespmem:s23], [sflag:$0x2] =	stream.indirect.gather [hbm4b:s1+s22], $0x80, s22, s22, $0xb8;
	[tilespmem:$0x1C400] =	vst v63  }
0x45: {  	_ =	swait.ge [sflag:s24], $0x4000  }
0x46: {  	[sflag:s24] =	ssyncset.done $0x0  }
0x47: {  	[sflag:s24] =	ssyncadd.s32 $0xFFFFC000  }
0x48: {  	[spmem:s3] =	stream.indirect.scatter.add.f32 [tilespmem:s19], [sflag:$0x3], $0x80, s21, s22, $0xb8;
	[tilespmem:$0x1C400] =	vst v63  }
0x49: {  	_ =	swait.ge [sflag:s20], $0x4000  }
0x4a: {  	[sflag:s20] =	ssyncset.done $0x0  }
0x4b: {  	[sflag:s20] =	ssyncadd.s32 $0xFFFFC000  }
0x4c: {  	[tilespmem:s19], [sflag:$0x1] =	stream.indirect.gather [hbm4b:s1+s22], $0x80, s25, s22, $0xb8;
	[tilespmem:$0x1C400] =	vst v63  }
0x4d: {  	_ =	swait.ge [sflag:s26], $0x4000  }
0x4e: {  	[sflag:s26] =	ssyncset.done $0x0  }
0x4f: {  	[sflag:s26] =	ssyncadd.s32 $0xFFFFC000  }
0x50: {  	[spmem:s3] =	stream.indirect.scatter.add.f32 [tilespmem:s23], [sflag:$0x3], $0x80, s28, s22, $0xb8;
	[tilespmem:$0x1C400] =	vst v63  }
0x51: {  	_ =	swait.ge [sflag:s20], $0x4000  }
0x52: {  	[sflag:s20] =	ssyncset.done $0x0  }
0x53: {  	[sflag:s20] =	ssyncadd.s32 $0xFFFFC000  }
0x54: {  	[tilespmem:s23], [sflag:$0x2] =	stream.indirect.gather [hbm4b:s1+s22], $0x80, s29, s22, $0xb8;
	[tilespmem:$0x1C400] =	vst v63  }
0x55: {  	_ =	swait.ge [sflag:s24], $0x4000  }
0x56: {  	[sflag:s24] =	ssyncset.done $0x0  }
0x57: {  	[sflag:s24] =	ssyncadd.s32 $0xFFFFC000  }
0x58: {  	[spmem:s3] =	stream.indirect.scatter.add.f32 [tilespmem:s19], [sflag:$0x3], $0x80, s30, s22, $0xb8;
	[tilespmem:$0x1C400] =	vst v63  }
0x59: {  	_ =	swait.ge [sflag:s20], $0x4000  }
0x5a: {  	[sflag:s20] =	ssyncset.done $0x0  }
0x5b: {  	[sflag:s20] =	ssyncadd.s32 $0xFFFFC000  }
0x5c: {  	[tilespmem:s19], [sflag:$0x1] =	stream.indirect.gather [hbm4b:s1+s22], $0x80, s31, s22, $0xb8;
	[tilespmem:$0x1C400] =	vst v63  }
0x5d: {  	_ =	swait.ge [sflag:s26], $0x4000  }
0x5e: {  	[sflag:s26] =	ssyncset.done $0x0  }
0x5f: {  	[sflag:s26] =	ssyncadd.s32 $0xFFFFC000  }
0x60: {  	[spmem:s3] =	stream.indirect.scatter.add.f32 [tilespmem:s23], [sflag:$0x3], $0x80, s2, s22, $0xb8;
	[tilespmem:$0x1C400] =	vst v63  }
0x61: {  	_ =	swait.ge [sflag:s20], $0x4000  }
0x62: {  	[sflag:s20] =	ssyncset.done $0x0  }
0x63: {  	[sflag:s20] =	ssyncadd.s32 $0xFFFFC000  }
0x64: {  	[tilespmem:s23], [sflag:$0x2] =	stream.indirect.gather [hbm4b:s1+s22], $0x80, s0, s22, $0xb8;
	[tilespmem:$0x1C400] =	vst v63  }
0x65: {  	_ =	swait.ge [sflag:s24], $0x4000  }
0x66: {  	[sflag:s24] =	ssyncset.done $0x0  }
0x67: {  	[sflag:s24] =	ssyncadd.s32 $0xFFFFC000  }
0x68: {  	[spmem:s3] =	stream.indirect.scatter.add.f32 [tilespmem:s19], [sflag:$0x3], $0x80, s5, s22, $0xb8;
	[tilespmem:$0x1C400] =	vst v63  }
0x69: {  	_ =	swait.ge [sflag:s20], $0x4000  }
0x6a: {  	[sflag:s20] =	ssyncset.done $0x0  }
0x6b: {  	[sflag:s20] =	ssyncadd.s32 $0xFFFFC000  }
0x6c: {  	[tilespmem:s19], [sflag:$0x1] =	stream.indirect.gather [hbm4b:s1+s22], $0x80, s11, s22, $0xb8;
	[tilespmem:$0x1C400] =	vst v63  }
0x6d: {  	_ =	swait.ge [sflag:s26], $0x4000  }
0x6e: {  	[sflag:s26] =	ssyncset.done $0x0  }
0x6f: {  	[sflag:s26] =	ssyncadd.s32 $0xFFFFC000  }
0x70: {  	[spmem:s3] =	stream.indirect.scatter.add.f32 [tilespmem:s23], [sflag:$0x3], $0x80, s12, s22, $0xb8;
	[tilespmem:$0x1C400] =	vst v63  }
0x71: {  	_ =	swait.ge [sflag:s20], $0x4000  }
0x72: {  	[sflag:s20] =	ssyncset.done $0x0  }
0x73: {  	[sflag:s20] =	ssyncadd.s32 $0xFFFFC000  }
0x74: {  	[tilespmem:s23], [sflag:$0x2] =	stream.indirect.gather [hbm4b:s1+s22], $0x80, s13, s22, $0xb8;
	[tilespmem:$0x1C400] =	vst v63  }
0x75: {  	_ =	swait.ge [sflag:s24], $0x4000  }
0x76: {  	[sflag:s24] =	ssyncset.done $0x0  }
0x77: {  	[sflag:s24] =	ssyncadd.s32 $0xFFFFC000  }
0x78: {  	[spmem:s3] =	stream.indirect.scatter.add.f32 [tilespmem:s19], [sflag:$0x3], $0x80, s14, s22, $0xb8;
	[tilespmem:$0x1C400] =	vst v63  }
0x79: {  	_ =	swait.ge [sflag:s20], $0x4000  }
0x7a: {  	[sflag:s20] =	ssyncset.done $0x0  }
0x7b: {  	[sflag:s20] =	ssyncadd.s32 $0xFFFFC000  }
0x7c: {  	_ =	swait.ge [sflag:s26], $0x4000  }
0x7d: {  	[sflag:s26] =	ssyncset.done $0x0  }
0x7e: {  	[sflag:s26] =	ssyncadd.s32 $0xFFFFC000  }
0x7f: {  	[spmem:s3] =	stream.indirect.scatter.add.f32 [tilespmem:s23], [sflag:$0x3], $0x80, s15, s22, $0xb8;
	[tilespmem:$0x1C400] =	vst v63  }
0x80: {  	_ =	swait.ge [sflag:s20], $0x4000  }
0x81: {  	s6 =	simm.s32 $0x80;
	s7 =	simm.s32 $0x100;
	[sflag:s20] =	ssyncset.done $0x0  }
.LBB2_2:
0x82: {  	s9 =	sadd.s32 s6, s17  }
0x83: {  	[sflag:s20] =	ssyncadd.s32 $0xFFFFC000;
	s10 =	smov.u32 s7;
	s8 =	sadd.s32 $0x80, s7  }
0x84: {  	[tilespmem:s4], [sflag:$0x3] =	stream.linear.gather [hbm4b:s9+s4], $0x400, $0x38;
	[tilespmem:$0x1C400] =	vst v63  }
0x85: {  	p0 =	sne.s32 s7, $0x480;
	_ =	swait.ge [sflag:s20], $0x400  }
0x86: {  	[sflag:s20] =	ssyncset.done $0x0  }
0x87: {  	s7 =	sadd.s32 s6, s18;
	s6 =	smov.u32 s10;
	[sflag:s20] =	ssyncadd.s32 $0xFFFFFC00  }
0x88: {  	[tilespmem:s21], [sflag:$0x3] =	stream.linear.gather [hbm4b:s7+s4], $0x400, $0x38;
	[tilespmem:$0x1C400] =	vst v63  }
0x89: {  	_ =	swait.ge [sflag:s20], $0x400  }
0x8a: {  	[sflag:s20] =	ssyncset.done $0x0  }
0x8b: {  	[sflag:s20] =	ssyncadd.s32 $0xFFFFFC00  }
0x8c: {  	[tilespmem:s19], [sflag:$0x1] =	stream.indirect.gather [hbm4b:s1+s22], $0x80, s4, s22, $0xb8;
	[tilespmem:$0x1C400] =	vst v63  }
0x8d: {  	_ = 	snop  }
0x8e: {  	[tilespmem:s23], [sflag:$0x2] =	stream.indirect.gather [hbm4b:s1+s22], $0x80, s22, s22, $0xb8;
	[tilespmem:$0x1C400] =	vst v63  }
0x8f: {  	_ =	swait.ge [sflag:s24], $0x4000  }
0x90: {  	[sflag:s24] =	ssyncset.done $0x0  }
0x91: {  	[sflag:s24] =	ssyncadd.s32 $0xFFFFC000  }
0x92: {  	[spmem:s3] =	stream.indirect.scatter.add.f32 [tilespmem:s19], [sflag:$0x3], $0x80, s21, s22, $0xb8;
	[tilespmem:$0x1C400] =	vst v63  }
0x93: {  	_ =	swait.ge [sflag:s20], $0x4000  }
0x94: {  	[sflag:s20] =	ssyncset.done $0x0  }
0x95: {  	[sflag:s20] =	ssyncadd.s32 $0xFFFFC000  }
0x96: {  	[tilespmem:s19], [sflag:$0x1] =	stream.indirect.gather [hbm4b:s1+s22], $0x80, s25, s22, $0xb8;
	[tilespmem:$0x1C400] =	vst v63  }
0x97: {  	_ =	swait.ge [sflag:s26], $0x4000  }
0x98: {  	[sflag:s26] =	ssyncset.done $0x0  }
0x99: {  	[sflag:s26] =	ssyncadd.s32 $0xFFFFC000  }
0x9a: {  	[spmem:s3] =	stream.indirect.scatter.add.f32 [tilespmem:s23], [sflag:$0x3], $0x80, s28, s22, $0xb8;
	[tilespmem:$0x1C400] =	vst v63  }
0x9b: {  	_ =	swait.ge [sflag:s20], $0x4000  }
0x9c: {  	[sflag:s20] =	ssyncset.done $0x0  }
0x9d: {  	[sflag:s20] =	ssyncadd.s32 $0xFFFFC000  }
0x9e: {  	[tilespmem:s23], [sflag:$0x2] =	stream.indirect.gather [hbm4b:s1+s22], $0x80, s29, s22, $0xb8;
	[tilespmem:$0x1C400] =	vst v63  }
0x9f: {  	_ =	swait.ge [sflag:s24], $0x4000  }
0xa0: {  	[sflag:s24] =	ssyncset.done $0x0  }
0xa1: {  	[sflag:s24] =	ssyncadd.s32 $0xFFFFC000  }
0xa2: {  	[spmem:s3] =	stream.indirect.scatter.add.f32 [tilespmem:s19], [sflag:$0x3], $0x80, s30, s22, $0xb8;
	[tilespmem:$0x1C400] =	vst v63  }
0xa3: {  	_ =	swait.ge [sflag:s20], $0x4000  }
0xa4: {  	[sflag:s20] =	ssyncset.done $0x0  }
0xa5: {  	[sflag:s20] =	ssyncadd.s32 $0xFFFFC000  }
0xa6: {  	[tilespmem:s19], [sflag:$0x1] =	stream.indirect.gather [hbm4b:s1+s22], $0x80, s31, s22, $0xb8;
	[tilespmem:$0x1C400] =	vst v63  }
0xa7: {  	_ =	swait.ge [sflag:s26], $0x4000  }
0xa8: {  	[sflag:s26] =	ssyncset.done $0x0  }
0xa9: {  	[sflag:s26] =	ssyncadd.s32 $0xFFFFC000  }
0xaa: {  	[spmem:s3] =	stream.indirect.scatter.add.f32 [tilespmem:s23], [sflag:$0x3], $0x80, s2, s22, $0xb8;
	[tilespmem:$0x1C400] =	vst v63  }
0xab: {  	_ =	swait.ge [sflag:s20], $0x4000  }
0xac: {  	[sflag:s20] =	ssyncset.done $0x0  }
0xad: {  	[sflag:s20] =	ssyncadd.s32 $0xFFFFC000  }
0xae: {  	[tilespmem:s23], [sflag:$0x2] =	stream.indirect.gather [hbm4b:s1+s22], $0x80, s0, s22, $0xb8;
	[tilespmem:$0x1C400] =	vst v63  }
0xaf: {  	_ =	swait.ge [sflag:s24], $0x4000  }
0xb0: {  	[sflag:s24] =	ssyncset.done $0x0  }
0xb1: {  	[sflag:s24] =	ssyncadd.s32 $0xFFFFC000  }
0xb2: {  	[spmem:s3] =	stream.indirect.scatter.add.f32 [tilespmem:s19], [sflag:$0x3], $0x80, s5, s22, $0xb8;
	[tilespmem:$0x1C400] =	vst v63  }
0xb3: {  	_ =	swait.ge [sflag:s20], $0x4000  }
0xb4: {  	[sflag:s20] =	ssyncset.done $0x0  }
0xb5: {  	[sflag:s20] =	ssyncadd.s32 $0xFFFFC000  }
0xb6: {  	[tilespmem:s19], [sflag:$0x1] =	stream.indirect.gather [hbm4b:s1+s22], $0x80, s11, s22, $0xb8;
	[tilespmem:$0x1C400] =	vst v63  }
0xb7: {  	_ =	swait.ge [sflag:s26], $0x4000  }
0xb8: {  	[sflag:s26] =	ssyncset.done $0x0  }
0xb9: {  	[sflag:s26] =	ssyncadd.s32 $0xFFFFC000  }
0xba: {  	[spmem:s3] =	stream.indirect.scatter.add.f32 [tilespmem:s23], [sflag:$0x3], $0x80, s12, s22, $0xb8;
	[tilespmem:$0x1C400] =	vst v63  }
0xbb: {  	_ =	swait.ge [sflag:s20], $0x4000  }
0xbc: {  	[sflag:s20] =	ssyncset.done $0x0  }
0xbd: {  	[sflag:s20] =	ssyncadd.s32 $0xFFFFC000  }
0xbe: {  	[tilespmem:s23], [sflag:$0x2] =	stream.indirect.gather [hbm4b:s1+s22], $0x80, s13, s22, $0xb8;
	[tilespmem:$0x1C400] =	vst v63  }
0xbf: {  	_ =	swait.ge [sflag:s24], $0x4000  }
0xc0: {  	[sflag:s24] =	ssyncset.done $0x0  }
0xc1: {  	[sflag:s24] =	ssyncadd.s32 $0xFFFFC000  }
0xc2: {  	[spmem:s3] =	stream.indirect.scatter.add.f32 [tilespmem:s19], [sflag:$0x3], $0x80, s14, s22, $0xb8;
	[tilespmem:$0x1C400] =	vst v63  }
0xc3: {  	_ =	swait.ge [sflag:s20], $0x4000  }
0xc4: {  	[sflag:s20] =	ssyncset.done $0x0  }
0xc5: {  	[sflag:s20] =	ssyncadd.s32 $0xFFFFC000  }
0xc6: {  	_ =	swait.ge [sflag:s26], $0x4000  }
.Ltmp0:
0xc7: {  	[sflag:s26] =	ssyncset.done $0x0;
	(pc) =	sbr.rel @p0 .LBB2_2-.Ltmp0, $4  }
0xc8: {  	[sflag:s26] =	ssyncadd.s32 $0xFFFFC000  }
0xc9: {  	[spmem:s3] =	stream.indirect.scatter.add.f32 [tilespmem:s23], [sflag:$0x3], $0x80, s15, s22, $0xb8;
	[tilespmem:$0x1C400] =	vst v63  }
0xca: {  	_ =	swait.ge [sflag:s20], $0x4000  }
0xcb: {  	s7 =	smov.u32 s8;
	[sflag:s20] =	ssyncset.done $0x0  }
0xcc: {  	s7 =	sadd.s32 s6, s17;
	[sflag:s20] =	ssyncadd.s32 $0xFFFFC000  }
0xcd: {  	[tilespmem:s4], [sflag:$0x3] =	stream.linear.gather [hbm4b:s7+s4], $0x400, $0x38;
	[tilespmem:$0x1C400] =	vst v63  }
0xce: {  	_ =	swait.ge [sflag:s20], $0x400  }
0xcf: {  	[sflag:s20] =	ssyncset.done $0x0  }
0xd0: {  	s16 =	sadd.s32 s6, s18;
	[sflag:s20] =	ssyncadd.s32 $0xFFFFFC00  }
0xd1: {  	[tilespmem:s21], [sflag:$0x3] =	stream.linear.gather [hbm4b:s16+s4], $0x400, $0x38;
	[tilespmem:$0x1C400] =	vst v63  }
0xd2: {  	_ =	swait.ge [sflag:s20], $0x400  }
0xd3: {  	[sflag:s20] =	ssyncset.done $0x0  }
0xd4: {  	[sflag:s20] =	ssyncadd.s32 $0xFFFFFC00  }
0xd5: {  	[tilespmem:s19], [sflag:$0x1] =	stream.indirect.gather [hbm4b:s1+s22], $0x80, s4, s22, $0xb8;
	[tilespmem:$0x1C400] =	vst v63  }
0xd6: {  	_ = 	snop  }
0xd7: {  	[tilespmem:s23], [sflag:$0x2] =	stream.indirect.gather [hbm4b:s1+s22], $0x80, s22, s22, $0xb8;
	[tilespmem:$0x1C400] =	vst v63  }
0xd8: {  	_ =	swait.ge [sflag:s24], $0x4000  }
0xd9: {  	[sflag:s24] =	ssyncset.done $0x0  }
0xda: {  	[sflag:s24] =	ssyncadd.s32 $0xFFFFC000  }
0xdb: {  	[spmem:s3] =	stream.indirect.scatter.add.f32 [tilespmem:s19], [sflag:$0x3], $0x80, s21, s22, $0xb8;
	[tilespmem:$0x1C400] =	vst v63  }
0xdc: {  	_ =	swait.ge [sflag:s20], $0x4000  }
0xdd: {  	[sflag:s20] =	ssyncset.done $0x0  }
0xde: {  	[sflag:s20] =	ssyncadd.s32 $0xFFFFC000  }
0xdf: {  	[tilespmem:s19], [sflag:$0x1] =	stream.indirect.gather [hbm4b:s1+s22], $0x80, s25, s22, $0xb8;
	[tilespmem:$0x1C400] =	vst v63  }
0xe0: {  	_ =	swait.ge [sflag:s26], $0x4000  }
0xe1: {  	[sflag:s26] =	ssyncset.done $0x0  }
0xe2: {  	[sflag:s26] =	ssyncadd.s32 $0xFFFFC000  }
0xe3: {  	[spmem:s3] =	stream.indirect.scatter.add.f32 [tilespmem:s23], [sflag:$0x3], $0x80, s28, s22, $0xb8;
	[tilespmem:$0x1C400] =	vst v63  }
0xe4: {  	_ =	swait.ge [sflag:s20], $0x4000  }
0xe5: {  	[sflag:s20] =	ssyncset.done $0x0  }
0xe6: {  	[sflag:s20] =	ssyncadd.s32 $0xFFFFC000  }
0xe7: {  	[tilespmem:s23], [sflag:$0x2] =	stream.indirect.gather [hbm4b:s1+s22], $0x80, s29, s22, $0xb8;
	[tilespmem:$0x1C400] =	vst v63  }
0xe8: {  	_ =	swait.ge [sflag:s24], $0x4000  }
0xe9: {  	[sflag:s24] =	ssyncset.done $0x0  }
0xea: {  	[sflag:s24] =	ssyncadd.s32 $0xFFFFC000  }
0xeb: {  	[spmem:s3] =	stream.indirect.scatter.add.f32 [tilespmem:s19], [sflag:$0x3], $0x80, s30, s22, $0xb8;
	[tilespmem:$0x1C400] =	vst v63  }
0xec: {  	_ =	swait.ge [sflag:s20], $0x4000  }
0xed: {  	[sflag:s20] =	ssyncset.done $0x0  }
0xee: {  	[sflag:s20] =	ssyncadd.s32 $0xFFFFC000  }
0xef: {  	[tilespmem:s19], [sflag:$0x1] =	stream.indirect.gather [hbm4b:s1+s22], $0x80, s31, s22, $0xb8;
	[tilespmem:$0x1C400] =	vst v63  }
0xf0: {  	_ =	swait.ge [sflag:s26], $0x4000  }
0xf1: {  	[sflag:s26] =	ssyncset.done $0x0  }
0xf2: {  	[sflag:s26] =	ssyncadd.s32 $0xFFFFC000  }
0xf3: {  	[spmem:s3] =	stream.indirect.scatter.add.f32 [tilespmem:s23], [sflag:$0x3], $0x80, s2, s22, $0xb8;
	[tilespmem:$0x1C400] =	vst v63  }
0xf4: {  	_ =	swait.ge [sflag:s20], $0x4000  }
0xf5: {  	[sflag:s20] =	ssyncset.done $0x0  }
0xf6: {  	[sflag:s20] =	ssyncadd.s32 $0xFFFFC000  }
0xf7: {  	[tilespmem:s23], [sflag:$0x2] =	stream.indirect.gather [hbm4b:s1+s22], $0x80, s0, s22, $0xb8;
	[tilespmem:$0x1C400] =	vst v63  }
0xf8: {  	_ =	swait.ge [sflag:s24], $0x4000  }
0xf9: {  	[sflag:s24] =	ssyncset.done $0x0  }
0xfa: {  	[sflag:s24] =	ssyncadd.s32 $0xFFFFC000  }
0xfb: {  	[spmem:s3] =	stream.indirect.scatter.add.f32 [tilespmem:s19], [sflag:$0x3], $0x80, s5, s22, $0xb8;
	[tilespmem:$0x1C400] =	vst v63  }
0xfc: {  	_ =	swait.ge [sflag:s20], $0x4000  }
0xfd: {  	[sflag:s20] =	ssyncset.done $0x0  }
0xfe: {  	[sflag:s20] =	ssyncadd.s32 $0xFFFFC000  }
0xff: {  	[tilespmem:s19], [sflag:$0x1] =	stream.indirect.gather [hbm4b:s1+s22], $0x80, s11, s22, $0xb8;
	[tilespmem:$0x1C400] =	vst v63  }
0x100: {  	_ =	swait.ge [sflag:s26], $0x4000  }
0x101: {  	[sflag:s26] =	ssyncset.done $0x0  }
0x102: {  	[sflag:s26] =	ssyncadd.s32 $0xFFFFC000  }
0x103: {  	[spmem:s3] =	stream.indirect.scatter.add.f32 [tilespmem:s23], [sflag:$0x3], $0x80, s12, s22, $0xb8;
	[tilespmem:$0x1C400] =	vst v63  }
0x104: {  	_ =	swait.ge [sflag:s20], $0x4000  }
0x105: {  	[sflag:s20] =	ssyncset.done $0x0  }
0x106: {  	[sflag:s20] =	ssyncadd.s32 $0xFFFFC000  }
0x107: {  	[tilespmem:s23], [sflag:$0x2] =	stream.indirect.gather [hbm4b:s1+s22], $0x80, s13, s22, $0xb8;
	[tilespmem:$0x1C400] =	vst v63  }
0x108: {  	_ =	swait.ge [sflag:s24], $0x4000  }
0x109: {  	[sflag:s24] =	ssyncset.done $0x0  }
0x10a: {  	[sflag:s24] =	ssyncadd.s32 $0xFFFFC000  }
0x10b: {  	[spmem:s3] =	stream.indirect.scatter.add.f32 [tilespmem:s19], [sflag:$0x3], $0x80, s14, s22, $0xb8;
	[tilespmem:$0x1C400] =	vst v63  }
0x10c: {  	_ =	swait.ge [sflag:s20], $0x4000  }
0x10d: {  	[sflag:s20] =	ssyncset.done $0x0  }
0x10e: {  	[sflag:s20] =	ssyncadd.s32 $0xFFFFC000  }
0x10f: {  	_ =	swait.ge [sflag:s26], $0x4000  }
0x110: {  	[sflag:s26] =	ssyncset.done $0x0  }
0x111: {  	[sflag:s26] =	ssyncadd.s32 $0xFFFFC000  }
0x112: {  	[spmem:s3] =	stream.indirect.scatter.add.f32 [tilespmem:s23], [sflag:$0x3], $0x80, s15, s22, $0xb8;
	[tilespmem:$0x1C400] =	vst v63  }
0x113: {  	_ =	swait.ge [sflag:s20], $0x4000  }
0x114: {  	[sflag:s20] =	ssyncset.done $0x0  }
0x115: {  	[sflag:s20] =	ssyncadd.s32 $0xFFFFC000  }
0x116: {  	[bflag:$0x0] =	sbarrier.arrive $0xFFFF  }
0x117: {  	s7 =	rddreg [dreg:$0x5]  }
0x118: {  	[tilespmem:s19], [sflag:$0x3] =	stream.linear.gather [spmem:s7], $0x4000, $0x38;
	[tilespmem:$0x1C400] =	vst v63  }
0x119: {  	_ =	swait.ge [sflag:s20], $0x4000  }
0x11a: {  	[sflag:s20] =	ssyncset.done $0x0  }
0x11b: {  	s8 =	rddreg [dreg:$0xa];
	[sflag:s20] =	ssyncadd.s32 $0xFFFFC000  }
0x11c: {  	[hbm4b:s8+s4] =	stream.linear.scatter [tilespmem:s19], [sflag:$0x3], $0x4000, $0x38;
	[tilespmem:$0x1C400] =	vst v63  }
0x11d: {  	_ =	swait.ge [sflag:s20], $0x4000  }
0x11e: {  	[sflag:s20] =	ssyncset.done $0x0  }
0x11f: {  	s7 =	rddreg [dreg:$0x6];
	[sflag:s20] =	ssyncadd.s32 $0xFFFFC000  }
0x120: {  	[tilespmem:s19], [sflag:$0x3] =	stream.linear.gather [spmem:s7], $0x4000, $0x38;
	[tilespmem:$0x1C400] =	vst v63  }
0x121: {  	_ =	swait.ge [sflag:s20], $0x4000  }
0x122: {  	[sflag:s20] =	ssyncset.done $0x0  }
0x123: {  	s9 =	rddreg [dreg:$0xb];
	[sflag:s20] =	ssyncadd.s32 $0xFFFFC000  }
0x124: {  	[hbm4b:s9+s4] =	stream.linear.scatter [tilespmem:s19], [sflag:$0x3], $0x4000, $0x38;
	[tilespmem:$0x1C400] =	vst v63  }
0x125: {  	_ =	swait.ge [sflag:s20], $0x4000  }
0x126: {  	[sflag:s20] =	ssyncset.done $0x0  }
0x127: {  	s8 =	rddreg [dreg:$0x7];
	[sflag:s20] =	ssyncadd.s32 $0xFFFFC000  }
0x128: {  	[tilespmem:s19], [sflag:$0x3] =	stream.linear.gather [spmem:s8], $0x4000, $0x38;
	[tilespmem:$0x1C400] =	vst v63  }
0x129: {  	_ =	swait.ge [sflag:s20], $0x4000  }
0x12a: {  	[sflag:s20] =	ssyncset.done $0x0  }
0x12b: {  	s10 =	rddreg [dreg:$0xc];
	[sflag:s20] =	ssyncadd.s32 $0xFFFFC000  }
0x12c: {  	[hbm4b:s10+s4] =	stream.linear.scatter [tilespmem:s19], [sflag:$0x3], $0x4000, $0x38;
	[tilespmem:$0x1C400] =	vst v63  }
0x12d: {  	_ =	swait.ge [sflag:s20], $0x4000  }
0x12e: {  	[sflag:s20] =	ssyncset.done $0x0  }
0x12f: {  	s10 =	rddreg [dreg:$0x8];
	[sflag:s20] =	ssyncadd.s32 $0xFFFFC000  }
0x130: {  	[tilespmem:s19], [sflag:$0x3] =	stream.linear.gather [spmem:s10], $0x4000, $0x38;
	[tilespmem:$0x1C400] =	vst v63  }
0x131: {  	_ =	swait.ge [sflag:s20], $0x4000  }
0x132: {  	[sflag:s20] =	ssyncset.done $0x0  }
0x133: {  	s16 =	rddreg [dreg:$0xd];
	[sflag:s20] =	ssyncadd.s32 $0xFFFFC000  }
0x134: {  	[hbm4b:s16+s4] =	stream.linear.scatter [tilespmem:s19], [sflag:$0x3], $0x4000, $0x38;
	[tilespmem:$0x1C400] =	vst v63  }
0x135: {  	_ =	swait.ge [sflag:s20], $0x4000  }
0x136: {  	[sflag:s20] =	ssyncset.done $0x0  }
0x137: {  	s16 =	rddreg [dreg:$0x9];
	[sflag:s20] =	ssyncadd.s32 $0xFFFFC000  }
0x138: {  	[tilespmem:s19], [sflag:$0x3] =	stream.linear.gather [spmem:s16], $0x3C00, $0x38;
	[tilespmem:$0x1C400] =	vst v63  }
0x139: {  	_ =	swait.ge [sflag:s20], $0x3C00  }
0x13a: {  	[sflag:s20] =	ssyncset.done $0x0  }
0x13b: {  	s9 =	rddreg [dreg:$0xe];
	[sflag:s20] =	ssyncadd.s32 $0xFFFFC400  }
0x13c: {  	[hbm4b:s9+s4] =	stream.linear.scatter [tilespmem:s19], [sflag:$0x3], $0x3C00, $0x38;
	[tilespmem:$0x1C400] =	vst v63  }
0x13d: {  	_ =	swait.ge [sflag:s20], $0x3C00  }
0x13e: {  	s9 =	rddreg [dreg:$0x10]  }
0x13f: {  	s6 =	rddreg [dreg:$0xf];
	s9 =	sadd.s32 $0x1, s9  }
0x140: {  	p0 =	sne.s32 s9, s6  }
.Ltmp1:
0x141: {  	_ = 	snop;
	(pc) =	sbr.rel @p0 .LBB2_1-.Ltmp1, $3  }
0x142: {  	_ =	sdelay $0x1  }
0x143: {  	[sflag:s20] =	ssyncset.done $0x0;
	[dreg:$0x10] =	wrdreg s9  }
0x144: {  	[sflag:s20] =	ssyncadd.s32 $0xFFFFC400;
	s9 =	rddreg [dreg:$0x5]  }
0x145: {  	_ =	sfence.sel $0x180000  }
0x146: {  	[bflag:$0x0] =	sbarrier.arrive $0xFFFF  }
0x147: {  	_ =	strace $0x9000004D  }
0x148: {  	s0 =	stileid.u32;
	[bflag:$0x2] =	sbarrier.arrive $0xFFFF  }
0x149: {  	p0 =	sne.s32 s0, $0x0;
	s0 =	rddreg [dreg:$0x3]  }
0x14a: {  	s0 =	sadd.s32 @!p0 $0x100000, s0  }
0x14b: {  	[sflag:s0] =	ssyncadd.tile.s32 @!p0 $0x1;
	_ =	shalt  }
.Lfunc_end2:
_tile_overlayer_lowered:
.L_overlay_start_2:
0x14c: {  	(tag) =	ssettag $0x2  }
0x14d: {  	s0 =	rddreg [dreg:$0x0];
	s2 =	stileid.u32  }
0x14e: {  	s1 =	rddreg [dreg:$0x1];
	p0 =	sne.s32 s2, $0x0  }
0x14f: {  	s3 =	rddreg [dreg:$0x2];
	[bflag:$0x3] =	sbarrier.arrive $0xFFFF;
	s2 =	simm.s32 @!p0 $0x1C03  }
0x150: {  	[timem:s3], [sflag:s2] =	dma.local @!p0 [hbm:s0], s1  }
0x151: {  	s0 =	simm.s32 @!p0 $0x3  }
0x152: {  	_ =	swait.ge @!p0 [sflag:s0], s1  }
0x153: {  	s1 =	ssub.s32 @!p0 $0x0, s1;
	[sflag:s0] =	ssyncset.done @!p0 $0x0  }
0x154: {  	[sflag:s0] =	ssyncadd.s32 @!p0 s1  }
0x155: {  	[bflag:$0x3] =	sbarrier.arrive $0xFFFF  }
0x156: {  	_ =	shalt  }

// kernel: kernel.7.cloned.1.call-start
scs
__scs_entry_jumppad:
0x0: {  	(pc) =	sbr.rel $0x88, $3  }
0x1: {  	(tag) =	ssettag $0x0;
	lr =	simm.s32 $0x1  }
0x2: {  	[smem:$0x3F99] =	sst lr;
	_ =	strace $0xD0000000  }
0x3: {  	_ = 	snop  }
0x4: {  	_ = 	snop  }
0x5: {  	_ = 	snop  }
0x6: {  	_ = 	snop  }
0x7: {  	_ = 	snop  }
__scs_overlays_trampoline_lowered:
0x8: {  	[smem:$0x3FA8] =	sst s0  }
0x9: {  	[smem:$0x3FA9] =	sst s1  }
0xa: {  	[smem:$0x3FAA] =	sst s2  }
0xb: {  	[smem:$0x3FAB] =	sst s3  }
0xc: {  	[smem:$0x3FAC] =	sst s4  }
0xd: {  	[smem:$0x3FAD] =	sst s5  }
0xe: {  	[smem:$0x3FAE] =	sst s6  }
0xf: {  	[smem:$0x3FAF] =	sst s7  }
0x10: {  	[smem:$0x3FB0] =	sst s8  }
0x11: {  	[smem:$0x3FB1] =	sst s9;
	s0 =	simm.s32 @!p0 $0x0  }
0x12: {  	s1 =	sld [smem:$0x3F97];
	s0 =	simm.s32 @p0 $0x1  }
0x13: {  	[smem:$0x3FB2] =	sst s0;
	s0 =	simm.s32 @!p1 $0x0  }
0x14: {  	s2 =	sld [smem:$0x3F96];
	s0 =	simm.s32 @p1 $0x1  }
0x15: {  	[smem:$0x3FB3] =	sst s0;
	s0 =	simm.s32 @!p2 $0x0  }
0x16: {  	s3 =	sld [smem:$0x3FDB];
	s0 =	simm.s32 @p2 $0x1  }
0x17: {  	s4 =	simm.s32 $0x1BF5;
	[smem:$0x3FB5] =	sst s0  }
0x18: {  	s0 =	sld [smem:$0x3F98];
	_ =	swait.ge [sflag:s4], $0x0  }
0x19: {  	s7 =	sld [smem:$0x3F99]  }
0x1a: {  	s8 =	sadd.s32 $0xFFFFE003, lr  }
0x1b: {  	s9 =	sadd.s32 $0xFFFFFEF7, lr;
	s5 =	simm.s32 $0xFFFFFFFF;
	p2 =	slt.u32 s8, $0xFFFFF086  }
0x1c: {  	p1 =	slt.u32 s9, $0xF7A;
	s5 =	simm.s32 @!p2 $0x0  }
0x1d: {  	s5 =	simm.s32 @p1 $0x1;
	p0 =	seq.s32 s7, s2  }
0x1e: {  	s7 =	smul.u32 @!p0 $0xF7A, s2;
	p2 =	seq.s32 @!p0 s5, $0x0  }
0x1f: {  	s9 =	smul.u32 $0xF7A, s1;
	s8 =	simm.s32 @!p0 $0x1BF5;
	p2 =	por !p2, p0  }
0x20: {  	[sflag:s8] =	ssyncset.s32 @!p0 $0xFFFFF086;
	s6 =	sadd.s32 @!p0 s3, s7;
	s7 =	simm.s32 @!p0 $0x108  }
0x21: {  	s3 =	sadd.s32 s3, s9;
	s6 =	sadd.s32 @!p0 $0x88, s6;
	s7 =	simm.s32 @p2 $0x1082  }
0x22: {  	[simem:s7], [sflag:s8] =	dma.local @!p0 [hbm:s6], $0xF7A  }
0x23: {  	s9 =	sor.u32 $0xD0000000, s2;
	s6 =	simm.s32 $0x108;
	_ =	swait.ge @!p0 [sflag:s8], $0x0  }
0x24: {  	s3 =	sadd.s32 $0x88, s3;
	s6 =	simm.s32 @!p1 $0x1082;
	[sflag:s4] =	ssyncset.s32 $0xFFFFF086  }
0x25: {  	[simem:s6], [sflag:s4] =	dma.local [hbm:s3], $0xF7A  }
0x26: {  	[smem:$0x3F99] =	sst s1;
	(tag) =	ssettag s2;
	_ =	strace s9  }
0x27: {  	s1 =	sld [smem:$0x3FA9]  }
0x28: {  	s2 =	sld [smem:$0x3FAA]  }
0x29: {  	s4 =	sld [smem:$0x3FAC]  }
0x2a: {  	p0 =	seq.s32 s5, $0x0;
	s5 =	sld [smem:$0x3FAD]  }
0x2b: {  	s6 =	sld [smem:$0x3FAE]  }
0x2c: {  	s7 =	sld [smem:$0x3FAF]  }
0x2d: {  	s3 =	simm.s32 $0x108;
	s8 =	sld [smem:$0x3FB0]  }
0x2e: {  	s3 =	simm.s32 @!p0 $0x1082;
	s9 =	sld [smem:$0x3FB1]  }
0x2f: {  	lr =	sadd.s32 s0, s3;
	s0 =	sld [smem:$0x3FA8]  }
0x30: {  	s3 =	sld [smem:$0x3FAB]  }
0x31: {  	[smem:$0x3FB4] =	sst s10  }
0x32: {  	s10 =	sld [smem:$0x3FB2];
	_ =	sdelay $0x3  }
0x33: {  	p0 =	seq.s32 s10, $0x1;
	s10 =	sld [smem:$0x3FB4];
	_ =	sdelay $0x3  }
0x34: {  	[smem:$0x3FB4] =	sst s10  }
0x35: {  	s10 =	sld [smem:$0x3FB3];
	_ =	sdelay $0x3  }
0x36: {  	p1 =	seq.s32 s10, $0x1;
	s10 =	sld [smem:$0x3FB4];
	_ =	sdelay $0x3  }
0x37: {  	[smem:$0x3FB4] =	sst s10  }
0x38: {  	s10 =	sld [smem:$0x3FB5]  }
0x39: {  	_ = 	snop;
	(pc) =	sbr.ind lr, $3  }
0x3a: {  	_ = 	snop  }
0x3b: {  	_ = 	snop  }
0x3c: {  	p2 =	seq.s32 s10, $0x1;
	s10 =	sld [smem:$0x3FB4]  }
0x3d: {  	_ =	shalt  }
0x3e: {  	_ =	shalt  }
0x3f: {  	_ =	shalt  }
0x40: {  	_ =	shalt  }
0x41: {  	_ =	shalt  }
0x42: {  	_ =	shalt  }
0x43: {  	_ =	shalt  }
0x44: {  	_ =	shalt  }
0x45: {  	_ =	shalt  }
0x46: {  	_ =	shalt  }
0x47: {  	_ =	shalt  }
0x48: {  	_ =	shalt  }
0x49: {  	_ =	shalt  }
0x4a: {  	_ =	shalt  }
0x4b: {  	_ =	shalt  }
0x4c: {  	_ =	shalt  }
0x4d: {  	_ =	shalt  }
0x4e: {  	_ =	shalt  }
0x4f: {  	_ =	shalt  }
0x50: {  	_ =	shalt  }
0x51: {  	_ =	shalt  }
0x52: {  	_ =	shalt  }
0x53: {  	_ =	shalt  }
0x54: {  	_ =	shalt  }
0x55: {  	_ =	shalt  }
0x56: {  	_ =	shalt  }
0x57: {  	_ =	shalt  }
0x58: {  	_ =	shalt  }
0x59: {  	_ =	shalt  }
0x5a: {  	_ =	shalt  }
0x5b: {  	_ =	shalt  }
0x5c: {  	_ =	shalt  }
0x5d: {  	_ =	shalt  }
0x5e: {  	_ =	shalt  }
0x5f: {  	_ =	shalt  }
0x60: {  	_ =	shalt  }
0x61: {  	_ =	shalt  }
0x62: {  	_ =	shalt  }
0x63: {  	_ =	shalt  }
0x64: {  	_ =	shalt  }
0x65: {  	_ =	shalt  }
0x66: {  	_ =	shalt  }
0x67: {  	_ =	shalt  }
0x68: {  	_ =	shalt  }
0x69: {  	_ =	shalt  }
0x6a: {  	_ =	shalt  }
0x6b: {  	_ =	shalt  }
0x6c: {  	_ =	shalt  }
0x6d: {  	_ =	shalt  }
0x6e: {  	_ =	shalt  }
0x6f: {  	_ =	shalt  }
0x70: {  	_ =	shalt  }
0x71: {  	_ =	shalt  }
0x72: {  	_ =	shalt  }
0x73: {  	_ =	shalt  }
0x74: {  	_ =	shalt  }
0x75: {  	_ =	shalt  }
0x76: {  	_ =	shalt  }
0x77: {  	_ =	shalt  }
0x78: {  	_ =	shalt  }
0x79: {  	_ =	shalt  }
0x7a: {  	_ =	shalt  }
0x7b: {  	_ =	shalt  }
0x7c: {  	_ =	shalt  }
0x7d: {  	_ =	shalt  }
0x7e: {  	_ =	shalt  }
0x7f: {  	_ =	shalt  }
0x80: {  	_ =	shalt  }
0x81: {  	_ =	shalt  }
0x82: {  	_ =	shalt  }
0x83: {  	_ =	shalt  }
0x84: {  	_ =	shalt  }
0x85: {  	_ =	shalt  }
0x86: {  	_ =	shalt  }
0x87: {  	_ =	shalt  }
.Lfunc_end0:
.L_simem_size_0:
called_computation_lowered:
.L_overlay_start_0:
0x88: {  	s2 =	sld [smem:$0x3FD9]  }
0x89: {  	s3 =	sld [smem:$0x3FFE];
	_ =	sdelay $0x1  }
0x8a: {  	s1 =	srdreg.scid  }
0x8b: {  	s0 =	sand.u32 $0x1, s1  }
0x8c: {  	s16 =	sshll.u32 s0, $0xA;
	s2 =	sadd.s32 s3, s2  }
0x8d: {  	s2 =	sadd.s32 s2, s16  }
0x8e: {  	[smem:$0x3FC0] =	sst s2  }
0x8f: {  	_ = 	snop  }
0x90: {  	(tm) =	ssettm $0x1  }
0x91: {  	s17 =	sld [smem:$0x3FFB];
	_ =	sdelay $0x3  }
0x92: {  	_ =	strace s17  }
0x93: {  	s2 =	sld [smem:$0x3FFC];
	_ =	sdelay $0x3  }
0x94: {  	_ =	strace s2  }
0x95: {  	s2 =	sld [smem:$0x3FFD];
	_ =	sdelay $0x3  }
0x96: {  	_ =	strace s2  }
0x97: {  	_ =	strace $0x8FFFFFFF  }
0x98: {  	s18 =	sld [smem:$0x3FDB];
	_ =	sdelay $0x1  }
0x99: {  	s19 =	simm.s32 $_scs_section_size  }
0x9a: {  	s4 =	simm.s32 $_size__tile_overlayer_lowered;
	s5 =	simm.s32 $_tile_overlayer_lowered  }
0x9b: {  	s22 =	simm.s32 $0x1BFF;
	s21 =	sshll.u32 s5, $0x1;
	s2 =	sadd.s32 s19, s18  }
0x9c: {  	s6 =	simm.s32 $0x0;
	s20 =	sshll.u32 s4, $0x1;
	s4 =	sadd.s32 s21, s2  }
0x9d: {  	[timem:s6], [sflag:s22] =	dma.local [hbm:s4], s20  }
0x9e: {  	_ =	swait.ge [sflag:s22], s20  }
0x9f: {  	s3 =	ssub.s32 $0x0, s20;
	[sflag:s22] =	ssyncset.done $0x0  }
0xa0: {  	[sflag:s22] =	ssyncadd.s32 s3;
	_ =	sdelay $0x1  }
0xa1: {  	s23 =	simm.s32 $0x1B8B  }
0xa2: {  	_ =	swait.ge [sflag:s23], $0x1  }
0xa3: {  	[sflag:s23] =	ssyncset.done $0x0  }
0xa4: {  	s25 =	simm.s32 $0x1B8E;
	s24 =	sld [smem:$0x3FFE];
	[sflag:s23] =	ssyncadd.s32 $0xFFFFFFFF  }
0xa5: {  	s26 =	simm.s32 $execute0_lowered;
	[smem:$0x3FD2] =	sst s25  }
0xa6: {  	s4 =	sshll.u32 s26, $0x1;
	_ =	strace $0x80000046;
	[dreg:$0x1] =	wrdreg $0xFFFFFFFF  }
0xa7: {  	s28 =	simm.s32 $_size_execute0_lowered;
	s2 =	sadd.s32 s2, s4;
	[dreg:$0x0] =	wrdreg $0x0  }
0xa8: {  	s4 =	sshll.u32 s28, $0x1;
	[dreg:$0x2] =	wrdreg s2  }
0xa9: {  	[dreg:$0x3] =	wrdreg s4  }
0xaa: {  	[dreg:$0x4] =	wrdreg $0xC0  }
0xab: {  	_ =	task [dreg:s6], $0x5FFFF  }
0xac: {  	[dreg:$0x1] =	wrdreg $0xFFFFFFFF  }
0xad: {  	[dreg:$0x0] =	wrdreg $0x60  }
0xae: {  	[dreg:$0x2] =	wrdreg s24  }
0xaf: {  	[dreg:$0x3] =	wrdreg $0x82000  }
0xb0: {  	[dreg:$0x4] =	wrdreg $0x9  }
0xb1: {  	_ =	task.clear_ibuf [dreg:s6], $0x5FFFF;
	_ =	strace $0x90000046  }
0xb2: {  	s29 =	simm.s32 $0x9;
	_ =	strace $0x80000048  }
0xb3: {  	_ =	swait.ge [sflag:s29], $0x1  }
0xb4: {  	[sflag:s29] =	ssyncadd.s32 $0xFFFFFFFF  }
0xb5: {  	_ =	strace $0x90000048  }
0xb6: {  	_ =	sfence  }
0xb7: {  	s30 =	sld [smem:$0x0];
	_ =	sdelay $0x2  }
0xb8: {  	s31 =	sshll.u32 s1, $0xD;
	s1 =	sshrl.u32 s1, $0x2  }
0xb9: {  	s3 =	sand.u32 $0x4000, s31;
	s1 =	sadd.s32 s1, s30  }
0xba: {  	s0 =	sor.u32 s3, s0;
	s1 =	sshll.u32 s1, $0x11  }
0xbb: {  	s0 =	sor.u32 s1, s0  }
0xbc: {  	s0 =	sadd.s32 $0x8F2B, s0  }
0xbd: {  	[sflag:s0] =	ssyncadd.remote.s32 $0x1  }
0xbe: {  	_ =	sfence.sel $0xFFFF  }
0xbf: {  	[dreg:$0x0] =	wrdreg $0xFFFFFFFF;
	(pc) =	sbr.abs _section_cstart, $3  }
0xc0: {  	[dreg:$0x1] =	wrdreg $0xFFFFFFFF  }
0xc1: {  	_ =	task.clear_ibuf [dreg:s6], $0x2FFFF;
	_ =	strace $0x9FFFFFFF  }
0xc2: {  	(tm) =	ssettm $0x7FFFFFFF  }
0xc3: {  	_ =	shalt  }
tec
execute0_lowered:
.L_overlay_start_1:
0x0: {  	(tag) =	ssettag $0x1  }
0x1: {  	s9 =	rddreg [dreg:$0x0]  }
0x2: {  	s2 =	rddreg [dreg:$0x1]  }
0x3: {  	s4 =	srdreg.scid;
	s0 =	stileid.u32;
	s3 =	simm.s32 $0x0  }
0x4: {  	s19 =	simm.s32 $0x3;
	s20 =	simm.s32 $0x80;
	s21 =	simm.s32 $0x180  }
0x5: {  	s22 =	simm.s32 $0x100;
	s23 =	simm.s32 $0x4200;
	s24 =	simm.s32 $0x1  }
0x6: {  	s25 =	simm.s32 $0x200;
	s28 =	simm.s32 $0x0;
	s10 =	sand.u32 $0x1, s4  }
0x7: {  	s4 =	smul.u32 $0x2800, s0;
	[smem:$0x7FF] =	sst s3;
	s5 =	sadd.s32 $0x2400, s9  }
0x8: {  	s6 =	sadd.s32 $0xB400, s9;
	s7 =	sadd.s32 $0x6400, s9;
	s13 =	smul.u32 $0xA000, s0  }
0x9: {  	s1 =	sadd.s32 $0x15400, s9;
	s30 =	sshll.u32 s0, $0x6;
	s11 =	smul.u32 $0x28000, s10  }
0xa: {  	_ =	strace $0x80000047;
	[dreg:$0x4] =	wrdreg s1;
	s12 =	ssub.s32 $0x2, s10  }
0xb: {  	s0 =	sor.u32 $0x1C03, s30;
	s26 =	sshrl.u32 s12, $0x1;
	s29 =	sshrl.u32 s13, $0x2  }
0xc: {  	[dreg:$0x5] =	wrdreg s0;
	s11 =	sadd.s32 s4, s11;
	s17 =	ssub.s32 s12, s26  }
0xd: {  	s26 =	simm.s32 $0x2;
	s11 =	sshrl.u32 s11, $0x3;
	s17 =	smax.u32 s17, $0x1  }
0xe: {  	s16 =	sadd.s32 s11, s9;
	s9 =	sshll.u32 s10, $0x7;
	s10 =	sadd.s32 s29, s2  }
0xf: {  	s14 =	sor.u32 s9, s4;
	s16 =	sadd.s32 $0x15C00, s16;
	s18 =	sshrl.u32 s10, $0x3  }
0x10: {  	s31 =	sshrl.u32 s14, $0x3;
	s15 =	sadd.s32 $0x2700, s14;
	s14 =	sor.u32 $0x100, s14  }
0x11: {  	s12 =	sadd.s32 s7, s31;
	s13 =	sadd.s32 s6, s31;
	s15 =	sshrl.u32 s15, $0x3  }
0x12: {  	[dreg:$0x3] =	wrdreg s14;
	s14 =	sadd.s32 s7, s15;
	s15 =	sadd.s32 s6, s15  }
.LBB2_1:
0x13: {  	s0 =	rddreg [dreg:$0x4]  }
0x14: {  	s1 =	rddreg [dreg:$0x5]  }
0x15: {  	[spmem:s18], [sflag:s1] =	dma.local [hbm:s0], $0x500  }
0x16: {  	_ =	swait.ge [sflag:s19], $0x500  }
0x17: {  	[sflag:s19] =	ssyncset.done $0x0  }
0x18: {  	[sflag:s19] =	ssyncadd.s32 $0xFFFFFB00  }
0x19: {  	[bflag:$0x0] =	sbarrier.arrive $0xFFFF  }
0x1a: {  	[tilespmem:s20], [sflag:$0x3] =	stream.linear.gather [hbm4b:s12+s3], $0x80, $0x38;
	[tilespmem:$0xAA00] =	vst v63  }
0x1b: {  	_ =	swait.ge [sflag:s19], $0x80  }
0x1c: {  	[sflag:s19] =	ssyncset.done $0x0  }
0x1d: {  	[sflag:s19] =	ssyncadd.s32 $0xFFFFFF80  }
0x1e: {  	[tilespmem:s3], [sflag:$0x3] =	stream.linear.gather [hbm4b:s13+s3], $0x80, $0x38;
	[tilespmem:$0xAA00] =	vst v63  }
0x1f: {  	s30 =	simm.s32 $0x0;
	_ =	swait.ge [sflag:s19], $0x80  }
0x20: {  	s31 =	sand.u32 $0x3C00, s30;
	[sflag:s19] =	ssyncset.done $0x0;
	s29 =	rddreg [dreg:$0x3]  }
0x21: {  	s30 =	sand.u32 $0x200, s30;
	[sflag:s19] =	ssyncadd.s32 $0xFFFFFF80;
	s29 =	sadd.s32 s31, s29  }
0x22: {  	[tilespmem:s25], [sflag:$0x1] =	stream.indirect.gather [hbm4b:s5+s20], $0x80, s20, s20, $0xb8;
	[tilespmem:$0xAA00] =	vst v63  }
0x23: {  	s29 =	sor.u32 s30, s29  }
0x24: {  	s29 =	sshrl.u32 s29, $0x3  }
0x25: {  	s1 =	sadd.s32 s7, s29  }
0x26: {  	[tilespmem:s21], [sflag:$0x3] =	stream.linear.gather [hbm4b:s1+s3], $0x80, $0x38;
	[tilespmem:$0xAA00] =	vst v63  }
0x27: {  	_ =	swait.ge [sflag:s19], $0x80  }
0x28: {  	[sflag:s19] =	ssyncset.done $0x0  }
0x29: {  	s29 =	sadd.s32 s6, s29;
	[sflag:s19] =	ssyncadd.s32 $0xFFFFFF80  }
0x2a: {  	[tilespmem:s22], [sflag:$0x3] =	stream.linear.gather [hbm4b:s29+s3], $0x80, $0x38;
	[tilespmem:$0xAA00] =	vst v63  }
0x2b: {  	_ =	swait.ge [sflag:s19], $0x80  }
0x2c: {  	[sflag:s19] =	ssyncset.done $0x0  }
0x2d: {  	[sflag:s19] =	ssyncadd.s32 $0xFFFFFF80  }
0x2e: {  	[tilespmem:s23], [sflag:$0x2] =	stream.indirect.gather [hbm4b:s5+s20], $0x80, s21, s20, $0xb8;
	[tilespmem:$0xAA00] =	vst v63  }
0x2f: {  	_ =	swait.ge [sflag:s24], $0x4000  }
0x30: {  	s8 =	sadd.s32 $0x200, s9;
	s29 =	sand.u32 $0x7C00, s25;
	[sflag:s24] =	ssyncset.done $0x0  }
0x31: {  	s30 =	sand.u32 $0x280, s8;
	s29 =	sadd.s32 s4, s29;
	[sflag:s24] =	ssyncadd.s32 $0xFFFFC000  }
0x32: {  	[spmem:s2] =	stream.indirect.scatter.add.f32 [tilespmem:s25], [sflag:$0x3], $0x80, s3, s20, $0xb8;
	[tilespmem:$0xAA00] =	vst v63  }
0x33: {  	s29 =	sor.u32 s30, s29;
	_ =	swait.ge [sflag:s19], $0x4000  }
0x34: {  	s29 =	sshrl.u32 s29, $0x3;
	[sflag:s19] =	ssyncset.done $0x0  }
0x35: {  	s11 =	sadd.s32 s7, s29;
	[sflag:s19] =	ssyncadd.s32 $0xFFFFC000  }
0x36: {  	[tilespmem:s20], [sflag:$0x3] =	stream.linear.gather [hbm4b:s11+s3], $0x80, $0x38;
	[tilespmem:$0xAA00] =	vst v63  }
0x37: {  	_ =	swait.ge [sflag:s19], $0x80  }
0x38: {  	[sflag:s19] =	ssyncset.done $0x0  }
0x39: {  	s29 =	sadd.s32 s6, s29;
	[sflag:s19] =	ssyncadd.s32 $0xFFFFFF80  }
0x3a: {  	[tilespmem:s3], [sflag:$0x3] =	stream.linear.gather [hbm4b:s29+s3], $0x80, $0x38;
	[tilespmem:$0xAA00] =	vst v63  }
0x3b: {  	_ =	swait.ge [sflag:s19], $0x80  }
0x3c: {  	[sflag:s19] =	ssyncset.done $0x0  }
0x3d: {  	[sflag:s19] =	ssyncadd.s32 $0xFFFFFF80  }
0x3e: {  	[tilespmem:s25], [sflag:$0x1] =	stream.indirect.gather [hbm4b:s5+s20], $0x80, s20, s20, $0xb8;
	[tilespmem:$0xAA00] =	vst v63  }
0x3f: {  	_ =	swait.ge [sflag:s26], $0x4000  }
0x40: {  	[sflag:s26] =	ssyncset.done $0x0  }
0x41: {  	[sflag:s26] =	ssyncadd.s32 $0xFFFFC000  }
0x42: {  	[spmem:s2] =	stream.indirect.scatter.add.f32 [tilespmem:s23], [sflag:$0x3], $0x80, s22, s20, $0xb8;
	[tilespmem:$0xAA00] =	vst v63  }
0x43: {  	s31 =	simm.s32 $0x600;
	s29 =	simm.s32 $0x400;
	_ =	swait.ge [sflag:s19], $0x4000  }
.LBB2_2:
0x44: {  	s0 =	sadd.s32 $0xFFFFFE00, s29  }
0x45: {  	s1 =	rddreg [dreg:$0x3];
	s11 =	sand.u32 $0x3C00, s0  }
0x46: {  	s0 =	sand.u32 $0x200, s0;
	s1 =	sadd.s32 s11, s1  }
0x47: {  	s0 =	sor.u32 s0, s1  }
0x48: {  	[sflag:s19] =	ssyncset.done $0x0;
	s0 =	sshrl.u32 s0, $0x3  }
0x49: {  	[sflag:s19] =	ssyncadd.s32 $0xFFFFC000;
	s11 =	sadd.s32 s7, s0  }
0x4a: {  	[tilespmem:s21], [sflag:$0x3] =	stream.linear.gather [hbm4b:s11+s3], $0x80, $0x38;
	[tilespmem:$0xAA00] =	vst v63  }
0x4b: {  	_ =	swait.ge [sflag:s19], $0x80  }
0x4c: {  	[sflag:s19] =	ssyncset.done $0x0  }
0x4d: {  	s0 =	sadd.s32 s6, s0;
	[sflag:s19] =	ssyncadd.s32 $0xFFFFFF80  }
0x4e: {  	[tilespmem:s22], [sflag:$0x3] =	stream.linear.gather [hbm4b:s0+s3], $0x80, $0x38;
	[tilespmem:$0xAA00] =	vst v63  }
0x4f: {  	_ =	swait.ge [sflag:s19], $0x80  }
0x50: {  	[sflag:s19] =	ssyncset.done $0x0  }
0x51: {  	[sflag:s19] =	ssyncadd.s32 $0xFFFFFF80  }
0x52: {  	[tilespmem:s23], [sflag:$0x2] =	stream.indirect.gather [hbm4b:s5+s20], $0x80, s21, s20, $0xb8;
	[tilespmem:$0xAA00] =	vst v63  }
0x53: {  	_ =	swait.ge [sflag:s24], $0x4000  }
0x54: {  	s1 =	sand.u32 $0x7C00, s29;
	s11 =	sadd.s32 s29, s9;
	[sflag:s24] =	ssyncset.done $0x0  }
0x55: {  	s0 =	sadd.s32 s4, s1;
	s1 =	sand.u32 $0x280, s11;
	[sflag:s24] =	ssyncadd.s32 $0xFFFFC000  }
0x56: {  	[spmem:s2] =	stream.indirect.scatter.add.f32 [tilespmem:s25], [sflag:$0x3], $0x80, s3, s20, $0xb8;
	[tilespmem:$0xAA00] =	vst v63  }
0x57: {  	s0 =	sor.u32 s1, s0;
	_ =	swait.ge [sflag:s19], $0x4000  }
0x58: {  	s0 =	sshrl.u32 s0, $0x3;
	[sflag:s19] =	ssyncset.done $0x0  }
0x59: {  	s11 =	sadd.s32 s7, s0;
	[sflag:s19] =	ssyncadd.s32 $0xFFFFC000  }
0x5a: {  	[tilespmem:s20], [sflag:$0x3] =	stream.linear.gather [hbm4b:s11+s3], $0x80, $0x38;
	[tilespmem:$0xAA00] =	vst v63  }
0x5b: {  	_ =	swait.ge [sflag:s19], $0x80  }
0x5c: {  	[sflag:s19] =	ssyncset.done $0x0  }
0x5d: {  	s0 =	sadd.s32 s6, s0;
	[sflag:s19] =	ssyncadd.s32 $0xFFFFFF80  }
0x5e: {  	[tilespmem:s3], [sflag:$0x3] =	stream.linear.gather [hbm4b:s0+s3], $0x80, $0x38;
	[tilespmem:$0xAA00] =	vst v63  }
0x5f: {  	_ =	swait.ge [sflag:s19], $0x80  }
0x60: {  	[sflag:s19] =	ssyncset.done $0x0  }
0x61: {  	p0 =	sne.s32 s31, $0x2600;
	[sflag:s19] =	ssyncadd.s32 $0xFFFFFF80  }
0x62: {  	[tilespmem:s25], [sflag:$0x1] =	stream.indirect.gather [hbm4b:s5+s20], $0x80, s20, s20, $0xb8;
	[tilespmem:$0xAA00] =	vst v63  }
.Ltmp0:
0x63: {  	_ =	swait.ge [sflag:s26], $0x4000;
	(pc) =	sbr.rel @p0 .LBB2_2-.Ltmp0, $4  }
0x64: {  	[sflag:s26] =	ssyncset.done $0x0  }
0x65: {  	s8 =	smov.u32 s31;
	s30 =	sadd.s32 $0x200, s31;
	[sflag:s26] =	ssyncadd.s32 $0xFFFFC000  }
0x66: {  	[spmem:s2] =	stream.indirect.scatter.add.f32 [tilespmem:s23], [sflag:$0x3], $0x80, s22, s20, $0xb8;
	[tilespmem:$0xAA00] =	vst v63  }
0x67: {  	s31 =	smov.u32 s30;
	s29 =	smov.u32 s8;
	_ =	swait.ge [sflag:s19], $0x4000  }
0x68: {  	s1 =	sadd.s32 $0xFFFFFE00, s29  }
0x69: {  	s0 =	rddreg [dreg:$0x3];
	s8 =	sand.u32 $0x3C00, s1  }
0x6a: {  	s1 =	sand.u32 $0x200, s1;
	s0 =	sadd.s32 s8, s0  }
0x6b: {  	s0 =	sor.u32 s1, s0  }
0x6c: {  	[sflag:s19] =	ssyncset.done $0x0;
	s0 =	sshrl.u32 s0, $0x3  }
0x6d: {  	[sflag:s19] =	ssyncadd.s32 $0xFFFFC000;
	s8 =	sadd.s32 s7, s0  }
0x6e: {  	[tilespmem:s21], [sflag:$0x3] =	stream.linear.gather [hbm4b:s8+s3], $0x80, $0x38;
	[tilespmem:$0xAA00] =	vst v63  }
0x6f: {  	_ =	swait.ge [sflag:s19], $0x80  }
0x70: {  	[sflag:s19] =	ssyncset.done $0x0  }
0x71: {  	s0 =	sadd.s32 s6, s0;
	[sflag:s19] =	ssyncadd.s32 $0xFFFFFF80  }
0x72: {  	[tilespmem:s22], [sflag:$0x3] =	stream.linear.gather [hbm4b:s0+s3], $0x80, $0x38;
	[tilespmem:$0xAA00] =	vst v63  }
0x73: {  	_ =	swait.ge [sflag:s19], $0x80  }
0x74: {  	[sflag:s19] =	ssyncset.done $0x0  }
0x75: {  	[sflag:s19] =	ssyncadd.s32 $0xFFFFFF80  }
0x76: {  	[tilespmem:s23], [sflag:$0x2] =	stream.indirect.gather [hbm4b:s5+s20], $0x80, s21, s20, $0xb8;
	[tilespmem:$0xAA00] =	vst v63  }
0x77: {  	_ =	swait.ge [sflag:s24], $0x4000  }
0x78: {  	s11 =	sand.u32 $0x7C00, s29;
	s30 =	sadd.s32 s29, s9;
	[sflag:s24] =	ssyncset.done $0x0  }
0x79: {  	s1 =	sand.u32 $0x280, s30;
	s0 =	sadd.s32 s4, s11;
	[sflag:s24] =	ssyncadd.s32 $0xFFFFC000  }
0x7a: {  	[spmem:s2] =	stream.indirect.scatter.add.f32 [tilespmem:s25], [sflag:$0x3], $0x80, s3, s20, $0xb8;
	[tilespmem:$0xAA00] =	vst v63  }
0x7b: {  	s0 =	sor.u32 s1, s0;
	_ =	swait.ge [sflag:s19], $0x4000  }
0x7c: {  	s0 =	sshrl.u32 s0, $0x3;
	[sflag:s19] =	ssyncset.done $0x0  }
0x7d: {  	s31 =	sadd.s32 s7, s0;
	[sflag:s19] =	ssyncadd.s32 $0xFFFFC000  }
0x7e: {  	[tilespmem:s20], [sflag:$0x3] =	stream.linear.gather [hbm4b:s31+s3], $0x80, $0x38;
	[tilespmem:$0xAA00] =	vst v63  }
0x7f: {  	_ =	swait.ge [sflag:s19], $0x80  }
0x80: {  	[sflag:s19] =	ssyncset.done $0x0  }
0x81: {  	s0 =	sadd.s32 s6, s0;
	[sflag:s19] =	ssyncadd.s32 $0xFFFFFF80  }
0x82: {  	[tilespmem:s3], [sflag:$0x3] =	stream.linear.gather [hbm4b:s0+s3], $0x80, $0x38;
	[tilespmem:$0xAA00] =	vst v63  }
0x83: {  	_ =	swait.ge [sflag:s19], $0x80  }
0x84: {  	[sflag:s19] =	ssyncset.done $0x0  }
0x85: {  	[sflag:s19] =	ssyncadd.s32 $0xFFFFFF80  }
0x86: {  	[tilespmem:s25], [sflag:$0x1] =	stream.indirect.gather [hbm4b:s5+s20], $0x80, s20, s20, $0xb8;
	[tilespmem:$0xAA00] =	vst v63  }
0x87: {  	_ =	swait.ge [sflag:s26], $0x4000  }
0x88: {  	[sflag:s26] =	ssyncset.done $0x0  }
0x89: {  	[sflag:s26] =	ssyncadd.s32 $0xFFFFC000  }
0x8a: {  	[spmem:s2] =	stream.indirect.scatter.add.f32 [tilespmem:s23], [sflag:$0x3], $0x80, s22, s20, $0xb8;
	[tilespmem:$0xAA00] =	vst v63  }
0x8b: {  	_ =	swait.ge [sflag:s19], $0x4000  }
0x8c: {  	[sflag:s19] =	ssyncset.done $0x0  }
0x8d: {  	[sflag:s19] =	ssyncadd.s32 $0xFFFFC000  }
0x8e: {  	[tilespmem:s21], [sflag:$0x3] =	stream.linear.gather [hbm4b:s14+s3], $0x80, $0x38;
	[tilespmem:$0xAA00] =	vst v63  }
0x8f: {  	_ =	swait.ge [sflag:s19], $0x80  }
0x90: {  	[sflag:s19] =	ssyncset.done $0x0  }
0x91: {  	[sflag:s19] =	ssyncadd.s32 $0xFFFFFF80  }
0x92: {  	[tilespmem:s22], [sflag:$0x3] =	stream.linear.gather [hbm4b:s15+s3], $0x80, $0x38;
	[tilespmem:$0xAA00] =	vst v63  }
0x93: {  	_ =	swait.ge [sflag:s19], $0x80  }
0x94: {  	[sflag:s19] =	ssyncset.done $0x0  }
0x95: {  	[sflag:s19] =	ssyncadd.s32 $0xFFFFFF80  }
0x96: {  	[tilespmem:s23], [sflag:$0x2] =	stream.indirect.gather [hbm4b:s5+s20], $0x80, s21, s20, $0xb8;
	[tilespmem:$0xAA00] =	vst v63  }
0x97: {  	_ =	swait.ge [sflag:s24], $0x4000  }
0x98: {  	[sflag:s24] =	ssyncset.done $0x0  }
0x99: {  	[sflag:s24] =	ssyncadd.s32 $0xFFFFC000  }
0x9a: {  	[spmem:s2] =	stream.indirect.scatter.add.f32 [tilespmem:s25], [sflag:$0x3], $0x80, s3, s20, $0xb8;
	[tilespmem:$0xAA00] =	vst v63  }
0x9b: {  	_ =	swait.ge [sflag:s19], $0x4000  }
0x9c: {  	[sflag:s19] =	ssyncset.done $0x0  }
0x9d: {  	[sflag:s19] =	ssyncadd.s32 $0xFFFFC000  }
0x9e: {  	_ =	swait.ge [sflag:s26], $0x4000  }
0x9f: {  	[sflag:s26] =	ssyncset.done $0x0  }
0xa0: {  	[sflag:s26] =	ssyncadd.s32 $0xFFFFC000  }
0xa1: {  	[spmem:s2] =	stream.indirect.scatter.add.f32 [tilespmem:s23], [sflag:$0x3], $0x80, s22, s20, $0xb8;
	[tilespmem:$0xAA00] =	vst v63  }
0xa2: {  	_ =	swait.ge [sflag:s19], $0x4000  }
0xa3: {  	[sflag:s19] =	ssyncset.done $0x0  }
0xa4: {  	[sflag:s19] =	ssyncadd.s32 $0xFFFFC000  }
0xa5: {  	[bflag:$0x0] =	sbarrier.arrive $0xFFFF  }
0xa6: {  	[tilespmem:s25], [sflag:$0x3] =	stream.linear.gather [spmem:s10], $0x2800, $0x38;
	[tilespmem:$0xAA00] =	vst v63  }
0xa7: {  	s28 =	sadd.s32 $0x1, s28;
	_ =	swait.ge [sflag:s19], $0x2800  }
0xa8: {  	p0 =	sne.s32 s28, s17;
	[sflag:s19] =	ssyncset.done $0x0  }
.Ltmp1:
0xa9: {  	[sflag:s19] =	ssyncadd.s32 $0xFFFFD800;
	(pc) =	sbr.rel @p0 .LBB2_1-.Ltmp1, $4  }
0xaa: {  	[hbm4b:s16+s3] =	stream.linear.scatter [tilespmem:s25], [sflag:$0x3], $0x2800, $0x38;
	[tilespmem:$0xAA00] =	vst v63  }
0xab: {  	_ =	swait.ge [sflag:s19], $0x2800  }
0xac: {  	[sflag:s19] =	ssyncset.done $0x0  }
0xad: {  	[sflag:s19] =	ssyncadd.s32 $0xFFFFD800  }
0xae: {  	_ =	sfence.sel $0x180000  }
0xaf: {  	[bflag:$0x0] =	sbarrier.arrive $0xFFFF  }
0xb0: {  	_ =	strace $0x90000047  }
0xb1: {  	s0 =	stileid.u32;
	[bflag:$0x2] =	sbarrier.arrive $0xFFFF  }
0xb2: {  	p0 =	sne.s32 s0, $0x0;
	s0 =	rddreg [dreg:$0x2]  }
0xb3: {  	s0 =	sadd.s32 @!p0 $0x100000, s0  }
0xb4: {  	[sflag:s0] =	ssyncadd.tile.s32 @!p0 $0x1;
	_ =	shalt  }
.Lfunc_end2:
_tile_overlayer_lowered:
.L_overlay_start_2:
0xb5: {  	(tag) =	ssettag $0x2  }
0xb6: {  	s0 =	rddreg [dreg:$0x0];
	s2 =	stileid.u32  }
0xb7: {  	s1 =	rddreg [dreg:$0x1];
	p0 =	sne.s32 s2, $0x0  }
0xb8: {  	s3 =	rddreg [dreg:$0x2];
	[bflag:$0x3] =	sbarrier.arrive $0xFFFF;
	s2 =	simm.s32 @!p0 $0x1C03  }
0xb9: {  	[timem:s3], [sflag:s2] =	dma.local @!p0 [hbm:s0], s1  }
0xba: {  	s0 =	simm.s32 @!p0 $0x3  }
0xbb: {  	_ =	swait.ge @!p0 [sflag:s0], s1  }
0xbc: {  	s1 =	ssub.s32 @!p0 $0x0, s1;
	[sflag:s0] =	ssyncset.done @!p0 $0x0  }
0xbd: {  	[sflag:s0] =	ssyncadd.s32 @!p0 s1  }
0xbe: {  	[bflag:$0x3] =	sbarrier.arrive $0xFFFF  }
0xbf: {  	_ =	shalt  }

</sc_bundles>
